<compile_context>
chip_gen: v7x
topology: tpu7x:2x2x1
jax: 0.10.2.dev20260603
libtpu: 0.0.44.dev20260713+nightly
codegen_flags: <defaults>
</compile_context>

<pallas_src>
import jax
import jax.numpy as jnp
from jax import lax
from jax.experimental import pallas as pl
from jax.experimental.pallas import tpu as pltpu
from jax.experimental.pallas import tpu_sc as plsc

N = 10000
E = 320000
F_IN = 128
H = 64
G = 64
OUT = 5

NC, NS = 2, 16
NW = NC * NS
GRP = 128
NGRP = 80
EPW = NGRP * GRP
E_PAD = EPW * NW
NPAD = 10240
ZPT = NPAD // NS
DW = 16
NBUF = 8

BR = 1000
GRID = N // BR

def _mesh():
    return plsc.VectorSubcoreMesh(
        core_axis_name="c", subcore_axis_name="s", num_cores=NC, num_subcores=NS
    )




def _sc_deg_body(dstg, zeros_d, ones_d, out0, out1, idx_d, ones_v, acc, sem):
    c = lax.axis_index("c")
    s = lax.axis_index("s")
    wid = s * NC + c
    sl = pl.ds(s * ZPT, ZPT)
    pltpu.sync_copy(zeros_d.at[sl], acc.at[sl])
    pltpu.sync_copy(ones_d, ones_v)
    pltpu.sync_copy(dstg.at[pl.ds(wid * NGRP, NGRP)], idx_d)
    plsc.subcore_barrier()

    K = 16

    def body(t, carry):
        j0 = t * K

        def fire(j, carry):
            pltpu.async_copy(ones_v, acc.at[idx_d.at[j]], sem, add=True)
            return carry

        def drain(j, carry):
            pltpu.make_async_copy(ones_v, acc.at[idx_d.at[j]], sem).wait()
            return carry

        lax.fori_loop(j0, j0 + K, fire, 0)
        lax.fori_loop(j0, j0 + K, drain, 0)
        return carry

    lax.fori_loop(0, NGRP // K, body, 0)
    plsc.subcore_barrier()

    @pl.when(c == 0)
    def _():
        pltpu.sync_copy(acc.at[sl], out0.at[sl])

    @pl.when(c == 1)
    def _():
        pltpu.sync_copy(acc.at[sl], out1.at[sl])


def _sc_deg(dstg, zeros_d, ones_d):
    return pl.kernel(
        _sc_deg_body,
        out_type=(
            jax.ShapeDtypeStruct((NPAD, DW), jnp.float32),
            jax.ShapeDtypeStruct((NPAD, DW), jnp.float32),
        ),
        mesh=_mesh(),
        compiler_params=pltpu.CompilerParams(use_tc_tiling_on_sc=False),
        scratch_types=[
            pltpu.VMEM((NGRP, GRP), jnp.int32),
            pltpu.VMEM((GRP, DW), jnp.float32),
            pltpu.VMEM_SHARED((NPAD, DW), jnp.float32),
            pltpu.SemaphoreType.DMA,
        ],
    )(dstg, zeros_d, ones_d)


def _sc_agg_body(
    hs, srcg, dstg, zeros2, out0, out1, idx_s, idx_d, rows, acc,
    g0, g1, g2, g3, g4, g5, g6, g7, s0, s1, s2, s3, s4, s5, s6, s7
):
    gsem = [g0, g1, g2, g3, g4, g5, g6, g7]
    ssem = [s0, s1, s2, s3, s4, s5, s6, s7]
    c = lax.axis_index("c")
    s = lax.axis_index("s")
    wid = s * NC + c
    sl = pl.ds(s * ZPT, ZPT)
    cz = pltpu.async_copy(zeros2.at[sl], acc.at[sl], g0)
    cs = pltpu.async_copy(srcg.at[pl.ds(wid * NGRP, NGRP)], idx_s, s0)
    cd = pltpu.async_copy(dstg.at[pl.ds(wid * NGRP, NGRP)], idx_d, s1)
    cz.wait()
    cs.wait()
    cd.wait()
    plsc.subcore_barrier()

    def fire_g(j, b):
        pltpu.async_copy(hs.at[idx_s.at[j]], rows.at[b], gsem[b])

    def fire_s(j, b):
        pltpu.async_copy(rows.at[b], acc.at[idx_d.at[j]], ssem[b], add=True)

    def wait_g(j, b):
        pltpu.make_async_copy(hs.at[idx_s.at[j]], rows.at[b], gsem[b]).wait()

    def wait_s(j, b):
        pltpu.make_async_copy(rows.at[b], acc.at[idx_d.at[j]], ssem[b]).wait()

    for b in range(NBUF):
        fire_g(b, b)

    def body(t, carry):
        j0 = t * NBUF
        for b in range(NBUF):
            j = j0 + b
            wait_g(j, b)
            fire_s(j, b)
            wait_s(j, b)
            nj = j + NBUF

            @pl.when(nj < NGRP)
            def _():
                fire_g(nj, b)

        return carry

    lax.fori_loop(0, NGRP // NBUF, body, 0)
    plsc.subcore_barrier()

    @pl.when(c == 0)
    def _():
        pltpu.sync_copy(acc.at[sl], out0.at[sl])

    @pl.when(c == 1)
    def _():
        pltpu.sync_copy(acc.at[sl], out1.at[sl])


def _sc_agg(hs, srcg, dstg, zeros2):
    return pl.kernel(
        _sc_agg_body,
        out_type=(
            jax.ShapeDtypeStruct((NPAD, H), jnp.float32),
            jax.ShapeDtypeStruct((NPAD, H), jnp.float32),
        ),
        mesh=_mesh(),
        compiler_params=pltpu.CompilerParams(use_tc_tiling_on_sc=False),
        scratch_types=[
            pltpu.VMEM((NGRP, GRP), jnp.int32),
            pltpu.VMEM((NGRP, GRP), jnp.int32),
            pltpu.VMEM((NBUF, GRP, H), jnp.float32),
            pltpu.VMEM_SHARED((NPAD, H), jnp.float32),
        ] + [pltpu.SemaphoreType.DMA] * (2 * NBUF),
    )(hs, srcg, dstg, zeros2)




def _tc_l1_body(d0, d1, xb, W1, dinv_o, hs_o):
    dinv = lax.rsqrt(d0[:, :1] + d1[:, :1] + 1.0)
    dinv_o[...] = dinv
    h = jnp.dot(xb[...], W1[...], preferred_element_type=jnp.float32)
    hs_o[...] = dinv * h


def _tc_l1(d0, d1, xp, W1):
    return pl.pallas_call(
        _tc_l1_body,
        grid=(GRID,),
        in_specs=[
            pl.BlockSpec((BR, DW), lambda i: (i, 0)),
            pl.BlockSpec((BR, DW), lambda i: (i, 0)),
            pl.BlockSpec((BR, F_IN), lambda i: (i, 0)),
            pl.BlockSpec((F_IN, H), lambda i: (0, 0)),
        ],
        out_specs=[
            pl.BlockSpec((BR, 1), lambda i: (i, 0)),
            pl.BlockSpec((BR, H), lambda i: (i, 0)),
        ],
        out_shape=[
            jax.ShapeDtypeStruct((NPAD, 1), jnp.float32),
            jax.ShapeDtypeStruct((NPAD, H), jnp.float32),
        ],
    )(d0, d1, xp, W1)


def _tc_mid_body(p0, p1, hs, dinv, b, W, o):
    dv = dinv[...]
    h = jax.nn.relu(dv * (p0[...] + p1[...] + hs[...]) + b[...])
    o[...] = dv * jnp.dot(h, W[...], preferred_element_type=jnp.float32)


def _tc_mid(p0, p1, hs, dinv, b, W):
    return pl.pallas_call(
        _tc_mid_body,
        grid=(GRID,),
        in_specs=[
            pl.BlockSpec((BR, H), lambda i: (i, 0)),
            pl.BlockSpec((BR, H), lambda i: (i, 0)),
            pl.BlockSpec((BR, H), lambda i: (i, 0)),
            pl.BlockSpec((BR, 1), lambda i: (i, 0)),
            pl.BlockSpec((1, H), lambda i: (0, 0)),
            pl.BlockSpec((H, H), lambda i: (0, 0)),
        ],
        out_specs=pl.BlockSpec((BR, H), lambda i: (i, 0)),
        out_shape=jax.ShapeDtypeStruct((NPAD, H), jnp.float32),
    )(p0, p1, hs, dinv, b, W)


def _tc_final_body(p0, p1, hs, dinv, b, ids, W_out, b_out, o, pooled, cnt):
    i = pl.program_id(0)
    h4 = dinv[...] * (p0[...] + p1[...] + hs[...]) + b[...]
    onehot = (
        ids[...] == lax.broadcasted_iota(jnp.int32, (BR, G), 1)
    ).astype(jnp.float32)
    ps = lax.dot_general(
        onehot, h4, (((0,), (0,)), ((), ())), preferred_element_type=jnp.float32
    )
    cs = lax.dot_general(
        onehot,
        jnp.ones((BR, 1), jnp.float32),
        (((0,), (0,)), ((), ())),
        preferred_element_type=jnp.float32,
    )

    @pl.when(i == 0)
    def _():
        pooled[...] = jnp.zeros_like(pooled)
        cnt[...] = jnp.zeros_like(cnt)

    pooled[...] += ps
    cnt[...] += cs

    @pl.when(i == GRID - 1)
    def _():
        pm = pooled[...] / jnp.maximum(cnt[...], 1.0)
        o[...] = (
            jnp.dot(pm, W_out[...], preferred_element_type=jnp.float32)
            + b_out[...]
        )


def _tc_final(p0, p1, hs, dinv, b, ids, W_out, b_out):
    return pl.pallas_call(
        _tc_final_body,
        grid=(GRID,),
        in_specs=[
            pl.BlockSpec((BR, H), lambda i: (i, 0)),
            pl.BlockSpec((BR, H), lambda i: (i, 0)),
            pl.BlockSpec((BR, H), lambda i: (i, 0)),
            pl.BlockSpec((BR, 1), lambda i: (i, 0)),
            pl.BlockSpec((1, H), lambda i: (0, 0)),
            pl.BlockSpec((BR, 1), lambda i: (i, 0)),
            pl.BlockSpec((H, OUT), lambda i: (0, 0)),
            pl.BlockSpec((1, OUT), lambda i: (0, 0)),
        ],
        out_specs=pl.BlockSpec((G, OUT), lambda i: (0, 0)),
        out_shape=jax.ShapeDtypeStruct((G, OUT), jnp.float32),
        scratch_shapes=[
            pltpu.VMEM((G, H), jnp.float32),
            pltpu.VMEM((G, 1), jnp.float32),
        ],
        compiler_params=pltpu.CompilerParams(
            dimension_semantics=("arbitrary",)
        ),
    )(p0, p1, hs, dinv, b, ids, W_out, b_out)




def kernel(x, edge_index, batch, W1, b1, W2, b2, W3, b3, W_out, b_out):
    src, dst = edge_index[0], edge_index[1]
    npe = E_PAD - E
    pad_src = (jnp.arange(npe, dtype=jnp.int32) * 13) % N
    pad_dst = N + jnp.arange(npe, dtype=jnp.int32) % (NPAD - N)
    srcg = jnp.concatenate([src, pad_src]).reshape(NW * NGRP, GRP)
    dstg = jnp.concatenate([dst, pad_dst]).reshape(NW * NGRP, GRP)
    ids2 = batch.reshape(N, 1)
    zeros2 = jnp.zeros((NPAD, H), jnp.float32)
    zeros_d = jnp.zeros((NPAD, DW), jnp.float32)
    ones_d = jnp.ones((GRP, DW), jnp.float32)

    d0, d1 = _sc_deg(dstg, zeros_d, ones_d)
    dinv, hs1 = _tc_l1(d0, d1, x, W1)
    p10, p11 = _sc_agg(hs1, srcg, dstg, zeros2)
    hs2 = _tc_mid(p10, p11, hs1, dinv, b1.reshape(1, H), W2)
    p20, p21 = _sc_agg(hs2, srcg, dstg, zeros2)
    hs3 = _tc_mid(p20, p21, hs2, dinv, b2.reshape(1, H), W3)
    p30, p31 = _sc_agg(hs3, srcg, dstg, zeros2)
    return _tc_final(
        p30, p31, hs3, dinv, b3.reshape(1, H), ids2, W_out, b_out.reshape(1, OUT)
    )

# --- scband reference (transcript-rebuilt; emitter-appended) ---
"""Pipeline reference for scband-polymer-gcn-69286412419646 (READ-ONLY COPY).

The authoritative reference and input builder live on the scoring server;
editing this copy changes nothing except your own understanding.
"""

import jax, jax.numpy as jnp
import numpy as np

N = 10000
E = 320000
F_IN = 128
H = 64
G = 64
OUT = 5


def setup_inputs(seed: int = 0) -> dict:
    key = jax.random.key(seed)
    ks = jax.random.split(key, 12)
    x = jax.random.normal(ks[0], (N, F_IN), dtype=jnp.float32)
    edge_index = jax.random.randint(ks[1], (2, E), 0, N, dtype=jnp.int32)
    batch = jnp.sort(jax.random.randint(ks[2], (N,), 0, G, dtype=jnp.int32))
    W1 = jax.random.normal(ks[3], (F_IN, H), dtype=jnp.float32) * 0.05
    b1 = jnp.zeros((H,), dtype=jnp.float32)
    W2 = jax.random.normal(ks[4], (H, H), dtype=jnp.float32) * 0.05
    b2 = jnp.zeros((H,), dtype=jnp.float32)
    W3 = jax.random.normal(ks[5], (H, H), dtype=jnp.float32) * 0.05
    b3 = jnp.zeros((H,), dtype=jnp.float32)
    W_out = jax.random.normal(ks[6], (H, OUT), dtype=jnp.float32) * 0.05
    b_out = jnp.zeros((OUT,), dtype=jnp.float32)
    return {"x": x, "edge_index": edge_index, "batch": batch,
            "W1": W1, "b1": b1, "W2": W2, "b2": b2, "W3": W3, "b3": b3,
            "W_out": W_out, "b_out": b_out}


def gcn_conv(x, src, dst, W, b, num_nodes):
    # PyG GCNConv with add_self_loops=True, symmetric normalization
    loop = jnp.arange(num_nodes, dtype=src.dtype)
    s = jnp.concatenate([src, loop])
    d = jnp.concatenate([dst, loop])
    deg = jnp.zeros((num_nodes,), dtype=x.dtype).at[d].add(1.0)
    dinv = jnp.where(deg > 0, deg ** -0.5, 0.0)
    norm = dinv[s] * dinv[d]
    h = x @ W
    msg = h[s] * norm[:, None]
    out = jnp.zeros((num_nodes, W.shape[1]), dtype=x.dtype).at[d].add(msg)
    return out + b


def reference(x, edge_index, batch, W1, b1, W2, b2, W3, b3, W_out, b_out):
    src, dst = edge_index[0], edge_index[1]
    h = gcn_conv(x, src, dst, W1, b1, N)
    h = jax.nn.relu(h)  # dropout is identity in eval mode
    h = gcn_conv(h, src, dst, W2, b2, N)
    h = jax.nn.relu(h)
    h = gcn_conv(h, src, dst, W3, b3, N)
    # global_mean_pool over batch ids
    sums = jnp.zeros((G, H), dtype=h.dtype).at[batch].add(h)
    counts = jnp.zeros((G,), dtype=h.dtype).at[batch].add(1.0)
    pooled = sums / jnp.clip(counts, 1.0)[:, None]
    return pooled @ W_out + b_out

if __name__ == "__main__":
    import jax
    _d = setup_inputs()
    print(jax.jit(kernel)(*tuple(_d.values())))

</pallas_src>

<mosaic_0001>
#map = affine_map<(d0, d1) -> (0, 0)>
module attributes {stable_mosaic.version = 14 : i64} {
  func.func @_sc_agg_body(%arg0: i32, %arg1: i32, %arg2: memref<10240x64xf32, #tpu.memory_space<hbm>>, %arg3: memref<2560x128xi32, #tpu.memory_space<hbm>>, %arg4: memref<2560x128xi32, #tpu.memory_space<hbm>>, %arg5: memref<10240x64xf32, #tpu.memory_space<hbm>>, %arg6: memref<10240x64xf32, #tpu.memory_space<hbm>>, %arg7: memref<10240x64xf32, #tpu.memory_space<hbm>>, %arg8: memref<80x128xi32, #tpu.memory_space<vmem>>, %arg9: memref<80x128xi32, #tpu.memory_space<vmem>>, %arg10: memref<8x128x64xf32, #tpu.memory_space<vmem>>, %arg11: memref<10240x64xf32, #tpu.memory_space<vmem_shared>>, %arg12: memref<!tpu.dma_semaphore, #tpu.memory_space<semaphore_mem>>, %arg13: memref<!tpu.dma_semaphore, #tpu.memory_space<semaphore_mem>>, %arg14: memref<!tpu.dma_semaphore, #tpu.memory_space<semaphore_mem>>, %arg15: memref<!tpu.dma_semaphore, #tpu.memory_space<semaphore_mem>>, %arg16: memref<!tpu.dma_semaphore, #tpu.memory_space<semaphore_mem>>, %arg17: memref<!tpu.dma_semaphore, #tpu.memory_space<semaphore_mem>>, %arg18: memref<!tpu.dma_semaphore, #tpu.memory_space<semaphore_mem>>, %arg19: memref<!tpu.dma_semaphore, #tpu.memory_space<semaphore_mem>>, %arg20: memref<!tpu.dma_semaphore, #tpu.memory_space<semaphore_mem>>, %arg21: memref<!tpu.dma_semaphore, #tpu.memory_space<semaphore_mem>>, %arg22: memref<!tpu.dma_semaphore, #tpu.memory_space<semaphore_mem>>, %arg23: memref<!tpu.dma_semaphore, #tpu.memory_space<semaphore_mem>>, %arg24: memref<!tpu.dma_semaphore, #tpu.memory_space<semaphore_mem>>, %arg25: memref<!tpu.dma_semaphore, #tpu.memory_space<semaphore_mem>>, %arg26: memref<!tpu.dma_semaphore, #tpu.memory_space<semaphore_mem>>, %arg27: memref<!tpu.dma_semaphore, #tpu.memory_space<semaphore_mem>>) attributes {dimension_semantics = [#tpu.dimension_semantics<core_parallel>, #tpu.dimension_semantics<subcore_parallel>], iteration_bounds = array<i64: 2, 16>, scalar_prefetch = 0 : i64, scratch_operands = 20 : i64, tpu.core_type = #tpu.core_type<sc_vector_subcore>, window_params = [{transform_indices = #map}, {transform_indices = #map}, {transform_indices = #map}, {transform_indices = #map}, {transform_indices = #map}, {transform_indices = #map}]} {
    %mul3A = arith.constant 2 : i32
    %mul3A_0 = arith.muli %arg1, %mul3A : i32
    %add3A = arith.addi %mul3A_0, %arg0 : i32
    %mul3A_1 = arith.constant 640 : i32
    %mul3A_2 = arith.muli %arg1, %mul3A_1 : i32
    %dma_start3A = arith.constant 0 : i32
    %dma_start3A_3 = tpu.memref_slice %arg11[%mul3A_2, %dma_start3A] : memref<10240x64xf32, #tpu.memory_space<vmem_shared>> -> memref<640x64xf32, #tpu.memory_space<vmem_shared>>
    %dma_start3A_4 = arith.constant 0 : i32
    %dma_start3A_5 = tpu.memref_slice %arg5[%mul3A_2, %dma_start3A_4] : memref<10240x64xf32, #tpu.memory_space<hbm>> -> memref<640x64xf32, #tpu.memory_space<hbm>>
    tpu.enqueue_dma source(%dma_start3A_5 : memref<640x64xf32, #tpu.memory_space<hbm>>) target(%dma_start3A_3 : memref<640x64xf32, #tpu.memory_space<vmem_shared>>) target_semaphore(%arg12 : memref<!tpu.dma_semaphore, #tpu.memory_space<semaphore_mem>>)
    %mul3A_6 = arith.constant 80 : i32
    %mul3A_7 = arith.muli %add3A, %mul3A_6 : i32
    %dma_start3A_8 = arith.constant 0 : i32
    %dma_start3A_9 = tpu.memref_slice %arg3[%mul3A_7, %dma_start3A_8] : memref<2560x128xi32, #tpu.memory_space<hbm>> -> memref<80x128xi32, #tpu.memory_space<hbm>>
    %dma_start3A_10 = arith.constant 0 : i32
    %dma_start3A_11 = tpu.memref_slice %arg3[%mul3A_7, %dma_start3A_10] : memref<2560x128xi32, #tpu.memory_space<hbm>> -> memref<80x128xi32, #tpu.memory_space<hbm>>
    tpu.enqueue_dma source(%dma_start3A_11 : memref<80x128xi32, #tpu.memory_space<hbm>>) target(%arg8 : memref<80x128xi32, #tpu.memory_space<vmem>>) target_semaphore(%arg20 : memref<!tpu.dma_semaphore, #tpu.memory_space<semaphore_mem>>)
    %mul3A_12 = arith.constant 80 : i32
    %mul3A_13 = arith.muli %add3A, %mul3A_12 : i32
    %dma_start3A_14 = arith.constant 0 : i32
    %dma_start3A_15 = tpu.memref_slice %arg4[%mul3A_13, %dma_start3A_14] : memref<2560x128xi32, #tpu.memory_space<hbm>> -> memref<80x128xi32, #tpu.memory_space<hbm>>
    %dma_start3A_16 = arith.constant 0 : i32
    %dma_start3A_17 = tpu.memref_slice %arg4[%mul3A_13, %dma_start3A_16] : memref<2560x128xi32, #tpu.memory_space<hbm>> -> memref<80x128xi32, #tpu.memory_space<hbm>>
    tpu.enqueue_dma source(%dma_start3A_17 : memref<80x128xi32, #tpu.memory_space<hbm>>) target(%arg9 : memref<80x128xi32, #tpu.memory_space<vmem>>) target_semaphore(%arg21 : memref<!tpu.dma_semaphore, #tpu.memory_space<semaphore_mem>>)
    %dma_wait3A = arith.constant 0 : i32
    %dma_wait3A_18 = tpu.memref_slice %arg11[%mul3A_2, %dma_wait3A] : memref<10240x64xf32, #tpu.memory_space<vmem_shared>> -> memref<640x64xf32, #tpu.memory_space<vmem_shared>>
    %dma_wait3A_19 = arith.constant 0 : i32
    %dma_wait3A_20 = tpu.memref_slice %arg5[%mul3A_2, %dma_wait3A_19] : memref<10240x64xf32, #tpu.memory_space<hbm>> -> memref<640x64xf32, #tpu.memory_space<hbm>>
    tpu.wait_dma2 semaphore(%arg12 : memref<!tpu.dma_semaphore, #tpu.memory_space<semaphore_mem>>) src(%dma_wait3A_20 : memref<640x64xf32, #tpu.memory_space<hbm>>) dst(%dma_wait3A_18 : memref<640x64xf32, #tpu.memory_space<vmem_shared>>)
    %dma_wait3A_21 = arith.constant 0 : i32
    %dma_wait3A_22 = tpu.memref_slice %arg3[%mul3A_7, %dma_wait3A_21] : memref<2560x128xi32, #tpu.memory_space<hbm>> -> memref<80x128xi32, #tpu.memory_space<hbm>>
    %dma_wait3A_23 = arith.constant 0 : i32
    %dma_wait3A_24 = tpu.memref_slice %arg3[%mul3A_7, %dma_wait3A_23] : memref<2560x128xi32, #tpu.memory_space<hbm>> -> memref<80x128xi32, #tpu.memory_space<hbm>>
    tpu.wait_dma2 semaphore(%arg20 : memref<!tpu.dma_semaphore, #tpu.memory_space<semaphore_mem>>) src(%dma_wait3A_24 : memref<80x128xi32, #tpu.memory_space<hbm>>) dst(%arg8 : memref<80x128xi32, #tpu.memory_space<vmem>>)
    %dma_wait3A_25 = arith.constant 0 : i32
    %dma_wait3A_26 = tpu.memref_slice %arg4[%mul3A_13, %dma_wait3A_25] : memref<2560x128xi32, #tpu.memory_space<hbm>> -> memref<80x128xi32, #tpu.memory_space<hbm>>
    %dma_wait3A_27 = arith.constant 0 : i32
    %dma_wait3A_28 = tpu.memref_slice %arg4[%mul3A_13, %dma_wait3A_27] : memref<2560x128xi32, #tpu.memory_space<hbm>> -> memref<80x128xi32, #tpu.memory_space<hbm>>
    tpu.wait_dma2 semaphore(%arg21 : memref<!tpu.dma_semaphore, #tpu.memory_space<semaphore_mem>>) src(%dma_wait3A_28 : memref<80x128xi32, #tpu.memory_space<hbm>>) dst(%arg9 : memref<80x128xi32, #tpu.memory_space<vmem>>)
    %barrier3A = arith.constant 0 : index
    tpu.barrier barrier_id(%barrier3A)
    %dma_start3A_29 = arith.constant 0 : i32
    %dma_start3A_30 = arith.constant 0 : i32
    %dma_start3A_31 = arith.constant 0 : i32
    %dma_start3A_32 = arith.constant 0 : i32
    %dma_start3A_33 = tpu.memref_slice %arg10[%dma_start3A_30, %dma_start3A_31, %dma_start3A_32] : memref<8x128x64xf32, #tpu.memory_space<vmem>> -> memref<1x128x64xf32, #tpu.memory_space<vmem>>
    %dma_start3A_34 = tpu.memref_squeeze %dma_start3A_33 : memref<1x128x64xf32, #tpu.memory_space<vmem>> -> memref<128x64xf32, #tpu.memory_space<vmem>>
    %dma_start3A_35 = arith.constant 0 : i32
    %dma_start3A_36 = tpu.memref_slice %arg8[%dma_start3A_29, %dma_start3A_35] : memref<80x128xi32, #tpu.memory_space<vmem>> -> memref<1x128xi32, #tpu.memory_space<vmem>>
    %dma_start3A_37 = tpu.memref_squeeze %dma_start3A_36 : memref<1x128xi32, #tpu.memory_space<vmem>> -> memref<128xi32, #tpu.memory_space<vmem>>
    %dma_start3A_38 = arith.constant 0 : i32
    %dma_start3A_39 = arith.constant 0 : i32
    %dma_start3A_40 = tpu.memref_slice %arg2[%dma_start3A_38, %dma_start3A_39] : memref<10240x64xf32, #tpu.memory_space<hbm>> -> memref<10240x64xf32, #tpu.memory_space<hbm>>
    tpu.enqueue_indirect_dma source(%dma_start3A_40 : memref<10240x64xf32, #tpu.memory_space<hbm>>) target(%dma_start3A_34 : memref<128x64xf32, #tpu.memory_space<vmem>>) offsets(%dma_start3A_37 : memref<128xi32, #tpu.memory_space<vmem>>) semaphore(%arg12 : memref<!tpu.dma_semaphore, #tpu.memory_space<semaphore_mem>>)
    %dma_start3A_41 = arith.constant 1 : i32
    %dma_start3A_42 = arith.constant 1 : i32
    %dma_start3A_43 = arith.constant 0 : i32
    %dma_start3A_44 = arith.constant 0 : i32
    %dma_start3A_45 = tpu.memref_slice %arg10[%dma_start3A_42, %dma_start3A_43, %dma_start3A_44] : memref<8x128x64xf32, #tpu.memory_space<vmem>> -> memref<1x128x64xf32, #tpu.memory_space<vmem>>
    %dma_start3A_46 = tpu.memref_squeeze %dma_start3A_45 : memref<1x128x64xf32, #tpu.memory_space<vmem>> -> memref<128x64xf32, #tpu.memory_space<vmem>>
    %dma_start3A_47 = arith.constant 0 : i32
    %dma_start3A_48 = tpu.memref_slice %arg8[%dma_start3A_41, %dma_start3A_47] : memref<80x128xi32, #tpu.memory_space<vmem>> -> memref<1x128xi32, #tpu.memory_space<vmem>>
    %dma_start3A_49 = tpu.memref_squeeze %dma_start3A_48 : memref<1x128xi32, #tpu.memory_space<vmem>> -> memref<128xi32, #tpu.memory_space<vmem>>
    %dma_start3A_50 = arith.constant 0 : i32
    %dma_start3A_51 = arith.constant 0 : i32
    %dma_start3A_52 = tpu.memref_slice %arg2[%dma_start3A_50, %dma_start3A_51] : memref<10240x64xf32, #tpu.memory_space<hbm>> -> memref<10240x64xf32, #tpu.memory_space<hbm>>
    tpu.enqueue_indirect_dma source(%dma_start3A_52 : memref<10240x64xf32, #tpu.memory_space<hbm>>) target(%dma_start3A_46 : memref<128x64xf32, #tpu.memory_space<vmem>>) offsets(%dma_start3A_49 : memref<128xi32, #tpu.memory_space<vmem>>) semaphore(%arg13 : memref<!tpu.dma_semaphore, #tpu.memory_space<semaphore_mem>>)
    %dma_start3A_53 = arith.constant 2 : i32
    %dma_start3A_54 = arith.constant 2 : i32
    %dma_start3A_55 = arith.constant 0 : i32
    %dma_start3A_56 = arith.constant 0 : i32
    %dma_start3A_57 = tpu.memref_slice %arg10[%dma_start3A_54, %dma_start3A_55, %dma_start3A_56] : memref<8x128x64xf32, #tpu.memory_space<vmem>> -> memref<1x128x64xf32, #tpu.memory_space<vmem>>
    %dma_start3A_58 = tpu.memref_squeeze %dma_start3A_57 : memref<1x128x64xf32, #tpu.memory_space<vmem>> -> memref<128x64xf32, #tpu.memory_space<vmem>>
    %dma_start3A_59 = arith.constant 0 : i32
    %dma_start3A_60 = tpu.memref_slice %arg8[%dma_start3A_53, %dma_start3A_59] : memref<80x128xi32, #tpu.memory_space<vmem>> -> memref<1x128xi32, #tpu.memory_space<vmem>>
    %dma_start3A_61 = tpu.memref_squeeze %dma_start3A_60 : memref<1x128xi32, #tpu.memory_space<vmem>> -> memref<128xi32, #tpu.memory_space<vmem>>
    %dma_start3A_62 = arith.constant 0 : i32
    %dma_start3A_63 = arith.constant 0 : i32
    %dma_start3A_64 = tpu.memref_slice %arg2[%dma_start3A_62, %dma_start3A_63] : memref<10240x64xf32, #tpu.memory_space<hbm>> -> memref<10240x64xf32, #tpu.memory_space<hbm>>
    tpu.enqueue_indirect_dma source(%dma_start3A_64 : memref<10240x64xf32, #tpu.memory_space<hbm>>) target(%dma_start3A_58 : memref<128x64xf32, #tpu.memory_space<vmem>>) offsets(%dma_start3A_61 : memref<128xi32, #tpu.memory_space<vmem>>) semaphore(%arg14 : memref<!tpu.dma_semaphore, #tpu.memory_space<semaphore_mem>>)
    %dma_start3A_65 = arith.constant 3 : i32
    %dma_start3A_66 = arith.constant 3 : i32
    %dma_start3A_67 = arith.constant 0 : i32
    %dma_start3A_68 = arith.constant 0 : i32
    %dma_start3A_69 = tpu.memref_slice %arg10[%dma_start3A_66, %dma_start3A_67, %dma_start3A_68] : memref<8x128x64xf32, #tpu.memory_space<vmem>> -> memref<1x128x64xf32, #tpu.memory_space<vmem>>
    %dma_start3A_70 = tpu.memref_squeeze %dma_start3A_69 : memref<1x128x64xf32, #tpu.memory_space<vmem>> -> memref<128x64xf32, #tpu.memory_space<vmem>>
    %dma_start3A_71 = arith.constant 0 : i32
    %dma_start3A_72 = tpu.memref_slice %arg8[%dma_start3A_65, %dma_start3A_71] : memref<80x128xi32, #tpu.memory_space<vmem>> -> memref<1x128xi32, #tpu.memory_space<vmem>>
    %dma_start3A_73 = tpu.memref_squeeze %dma_start3A_72 : memref<1x128xi32, #tpu.memory_space<vmem>> -> memref<128xi32, #tpu.memory_space<vmem>>
    %dma_start3A_74 = arith.constant 0 : i32
    %dma_start3A_75 = arith.constant 0 : i32
    %dma_start3A_76 = tpu.memref_slice %arg2[%dma_start3A_74, %dma_start3A_75] : memref<10240x64xf32, #tpu.memory_space<hbm>> -> memref<10240x64xf32, #tpu.memory_space<hbm>>
    tpu.enqueue_indirect_dma source(%dma_start3A_76 : memref<10240x64xf32, #tpu.memory_space<hbm>>) target(%dma_start3A_70 : memref<128x64xf32, #tpu.memory_space<vmem>>) offsets(%dma_start3A_73 : memref<128xi32, #tpu.memory_space<vmem>>) semaphore(%arg15 : memref<!tpu.dma_semaphore, #tpu.memory_space<semaphore_mem>>)
    %dma_start3A_77 = arith.constant 4 : i32
    %dma_start3A_78 = arith.constant 4 : i32
    %dma_start3A_79 = arith.constant 0 : i32
    %dma_start3A_80 = arith.constant 0 : i32
    %dma_start3A_81 = tpu.memref_slice %arg10[%dma_start3A_78, %dma_start3A_79, %dma_start3A_80] : memref<8x128x64xf32, #tpu.memory_space<vmem>> -> memref<1x128x64xf32, #tpu.memory_space<vmem>>
    %dma_start3A_82 = tpu.memref_squeeze %dma_start3A_81 : memref<1x128x64xf32, #tpu.memory_space<vmem>> -> memref<128x64xf32, #tpu.memory_space<vmem>>
    %dma_start3A_83 = arith.constant 0 : i32
    %dma_start3A_84 = tpu.memref_slice %arg8[%dma_start3A_77, %dma_start3A_83] : memref<80x128xi32, #tpu.memory_space<vmem>> -> memref<1x128xi32, #tpu.memory_space<vmem>>
    %dma_start3A_85 = tpu.memref_squeeze %dma_start3A_84 : memref<1x128xi32, #tpu.memory_space<vmem>> -> memref<128xi32, #tpu.memory_space<vmem>>
    %dma_start3A_86 = arith.constant 0 : i32
    %dma_start3A_87 = arith.constant 0 : i32
    %dma_start3A_88 = tpu.memref_slice %arg2[%dma_start3A_86, %dma_start3A_87] : memref<10240x64xf32, #tpu.memory_space<hbm>> -> memref<10240x64xf32, #tpu.memory_space<hbm>>
    tpu.enqueue_indirect_dma source(%dma_start3A_88 : memref<10240x64xf32, #tpu.memory_space<hbm>>) target(%dma_start3A_82 : memref<128x64xf32, #tpu.memory_space<vmem>>) offsets(%dma_start3A_85 : memref<128xi32, #tpu.memory_space<vmem>>) semaphore(%arg16 : memref<!tpu.dma_semaphore, #tpu.memory_space<semaphore_mem>>)
    %dma_start3A_89 = arith.constant 5 : i32
    %dma_start3A_90 = arith.constant 5 : i32
    %dma_start3A_91 = arith.constant 0 : i32
    %dma_start3A_92 = arith.constant 0 : i32
    %dma_start3A_93 = tpu.memref_slice %arg10[%dma_start3A_90, %dma_start3A_91, %dma_start3A_92] : memref<8x128x64xf32, #tpu.memory_space<vmem>> -> memref<1x128x64xf32, #tpu.memory_space<vmem>>
    %dma_start3A_94 = tpu.memref_squeeze %dma_start3A_93 : memref<1x128x64xf32, #tpu.memory_space<vmem>> -> memref<128x64xf32, #tpu.memory_space<vmem>>
    %dma_start3A_95 = arith.constant 0 : i32
    %dma_start3A_96 = tpu.memref_slice %arg8[%dma_start3A_89, %dma_start3A_95] : memref<80x128xi32, #tpu.memory_space<vmem>> -> memref<1x128xi32, #tpu.memory_space<vmem>>
    %dma_start3A_97 = tpu.memref_squeeze %dma_start3A_96 : memref<1x128xi32, #tpu.memory_space<vmem>> -> memref<128xi32, #tpu.memory_space<vmem>>
    %dma_start3A_98 = arith.constant 0 : i32
    %dma_start3A_99 = arith.constant 0 : i32
    %dma_start3A_100 = tpu.memref_slice %arg2[%dma_start3A_98, %dma_start3A_99] : memref<10240x64xf32, #tpu.memory_space<hbm>> -> memref<10240x64xf32, #tpu.memory_space<hbm>>
    tpu.enqueue_indirect_dma source(%dma_start3A_100 : memref<10240x64xf32, #tpu.memory_space<hbm>>) target(%dma_start3A_94 : memref<128x64xf32, #tpu.memory_space<vmem>>) offsets(%dma_start3A_97 : memref<128xi32, #tpu.memory_space<vmem>>) semaphore(%arg17 : memref<!tpu.dma_semaphore, #tpu.memory_space<semaphore_mem>>)
    %dma_start3A_101 = arith.constant 6 : i32
    %dma_start3A_102 = arith.constant 6 : i32
    %dma_start3A_103 = arith.constant 0 : i32
    %dma_start3A_104 = arith.constant 0 : i32
    %dma_start3A_105 = tpu.memref_slice %arg10[%dma_start3A_102, %dma_start3A_103, %dma_start3A_104] : memref<8x128x64xf32, #tpu.memory_space<vmem>> -> memref<1x128x64xf32, #tpu.memory_space<vmem>>
    %dma_start3A_106 = tpu.memref_squeeze %dma_start3A_105 : memref<1x128x64xf32, #tpu.memory_space<vmem>> -> memref<128x64xf32, #tpu.memory_space<vmem>>
    %dma_start3A_107 = arith.constant 0 : i32
    %dma_start3A_108 = tpu.memref_slice %arg8[%dma_start3A_101, %dma_start3A_107] : memref<80x128xi32, #tpu.memory_space<vmem>> -> memref<1x128xi32, #tpu.memory_space<vmem>>
    %dma_start3A_109 = tpu.memref_squeeze %dma_start3A_108 : memref<1x128xi32, #tpu.memory_space<vmem>> -> memref<128xi32, #tpu.memory_space<vmem>>
    %dma_start3A_110 = arith.constant 0 : i32
    %dma_start3A_111 = arith.constant 0 : i32
    %dma_start3A_112 = tpu.memref_slice %arg2[%dma_start3A_110, %dma_start3A_111] : memref<10240x64xf32, #tpu.memory_space<hbm>> -> memref<10240x64xf32, #tpu.memory_space<hbm>>
    tpu.enqueue_indirect_dma source(%dma_start3A_112 : memref<10240x64xf32, #tpu.memory_space<hbm>>) target(%dma_start3A_106 : memref<128x64xf32, #tpu.memory_space<vmem>>) offsets(%dma_start3A_109 : memref<128xi32, #tpu.memory_space<vmem>>) semaphore(%arg18 : memref<!tpu.dma_semaphore, #tpu.memory_space<semaphore_mem>>)
    %dma_start3A_113 = arith.constant 7 : i32
    %dma_start3A_114 = arith.constant 7 : i32
    %dma_start3A_115 = arith.constant 0 : i32
    %dma_start3A_116 = arith.constant 0 : i32
    %dma_start3A_117 = tpu.memref_slice %arg10[%dma_start3A_114, %dma_start3A_115, %dma_start3A_116] : memref<8x128x64xf32, #tpu.memory_space<vmem>> -> memref<1x128x64xf32, #tpu.memory_space<vmem>>
    %dma_start3A_118 = tpu.memref_squeeze %dma_start3A_117 : memref<1x128x64xf32, #tpu.memory_space<vmem>> -> memref<128x64xf32, #tpu.memory_space<vmem>>
    %dma_start3A_119 = arith.constant 0 : i32
    %dma_start3A_120 = tpu.memref_slice %arg8[%dma_start3A_113, %dma_start3A_119] : memref<80x128xi32, #tpu.memory_space<vmem>> -> memref<1x128xi32, #tpu.memory_space<vmem>>
    %dma_start3A_121 = tpu.memref_squeeze %dma_start3A_120 : memref<1x128xi32, #tpu.memory_space<vmem>> -> memref<128xi32, #tpu.memory_space<vmem>>
    %dma_start3A_122 = arith.constant 0 : i32
    %dma_start3A_123 = arith.constant 0 : i32
    %dma_start3A_124 = tpu.memref_slice %arg2[%dma_start3A_122, %dma_start3A_123] : memref<10240x64xf32, #tpu.memory_space<hbm>> -> memref<10240x64xf32, #tpu.memory_space<hbm>>
    tpu.enqueue_indirect_dma source(%dma_start3A_124 : memref<10240x64xf32, #tpu.memory_space<hbm>>) target(%dma_start3A_118 : memref<128x64xf32, #tpu.memory_space<vmem>>) offsets(%dma_start3A_121 : memref<128xi32, #tpu.memory_space<vmem>>) semaphore(%arg19 : memref<!tpu.dma_semaphore, #tpu.memory_space<semaphore_mem>>)
    %scan3A = arith.constant 0 : i32
    %scan3A_125 = arith.constant 0 : i32
    %scan3A_126 = arith.constant 10 : i32
    %scan3A_127 = arith.addi %scan3A_125, %scan3A_126 : i32
    %scan3A_128 = arith.constant 1 : i32
    scf.for %scan3A_138 = %scan3A_125 to %scan3A_127 step %scan3A_128  : i32 {
      %mul3A_139 = arith.constant 8 : i32
      %mul3A_140 = arith.muli %scan3A_138, %mul3A_139 : i32
      %add3A_141 = arith.constant 0 : i32
      %add3A_142 = arith.addi %mul3A_140, %add3A_141 : i32
      %dma_wait3A_143 = arith.constant 0 : i32
      %dma_wait3A_144 = arith.constant 0 : i32
      %dma_wait3A_145 = arith.constant 0 : i32
      %dma_wait3A_146 = tpu.memref_slice %arg10[%dma_wait3A_143, %dma_wait3A_144, %dma_wait3A_145] : memref<8x128x64xf32, #tpu.memory_space<vmem>> -> memref<1x128x64xf32, #tpu.memory_space<vmem>>
      %dma_wait3A_147 = tpu.memref_squeeze %dma_wait3A_146 : memref<1x128x64xf32, #tpu.memory_space<vmem>> -> memref<128x64xf32, #tpu.memory_space<vmem>>
      %dma_wait3A_148 = arith.constant 0 : i32
      %dma_wait3A_149 = tpu.memref_slice %arg8[%add3A_142, %dma_wait3A_148] : memref<80x128xi32, #tpu.memory_space<vmem>> -> memref<1x128xi32, #tpu.memory_space<vmem>>
      %dma_wait3A_150 = tpu.memref_squeeze %dma_wait3A_149 : memref<1x128xi32, #tpu.memory_space<vmem>> -> memref<128xi32, #tpu.memory_space<vmem>>
      %dma_wait3A_151 = arith.constant 0 : i32
      %dma_wait3A_152 = arith.constant 0 : i32
      %dma_wait3A_153 = tpu.memref_slice %arg2[%dma_wait3A_151, %dma_wait3A_152] : memref<10240x64xf32, #tpu.memory_space<hbm>> -> memref<10240x64xf32, #tpu.memory_space<hbm>>
      tpu.wait_indirect_dma semaphore(%arg12 : memref<!tpu.dma_semaphore, #tpu.memory_space<semaphore_mem>>) src(%dma_wait3A_153 : memref<10240x64xf32, #tpu.memory_space<hbm>>) dst(%dma_wait3A_147 : memref<128x64xf32, #tpu.memory_space<vmem>>)
      %dma_start3A_154 = arith.constant 0 : i32
      %dma_start3A_155 = arith.constant 0 : i32
      %dma_start3A_156 = arith.constant 0 : i32
      %dma_start3A_157 = tpu.memref_slice %arg10[%dma_start3A_154, %dma_start3A_155, %dma_start3A_156] : memref<8x128x64xf32, #tpu.memory_space<vmem>> -> memref<1x128x64xf32, #tpu.memory_space<vmem>>
      %dma_start3A_158 = tpu.memref_squeeze %dma_start3A_157 : memref<1x128x64xf32, #tpu.memory_space<vmem>> -> memref<128x64xf32, #tpu.memory_space<vmem>>
      %dma_start3A_159 = arith.constant 0 : i32
      %dma_start3A_160 = tpu.memref_slice %arg9[%add3A_142, %dma_start3A_159] : memref<80x128xi32, #tpu.memory_space<vmem>> -> memref<1x128xi32, #tpu.memory_space<vmem>>
      %dma_start3A_161 = tpu.memref_squeeze %dma_start3A_160 : memref<1x128xi32, #tpu.memory_space<vmem>> -> memref<128xi32, #tpu.memory_space<vmem>>
      %dma_start3A_162 = arith.constant 0 : i32
      %dma_start3A_163 = arith.constant 0 : i32
      %dma_start3A_164 = tpu.memref_slice %arg11[%dma_start3A_162, %dma_start3A_163] : memref<10240x64xf32, #tpu.memory_space<vmem_shared>> -> memref<10240x64xf32, #tpu.memory_space<vmem_shared>>
      tpu.enqueue_indirect_dma source(%dma_start3A_158 : memref<128x64xf32, #tpu.memory_space<vmem>>) target(%dma_start3A_164 : memref<10240x64xf32, #tpu.memory_space<vmem_shared>>) offsets(%dma_start3A_161 : memref<128xi32, #tpu.memory_space<vmem>>) semaphore(%arg20 : memref<!tpu.dma_semaphore, #tpu.memory_space<semaphore_mem>>) {add = true}
      %dma_wait3A_165 = arith.constant 0 : i32
      %dma_wait3A_166 = arith.constant 0 : i32
      %dma_wait3A_167 = arith.constant 0 : i32
      %dma_wait3A_168 = tpu.memref_slice %arg10[%dma_wait3A_165, %dma_wait3A_166, %dma_wait3A_167] : memref<8x128x64xf32, #tpu.memory_space<vmem>> -> memref<1x128x64xf32, #tpu.memory_space<vmem>>
      %dma_wait3A_169 = tpu.memref_squeeze %dma_wait3A_168 : memref<1x128x64xf32, #tpu.memory_space<vmem>> -> memref<128x64xf32, #tpu.memory_space<vmem>>
      %dma_wait3A_170 = arith.constant 0 : i32
      %dma_wait3A_171 = tpu.memref_slice %arg9[%add3A_142, %dma_wait3A_170] : memref<80x128xi32, #tpu.memory_space<vmem>> -> memref<1x128xi32, #tpu.memory_space<vmem>>
      %dma_wait3A_172 = tpu.memref_squeeze %dma_wait3A_171 : memref<1x128xi32, #tpu.memory_space<vmem>> -> memref<128xi32, #tpu.memory_space<vmem>>
      %dma_wait3A_173 = arith.constant 0 : i32
      %dma_wait3A_174 = arith.constant 0 : i32
      %dma_wait3A_175 = tpu.memref_slice %arg11[%dma_wait3A_173, %dma_wait3A_174] : memref<10240x64xf32, #tpu.memory_space<vmem_shared>> -> memref<10240x64xf32, #tpu.memory_space<vmem_shared>>
      tpu.wait_indirect_dma semaphore(%arg20 : memref<!tpu.dma_semaphore, #tpu.memory_space<semaphore_mem>>) src(%dma_wait3A_169 : memref<128x64xf32, #tpu.memory_space<vmem>>) dst(%dma_wait3A_175 : memref<10240x64xf32, #tpu.memory_space<vmem_shared>>)
      %add3A_176 = arith.constant 8 : i32
      %add3A_177 = arith.addi %add3A_142, %add3A_176 : i32
      %lt3A = arith.constant 80 : i32
      %lt3A_178 = arith.cmpi slt, %add3A_177, %lt3A : i32
      %convert_element_type3A_179 = arith.extui %lt3A_178 : i1 to i32
      %cond3A_180 = arith.constant 0 : i32
      %cond3A_181 = arith.cmpi ne, %convert_element_type3A_179, %cond3A_180 : i32
      scf.if %cond3A_181 {
        %dma_start3A_476 = arith.constant 0 : i32
        %dma_start3A_477 = arith.constant 0 : i32
        %dma_start3A_478 = arith.constant 0 : i32
        %dma_start3A_479 = tpu.memref_slice %arg10[%dma_start3A_476, %dma_start3A_477, %dma_start3A_478] : memref<8x128x64xf32, #tpu.memory_space<vmem>> -> memref<1x128x64xf32, #tpu.memory_space<vmem>>
        %dma_start3A_480 = tpu.memref_squeeze %dma_start3A_479 : memref<1x128x64xf32, #tpu.memory_space<vmem>> -> memref<128x64xf32, #tpu.memory_space<vmem>>
        %dma_start3A_481 = arith.constant 0 : i32
        %dma_start3A_482 = tpu.memref_slice %arg8[%add3A_177, %dma_start3A_481] : memref<80x128xi32, #tpu.memory_space<vmem>> -> memref<1x128xi32, #tpu.memory_space<vmem>>
        %dma_start3A_483 = tpu.memref_squeeze %dma_start3A_482 : memref<1x128xi32, #tpu.memory_space<vmem>> -> memref<128xi32, #tpu.memory_space<vmem>>
        %dma_start3A_484 = arith.constant 0 : i32
        %dma_start3A_485 = arith.constant 0 : i32
        %dma_start3A_486 = tpu.memref_slice %arg2[%dma_start3A_484, %dma_start3A_485] : memref<10240x64xf32, #tpu.memory_space<hbm>> -> memref<10240x64xf32, #tpu.memory_space<hbm>>
        tpu.enqueue_indirect_dma source(%dma_start3A_486 : memref<10240x64xf32, #tpu.memory_space<hbm>>) target(%dma_start3A_480 : memref<128x64xf32, #tpu.memory_space<vmem>>) offsets(%dma_start3A_483 : memref<128xi32, #tpu.memory_space<vmem>>) semaphore(%arg12 : memref<!tpu.dma_semaphore, #tpu.memory_space<semaphore_mem>>)
      } else {
      }
      %add3A_182 = arith.constant 1 : i32
      %add3A_183 = arith.addi %mul3A_140, %add3A_182 : i32
      %dma_wait3A_184 = arith.constant 1 : i32
      %dma_wait3A_185 = arith.constant 0 : i32
      %dma_wait3A_186 = arith.constant 0 : i32
      %dma_wait3A_187 = tpu.memref_slice %arg10[%dma_wait3A_184, %dma_wait3A_185, %dma_wait3A_186] : memref<8x128x64xf32, #tpu.memory_space<vmem>> -> memref<1x128x64xf32, #tpu.memory_space<vmem>>
      %dma_wait3A_188 = tpu.memref_squeeze %dma_wait3A_187 : memref<1x128x64xf32, #tpu.memory_space<vmem>> -> memref<128x64xf32, #tpu.memory_space<vmem>>
      %dma_wait3A_189 = arith.constant 0 : i32
      %dma_wait3A_190 = tpu.memref_slice %arg8[%add3A_183, %dma_wait3A_189] : memref<80x128xi32, #tpu.memory_space<vmem>> -> memref<1x128xi32, #tpu.memory_space<vmem>>
      %dma_wait3A_191 = tpu.memref_squeeze %dma_wait3A_190 : memref<1x128xi32, #tpu.memory_space<vmem>> -> memref<128xi32, #tpu.memory_space<vmem>>
      %dma_wait3A_192 = arith.constant 0 : i32
      %dma_wait3A_193 = arith.constant 0 : i32
      %dma_wait3A_194 = tpu.memref_slice %arg2[%dma_wait3A_192, %dma_wait3A_193] : memref<10240x64xf32, #tpu.memory_space<hbm>> -> memref<10240x64xf32, #tpu.memory_space<hbm>>
      tpu.wait_indirect_dma semaphore(%arg13 : memref<!tpu.dma_semaphore, #tpu.memory_space<semaphore_mem>>) src(%dma_wait3A_194 : memref<10240x64xf32, #tpu.memory_space<hbm>>) dst(%dma_wait3A_188 : memref<128x64xf32, #tpu.memory_space<vmem>>)
      %dma_start3A_195 = arith.constant 1 : i32
      %dma_start3A_196 = arith.constant 0 : i32
      %dma_start3A_197 = arith.constant 0 : i32
      %dma_start3A_198 = tpu.memref_slice %arg10[%dma_start3A_195, %dma_start3A_196, %dma_start3A_197] : memref<8x128x64xf32, #tpu.memory_space<vmem>> -> memref<1x128x64xf32, #tpu.memory_space<vmem>>
      %dma_start3A_199 = tpu.memref_squeeze %dma_start3A_198 : memref<1x128x64xf32, #tpu.memory_space<vmem>> -> memref<128x64xf32, #tpu.memory_space<vmem>>
      %dma_start3A_200 = arith.constant 0 : i32
      %dma_start3A_201 = tpu.memref_slice %arg9[%add3A_183, %dma_start3A_200] : memref<80x128xi32, #tpu.memory_space<vmem>> -> memref<1x128xi32, #tpu.memory_space<vmem>>
      %dma_start3A_202 = tpu.memref_squeeze %dma_start3A_201 : memref<1x128xi32, #tpu.memory_space<vmem>> -> memref<128xi32, #tpu.memory_space<vmem>>
      %dma_start3A_203 = arith.constant 0 : i32
      %dma_start3A_204 = arith.constant 0 : i32
      %dma_start3A_205 = tpu.memref_slice %arg11[%dma_start3A_203, %dma_start3A_204] : memref<10240x64xf32, #tpu.memory_space<vmem_shared>> -> memref<10240x64xf32, #tpu.memory_space<vmem_shared>>
      tpu.enqueue_indirect_dma source(%dma_start3A_199 : memref<128x64xf32, #tpu.memory_space<vmem>>) target(%dma_start3A_205 : memref<10240x64xf32, #tpu.memory_space<vmem_shared>>) offsets(%dma_start3A_202 : memref<128xi32, #tpu.memory_space<vmem>>) semaphore(%arg21 : memref<!tpu.dma_semaphore, #tpu.memory_space<semaphore_mem>>) {add = true}
      %dma_wait3A_206 = arith.constant 1 : i32
      %dma_wait3A_207 = arith.constant 0 : i32
      %dma_wait3A_208 = arith.constant 0 : i32
      %dma_wait3A_209 = tpu.memref_slice %arg10[%dma_wait3A_206, %dma_wait3A_207, %dma_wait3A_208] : memref<8x128x64xf32, #tpu.memory_space<vmem>> -> memref<1x128x64xf32, #tpu.memory_space<vmem>>
      %dma_wait3A_210 = tpu.memref_squeeze %dma_wait3A_209 : memref<1x128x64xf32, #tpu.memory_space<vmem>> -> memref<128x64xf32, #tpu.memory_space<vmem>>
      %dma_wait3A_211 = arith.constant 0 : i32
      %dma_wait3A_212 = tpu.memref_slice %arg9[%add3A_183, %dma_wait3A_211] : memref<80x128xi32, #tpu.memory_space<vmem>> -> memref<1x128xi32, #tpu.memory_space<vmem>>
      %dma_wait3A_213 = tpu.memref_squeeze %dma_wait3A_212 : memref<1x128xi32, #tpu.memory_space<vmem>> -> memref<128xi32, #tpu.memory_space<vmem>>
      %dma_wait3A_214 = arith.constant 0 : i32
      %dma_wait3A_215 = arith.constant 0 : i32
      %dma_wait3A_216 = tpu.memref_slice %arg11[%dma_wait3A_214, %dma_wait3A_215] : memref<10240x64xf32, #tpu.memory_space<vmem_shared>> -> memref<10240x64xf32, #tpu.memory_space<vmem_shared>>
      tpu.wait_indirect_dma semaphore(%arg21 : memref<!tpu.dma_semaphore, #tpu.memory_space<semaphore_mem>>) src(%dma_wait3A_210 : memref<128x64xf32, #tpu.memory_space<vmem>>) dst(%dma_wait3A_216 : memref<10240x64xf32, #tpu.memory_space<vmem_shared>>)
      %add3A_217 = arith.constant 8 : i32
      %add3A_218 = arith.addi %add3A_183, %add3A_217 : i32
      %lt3A_219 = arith.constant 80 : i32
      %lt3A_220 = arith.cmpi slt, %add3A_218, %lt3A_219 : i32
      %convert_element_type3A_221 = arith.extui %lt3A_220 : i1 to i32
      %cond3A_222 = arith.constant 0 : i32
      %cond3A_223 = arith.cmpi ne, %convert_element_type3A_221, %cond3A_222 : i32
      scf.if %cond3A_223 {
        %dma_start3A_476 = arith.constant 1 : i32
        %dma_start3A_477 = arith.constant 0 : i32
        %dma_start3A_478 = arith.constant 0 : i32
        %dma_start3A_479 = tpu.memref_slice %arg10[%dma_start3A_476, %dma_start3A_477, %dma_start3A_478] : memref<8x128x64xf32, #tpu.memory_space<vmem>> -> memref<1x128x64xf32, #tpu.memory_space<vmem>>
        %dma_start3A_480 = tpu.memref_squeeze %dma_start3A_479 : memref<1x128x64xf32, #tpu.memory_space<vmem>> -> memref<128x64xf32, #tpu.memory_space<vmem>>
        %dma_start3A_481 = arith.constant 0 : i32
        %dma_start3A_482 = tpu.memref_slice %arg8[%add3A_218, %dma_start3A_481] : memref<80x128xi32, #tpu.memory_space<vmem>> -> memref<1x128xi32, #tpu.memory_space<vmem>>
        %dma_start3A_483 = tpu.memref_squeeze %dma_start3A_482 : memref<1x128xi32, #tpu.memory_space<vmem>> -> memref<128xi32, #tpu.memory_space<vmem>>
        %dma_start3A_484 = arith.constant 0 : i32
        %dma_start3A_485 = arith.constant 0 : i32
        %dma_start3A_486 = tpu.memref_slice %arg2[%dma_start3A_484, %dma_start3A_485] : memref<10240x64xf32, #tpu.memory_space<hbm>> -> memref<10240x64xf32, #tpu.memory_space<hbm>>
        tpu.enqueue_indirect_dma source(%dma_start3A_486 : memref<10240x64xf32, #tpu.memory_space<hbm>>) target(%dma_start3A_480 : memref<128x64xf32, #tpu.memory_space<vmem>>) offsets(%dma_start3A_483 : memref<128xi32, #tpu.memory_space<vmem>>) semaphore(%arg13 : memref<!tpu.dma_semaphore, #tpu.memory_space<semaphore_mem>>)
      } else {
      }
      %add3A_224 = arith.constant 2 : i32
      %add3A_225 = arith.addi %mul3A_140, %add3A_224 : i32
      %dma_wait3A_226 = arith.constant 2 : i32
      %dma_wait3A_227 = arith.constant 0 : i32
      %dma_wait3A_228 = arith.constant 0 : i32
      %dma_wait3A_229 = tpu.memref_slice %arg10[%dma_wait3A_226, %dma_wait3A_227, %dma_wait3A_228] : memref<8x128x64xf32, #tpu.memory_space<vmem>> -> memref<1x128x64xf32, #tpu.memory_space<vmem>>
      %dma_wait3A_230 = tpu.memref_squeeze %dma_wait3A_229 : memref<1x128x64xf32, #tpu.memory_space<vmem>> -> memref<128x64xf32, #tpu.memory_space<vmem>>
      %dma_wait3A_231 = arith.constant 0 : i32
      %dma_wait3A_232 = tpu.memref_slice %arg8[%add3A_225, %dma_wait3A_231] : memref<80x128xi32, #tpu.memory_space<vmem>> -> memref<1x128xi32, #tpu.memory_space<vmem>>
      %dma_wait3A_233 = tpu.memref_squeeze %dma_wait3A_232 : memref<1x128xi32, #tpu.memory_space<vmem>> -> memref<128xi32, #tpu.memory_space<vmem>>
      %dma_wait3A_234 = arith.constant 0 : i32
      %dma_wait3A_235 = arith.constant 0 : i32
      %dma_wait3A_236 = tpu.memref_slice %arg2[%dma_wait3A_234, %dma_wait3A_235] : memref<10240x64xf32, #tpu.memory_space<hbm>> -> memref<10240x64xf32, #tpu.memory_space<hbm>>
      tpu.wait_indirect_dma semaphore(%arg14 : memref<!tpu.dma_semaphore, #tpu.memory_space<semaphore_mem>>) src(%dma_wait3A_236 : memref<10240x64xf32, #tpu.memory_space<hbm>>) dst(%dma_wait3A_230 : memref<128x64xf32, #tpu.memory_space<vmem>>)
      %dma_start3A_237 = arith.constant 2 : i32
      %dma_start3A_238 = arith.constant 0 : i32
      %dma_start3A_239 = arith.constant 0 : i32
      %dma_start3A_240 = tpu.memref_slice %arg10[%dma_start3A_237, %dma_start3A_238, %dma_start3A_239] : memref<8x128x64xf32, #tpu.memory_space<vmem>> -> memref<1x128x64xf32, #tpu.memory_space<vmem>>
      %dma_start3A_241 = tpu.memref_squeeze %dma_start3A_240 : memref<1x128x64xf32, #tpu.memory_space<vmem>> -> memref<128x64xf32, #tpu.memory_space<vmem>>
      %dma_start3A_242 = arith.constant 0 : i32
      %dma_start3A_243 = tpu.memref_slice %arg9[%add3A_225, %dma_start3A_242] : memref<80x128xi32, #tpu.memory_space<vmem>> -> memref<1x128xi32, #tpu.memory_space<vmem>>
      %dma_start3A_244 = tpu.memref_squeeze %dma_start3A_243 : memref<1x128xi32, #tpu.memory_space<vmem>> -> memref<128xi32, #tpu.memory_space<vmem>>
      %dma_start3A_245 = arith.constant 0 : i32
      %dma_start3A_246 = arith.constant 0 : i32
      %dma_start3A_247 = tpu.memref_slice %arg11[%dma_start3A_245, %dma_start3A_246] : memref<10240x64xf32, #tpu.memory_space<vmem_shared>> -> memref<10240x64xf32, #tpu.memory_space<vmem_shared>>
      tpu.enqueue_indirect_dma source(%dma_start3A_241 : memref<128x64xf32, #tpu.memory_space<vmem>>) target(%dma_start3A_247 : memref<10240x64xf32, #tpu.memory_space<vmem_shared>>) offsets(%dma_start3A_244 : memref<128xi32, #tpu.memory_space<vmem>>) semaphore(%arg22 : memref<!tpu.dma_semaphore, #tpu.memory_space<semaphore_mem>>) {add = true}
      %dma_wait3A_248 = arith.constant 2 : i32
      %dma_wait3A_249 = arith.constant 0 : i32
      %dma_wait3A_250 = arith.constant 0 : i32
      %dma_wait3A_251 = tpu.memref_slice %arg10[%dma_wait3A_248, %dma_wait3A_249, %dma_wait3A_250] : memref<8x128x64xf32, #tpu.memory_space<vmem>> -> memref<1x128x64xf32, #tpu.memory_space<vmem>>
      %dma_wait3A_252 = tpu.memref_squeeze %dma_wait3A_251 : memref<1x128x64xf32, #tpu.memory_space<vmem>> -> memref<128x64xf32, #tpu.memory_space<vmem>>
      %dma_wait3A_253 = arith.constant 0 : i32
      %dma_wait3A_254 = tpu.memref_slice %arg9[%add3A_225, %dma_wait3A_253] : memref<80x128xi32, #tpu.memory_space<vmem>> -> memref<1x128xi32, #tpu.memory_space<vmem>>
      %dma_wait3A_255 = tpu.memref_squeeze %dma_wait3A_254 : memref<1x128xi32, #tpu.memory_space<vmem>> -> memref<128xi32, #tpu.memory_space<vmem>>
      %dma_wait3A_256 = arith.constant 0 : i32
      %dma_wait3A_257 = arith.constant 0 : i32
      %dma_wait3A_258 = tpu.memref_slice %arg11[%dma_wait3A_256, %dma_wait3A_257] : memref<10240x64xf32, #tpu.memory_space<vmem_shared>> -> memref<10240x64xf32, #tpu.memory_space<vmem_shared>>
      tpu.wait_indirect_dma semaphore(%arg22 : memref<!tpu.dma_semaphore, #tpu.memory_space<semaphore_mem>>) src(%dma_wait3A_252 : memref<128x64xf32, #tpu.memory_space<vmem>>) dst(%dma_wait3A_258 : memref<10240x64xf32, #tpu.memory_space<vmem_shared>>)
      %add3A_259 = arith.constant 8 : i32
      %add3A_260 = arith.addi %add3A_225, %add3A_259 : i32
      %lt3A_261 = arith.constant 80 : i32
      %lt3A_262 = arith.cmpi slt, %add3A_260, %lt3A_261 : i32
      %convert_element_type3A_263 = arith.extui %lt3A_262 : i1 to i32
      %cond3A_264 = arith.constant 0 : i32
      %cond3A_265 = arith.cmpi ne, %convert_element_type3A_263, %cond3A_264 : i32
      scf.if %cond3A_265 {
        %dma_start3A_476 = arith.constant 2 : i32
        %dma_start3A_477 = arith.constant 0 : i32
        %dma_start3A_478 = arith.constant 0 : i32
        %dma_start3A_479 = tpu.memref_slice %arg10[%dma_start3A_476, %dma_start3A_477, %dma_start3A_478] : memref<8x128x64xf32, #tpu.memory_space<vmem>> -> memref<1x128x64xf32, #tpu.memory_space<vmem>>
        %dma_start3A_480 = tpu.memref_squeeze %dma_start3A_479 : memref<1x128x64xf32, #tpu.memory_space<vmem>> -> memref<128x64xf32, #tpu.memory_space<vmem>>
        %dma_start3A_481 = arith.constant 0 : i32
        %dma_start3A_482 = tpu.memref_slice %arg8[%add3A_260, %dma_start3A_481] : memref<80x128xi32, #tpu.memory_space<vmem>> -> memref<1x128xi32, #tpu.memory_space<vmem>>
        %dma_start3A_483 = tpu.memref_squeeze %dma_start3A_482 : memref<1x128xi32, #tpu.memory_space<vmem>> -> memref<128xi32, #tpu.memory_space<vmem>>
        %dma_start3A_484 = arith.constant 0 : i32
        %dma_start3A_485 = arith.constant 0 : i32
        %dma_start3A_486 = tpu.memref_slice %arg2[%dma_start3A_484, %dma_start3A_485] : memref<10240x64xf32, #tpu.memory_space<hbm>> -> memref<10240x64xf32, #tpu.memory_space<hbm>>
        tpu.enqueue_indirect_dma source(%dma_start3A_486 : memref<10240x64xf32, #tpu.memory_space<hbm>>) target(%dma_start3A_480 : memref<128x64xf32, #tpu.memory_space<vmem>>) offsets(%dma_start3A_483 : memref<128xi32, #tpu.memory_space<vmem>>) semaphore(%arg14 : memref<!tpu.dma_semaphore, #tpu.memory_space<semaphore_mem>>)
      } else {
      }
      %add3A_266 = arith.constant 3 : i32
      %add3A_267 = arith.addi %mul3A_140, %add3A_266 : i32
      %dma_wait3A_268 = arith.constant 3 : i32
      %dma_wait3A_269 = arith.constant 0 : i32
      %dma_wait3A_270 = arith.constant 0 : i32
      %dma_wait3A_271 = tpu.memref_slice %arg10[%dma_wait3A_268, %dma_wait3A_269, %dma_wait3A_270] : memref<8x128x64xf32, #tpu.memory_space<vmem>> -> memref<1x128x64xf32, #tpu.memory_space<vmem>>
      %dma_wait3A_272 = tpu.memref_squeeze %dma_wait3A_271 : memref<1x128x64xf32, #tpu.memory_space<vmem>> -> memref<128x64xf32, #tpu.memory_space<vmem>>
      %dma_wait3A_273 = arith.constant 0 : i32
      %dma_wait3A_274 = tpu.memref_slice %arg8[%add3A_267, %dma_wait3A_273] : memref<80x128xi32, #tpu.memory_space<vmem>> -> memref<1x128xi32, #tpu.memory_space<vmem>>
      %dma_wait3A_275 = tpu.memref_squeeze %dma_wait3A_274 : memref<1x128xi32, #tpu.memory_space<vmem>> -> memref<128xi32, #tpu.memory_space<vmem>>
      %dma_wait3A_276 = arith.constant 0 : i32
      %dma_wait3A_277 = arith.constant 0 : i32
      %dma_wait3A_278 = tpu.memref_slice %arg2[%dma_wait3A_276, %dma_wait3A_277] : memref<10240x64xf32, #tpu.memory_space<hbm>> -> memref<10240x64xf32, #tpu.memory_space<hbm>>
      tpu.wait_indirect_dma semaphore(%arg15 : memref<!tpu.dma_semaphore, #tpu.memory_space<semaphore_mem>>) src(%dma_wait3A_278 : memref<10240x64xf32, #tpu.memory_space<hbm>>) dst(%dma_wait3A_272 : memref<128x64xf32, #tpu.memory_space<vmem>>)
      %dma_start3A_279 = arith.constant 3 : i32
      %dma_start3A_280 = arith.constant 0 : i32
      %dma_start3A_281 = arith.constant 0 : i32
      %dma_start3A_282 = tpu.memref_slice %arg10[%dma_start3A_279, %dma_start3A_280, %dma_start3A_281] : memref<8x128x64xf32, #tpu.memory_space<vmem>> -> memref<1x128x64xf32, #tpu.memory_space<vmem>>
      %dma_start3A_283 = tpu.memref_squeeze %dma_start3A_282 : memref<1x128x64xf32, #tpu.memory_space<vmem>> -> memref<128x64xf32, #tpu.memory_space<vmem>>
      %dma_start3A_284 = arith.constant 0 : i32
      %dma_start3A_285 = tpu.memref_slice %arg9[%add3A_267, %dma_start3A_284] : memref<80x128xi32, #tpu.memory_space<vmem>> -> memref<1x128xi32, #tpu.memory_space<vmem>>
      %dma_start3A_286 = tpu.memref_squeeze %dma_start3A_285 : memref<1x128xi32, #tpu.memory_space<vmem>> -> memref<128xi32, #tpu.memory_space<vmem>>
      %dma_start3A_287 = arith.constant 0 : i32
      %dma_start3A_288 = arith.constant 0 : i32
      %dma_start3A_289 = tpu.memref_slice %arg11[%dma_start3A_287, %dma_start3A_288] : memref<10240x64xf32, #tpu.memory_space<vmem_shared>> -> memref<10240x64xf32, #tpu.memory_space<vmem_shared>>
      tpu.enqueue_indirect_dma source(%dma_start3A_283 : memref<128x64xf32, #tpu.memory_space<vmem>>) target(%dma_start3A_289 : memref<10240x64xf32, #tpu.memory_space<vmem_shared>>) offsets(%dma_start3A_286 : memref<128xi32, #tpu.memory_space<vmem>>) semaphore(%arg23 : memref<!tpu.dma_semaphore, #tpu.memory_space<semaphore_mem>>) {add = true}
      %dma_wait3A_290 = arith.constant 3 : i32
      %dma_wait3A_291 = arith.constant 0 : i32
      %dma_wait3A_292 = arith.constant 0 : i32
      %dma_wait3A_293 = tpu.memref_slice %arg10[%dma_wait3A_290, %dma_wait3A_291, %dma_wait3A_292] : memref<8x128x64xf32, #tpu.memory_space<vmem>> -> memref<1x128x64xf32, #tpu.memory_space<vmem>>
      %dma_wait3A_294 = tpu.memref_squeeze %dma_wait3A_293 : memref<1x128x64xf32, #tpu.memory_space<vmem>> -> memref<128x64xf32, #tpu.memory_space<vmem>>
      %dma_wait3A_295 = arith.constant 0 : i32
      %dma_wait3A_296 = tpu.memref_slice %arg9[%add3A_267, %dma_wait3A_295] : memref<80x128xi32, #tpu.memory_space<vmem>> -> memref<1x128xi32, #tpu.memory_space<vmem>>
      %dma_wait3A_297 = tpu.memref_squeeze %dma_wait3A_296 : memref<1x128xi32, #tpu.memory_space<vmem>> -> memref<128xi32, #tpu.memory_space<vmem>>
      %dma_wait3A_298 = arith.constant 0 : i32
      %dma_wait3A_299 = arith.constant 0 : i32
      %dma_wait3A_300 = tpu.memref_slice %arg11[%dma_wait3A_298, %dma_wait3A_299] : memref<10240x64xf32, #tpu.memory_space<vmem_shared>> -> memref<10240x64xf32, #tpu.memory_space<vmem_shared>>
      tpu.wait_indirect_dma semaphore(%arg23 : memref<!tpu.dma_semaphore, #tpu.memory_space<semaphore_mem>>) src(%dma_wait3A_294 : memref<128x64xf32, #tpu.memory_space<vmem>>) dst(%dma_wait3A_300 : memref<10240x64xf32, #tpu.memory_space<vmem_shared>>)
      %add3A_301 = arith.constant 8 : i32
      %add3A_302 = arith.addi %add3A_267, %add3A_301 : i32
      %lt3A_303 = arith.constant 80 : i32
      %lt3A_304 = arith.cmpi slt, %add3A_302, %lt3A_303 : i32
      %convert_element_type3A_305 = arith.extui %lt3A_304 : i1 to i32
      %cond3A_306 = arith.constant 0 : i32
      %cond3A_307 = arith.cmpi ne, %convert_element_type3A_305, %cond3A_306 : i32
      scf.if %cond3A_307 {
        %dma_start3A_476 = arith.constant 3 : i32
        %dma_start3A_477 = arith.constant 0 : i32
        %dma_start3A_478 = arith.constant 0 : i32
        %dma_start3A_479 = tpu.memref_slice %arg10[%dma_start3A_476, %dma_start3A_477, %dma_start3A_478] : memref<8x128x64xf32, #tpu.memory_space<vmem>> -> memref<1x128x64xf32, #tpu.memory_space<vmem>>
        %dma_start3A_480 = tpu.memref_squeeze %dma_start3A_479 : memref<1x128x64xf32, #tpu.memory_space<vmem>> -> memref<128x64xf32, #tpu.memory_space<vmem>>
        %dma_start3A_481 = arith.constant 0 : i32
        %dma_start3A_482 = tpu.memref_slice %arg8[%add3A_302, %dma_start3A_481] : memref<80x128xi32, #tpu.memory_space<vmem>> -> memref<1x128xi32, #tpu.memory_space<vmem>>
        %dma_start3A_483 = tpu.memref_squeeze %dma_start3A_482 : memref<1x128xi32, #tpu.memory_space<vmem>> -> memref<128xi32, #tpu.memory_space<vmem>>
        %dma_start3A_484 = arith.constant 0 : i32
        %dma_start3A_485 = arith.constant 0 : i32
        %dma_start3A_486 = tpu.memref_slice %arg2[%dma_start3A_484, %dma_start3A_485] : memref<10240x64xf32, #tpu.memory_space<hbm>> -> memref<10240x64xf32, #tpu.memory_space<hbm>>
        tpu.enqueue_indirect_dma source(%dma_start3A_486 : memref<10240x64xf32, #tpu.memory_space<hbm>>) target(%dma_start3A_480 : memref<128x64xf32, #tpu.memory_space<vmem>>) offsets(%dma_start3A_483 : memref<128xi32, #tpu.memory_space<vmem>>) semaphore(%arg15 : memref<!tpu.dma_semaphore, #tpu.memory_space<semaphore_mem>>)
      } else {
      }
      %add3A_308 = arith.constant 4 : i32
      %add3A_309 = arith.addi %mul3A_140, %add3A_308 : i32
      %dma_wait3A_310 = arith.constant 4 : i32
      %dma_wait3A_311 = arith.constant 0 : i32
      %dma_wait3A_312 = arith.constant 0 : i32
      %dma_wait3A_313 = tpu.memref_slice %arg10[%dma_wait3A_310, %dma_wait3A_311, %dma_wait3A_312] : memref<8x128x64xf32, #tpu.memory_space<vmem>> -> memref<1x128x64xf32, #tpu.memory_space<vmem>>
      %dma_wait3A_314 = tpu.memref_squeeze %dma_wait3A_313 : memref<1x128x64xf32, #tpu.memory_space<vmem>> -> memref<128x64xf32, #tpu.memory_space<vmem>>
      %dma_wait3A_315 = arith.constant 0 : i32
      %dma_wait3A_316 = tpu.memref_slice %arg8[%add3A_309, %dma_wait3A_315] : memref<80x128xi32, #tpu.memory_space<vmem>> -> memref<1x128xi32, #tpu.memory_space<vmem>>
      %dma_wait3A_317 = tpu.memref_squeeze %dma_wait3A_316 : memref<1x128xi32, #tpu.memory_space<vmem>> -> memref<128xi32, #tpu.memory_space<vmem>>
      %dma_wait3A_318 = arith.constant 0 : i32
      %dma_wait3A_319 = arith.constant 0 : i32
      %dma_wait3A_320 = tpu.memref_slice %arg2[%dma_wait3A_318, %dma_wait3A_319] : memref<10240x64xf32, #tpu.memory_space<hbm>> -> memref<10240x64xf32, #tpu.memory_space<hbm>>
      tpu.wait_indirect_dma semaphore(%arg16 : memref<!tpu.dma_semaphore, #tpu.memory_space<semaphore_mem>>) src(%dma_wait3A_320 : memref<10240x64xf32, #tpu.memory_space<hbm>>) dst(%dma_wait3A_314 : memref<128x64xf32, #tpu.memory_space<vmem>>)
      %dma_start3A_321 = arith.constant 4 : i32
      %dma_start3A_322 = arith.constant 0 : i32
      %dma_start3A_323 = arith.constant 0 : i32
      %dma_start3A_324 = tpu.memref_slice %arg10[%dma_start3A_321, %dma_start3A_322, %dma_start3A_323] : memref<8x128x64xf32, #tpu.memory_space<vmem>> -> memref<1x128x64xf32, #tpu.memory_space<vmem>>
      %dma_start3A_325 = tpu.memref_squeeze %dma_start3A_324 : memref<1x128x64xf32, #tpu.memory_space<vmem>> -> memref<128x64xf32, #tpu.memory_space<vmem>>
      %dma_start3A_326 = arith.constant 0 : i32
      %dma_start3A_327 = tpu.memref_slice %arg9[%add3A_309, %dma_start3A_326] : memref<80x128xi32, #tpu.memory_space<vmem>> -> memref<1x128xi32, #tpu.memory_space<vmem>>
      %dma_start3A_328 = tpu.memref_squeeze %dma_start3A_327 : memref<1x128xi32, #tpu.memory_space<vmem>> -> memref<128xi32, #tpu.memory_space<vmem>>
      %dma_start3A_329 = arith.constant 0 : i32
      %dma_start3A_330 = arith.constant 0 : i32
      %dma_start3A_331 = tpu.memref_slice %arg11[%dma_start3A_329, %dma_start3A_330] : memref<10240x64xf32, #tpu.memory_space<vmem_shared>> -> memref<10240x64xf32, #tpu.memory_space<vmem_shared>>
      tpu.enqueue_indirect_dma source(%dma_start3A_325 : memref<128x64xf32, #tpu.memory_space<vmem>>) target(%dma_start3A_331 : memref<10240x64xf32, #tpu.memory_space<vmem_shared>>) offsets(%dma_start3A_328 : memref<128xi32, #tpu.memory_space<vmem>>) semaphore(%arg24 : memref<!tpu.dma_semaphore, #tpu.memory_space<semaphore_mem>>) {add = true}
      %dma_wait3A_332 = arith.constant 4 : i32
      %dma_wait3A_333 = arith.constant 0 : i32
      %dma_wait3A_334 = arith.constant 0 : i32
      %dma_wait3A_335 = tpu.memref_slice %arg10[%dma_wait3A_332, %dma_wait3A_333, %dma_wait3A_334] : memref<8x128x64xf32, #tpu.memory_space<vmem>> -> memref<1x128x64xf32, #tpu.memory_space<vmem>>
      %dma_wait3A_336 = tpu.memref_squeeze %dma_wait3A_335 : memref<1x128x64xf32, #tpu.memory_space<vmem>> -> memref<128x64xf32, #tpu.memory_space<vmem>>
      %dma_wait3A_337 = arith.constant 0 : i32
      %dma_wait3A_338 = tpu.memref_slice %arg9[%add3A_309, %dma_wait3A_337] : memref<80x128xi32, #tpu.memory_space<vmem>> -> memref<1x128xi32, #tpu.memory_space<vmem>>
      %dma_wait3A_339 = tpu.memref_squeeze %dma_wait3A_338 : memref<1x128xi32, #tpu.memory_space<vmem>> -> memref<128xi32, #tpu.memory_space<vmem>>
      %dma_wait3A_340 = arith.constant 0 : i32
      %dma_wait3A_341 = arith.constant 0 : i32
      %dma_wait3A_342 = tpu.memref_slice %arg11[%dma_wait3A_340, %dma_wait3A_341] : memref<10240x64xf32, #tpu.memory_space<vmem_shared>> -> memref<10240x64xf32, #tpu.memory_space<vmem_shared>>
      tpu.wait_indirect_dma semaphore(%arg24 : memref<!tpu.dma_semaphore, #tpu.memory_space<semaphore_mem>>) src(%dma_wait3A_336 : memref<128x64xf32, #tpu.memory_space<vmem>>) dst(%dma_wait3A_342 : memref<10240x64xf32, #tpu.memory_space<vmem_shared>>)
      %add3A_343 = arith.constant 8 : i32
      %add3A_344 = arith.addi %add3A_309, %add3A_343 : i32
      %lt3A_345 = arith.constant 80 : i32
      %lt3A_346 = arith.cmpi slt, %add3A_344, %lt3A_345 : i32
      %convert_element_type3A_347 = arith.extui %lt3A_346 : i1 to i32
      %cond3A_348 = arith.constant 0 : i32
      %cond3A_349 = arith.cmpi ne, %convert_element_type3A_347, %cond3A_348 : i32
      scf.if %cond3A_349 {
        %dma_start3A_476 = arith.constant 4 : i32
        %dma_start3A_477 = arith.constant 0 : i32
        %dma_start3A_478 = arith.constant 0 : i32
        %dma_start3A_479 = tpu.memref_slice %arg10[%dma_start3A_476, %dma_start3A_477, %dma_start3A_478] : memref<8x128x64xf32, #tpu.memory_space<vmem>> -> memref<1x128x64xf32, #tpu.memory_space<vmem>>
        %dma_start3A_480 = tpu.memref_squeeze %dma_start3A_479 : memref<1x128x64xf32, #tpu.memory_space<vmem>> -> memref<128x64xf32, #tpu.memory_space<vmem>>
        %dma_start3A_481 = arith.constant 0 : i32
        %dma_start3A_482 = tpu.memref_slice %arg8[%add3A_344, %dma_start3A_481] : memref<80x128xi32, #tpu.memory_space<vmem>> -> memref<1x128xi32, #tpu.memory_space<vmem>>
        %dma_start3A_483 = tpu.memref_squeeze %dma_start3A_482 : memref<1x128xi32, #tpu.memory_space<vmem>> -> memref<128xi32, #tpu.memory_space<vmem>>
        %dma_start3A_484 = arith.constant 0 : i32
        %dma_start3A_485 = arith.constant 0 : i32
        %dma_start3A_486 = tpu.memref_slice %arg2[%dma_start3A_484, %dma_start3A_485] : memref<10240x64xf32, #tpu.memory_space<hbm>> -> memref<10240x64xf32, #tpu.memory_space<hbm>>
        tpu.enqueue_indirect_dma source(%dma_start3A_486 : memref<10240x64xf32, #tpu.memory_space<hbm>>) target(%dma_start3A_480 : memref<128x64xf32, #tpu.memory_space<vmem>>) offsets(%dma_start3A_483 : memref<128xi32, #tpu.memory_space<vmem>>) semaphore(%arg16 : memref<!tpu.dma_semaphore, #tpu.memory_space<semaphore_mem>>)
      } else {
      }
      %add3A_350 = arith.constant 5 : i32
      %add3A_351 = arith.addi %mul3A_140, %add3A_350 : i32
      %dma_wait3A_352 = arith.constant 5 : i32
      %dma_wait3A_353 = arith.constant 0 : i32
      %dma_wait3A_354 = arith.constant 0 : i32
      %dma_wait3A_355 = tpu.memref_slice %arg10[%dma_wait3A_352, %dma_wait3A_353, %dma_wait3A_354] : memref<8x128x64xf32, #tpu.memory_space<vmem>> -> memref<1x128x64xf32, #tpu.memory_space<vmem>>
      %dma_wait3A_356 = tpu.memref_squeeze %dma_wait3A_355 : memref<1x128x64xf32, #tpu.memory_space<vmem>> -> memref<128x64xf32, #tpu.memory_space<vmem>>
      %dma_wait3A_357 = arith.constant 0 : i32
      %dma_wait3A_358 = tpu.memref_slice %arg8[%add3A_351, %dma_wait3A_357] : memref<80x128xi32, #tpu.memory_space<vmem>> -> memref<1x128xi32, #tpu.memory_space<vmem>>
      %dma_wait3A_359 = tpu.memref_squeeze %dma_wait3A_358 : memref<1x128xi32, #tpu.memory_space<vmem>> -> memref<128xi32, #tpu.memory_space<vmem>>
      %dma_wait3A_360 = arith.constant 0 : i32
      %dma_wait3A_361 = arith.constant 0 : i32
      %dma_wait3A_362 = tpu.memref_slice %arg2[%dma_wait3A_360, %dma_wait3A_361] : memref<10240x64xf32, #tpu.memory_space<hbm>> -> memref<10240x64xf32, #tpu.memory_space<hbm>>
      tpu.wait_indirect_dma semaphore(%arg17 : memref<!tpu.dma_semaphore, #tpu.memory_space<semaphore_mem>>) src(%dma_wait3A_362 : memref<10240x64xf32, #tpu.memory_space<hbm>>) dst(%dma_wait3A_356 : memref<128x64xf32, #tpu.memory_space<vmem>>)
      %dma_start3A_363 = arith.constant 5 : i32
      %dma_start3A_364 = arith.constant 0 : i32
      %dma_start3A_365 = arith.constant 0 : i32
      %dma_start3A_366 = tpu.memref_slice %arg10[%dma_start3A_363, %dma_start3A_364, %dma_start3A_365] : memref<8x128x64xf32, #tpu.memory_space<vmem>> -> memref<1x128x64xf32, #tpu.memory_space<vmem>>
      %dma_start3A_367 = tpu.memref_squeeze %dma_start3A_366 : memref<1x128x64xf32, #tpu.memory_space<vmem>> -> memref<128x64xf32, #tpu.memory_space<vmem>>
      %dma_start3A_368 = arith.constant 0 : i32
      %dma_start3A_369 = tpu.memref_slice %arg9[%add3A_351, %dma_start3A_368] : memref<80x128xi32, #tpu.memory_space<vmem>> -> memref<1x128xi32, #tpu.memory_space<vmem>>
      %dma_start3A_370 = tpu.memref_squeeze %dma_start3A_369 : memref<1x128xi32, #tpu.memory_space<vmem>> -> memref<128xi32, #tpu.memory_space<vmem>>
      %dma_start3A_371 = arith.constant 0 : i32
      %dma_start3A_372 = arith.constant 0 : i32
      %dma_start3A_373 = tpu.memref_slice %arg11[%dma_start3A_371, %dma_start3A_372] : memref<10240x64xf32, #tpu.memory_space<vmem_shared>> -> memref<10240x64xf32, #tpu.memory_space<vmem_shared>>
      tpu.enqueue_indirect_dma source(%dma_start3A_367 : memref<128x64xf32, #tpu.memory_space<vmem>>) target(%dma_start3A_373 : memref<10240x64xf32, #tpu.memory_space<vmem_shared>>) offsets(%dma_start3A_370 : memref<128xi32, #tpu.memory_space<vmem>>) semaphore(%arg25 : memref<!tpu.dma_semaphore, #tpu.memory_space<semaphore_mem>>) {add = true}
      %dma_wait3A_374 = arith.constant 5 : i32
      %dma_wait3A_375 = arith.constant 0 : i32
      %dma_wait3A_376 = arith.constant 0 : i32
      %dma_wait3A_377 = tpu.memref_slice %arg10[%dma_wait3A_374, %dma_wait3A_375, %dma_wait3A_376] : memref<8x128x64xf32, #tpu.memory_space<vmem>> -> memref<1x128x64xf32, #tpu.memory_space<vmem>>
      %dma_wait3A_378 = tpu.memref_squeeze %dma_wait3A_377 : memref<1x128x64xf32, #tpu.memory_space<vmem>> -> memref<128x64xf32, #tpu.memory_space<vmem>>
      %dma_wait3A_379 = arith.constant 0 : i32
      %dma_wait3A_380 = tpu.memref_slice %arg9[%add3A_351, %dma_wait3A_379] : memref<80x128xi32, #tpu.memory_space<vmem>> -> memref<1x128xi32, #tpu.memory_space<vmem>>
      %dma_wait3A_381 = tpu.memref_squeeze %dma_wait3A_380 : memref<1x128xi32, #tpu.memory_space<vmem>> -> memref<128xi32, #tpu.memory_space<vmem>>
      %dma_wait3A_382 = arith.constant 0 : i32
      %dma_wait3A_383 = arith.constant 0 : i32
      %dma_wait3A_384 = tpu.memref_slice %arg11[%dma_wait3A_382, %dma_wait3A_383] : memref<10240x64xf32, #tpu.memory_space<vmem_shared>> -> memref<10240x64xf32, #tpu.memory_space<vmem_shared>>
      tpu.wait_indirect_dma semaphore(%arg25 : memref<!tpu.dma_semaphore, #tpu.memory_space<semaphore_mem>>) src(%dma_wait3A_378 : memref<128x64xf32, #tpu.memory_space<vmem>>) dst(%dma_wait3A_384 : memref<10240x64xf32, #tpu.memory_space<vmem_shared>>)
      %add3A_385 = arith.constant 8 : i32
      %add3A_386 = arith.addi %add3A_351, %add3A_385 : i32
      %lt3A_387 = arith.constant 80 : i32
      %lt3A_388 = arith.cmpi slt, %add3A_386, %lt3A_387 : i32
      %convert_element_type3A_389 = arith.extui %lt3A_388 : i1 to i32
      %cond3A_390 = arith.constant 0 : i32
      %cond3A_391 = arith.cmpi ne, %convert_element_type3A_389, %cond3A_390 : i32
      scf.if %cond3A_391 {
        %dma_start3A_476 = arith.constant 5 : i32
        %dma_start3A_477 = arith.constant 0 : i32
        %dma_start3A_478 = arith.constant 0 : i32
        %dma_start3A_479 = tpu.memref_slice %arg10[%dma_start3A_476, %dma_start3A_477, %dma_start3A_478] : memref<8x128x64xf32, #tpu.memory_space<vmem>> -> memref<1x128x64xf32, #tpu.memory_space<vmem>>
        %dma_start3A_480 = tpu.memref_squeeze %dma_start3A_479 : memref<1x128x64xf32, #tpu.memory_space<vmem>> -> memref<128x64xf32, #tpu.memory_space<vmem>>
        %dma_start3A_481 = arith.constant 0 : i32
        %dma_start3A_482 = tpu.memref_slice %arg8[%add3A_386, %dma_start3A_481] : memref<80x128xi32, #tpu.memory_space<vmem>> -> memref<1x128xi32, #tpu.memory_space<vmem>>
        %dma_start3A_483 = tpu.memref_squeeze %dma_start3A_482 : memref<1x128xi32, #tpu.memory_space<vmem>> -> memref<128xi32, #tpu.memory_space<vmem>>
        %dma_start3A_484 = arith.constant 0 : i32
        %dma_start3A_485 = arith.constant 0 : i32
        %dma_start3A_486 = tpu.memref_slice %arg2[%dma_start3A_484, %dma_start3A_485] : memref<10240x64xf32, #tpu.memory_space<hbm>> -> memref<10240x64xf32, #tpu.memory_space<hbm>>
        tpu.enqueue_indirect_dma source(%dma_start3A_486 : memref<10240x64xf32, #tpu.memory_space<hbm>>) target(%dma_start3A_480 : memref<128x64xf32, #tpu.memory_space<vmem>>) offsets(%dma_start3A_483 : memref<128xi32, #tpu.memory_space<vmem>>) semaphore(%arg17 : memref<!tpu.dma_semaphore, #tpu.memory_space<semaphore_mem>>)
      } else {
      }
      %add3A_392 = arith.constant 6 : i32
      %add3A_393 = arith.addi %mul3A_140, %add3A_392 : i32
      %dma_wait3A_394 = arith.constant 6 : i32
      %dma_wait3A_395 = arith.constant 0 : i32
      %dma_wait3A_396 = arith.constant 0 : i32
      %dma_wait3A_397 = tpu.memref_slice %arg10[%dma_wait3A_394, %dma_wait3A_395, %dma_wait3A_396] : memref<8x128x64xf32, #tpu.memory_space<vmem>> -> memref<1x128x64xf32, #tpu.memory_space<vmem>>
      %dma_wait3A_398 = tpu.memref_squeeze %dma_wait3A_397 : memref<1x128x64xf32, #tpu.memory_space<vmem>> -> memref<128x64xf32, #tpu.memory_space<vmem>>
      %dma_wait3A_399 = arith.constant 0 : i32
      %dma_wait3A_400 = tpu.memref_slice %arg8[%add3A_393, %dma_wait3A_399] : memref<80x128xi32, #tpu.memory_space<vmem>> -> memref<1x128xi32, #tpu.memory_space<vmem>>
      %dma_wait3A_401 = tpu.memref_squeeze %dma_wait3A_400 : memref<1x128xi32, #tpu.memory_space<vmem>> -> memref<128xi32, #tpu.memory_space<vmem>>
      %dma_wait3A_402 = arith.constant 0 : i32
      %dma_wait3A_403 = arith.constant 0 : i32
      %dma_wait3A_404 = tpu.memref_slice %arg2[%dma_wait3A_402, %dma_wait3A_403] : memref<10240x64xf32, #tpu.memory_space<hbm>> -> memref<10240x64xf32, #tpu.memory_space<hbm>>
      tpu.wait_indirect_dma semaphore(%arg18 : memref<!tpu.dma_semaphore, #tpu.memory_space<semaphore_mem>>) src(%dma_wait3A_404 : memref<10240x64xf32, #tpu.memory_space<hbm>>) dst(%dma_wait3A_398 : memref<128x64xf32, #tpu.memory_space<vmem>>)
      %dma_start3A_405 = arith.constant 6 : i32
      %dma_start3A_406 = arith.constant 0 : i32
      %dma_start3A_407 = arith.constant 0 : i32
      %dma_start3A_408 = tpu.memref_slice %arg10[%dma_start3A_405, %dma_start3A_406, %dma_start3A_407] : memref<8x128x64xf32, #tpu.memory_space<vmem>> -> memref<1x128x64xf32, #tpu.memory_space<vmem>>
      %dma_start3A_409 = tpu.memref_squeeze %dma_start3A_408 : memref<1x128x64xf32, #tpu.memory_space<vmem>> -> memref<128x64xf32, #tpu.memory_space<vmem>>
      %dma_start3A_410 = arith.constant 0 : i32
      %dma_start3A_411 = tpu.memref_slice %arg9[%add3A_393, %dma_start3A_410] : memref<80x128xi32, #tpu.memory_space<vmem>> -> memref<1x128xi32, #tpu.memory_space<vmem>>
      %dma_start3A_412 = tpu.memref_squeeze %dma_start3A_411 : memref<1x128xi32, #tpu.memory_space<vmem>> -> memref<128xi32, #tpu.memory_space<vmem>>
      %dma_start3A_413 = arith.constant 0 : i32
      %dma_start3A_414 = arith.constant 0 : i32
      %dma_start3A_415 = tpu.memref_slice %arg11[%dma_start3A_413, %dma_start3A_414] : memref<10240x64xf32, #tpu.memory_space<vmem_shared>> -> memref<10240x64xf32, #tpu.memory_space<vmem_shared>>
      tpu.enqueue_indirect_dma source(%dma_start3A_409 : memref<128x64xf32, #tpu.memory_space<vmem>>) target(%dma_start3A_415 : memref<10240x64xf32, #tpu.memory_space<vmem_shared>>) offsets(%dma_start3A_412 : memref<128xi32, #tpu.memory_space<vmem>>) semaphore(%arg26 : memref<!tpu.dma_semaphore, #tpu.memory_space<semaphore_mem>>) {add = true}
      %dma_wait3A_416 = arith.constant 6 : i32
      %dma_wait3A_417 = arith.constant 0 : i32
      %dma_wait3A_418 = arith.constant 0 : i32
      %dma_wait3A_419 = tpu.memref_slice %arg10[%dma_wait3A_416, %dma_wait3A_417, %dma_wait3A_418] : memref<8x128x64xf32, #tpu.memory_space<vmem>> -> memref<1x128x64xf32, #tpu.memory_space<vmem>>
      %dma_wait3A_420 = tpu.memref_squeeze %dma_wait3A_419 : memref<1x128x64xf32, #tpu.memory_space<vmem>> -> memref<128x64xf32, #tpu.memory_space<vmem>>
      %dma_wait3A_421 = arith.constant 0 : i32
      %dma_wait3A_422 = tpu.memref_slice %arg9[%add3A_393, %dma_wait3A_421] : memref<80x128xi32, #tpu.memory_space<vmem>> -> memref<1x128xi32, #tpu.memory_space<vmem>>
      %dma_wait3A_423 = tpu.memref_squeeze %dma_wait3A_422 : memref<1x128xi32, #tpu.memory_space<vmem>> -> memref<128xi32, #tpu.memory_space<vmem>>
      %dma_wait3A_424 = arith.constant 0 : i32
      %dma_wait3A_425 = arith.constant 0 : i32
      %dma_wait3A_426 = tpu.memref_slice %arg11[%dma_wait3A_424, %dma_wait3A_425] : memref<10240x64xf32, #tpu.memory_space<vmem_shared>> -> memref<10240x64xf32, #tpu.memory_space<vmem_shared>>
      tpu.wait_indirect_dma semaphore(%arg26 : memref<!tpu.dma_semaphore, #tpu.memory_space<semaphore_mem>>) src(%dma_wait3A_420 : memref<128x64xf32, #tpu.memory_space<vmem>>) dst(%dma_wait3A_426 : memref<10240x64xf32, #tpu.memory_space<vmem_shared>>)
      %add3A_427 = arith.constant 8 : i32
      %add3A_428 = arith.addi %add3A_393, %add3A_427 : i32
      %lt3A_429 = arith.constant 80 : i32
      %lt3A_430 = arith.cmpi slt, %add3A_428, %lt3A_429 : i32
      %convert_element_type3A_431 = arith.extui %lt3A_430 : i1 to i32
      %cond3A_432 = arith.constant 0 : i32
      %cond3A_433 = arith.cmpi ne, %convert_element_type3A_431, %cond3A_432 : i32
      scf.if %cond3A_433 {
        %dma_start3A_476 = arith.constant 6 : i32
        %dma_start3A_477 = arith.constant 0 : i32
        %dma_start3A_478 = arith.constant 0 : i32
        %dma_start3A_479 = tpu.memref_slice %arg10[%dma_start3A_476, %dma_start3A_477, %dma_start3A_478] : memref<8x128x64xf32, #tpu.memory_space<vmem>> -> memref<1x128x64xf32, #tpu.memory_space<vmem>>
        %dma_start3A_480 = tpu.memref_squeeze %dma_start3A_479 : memref<1x128x64xf32, #tpu.memory_space<vmem>> -> memref<128x64xf32, #tpu.memory_space<vmem>>
        %dma_start3A_481 = arith.constant 0 : i32
        %dma_start3A_482 = tpu.memref_slice %arg8[%add3A_428, %dma_start3A_481] : memref<80x128xi32, #tpu.memory_space<vmem>> -> memref<1x128xi32, #tpu.memory_space<vmem>>
        %dma_start3A_483 = tpu.memref_squeeze %dma_start3A_482 : memref<1x128xi32, #tpu.memory_space<vmem>> -> memref<128xi32, #tpu.memory_space<vmem>>
        %dma_start3A_484 = arith.constant 0 : i32
        %dma_start3A_485 = arith.constant 0 : i32
        %dma_start3A_486 = tpu.memref_slice %arg2[%dma_start3A_484, %dma_start3A_485] : memref<10240x64xf32, #tpu.memory_space<hbm>> -> memref<10240x64xf32, #tpu.memory_space<hbm>>
        tpu.enqueue_indirect_dma source(%dma_start3A_486 : memref<10240x64xf32, #tpu.memory_space<hbm>>) target(%dma_start3A_480 : memref<128x64xf32, #tpu.memory_space<vmem>>) offsets(%dma_start3A_483 : memref<128xi32, #tpu.memory_space<vmem>>) semaphore(%arg18 : memref<!tpu.dma_semaphore, #tpu.memory_space<semaphore_mem>>)
      } else {
      }
      %add3A_434 = arith.constant 7 : i32
      %add3A_435 = arith.addi %mul3A_140, %add3A_434 : i32
      %dma_wait3A_436 = arith.constant 7 : i32
      %dma_wait3A_437 = arith.constant 0 : i32
      %dma_wait3A_438 = arith.constant 0 : i32
      %dma_wait3A_439 = tpu.memref_slice %arg10[%dma_wait3A_436, %dma_wait3A_437, %dma_wait3A_438] : memref<8x128x64xf32, #tpu.memory_space<vmem>> -> memref<1x128x64xf32, #tpu.memory_space<vmem>>
      %dma_wait3A_440 = tpu.memref_squeeze %dma_wait3A_439 : memref<1x128x64xf32, #tpu.memory_space<vmem>> -> memref<128x64xf32, #tpu.memory_space<vmem>>
      %dma_wait3A_441 = arith.constant 0 : i32
      %dma_wait3A_442 = tpu.memref_slice %arg8[%add3A_435, %dma_wait3A_441] : memref<80x128xi32, #tpu.memory_space<vmem>> -> memref<1x128xi32, #tpu.memory_space<vmem>>
      %dma_wait3A_443 = tpu.memref_squeeze %dma_wait3A_442 : memref<1x128xi32, #tpu.memory_space<vmem>> -> memref<128xi32, #tpu.memory_space<vmem>>
      %dma_wait3A_444 = arith.constant 0 : i32
      %dma_wait3A_445 = arith.constant 0 : i32
      %dma_wait3A_446 = tpu.memref_slice %arg2[%dma_wait3A_444, %dma_wait3A_445] : memref<10240x64xf32, #tpu.memory_space<hbm>> -> memref<10240x64xf32, #tpu.memory_space<hbm>>
      tpu.wait_indirect_dma semaphore(%arg19 : memref<!tpu.dma_semaphore, #tpu.memory_space<semaphore_mem>>) src(%dma_wait3A_446 : memref<10240x64xf32, #tpu.memory_space<hbm>>) dst(%dma_wait3A_440 : memref<128x64xf32, #tpu.memory_space<vmem>>)
      %dma_start3A_447 = arith.constant 7 : i32
      %dma_start3A_448 = arith.constant 0 : i32
      %dma_start3A_449 = arith.constant 0 : i32
      %dma_start3A_450 = tpu.memref_slice %arg10[%dma_start3A_447, %dma_start3A_448, %dma_start3A_449] : memref<8x128x64xf32, #tpu.memory_space<vmem>> -> memref<1x128x64xf32, #tpu.memory_space<vmem>>
      %dma_start3A_451 = tpu.memref_squeeze %dma_start3A_450 : memref<1x128x64xf32, #tpu.memory_space<vmem>> -> memref<128x64xf32, #tpu.memory_space<vmem>>
      %dma_start3A_452 = arith.constant 0 : i32
      %dma_start3A_453 = tpu.memref_slice %arg9[%add3A_435, %dma_start3A_452] : memref<80x128xi32, #tpu.memory_space<vmem>> -> memref<1x128xi32, #tpu.memory_space<vmem>>
      %dma_start3A_454 = tpu.memref_squeeze %dma_start3A_453 : memref<1x128xi32, #tpu.memory_space<vmem>> -> memref<128xi32, #tpu.memory_space<vmem>>
      %dma_start3A_455 = arith.constant 0 : i32
      %dma_start3A_456 = arith.constant 0 : i32
      %dma_start3A_457 = tpu.memref_slice %arg11[%dma_start3A_455, %dma_start3A_456] : memref<10240x64xf32, #tpu.memory_space<vmem_shared>> -> memref<10240x64xf32, #tpu.memory_space<vmem_shared>>
      tpu.enqueue_indirect_dma source(%dma_start3A_451 : memref<128x64xf32, #tpu.memory_space<vmem>>) target(%dma_start3A_457 : memref<10240x64xf32, #tpu.memory_space<vmem_shared>>) offsets(%dma_start3A_454 : memref<128xi32, #tpu.memory_space<vmem>>) semaphore(%arg27 : memref<!tpu.dma_semaphore, #tpu.memory_space<semaphore_mem>>) {add = true}
      %dma_wait3A_458 = arith.constant 7 : i32
      %dma_wait3A_459 = arith.constant 0 : i32
      %dma_wait3A_460 = arith.constant 0 : i32
      %dma_wait3A_461 = tpu.memref_slice %arg10[%dma_wait3A_458, %dma_wait3A_459, %dma_wait3A_460] : memref<8x128x64xf32, #tpu.memory_space<vmem>> -> memref<1x128x64xf32, #tpu.memory_space<vmem>>
      %dma_wait3A_462 = tpu.memref_squeeze %dma_wait3A_461 : memref<1x128x64xf32, #tpu.memory_space<vmem>> -> memref<128x64xf32, #tpu.memory_space<vmem>>
      %dma_wait3A_463 = arith.constant 0 : i32
      %dma_wait3A_464 = tpu.memref_slice %arg9[%add3A_435, %dma_wait3A_463] : memref<80x128xi32, #tpu.memory_space<vmem>> -> memref<1x128xi32, #tpu.memory_space<vmem>>
      %dma_wait3A_465 = tpu.memref_squeeze %dma_wait3A_464 : memref<1x128xi32, #tpu.memory_space<vmem>> -> memref<128xi32, #tpu.memory_space<vmem>>
      %dma_wait3A_466 = arith.constant 0 : i32
      %dma_wait3A_467 = arith.constant 0 : i32
      %dma_wait3A_468 = tpu.memref_slice %arg11[%dma_wait3A_466, %dma_wait3A_467] : memref<10240x64xf32, #tpu.memory_space<vmem_shared>> -> memref<10240x64xf32, #tpu.memory_space<vmem_shared>>
      tpu.wait_indirect_dma semaphore(%arg27 : memref<!tpu.dma_semaphore, #tpu.memory_space<semaphore_mem>>) src(%dma_wait3A_462 : memref<128x64xf32, #tpu.memory_space<vmem>>) dst(%dma_wait3A_468 : memref<10240x64xf32, #tpu.memory_space<vmem_shared>>)
      %add3A_469 = arith.constant 8 : i32
      %add3A_470 = arith.addi %add3A_435, %add3A_469 : i32
      %lt3A_471 = arith.constant 80 : i32
      %lt3A_472 = arith.cmpi slt, %add3A_470, %lt3A_471 : i32
      %convert_element_type3A_473 = arith.extui %lt3A_472 : i1 to i32
      %cond3A_474 = arith.constant 0 : i32
      %cond3A_475 = arith.cmpi ne, %convert_element_type3A_473, %cond3A_474 : i32
      scf.if %cond3A_475 {
        %dma_start3A_476 = arith.constant 7 : i32
        %dma_start3A_477 = arith.constant 0 : i32
        %dma_start3A_478 = arith.constant 0 : i32
        %dma_start3A_479 = tpu.memref_slice %arg10[%dma_start3A_476, %dma_start3A_477, %dma_start3A_478] : memref<8x128x64xf32, #tpu.memory_space<vmem>> -> memref<1x128x64xf32, #tpu.memory_space<vmem>>
        %dma_start3A_480 = tpu.memref_squeeze %dma_start3A_479 : memref<1x128x64xf32, #tpu.memory_space<vmem>> -> memref<128x64xf32, #tpu.memory_space<vmem>>
        %dma_start3A_481 = arith.constant 0 : i32
        %dma_start3A_482 = tpu.memref_slice %arg8[%add3A_470, %dma_start3A_481] : memref<80x128xi32, #tpu.memory_space<vmem>> -> memref<1x128xi32, #tpu.memory_space<vmem>>
        %dma_start3A_483 = tpu.memref_squeeze %dma_start3A_482 : memref<1x128xi32, #tpu.memory_space<vmem>> -> memref<128xi32, #tpu.memory_space<vmem>>
        %dma_start3A_484 = arith.constant 0 : i32
        %dma_start3A_485 = arith.constant 0 : i32
        %dma_start3A_486 = tpu.memref_slice %arg2[%dma_start3A_484, %dma_start3A_485] : memref<10240x64xf32, #tpu.memory_space<hbm>> -> memref<10240x64xf32, #tpu.memory_space<hbm>>
        tpu.enqueue_indirect_dma source(%dma_start3A_486 : memref<10240x64xf32, #tpu.memory_space<hbm>>) target(%dma_start3A_480 : memref<128x64xf32, #tpu.memory_space<vmem>>) offsets(%dma_start3A_483 : memref<128xi32, #tpu.memory_space<vmem>>) semaphore(%arg19 : memref<!tpu.dma_semaphore, #tpu.memory_space<semaphore_mem>>)
      } else {
      }
    }
    %scan3A_129 = arith.constant 10 : i32
    %barrier3A_130 = arith.constant 0 : index
    tpu.barrier barrier_id(%barrier3A_130)
    %eq3A = arith.constant 0 : i32
    %eq3A_131 = arith.cmpi eq, %arg0, %eq3A : i32
    %convert_element_type3A = arith.extui %eq3A_131 : i1 to i32
    %cond3A = arith.constant 0 : i32
    %cond3A_132 = arith.cmpi ne, %convert_element_type3A, %cond3A : i32
    scf.if %cond3A_132 {
      "tpu.region"() ({
        %run_scoped3A = tpu.sem_alloc : memref<!tpu.dma_semaphore, #tpu.memory_space<semaphore_mem>>
        %dma_start3A_138 = arith.constant 0 : i32
        %dma_start3A_139 = tpu.memref_slice %arg6[%mul3A_2, %dma_start3A_138] : memref<10240x64xf32, #tpu.memory_space<hbm>> -> memref<640x64xf32, #tpu.memory_space<hbm>>
        %dma_start3A_140 = arith.constant 0 : i32
        %dma_start3A_141 = tpu.memref_slice %arg11[%mul3A_2, %dma_start3A_140] : memref<10240x64xf32, #tpu.memory_space<vmem_shared>> -> memref<640x64xf32, #tpu.memory_space<vmem_shared>>
        tpu.enqueue_dma source(%dma_start3A_141 : memref<640x64xf32, #tpu.memory_space<vmem_shared>>) target(%dma_start3A_139 : memref<640x64xf32, #tpu.memory_space<hbm>>) target_semaphore(%run_scoped3A : memref<!tpu.dma_semaphore, #tpu.memory_space<semaphore_mem>>)
        %dma_wait3A_142 = arith.constant 0 : i32
        %dma_wait3A_143 = tpu.memref_slice %arg6[%mul3A_2, %dma_wait3A_142] : memref<10240x64xf32, #tpu.memory_space<hbm>> -> memref<640x64xf32, #tpu.memory_space<hbm>>
        %dma_wait3A_144 = arith.constant 0 : i32
        %dma_wait3A_145 = tpu.memref_slice %arg11[%mul3A_2, %dma_wait3A_144] : memref<10240x64xf32, #tpu.memory_space<vmem_shared>> -> memref<640x64xf32, #tpu.memory_space<vmem_shared>>
        tpu.wait_dma2 semaphore(%run_scoped3A : memref<!tpu.dma_semaphore, #tpu.memory_space<semaphore_mem>>) src(%dma_wait3A_145 : memref<640x64xf32, #tpu.memory_space<vmem_shared>>) dst(%dma_wait3A_143 : memref<640x64xf32, #tpu.memory_space<hbm>>)
        tpu.yield
      }) : () -> ()
    } else {
    }
    %eq3A_133 = arith.constant 1 : i32
    %eq3A_134 = arith.cmpi eq, %arg0, %eq3A_133 : i32
    %convert_element_type3A_135 = arith.extui %eq3A_134 : i1 to i32
    %cond3A_136 = arith.constant 0 : i32
    %cond3A_137 = arith.cmpi ne, %convert_element_type3A_135, %cond3A_136 : i32
    scf.if %cond3A_137 {
      "tpu.region"() ({
        %run_scoped3A = tpu.sem_alloc : memref<!tpu.dma_semaphore, #tpu.memory_space<semaphore_mem>>
        %dma_start3A_138 = arith.constant 0 : i32
        %dma_start3A_139 = tpu.memref_slice %arg7[%mul3A_2, %dma_start3A_138] : memref<10240x64xf32, #tpu.memory_space<hbm>> -> memref<640x64xf32, #tpu.memory_space<hbm>>
        %dma_start3A_140 = arith.constant 0 : i32
        %dma_start3A_141 = tpu.memref_slice %arg11[%mul3A_2, %dma_start3A_140] : memref<10240x64xf32, #tpu.memory_space<vmem_shared>> -> memref<640x64xf32, #tpu.memory_space<vmem_shared>>
        tpu.enqueue_dma source(%dma_start3A_141 : memref<640x64xf32, #tpu.memory_space<vmem_shared>>) target(%dma_start3A_139 : memref<640x64xf32, #tpu.memory_space<hbm>>) target_semaphore(%run_scoped3A : memref<!tpu.dma_semaphore, #tpu.memory_space<semaphore_mem>>)
        %dma_wait3A_142 = arith.constant 0 : i32
        %dma_wait3A_143 = tpu.memref_slice %arg7[%mul3A_2, %dma_wait3A_142] : memref<10240x64xf32, #tpu.memory_space<hbm>> -> memref<640x64xf32, #tpu.memory_space<hbm>>
        %dma_wait3A_144 = arith.constant 0 : i32
        %dma_wait3A_145 = tpu.memref_slice %arg11[%mul3A_2, %dma_wait3A_144] : memref<10240x64xf32, #tpu.memory_space<vmem_shared>> -> memref<640x64xf32, #tpu.memory_space<vmem_shared>>
        tpu.wait_dma2 semaphore(%run_scoped3A : memref<!tpu.dma_semaphore, #tpu.memory_space<semaphore_mem>>) src(%dma_wait3A_145 : memref<640x64xf32, #tpu.memory_space<vmem_shared>>) dst(%dma_wait3A_143 : memref<640x64xf32, #tpu.memory_space<hbm>>)
        tpu.yield
      }) : () -> ()
    } else {
    }
    return
  }
}

#map = affine_map<(d0, d1) -> (0, 0)>
module attributes {stable_mosaic.version = 14 : i64} {
  func.func @_sc_agg_body(%arg0: i32, %arg1: i32, %arg2: memref<10240x64xf32, #tpu.memory_space<hbm>>, %arg3: memref<2560x128xi32, #tpu.memory_space<hbm>>, %arg4: memref<2560x128xi32, #tpu.memory_space<hbm>>, %arg5: memref<10240x64xf32, #tpu.memory_space<hbm>>, %arg6: memref<10240x64xf32, #tpu.memory_space<hbm>>, %arg7: memref<10240x64xf32, #tpu.memory_space<hbm>>, %arg8: memref<80x128xi32, #tpu.memory_space<vmem>>, %arg9: memref<80x128xi32, #tpu.memory_space<vmem>>, %arg10: memref<8x128x64xf32, #tpu.memory_space<vmem>>, %arg11: memref<10240x64xf32, #tpu.memory_space<vmem_shared>>, %arg12: memref<!tpu.dma_semaphore, #tpu.memory_space<semaphore_mem>>, %arg13: memref<!tpu.dma_semaphore, #tpu.memory_space<semaphore_mem>>, %arg14: memref<!tpu.dma_semaphore, #tpu.memory_space<semaphore_mem>>, %arg15: memref<!tpu.dma_semaphore, #tpu.memory_space<semaphore_mem>>, %arg16: memref<!tpu.dma_semaphore, #tpu.memory_space<semaphore_mem>>, %arg17: memref<!tpu.dma_semaphore, #tpu.memory_space<semaphore_mem>>, %arg18: memref<!tpu.dma_semaphore, #tpu.memory_space<semaphore_mem>>, %arg19: memref<!tpu.dma_semaphore, #tpu.memory_space<semaphore_mem>>, %arg20: memref<!tpu.dma_semaphore, #tpu.memory_space<semaphore_mem>>, %arg21: memref<!tpu.dma_semaphore, #tpu.memory_space<semaphore_mem>>, %arg22: memref<!tpu.dma_semaphore, #tpu.memory_space<semaphore_mem>>, %arg23: memref<!tpu.dma_semaphore, #tpu.memory_space<semaphore_mem>>, %arg24: memref<!tpu.dma_semaphore, #tpu.memory_space<semaphore_mem>>, %arg25: memref<!tpu.dma_semaphore, #tpu.memory_space<semaphore_mem>>, %arg26: memref<!tpu.dma_semaphore, #tpu.memory_space<semaphore_mem>>, %arg27: memref<!tpu.dma_semaphore, #tpu.memory_space<semaphore_mem>>) attributes {dimension_semantics = [#tpu.dimension_semantics<core_parallel>, #tpu.dimension_semantics<subcore_parallel>], iteration_bounds = array<i64: 2, 16>, scalar_prefetch = 0 : i64, scratch_operands = 20 : i64, tpu.core_type = #tpu.core_type<sc_vector_subcore>, window_params = [{transform_indices = #map}, {transform_indices = #map}, {transform_indices = #map}, {transform_indices = #map}, {transform_indices = #map}, {transform_indices = #map}]} {
    %mul3A = arith.constant 2 : i32
    %mul3A_0 = arith.muli %arg1, %mul3A : i32
    %add3A = arith.addi %mul3A_0, %arg0 : i32
    %mul3A_1 = arith.constant 640 : i32
    %mul3A_2 = arith.muli %arg1, %mul3A_1 : i32
    %dma_start3A = arith.constant 0 : i32
    %dma_start3A_3 = tpu.memref_slice %arg11[%mul3A_2, %dma_start3A] : memref<10240x64xf32, #tpu.memory_space<vmem_shared>> -> memref<640x64xf32, #tpu.memory_space<vmem_shared>>
    %dma_start3A_4 = arith.constant 0 : i32
    %dma_start3A_5 = tpu.memref_slice %arg5[%mul3A_2, %dma_start3A_4] : memref<10240x64xf32, #tpu.memory_space<hbm>> -> memref<640x64xf32, #tpu.memory_space<hbm>>
    tpu.enqueue_dma source(%dma_start3A_5 : memref<640x64xf32, #tpu.memory_space<hbm>>) target(%dma_start3A_3 : memref<640x64xf32, #tpu.memory_space<vmem_shared>>) target_semaphore(%arg12 : memref<!tpu.dma_semaphore, #tpu.memory_space<semaphore_mem>>)
    %mul3A_6 = arith.constant 80 : i32
    %mul3A_7 = arith.muli %add3A, %mul3A_6 : i32
    %dma_start3A_8 = arith.constant 0 : i32
    %dma_start3A_9 = tpu.memref_slice %arg3[%mul3A_7, %dma_start3A_8] : memref<2560x128xi32, #tpu.memory_space<hbm>> -> memref<80x128xi32, #tpu.memory_space<hbm>>
    %dma_start3A_10 = arith.constant 0 : i32
    %dma_start3A_11 = tpu.memref_slice %arg3[%mul3A_7, %dma_start3A_10] : memref<2560x128xi32, #tpu.memory_space<hbm>> -> memref<80x128xi32, #tpu.memory_space<hbm>>
    tpu.enqueue_dma source(%dma_start3A_11 : memref<80x128xi32, #tpu.memory_space<hbm>>) target(%arg8 : memref<80x128xi32, #tpu.memory_space<vmem>>) target_semaphore(%arg20 : memref<!tpu.dma_semaphore, #tpu.memory_space<semaphore_mem>>)
    %mul3A_12 = arith.constant 80 : i32
    %mul3A_13 = arith.muli %add3A, %mul3A_12 : i32
    %dma_start3A_14 = arith.constant 0 : i32
    %dma_start3A_15 = tpu.memref_slice %arg4[%mul3A_13, %dma_start3A_14] : memref<2560x128xi32, #tpu.memory_space<hbm>> -> memref<80x128xi32, #tpu.memory_space<hbm>>
    %dma_start3A_16 = arith.constant 0 : i32
    %dma_start3A_17 = tpu.memref_slice %arg4[%mul3A_13, %dma_start3A_16] : memref<2560x128xi32, #tpu.memory_space<hbm>> -> memref<80x128xi32, #tpu.memory_space<hbm>>
    tpu.enqueue_dma source(%dma_start3A_17 : memref<80x128xi32, #tpu.memory_space<hbm>>) target(%arg9 : memref<80x128xi32, #tpu.memory_space<vmem>>) target_semaphore(%arg21 : memref<!tpu.dma_semaphore, #tpu.memory_space<semaphore_mem>>)
    %dma_wait3A = arith.constant 0 : i32
    %dma_wait3A_18 = tpu.memref_slice %arg11[%mul3A_2, %dma_wait3A] : memref<10240x64xf32, #tpu.memory_space<vmem_shared>> -> memref<640x64xf32, #tpu.memory_space<vmem_shared>>
    %dma_wait3A_19 = arith.constant 0 : i32
    %dma_wait3A_20 = tpu.memref_slice %arg5[%mul3A_2, %dma_wait3A_19] : memref<10240x64xf32, #tpu.memory_space<hbm>> -> memref<640x64xf32, #tpu.memory_space<hbm>>
    tpu.wait_dma2 semaphore(%arg12 : memref<!tpu.dma_semaphore, #tpu.memory_space<semaphore_mem>>) src(%dma_wait3A_20 : memref<640x64xf32, #tpu.memory_space<hbm>>) dst(%dma_wait3A_18 : memref<640x64xf32, #tpu.memory_space<vmem_shared>>)
    %dma_wait3A_21 = arith.constant 0 : i32
    %dma_wait3A_22 = tpu.memref_slice %arg3[%mul3A_7, %dma_wait3A_21] : memref<2560x128xi32, #tpu.memory_space<hbm>> -> memref<80x128xi32, #tpu.memory_space<hbm>>
    %dma_wait3A_23 = arith.constant 0 : i32
    %dma_wait3A_24 = tpu.memref_slice %arg3[%mul3A_7, %dma_wait3A_23] : memref<2560x128xi32, #tpu.memory_space<hbm>> -> memref<80x128xi32, #tpu.memory_space<hbm>>
    tpu.wait_dma2 semaphore(%arg20 : memref<!tpu.dma_semaphore, #tpu.memory_space<semaphore_mem>>) src(%dma_wait3A_24 : memref<80x128xi32, #tpu.memory_space<hbm>>) dst(%arg8 : memref<80x128xi32, #tpu.memory_space<vmem>>)
    %dma_wait3A_25 = arith.constant 0 : i32
    %dma_wait3A_26 = tpu.memref_slice %arg4[%mul3A_13, %dma_wait3A_25] : memref<2560x128xi32, #tpu.memory_space<hbm>> -> memref<80x128xi32, #tpu.memory_space<hbm>>
    %dma_wait3A_27 = arith.constant 0 : i32
    %dma_wait3A_28 = tpu.memref_slice %arg4[%mul3A_13, %dma_wait3A_27] : memref<2560x128xi32, #tpu.memory_space<hbm>> -> memref<80x128xi32, #tpu.memory_space<hbm>>
    tpu.wait_dma2 semaphore(%arg21 : memref<!tpu.dma_semaphore, #tpu.memory_space<semaphore_mem>>) src(%dma_wait3A_28 : memref<80x128xi32, #tpu.memory_space<hbm>>) dst(%arg9 : memref<80x128xi32, #tpu.memory_space<vmem>>)
    %barrier3A = arith.constant 0 : index
    tpu.barrier barrier_id(%barrier3A)
    %dma_start3A_29 = arith.constant 0 : i32
    %dma_start3A_30 = arith.constant 0 : i32
    %dma_start3A_31 = arith.constant 0 : i32
    %dma_start3A_32 = arith.constant 0 : i32
    %dma_start3A_33 = tpu.memref_slice %arg10[%dma_start3A_30, %dma_start3A_31, %dma_start3A_32] : memref<8x128x64xf32, #tpu.memory_space<vmem>> -> memref<1x128x64xf32, #tpu.memory_space<vmem>>
    %dma_start3A_34 = tpu.memref_squeeze %dma_start3A_33 : memref<1x128x64xf32, #tpu.memory_space<vmem>> -> memref<128x64xf32, #tpu.memory_space<vmem>>
    %dma_start3A_35 = arith.constant 0 : i32
    %dma_start3A_36 = tpu.memref_slice %arg8[%dma_start3A_29, %dma_start3A_35] : memref<80x128xi32, #tpu.memory_space<vmem>> -> memref<1x128xi32, #tpu.memory_space<vmem>>
    %dma_start3A_37 = tpu.memref_squeeze %dma_start3A_36 : memref<1x128xi32, #tpu.memory_space<vmem>> -> memref<128xi32, #tpu.memory_space<vmem>>
    %dma_start3A_38 = arith.constant 0 : i32
    %dma_start3A_39 = arith.constant 0 : i32
    %dma_start3A_40 = tpu.memref_slice %arg2[%dma_start3A_38, %dma_start3A_39] : memref<10240x64xf32, #tpu.memory_space<hbm>> -> memref<10240x64xf32, #tpu.memory_space<hbm>>
    tpu.enqueue_indirect_dma source(%dma_start3A_40 : memref<10240x64xf32, #tpu.memory_space<hbm>>) target(%dma_start3A_34 : memref<128x64xf32, #tpu.memory_space<vmem>>) offsets(%dma_start3A_37 : memref<128xi32, #tpu.memory_space<vmem>>) semaphore(%arg12 : memref<!tpu.dma_semaphore, #tpu.memory_space<semaphore_mem>>)
    %dma_start3A_41 = arith.constant 1 : i32
    %dma_start3A_42 = arith.constant 1 : i32
    %dma_start3A_43 = arith.constant 0 : i32
    %dma_start3A_44 = arith.constant 0 : i32
    %dma_start3A_45 = tpu.memref_slice %arg10[%dma_start3A_42, %dma_start3A_43, %dma_start3A_44] : memref<8x128x64xf32, #tpu.memory_space<vmem>> -> memref<1x128x64xf32, #tpu.memory_space<vmem>>
    %dma_start3A_46 = tpu.memref_squeeze %dma_start3A_45 : memref<1x128x64xf32, #tpu.memory_space<vmem>> -> memref<128x64xf32, #tpu.memory_space<vmem>>
    %dma_start3A_47 = arith.constant 0 : i32
    %dma_start3A_48 = tpu.memref_slice %arg8[%dma_start3A_41, %dma_start3A_47] : memref<80x128xi32, #tpu.memory_space<vmem>> -> memref<1x128xi32, #tpu.memory_space<vmem>>
    %dma_start3A_49 = tpu.memref_squeeze %dma_start3A_48 : memref<1x128xi32, #tpu.memory_space<vmem>> -> memref<128xi32, #tpu.memory_space<vmem>>
    %dma_start3A_50 = arith.constant 0 : i32
    %dma_start3A_51 = arith.constant 0 : i32
    %dma_start3A_52 = tpu.memref_slice %arg2[%dma_start3A_50, %dma_start3A_51] : memref<10240x64xf32, #tpu.memory_space<hbm>> -> memref<10240x64xf32, #tpu.memory_space<hbm>>
    tpu.enqueue_indirect_dma source(%dma_start3A_52 : memref<10240x64xf32, #tpu.memory_space<hbm>>) target(%dma_start3A_46 : memref<128x64xf32, #tpu.memory_space<vmem>>) offsets(%dma_start3A_49 : memref<128xi32, #tpu.memory_space<vmem>>) semaphore(%arg13 : memref<!tpu.dma_semaphore, #tpu.memory_space<semaphore_mem>>)
    %dma_start3A_53 = arith.constant 2 : i32
    %dma_start3A_54 = arith.constant 2 : i32
    %dma_start3A_55 = arith.constant 0 : i32
    %dma_start3A_56 = arith.constant 0 : i32
    %dma_start3A_57 = tpu.memref_slice %arg10[%dma_start3A_54, %dma_start3A_55, %dma_start3A_56] : memref<8x128x64xf32, #tpu.memory_space<vmem>> -> memref<1x128x64xf32, #tpu.memory_space<vmem>>
    %dma_start3A_58 = tpu.memref_squeeze %dma_start3A_57 : memref<1x128x64xf32, #tpu.memory_space<vmem>> -> memref<128x64xf32, #tpu.memory_space<vmem>>
    %dma_start3A_59 = arith.constant 0 : i32
    %dma_start3A_60 = tpu.memref_slice %arg8[%dma_start3A_53, %dma_start3A_59] : memref<80x128xi32, #tpu.memory_space<vmem>> -> memref<1x128xi32, #tpu.memory_space<vmem>>
    %dma_start3A_61 = tpu.memref_squeeze %dma_start3A_60 : memref<1x128xi32, #tpu.memory_space<vmem>> -> memref<128xi32, #tpu.memory_space<vmem>>
    %dma_start3A_62 = arith.constant 0 : i32
    %dma_start3A_63 = arith.constant 0 : i32
    %dma_start3A_64 = tpu.memref_slice %arg2[%dma_start3A_62, %dma_start3A_63] : memref<10240x64xf32, #tpu.memory_space<hbm>> -> memref<10240x64xf32, #tpu.memory_space<hbm>>
    tpu.enqueue_indirect_dma source(%dma_start3A_64 : memref<10240x64xf32, #tpu.memory_space<hbm>>) target(%dma_start3A_58 : memref<128x64xf32, #tpu.memory_space<vmem>>) offsets(%dma_start3A_61 : memref<128xi32, #tpu.memory_space<vmem>>) semaphore(%arg14 : memref<!tpu.dma_semaphore, #tpu.memory_space<semaphore_mem>>)
    %dma_start3A_65 = arith.constant 3 : i32
    %dma_start3A_66 = arith.constant 3 : i32
    %dma_start3A_67 = arith.constant 0 : i32
    %dma_start3A_68 = arith.constant 0 : i32
    %dma_start3A_69 = tpu.memref_slice %arg10[%dma_start3A_66, %dma_start3A_67, %dma_start3A_68] : memref<8x128x64xf32, #tpu.memory_space<vmem>> -> memref<1x128x64xf32, #tpu.memory_space<vmem>>
    %dma_start3A_70 = tpu.memref_squeeze %dma_start3A_69 : memref<1x128x64xf32, #tpu.memory_space<vmem>> -> memref<128x64xf32, #tpu.memory_space<vmem>>
    %dma_start3A_71 = arith.constant 0 : i32
    %dma_start3A_72 = tpu.memref_slice %arg8[%dma_start3A_65, %dma_start3A_71] : memref<80x128xi32, #tpu.memory_space<vmem>> -> memref<1x128xi32, #tpu.memory_space<vmem>>
    %dma_start3A_73 = tpu.memref_squeeze %dma_start3A_72 : memref<1x128xi32, #tpu.memory_space<vmem>> -> memref<128xi32, #tpu.memory_space<vmem>>
    %dma_start3A_74 = arith.constant 0 : i32
    %dma_start3A_75 = arith.constant 0 : i32
    %dma_start3A_76 = tpu.memref_slice %arg2[%dma_start3A_74, %dma_start3A_75] : memref<10240x64xf32, #tpu.memory_space<hbm>> -> memref<10240x64xf32, #tpu.memory_space<hbm>>
    tpu.enqueue_indirect_dma source(%dma_start3A_76 : memref<10240x64xf32, #tpu.memory_space<hbm>>) target(%dma_start3A_70 : memref<128x64xf32, #tpu.memory_space<vmem>>) offsets(%dma_start3A_73 : memref<128xi32, #tpu.memory_space<vmem>>) semaphore(%arg15 : memref<!tpu.dma_semaphore, #tpu.memory_space<semaphore_mem>>)
    %dma_start3A_77 = arith.constant 4 : i32
    %dma_start3A_78 = arith.constant 4 : i32
    %dma_start3A_79 = arith.constant 0 : i32
    %dma_start3A_80 = arith.constant 0 : i32
    %dma_start3A_81 = tpu.memref_slice %arg10[%dma_start3A_78, %dma_start3A_79, %dma_start3A_80] : memref<8x128x64xf32, #tpu.memory_space<vmem>> -> memref<1x128x64xf32, #tpu.memory_space<vmem>>
    %dma_start3A_82 = tpu.memref_squeeze %dma_start3A_81 : memref<1x128x64xf32, #tpu.memory_space<vmem>> -> memref<128x64xf32, #tpu.memory_space<vmem>>
    %dma_start3A_83 = arith.constant 0 : i32
    %dma_start3A_84 = tpu.memref_slice %arg8[%dma_start3A_77, %dma_start3A_83] : memref<80x128xi32, #tpu.memory_space<vmem>> -> memref<1x128xi32, #tpu.memory_space<vmem>>
    %dma_start3A_85 = tpu.memref_squeeze %dma_start3A_84 : memref<1x128xi32, #tpu.memory_space<vmem>> -> memref<128xi32, #tpu.memory_space<vmem>>
    %dma_start3A_86 = arith.constant 0 : i32
    %dma_start3A_87 = arith.constant 0 : i32
    %dma_start3A_88 = tpu.memref_slice %arg2[%dma_start3A_86, %dma_start3A_87] : memref<10240x64xf32, #tpu.memory_space<hbm>> -> memref<10240x64xf32, #tpu.memory_space<hbm>>
    tpu.enqueue_indirect_dma source(%dma_start3A_88 : memref<10240x64xf32, #tpu.memory_space<hbm>>) target(%dma_start3A_82 : memref<128x64xf32, #tpu.memory_space<vmem>>) offsets(%dma_start3A_85 : memref<128xi32, #tpu.memory_space<vmem>>) semaphore(%arg16 : memref<!tpu.dma_semaphore, #tpu.memory_space<semaphore_mem>>)
    %dma_start3A_89 = arith.constant 5 : i32
    %dma_start3A_90 = arith.constant 5 : i32
    %dma_start3A_91 = arith.constant 0 : i32
    %dma_start3A_92 = arith.constant 0 : i32
    %dma_start3A_93 = tpu.memref_slice %arg10[%dma_start3A_90, %dma_start3A_91, %dma_start3A_92] : memref<8x128x64xf32, #tpu.memory_space<vmem>> -> memref<1x128x64xf32, #tpu.memory_space<vmem>>
    %dma_start3A_94 = tpu.memref_squeeze %dma_start3A_93 : memref<1x128x64xf32, #tpu.memory_space<vmem>> -> memref<128x64xf32, #tpu.memory_space<vmem>>
    %dma_start3A_95 = arith.constant 0 : i32
    %dma_start3A_96 = tpu.memref_slice %arg8[%dma_start3A_89, %dma_start3A_95] : memref<80x128xi32, #tpu.memory_space<vmem>> -> memref<1x128xi32, #tpu.memory_space<vmem>>
    %dma_start3A_97 = tpu.memref_squeeze %dma_start3A_96 : memref<1x128xi32, #tpu.memory_space<vmem>> -> memref<128xi32, #tpu.memory_space<vmem>>
    %dma_start3A_98 = arith.constant 0 : i32
    %dma_start3A_99 = arith.constant 0 : i32
    %dma_start3A_100 = tpu.memref_slice %arg2[%dma_start3A_98, %dma_start3A_99] : memref<10240x64xf32, #tpu.memory_space<hbm>> -> memref<10240x64xf32, #tpu.memory_space<hbm>>
    tpu.enqueue_indirect_dma source(%dma_start3A_100 : memref<10240x64xf32, #tpu.memory_space<hbm>>) target(%dma_start3A_94 : memref<128x64xf32, #tpu.memory_space<vmem>>) offsets(%dma_start3A_97 : memref<128xi32, #tpu.memory_space<vmem>>) semaphore(%arg17 : memref<!tpu.dma_semaphore, #tpu.memory_space<semaphore_mem>>)
    %dma_start3A_101 = arith.constant 6 : i32
    %dma_start3A_102 = arith.constant 6 : i32
    %dma_start3A_103 = arith.constant 0 : i32
    %dma_start3A_104 = arith.constant 0 : i32
    %dma_start3A_105 = tpu.memref_slice %arg10[%dma_start3A_102, %dma_start3A_103, %dma_start3A_104] : memref<8x128x64xf32, #tpu.memory_space<vmem>> -> memref<1x128x64xf32, #tpu.memory_space<vmem>>
    %dma_start3A_106 = tpu.memref_squeeze %dma_start3A_105 : memref<1x128x64xf32, #tpu.memory_space<vmem>> -> memref<128x64xf32, #tpu.memory_space<vmem>>
    %dma_start3A_107 = arith.constant 0 : i32
    %dma_start3A_108 = tpu.memref_slice %arg8[%dma_start3A_101, %dma_start3A_107] : memref<80x128xi32, #tpu.memory_space<vmem>> -> memref<1x128xi32, #tpu.memory_space<vmem>>
    %dma_start3A_109 = tpu.memref_squeeze %dma_start3A_108 : memref<1x128xi32, #tpu.memory_space<vmem>> -> memref<128xi32, #tpu.memory_space<vmem>>
    %dma_start3A_110 = arith.constant 0 : i32
    %dma_start3A_111 = arith.constant 0 : i32
    %dma_start3A_112 = tpu.memref_slice %arg2[%dma_start3A_110, %dma_start3A_111] : memref<10240x64xf32, #tpu.memory_space<hbm>> -> memref<10240x64xf32, #tpu.memory_space<hbm>>
    tpu.enqueue_indirect_dma source(%dma_start3A_112 : memref<10240x64xf32, #tpu.memory_space<hbm>>) target(%dma_start3A_106 : memref<128x64xf32, #tpu.memory_space<vmem>>) offsets(%dma_start3A_109 : memref<128xi32, #tpu.memory_space<vmem>>) semaphore(%arg18 : memref<!tpu.dma_semaphore, #tpu.memory_space<semaphore_mem>>)
    %dma_start3A_113 = arith.constant 7 : i32
    %dma_start3A_114 = arith.constant 7 : i32
    %dma_start3A_115 = arith.constant 0 : i32
    %dma_start3A_116 = arith.constant 0 : i32
    %dma_start3A_117 = tpu.memref_slice %arg10[%dma_start3A_114, %dma_start3A_115, %dma_start3A_116] : memref<8x128x64xf32, #tpu.memory_space<vmem>> -> memref<1x128x64xf32, #tpu.memory_space<vmem>>
    %dma_start3A_118 = tpu.memref_squeeze %dma_start3A_117 : memref<1x128x64xf32, #tpu.memory_space<vmem>> -> memref<128x64xf32, #tpu.memory_space<vmem>>
    %dma_start3A_119 = arith.constant 0 : i32
    %dma_start3A_120 = tpu.memref_slice %arg8[%dma_start3A_113, %dma_start3A_119] : memref<80x128xi32, #tpu.memory_space<vmem>> -> memref<1x128xi32, #tpu.memory_space<vmem>>
    %dma_start3A_121 = tpu.memref_squeeze %dma_start3A_120 : memref<1x128xi32, #tpu.memory_space<vmem>> -> memref<128xi32, #tpu.memory_space<vmem>>
    %dma_start3A_122 = arith.constant 0 : i32
    %dma_start3A_123 = arith.constant 0 : i32
    %dma_start3A_124 = tpu.memref_slice %arg2[%dma_start3A_122, %dma_start3A_123] : memref<10240x64xf32, #tpu.memory_space<hbm>> -> memref<10240x64xf32, #tpu.memory_space<hbm>>
    tpu.enqueue_indirect_dma source(%dma_start3A_124 : memref<10240x64xf32, #tpu.memory_space<hbm>>) target(%dma_start3A_118 : memref<128x64xf32, #tpu.memory_space<vmem>>) offsets(%dma_start3A_121 : memref<128xi32, #tpu.memory_space<vmem>>) semaphore(%arg19 : memref<!tpu.dma_semaphore, #tpu.memory_space<semaphore_mem>>)
    %scan3A = arith.constant 0 : i32
    %scan3A_125 = arith.constant 0 : i32
    %scan3A_126 = arith.constant 10 : i32
    %scan3A_127 = arith.addi %scan3A_125, %scan3A_126 : i32
    %scan3A_128 = arith.constant 1 : i32
    scf.for %scan3A_138 = %scan3A_125 to %scan3A_127 step %scan3A_128  : i32 {
      %mul3A_139 = arith.constant 8 : i32
      %mul3A_140 = arith.muli %scan3A_138, %mul3A_139 : i32
      %add3A_141 = arith.constant 0 : i32
      %add3A_142 = arith.addi %mul3A_140, %add3A_141 : i32
      %dma_wait3A_143 = arith.constant 0 : i32
      %dma_wait3A_144 = arith.constant 0 : i32
      %dma_wait3A_145 = arith.constant 0 : i32
      %dma_wait3A_146 = tpu.memref_slice %arg10[%dma_wait3A_143, %dma_wait3A_144, %dma_wait3A_145] : memref<8x128x64xf32, #tpu.memory_space<vmem>> -> memref<1x128x64xf32, #tpu.memory_space<vmem>>
      %dma_wait3A_147 = tpu.memref_squeeze %dma_wait3A_146 : memref<1x128x64xf32, #tpu.memory_space<vmem>> -> memref<128x64xf32, #tpu.memory_space<vmem>>
      %dma_wait3A_148 = arith.constant 0 : i32
      %dma_wait3A_149 = tpu.memref_slice %arg8[%add3A_142, %dma_wait3A_148] : memref<80x128xi32, #tpu.memory_space<vmem>> -> memref<1x128xi32, #tpu.memory_space<vmem>>
      %dma_wait3A_150 = tpu.memref_squeeze %dma_wait3A_149 : memref<1x128xi32, #tpu.memory_space<vmem>> -> memref<128xi32, #tpu.memory_space<vmem>>
      %dma_wait3A_151 = arith.constant 0 : i32
      %dma_wait3A_152 = arith.constant 0 : i32
      %dma_wait3A_153 = tpu.memref_slice %arg2[%dma_wait3A_151, %dma_wait3A_152] : memref<10240x64xf32, #tpu.memory_space<hbm>> -> memref<10240x64xf32, #tpu.memory_space<hbm>>
      tpu.wait_indirect_dma semaphore(%arg12 : memref<!tpu.dma_semaphore, #tpu.memory_space<semaphore_mem>>) src(%dma_wait3A_153 : memref<10240x64xf32, #tpu.memory_space<hbm>>) dst(%dma_wait3A_147 : memref<128x64xf32, #tpu.memory_space<vmem>>)
      %dma_start3A_154 = arith.constant 0 : i32
      %dma_start3A_155 = arith.constant 0 : i32
      %dma_start3A_156 = arith.constant 0 : i32
      %dma_start3A_157 = tpu.memref_slice %arg10[%dma_start3A_154, %dma_start3A_155, %dma_start3A_156] : memref<8x128x64xf32, #tpu.memory_space<vmem>> -> memref<1x128x64xf32, #tpu.memory_space<vmem>>
      %dma_start3A_158 = tpu.memref_squeeze %dma_start3A_157 : memref<1x128x64xf32, #tpu.memory_space<vmem>> -> memref<128x64xf32, #tpu.memory_space<vmem>>
      %dma_start3A_159 = arith.constant 0 : i32
      %dma_start3A_160 = tpu.memref_slice %arg9[%add3A_142, %dma_start3A_159] : memref<80x128xi32, #tpu.memory_space<vmem>> -> memref<1x128xi32, #tpu.memory_space<vmem>>
      %dma_start3A_161 = tpu.memref_squeeze %dma_start3A_160 : memref<1x128xi32, #tpu.memory_space<vmem>> -> memref<128xi32, #tpu.memory_space<vmem>>
      %dma_start3A_162 = arith.constant 0 : i32
      %dma_start3A_163 = arith.constant 0 : i32
      %dma_start3A_164 = tpu.memref_slice %arg11[%dma_start3A_162, %dma_start3A_163] : memref<10240x64xf32, #tpu.memory_space<vmem_shared>> -> memref<10240x64xf32, #tpu.memory_space<vmem_shared>>
      tpu.enqueue_indirect_dma source(%dma_start3A_158 : memref<128x64xf32, #tpu.memory_space<vmem>>) target(%dma_start3A_164 : memref<10240x64xf32, #tpu.memory_space<vmem_shared>>) offsets(%dma_start3A_161 : memref<128xi32, #tpu.memory_space<vmem>>) semaphore(%arg20 : memref<!tpu.dma_semaphore, #tpu.memory_space<semaphore_mem>>) {add = true}
      %dma_wait3A_165 = arith.constant 0 : i32
      %dma_wait3A_166 = arith.constant 0 : i32
      %dma_wait3A_167 = arith.constant 0 : i32
      %dma_wait3A_168 = tpu.memref_slice %arg10[%dma_wait3A_165, %dma_wait3A_166, %dma_wait3A_167] : memref<8x128x64xf32, #tpu.memory_space<vmem>> -> memref<1x128x64xf32, #tpu.memory_space<vmem>>
      %dma_wait3A_169 = tpu.memref_squeeze %dma_wait3A_168 : memref<1x128x64xf32, #tpu.memory_space<vmem>> -> memref<128x64xf32, #tpu.memory_space<vmem>>
      %dma_wait3A_170 = arith.constant 0 : i32
      %dma_wait3A_171 = tpu.memref_slice %arg9[%add3A_142, %dma_wait3A_170] : memref<80x128xi32, #tpu.memory_space<vmem>> -> memref<1x128xi32, #tpu.memory_space<vmem>>
      %dma_wait3A_172 = tpu.memref_squeeze %dma_wait3A_171 : memref<1x128xi32, #tpu.memory_space<vmem>> -> memref<128xi32, #tpu.memory_space<vmem>>
      %dma_wait3A_173 = arith.constant 0 : i32
      %dma_wait3A_174 = arith.constant 0 : i32
      %dma_wait3A_175 = tpu.memref_slice %arg11[%dma_wait3A_173, %dma_wait3A_174] : memref<10240x64xf32, #tpu.memory_space<vmem_shared>> -> memref<10240x64xf32, #tpu.memory_space<vmem_shared>>
      tpu.wait_indirect_dma semaphore(%arg20 : memref<!tpu.dma_semaphore, #tpu.memory_space<semaphore_mem>>) src(%dma_wait3A_169 : memref<128x64xf32, #tpu.memory_space<vmem>>) dst(%dma_wait3A_175 : memref<10240x64xf32, #tpu.memory_space<vmem_shared>>)
      %add3A_176 = arith.constant 8 : i32
      %add3A_177 = arith.addi %add3A_142, %add3A_176 : i32
      %lt3A = arith.constant 80 : i32
      %lt3A_178 = arith.cmpi slt, %add3A_177, %lt3A : i32
      %convert_element_type3A_179 = arith.extui %lt3A_178 : i1 to i32
      %cond3A_180 = arith.constant 0 : i32
      %cond3A_181 = arith.cmpi ne, %convert_element_type3A_179, %cond3A_180 : i32
      scf.if %cond3A_181 {
        %dma_start3A_476 = arith.constant 0 : i32
        %dma_start3A_477 = arith.constant 0 : i32
        %dma_start3A_478 = arith.constant 0 : i32
        %dma_start3A_479 = tpu.memref_slice %arg10[%dma_start3A_476, %dma_start3A_477, %dma_start3A_478] : memref<8x128x64xf32, #tpu.memory_space<vmem>> -> memref<1x128x64xf32, #tpu.memory_space<vmem>>
        %dma_start3A_480 = tpu.memref_squeeze %dma_start3A_479 : memref<1x128x64xf32, #tpu.memory_space<vmem>> -> memref<128x64xf32, #tpu.memory_space<vmem>>
        %dma_start3A_481 = arith.constant 0 : i32
        %dma_start3A_482 = tpu.memref_slice %arg8[%add3A_177, %dma_start3A_481] : memref<80x128xi32, #tpu.memory_space<vmem>> -> memref<1x128xi32, #tpu.memory_space<vmem>>
        %dma_start3A_483 = tpu.memref_squeeze %dma_start3A_482 : memref<1x128xi32, #tpu.memory_space<vmem>> -> memref<128xi32, #tpu.memory_space<vmem>>
        %dma_start3A_484 = arith.constant 0 : i32
        %dma_start3A_485 = arith.constant 0 : i32
        %dma_start3A_486 = tpu.memref_slice %arg2[%dma_start3A_484, %dma_start3A_485] : memref<10240x64xf32, #tpu.memory_space<hbm>> -> memref<10240x64xf32, #tpu.memory_space<hbm>>
        tpu.enqueue_indirect_dma source(%dma_start3A_486 : memref<10240x64xf32, #tpu.memory_space<hbm>>) target(%dma_start3A_480 : memref<128x64xf32, #tpu.memory_space<vmem>>) offsets(%dma_start3A_483 : memref<128xi32, #tpu.memory_space<vmem>>) semaphore(%arg12 : memref<!tpu.dma_semaphore, #tpu.memory_space<semaphore_mem>>)
      } else {
      }
      %add3A_182 = arith.constant 1 : i32
      %add3A_183 = arith.addi %mul3A_140, %add3A_182 : i32
      %dma_wait3A_184 = arith.constant 1 : i32
      %dma_wait3A_185 = arith.constant 0 : i32
      %dma_wait3A_186 = arith.constant 0 : i32
      %dma_wait3A_187 = tpu.memref_slice %arg10[%dma_wait3A_184, %dma_wait3A_185, %dma_wait3A_186] : memref<8x128x64xf32, #tpu.memory_space<vmem>> -> memref<1x128x64xf32, #tpu.memory_space<vmem>>
      %dma_wait3A_188 = tpu.memref_squeeze %dma_wait3A_187 : memref<1x128x64xf32, #tpu.memory_space<vmem>> -> memref<128x64xf32, #tpu.memory_space<vmem>>
      %dma_wait3A_189 = arith.constant 0 : i32
      %dma_wait3A_190 = tpu.memref_slice %arg8[%add3A_183, %dma_wait3A_189] : memref<80x128xi32, #tpu.memory_space<vmem>> -> memref<1x128xi32, #tpu.memory_space<vmem>>
      %dma_wait3A_191 = tpu.memref_squeeze %dma_wait3A_190 : memref<1x128xi32, #tpu.memory_space<vmem>> -> memref<128xi32, #tpu.memory_space<vmem>>
      %dma_wait3A_192 = arith.constant 0 : i32
      %dma_wait3A_193 = arith.constant 0 : i32
      %dma_wait3A_194 = tpu.memref_slice %arg2[%dma_wait3A_192, %dma_wait3A_193] : memref<10240x64xf32, #tpu.memory_space<hbm>> -> memref<10240x64xf32, #tpu.memory_space<hbm>>
      tpu.wait_indirect_dma semaphore(%arg13 : memref<!tpu.dma_semaphore, #tpu.memory_space<semaphore_mem>>) src(%dma_wait3A_194 : memref<10240x64xf32, #tpu.memory_space<hbm>>) dst(%dma_wait3A_188 : memref<128x64xf32, #tpu.memory_space<vmem>>)
      %dma_start3A_195 = arith.constant 1 : i32
      %dma_start3A_196 = arith.constant 0 : i32
      %dma_start3A_197 = arith.constant 0 : i32
      %dma_start3A_198 = tpu.memref_slice %arg10[%dma_start3A_195, %dma_start3A_196, %dma_start3A_197] : memref<8x128x64xf32, #tpu.memory_space<vmem>> -> memref<1x128x64xf32, #tpu.memory_space<vmem>>
      %dma_start3A_199 = tpu.memref_squeeze %dma_start3A_198 : memref<1x128x64xf32, #tpu.memory_space<vmem>> -> memref<128x64xf32, #tpu.memory_space<vmem>>
      %dma_start3A_200 = arith.constant 0 : i32
      %dma_start3A_201 = tpu.memref_slice %arg9[%add3A_183, %dma_start3A_200] : memref<80x128xi32, #tpu.memory_space<vmem>> -> memref<1x128xi32, #tpu.memory_space<vmem>>
      %dma_start3A_202 = tpu.memref_squeeze %dma_start3A_201 : memref<1x128xi32, #tpu.memory_space<vmem>> -> memref<128xi32, #tpu.memory_space<vmem>>
      %dma_start3A_203 = arith.constant 0 : i32
      %dma_start3A_204 = arith.constant 0 : i32
      %dma_start3A_205 = tpu.memref_slice %arg11[%dma_start3A_203, %dma_start3A_204] : memref<10240x64xf32, #tpu.memory_space<vmem_shared>> -> memref<10240x64xf32, #tpu.memory_space<vmem_shared>>
      tpu.enqueue_indirect_dma source(%dma_start3A_199 : memref<128x64xf32, #tpu.memory_space<vmem>>) target(%dma_start3A_205 : memref<10240x64xf32, #tpu.memory_space<vmem_shared>>) offsets(%dma_start3A_202 : memref<128xi32, #tpu.memory_space<vmem>>) semaphore(%arg21 : memref<!tpu.dma_semaphore, #tpu.memory_space<semaphore_mem>>) {add = true}
      %dma_wait3A_206 = arith.constant 1 : i32
      %dma_wait3A_207 = arith.constant 0 : i32
      %dma_wait3A_208 = arith.constant 0 : i32
      %dma_wait3A_209 = tpu.memref_slice %arg10[%dma_wait3A_206, %dma_wait3A_207, %dma_wait3A_208] : memref<8x128x64xf32, #tpu.memory_space<vmem>> -> memref<1x128x64xf32, #tpu.memory_space<vmem>>
      %dma_wait3A_210 = tpu.memref_squeeze %dma_wait3A_209 : memref<1x128x64xf32, #tpu.memory_space<vmem>> -> memref<128x64xf32, #tpu.memory_space<vmem>>
      %dma_wait3A_211 = arith.constant 0 : i32
      %dma_wait3A_212 = tpu.memref_slice %arg9[%add3A_183, %dma_wait3A_211] : memref<80x128xi32, #tpu.memory_space<vmem>> -> memref<1x128xi32, #tpu.memory_space<vmem>>
      %dma_wait3A_213 = tpu.memref_squeeze %dma_wait3A_212 : memref<1x128xi32, #tpu.memory_space<vmem>> -> memref<128xi32, #tpu.memory_space<vmem>>
      %dma_wait3A_214 = arith.constant 0 : i32
      %dma_wait3A_215 = arith.constant 0 : i32
      %dma_wait3A_216 = tpu.memref_slice %arg11[%dma_wait3A_214, %dma_wait3A_215] : memref<10240x64xf32, #tpu.memory_space<vmem_shared>> -> memref<10240x64xf32, #tpu.memory_space<vmem_shared>>
      tpu.wait_indirect_dma semaphore(%arg21 : memref<!tpu.dma_semaphore, #tpu.memory_space<semaphore_mem>>) src(%dma_wait3A_210 : memref<128x64xf32, #tpu.memory_space<vmem>>) dst(%dma_wait3A_216 : memref<10240x64xf32, #tpu.memory_space<vmem_shared>>)
      %add3A_217 = arith.constant 8 : i32
      %add3A_218 = arith.addi %add3A_183, %add3A_217 : i32
      %lt3A_219 = arith.constant 80 : i32
      %lt3A_220 = arith.cmpi slt, %add3A_218, %lt3A_219 : i32
      %convert_element_type3A_221 = arith.extui %lt3A_220 : i1 to i32
      %cond3A_222 = arith.constant 0 : i32
      %cond3A_223 = arith.cmpi ne, %convert_element_type3A_221, %cond3A_222 : i32
      scf.if %cond3A_223 {
        %dma_start3A_476 = arith.constant 1 : i32
        %dma_start3A_477 = arith.constant 0 : i32
        %dma_start3A_478 = arith.constant 0 : i32
        %dma_start3A_479 = tpu.memref_slice %arg10[%dma_start3A_476, %dma_start3A_477, %dma_start3A_478] : memref<8x128x64xf32, #tpu.memory_space<vmem>> -> memref<1x128x64xf32, #tpu.memory_space<vmem>>
        %dma_start3A_480 = tpu.memref_squeeze %dma_start3A_479 : memref<1x128x64xf32, #tpu.memory_space<vmem>> -> memref<128x64xf32, #tpu.memory_space<vmem>>
        %dma_start3A_481 = arith.constant 0 : i32
        %dma_start3A_482 = tpu.memref_slice %arg8[%add3A_218, %dma_start3A_481] : memref<80x128xi32, #tpu.memory_space<vmem>> -> memref<1x128xi32, #tpu.memory_space<vmem>>
        %dma_start3A_483 = tpu.memref_squeeze %dma_start3A_482 : memref<1x128xi32, #tpu.memory_space<vmem>> -> memref<128xi32, #tpu.memory_space<vmem>>
        %dma_start3A_484 = arith.constant 0 : i32
        %dma_start3A_485 = arith.constant 0 : i32
        %dma_start3A_486 = tpu.memref_slice %arg2[%dma_start3A_484, %dma_start3A_485] : memref<10240x64xf32, #tpu.memory_space<hbm>> -> memref<10240x64xf32, #tpu.memory_space<hbm>>
        tpu.enqueue_indirect_dma source(%dma_start3A_486 : memref<10240x64xf32, #tpu.memory_space<hbm>>) target(%dma_start3A_480 : memref<128x64xf32, #tpu.memory_space<vmem>>) offsets(%dma_start3A_483 : memref<128xi32, #tpu.memory_space<vmem>>) semaphore(%arg13 : memref<!tpu.dma_semaphore, #tpu.memory_space<semaphore_mem>>)
      } else {
      }
      %add3A_224 = arith.constant 2 : i32
      %add3A_225 = arith.addi %mul3A_140, %add3A_224 : i32
      %dma_wait3A_226 = arith.constant 2 : i32
      %dma_wait3A_227 = arith.constant 0 : i32
      %dma_wait3A_228 = arith.constant 0 : i32
      %dma_wait3A_229 = tpu.memref_slice %arg10[%dma_wait3A_226, %dma_wait3A_227, %dma_wait3A_228] : memref<8x128x64xf32, #tpu.memory_space<vmem>> -> memref<1x128x64xf32, #tpu.memory_space<vmem>>
      %dma_wait3A_230 = tpu.memref_squeeze %dma_wait3A_229 : memref<1x128x64xf32, #tpu.memory_space<vmem>> -> memref<128x64xf32, #tpu.memory_space<vmem>>
      %dma_wait3A_231 = arith.constant 0 : i32
      %dma_wait3A_232 = tpu.memref_slice %arg8[%add3A_225, %dma_wait3A_231] : memref<80x128xi32, #tpu.memory_space<vmem>> -> memref<1x128xi32, #tpu.memory_space<vmem>>
      %dma_wait3A_233 = tpu.memref_squeeze %dma_wait3A_232 : memref<1x128xi32, #tpu.memory_space<vmem>> -> memref<128xi32, #tpu.memory_space<vmem>>
      %dma_wait3A_234 = arith.constant 0 : i32
      %dma_wait3A_235 = arith.constant 0 : i32
      %dma_wait3A_236 = tpu.memref_slice %arg2[%dma_wait3A_234, %dma_wait3A_235] : memref<10240x64xf32, #tpu.memory_space<hbm>> -> memref<10240x64xf32, #tpu.memory_space<hbm>>
      tpu.wait_indirect_dma semaphore(%arg14 : memref<!tpu.dma_semaphore, #tpu.memory_space<semaphore_mem>>) src(%dma_wait3A_236 : memref<10240x64xf32, #tpu.memory_space<hbm>>) dst(%dma_wait3A_230 : memref<128x64xf32, #tpu.memory_space<vmem>>)
      %dma_start3A_237 = arith.constant 2 : i32
      %dma_start3A_238 = arith.constant 0 : i32
      %dma_start3A_239 = arith.constant 0 : i32
      %dma_start3A_240 = tpu.memref_slice %arg10[%dma_start3A_237, %dma_start3A_238, %dma_start3A_239] : memref<8x128x64xf32, #tpu.memory_space<vmem>> -> memref<1x128x64xf32, #tpu.memory_space<vmem>>
      %dma_start3A_241 = tpu.memref_squeeze %dma_start3A_240 : memref<1x128x64xf32, #tpu.memory_space<vmem>> -> memref<128x64xf32, #tpu.memory_space<vmem>>
      %dma_start3A_242 = arith.constant 0 : i32
      %dma_start3A_243 = tpu.memref_slice %arg9[%add3A_225, %dma_start3A_242] : memref<80x128xi32, #tpu.memory_space<vmem>> -> memref<1x128xi32, #tpu.memory_space<vmem>>
      %dma_start3A_244 = tpu.memref_squeeze %dma_start3A_243 : memref<1x128xi32, #tpu.memory_space<vmem>> -> memref<128xi32, #tpu.memory_space<vmem>>
      %dma_start3A_245 = arith.constant 0 : i32
      %dma_start3A_246 = arith.constant 0 : i32
      %dma_start3A_247 = tpu.memref_slice %arg11[%dma_start3A_245, %dma_start3A_246] : memref<10240x64xf32, #tpu.memory_space<vmem_shared>> -> memref<10240x64xf32, #tpu.memory_space<vmem_shared>>
      tpu.enqueue_indirect_dma source(%dma_start3A_241 : memref<128x64xf32, #tpu.memory_space<vmem>>) target(%dma_start3A_247 : memref<10240x64xf32, #tpu.memory_space<vmem_shared>>) offsets(%dma_start3A_244 : memref<128xi32, #tpu.memory_space<vmem>>) semaphore(%arg22 : memref<!tpu.dma_semaphore, #tpu.memory_space<semaphore_mem>>) {add = true}
      %dma_wait3A_248 = arith.constant 2 : i32
      %dma_wait3A_249 = arith.constant 0 : i32
      %dma_wait3A_250 = arith.constant 0 : i32
      %dma_wait3A_251 = tpu.memref_slice %arg10[%dma_wait3A_248, %dma_wait3A_249, %dma_wait3A_250] : memref<8x128x64xf32, #tpu.memory_space<vmem>> -> memref<1x128x64xf32, #tpu.memory_space<vmem>>
      %dma_wait3A_252 = tpu.memref_squeeze %dma_wait3A_251 : memref<1x128x64xf32, #tpu.memory_space<vmem>> -> memref<128x64xf32, #tpu.memory_space<vmem>>
      %dma_wait3A_253 = arith.constant 0 : i32
      %dma_wait3A_254 = tpu.memref_slice %arg9[%add3A_225, %dma_wait3A_253] : memref<80x128xi32, #tpu.memory_space<vmem>> -> memref<1x128xi32, #tpu.memory_space<vmem>>
      %dma_wait3A_255 = tpu.memref_squeeze %dma_wait3A_254 : memref<1x128xi32, #tpu.memory_space<vmem>> -> memref<128xi32, #tpu.memory_space<vmem>>
      %dma_wait3A_256 = arith.constant 0 : i32
      %dma_wait3A_257 = arith.constant 0 : i32
      %dma_wait3A_258 = tpu.memref_slice %arg11[%dma_wait3A_256, %dma_wait3A_257] : memref<10240x64xf32, #tpu.memory_space<vmem_shared>> -> memref<10240x64xf32, #tpu.memory_space<vmem_shared>>
      tpu.wait_indirect_dma semaphore(%arg22 : memref<!tpu.dma_semaphore, #tpu.memory_space<semaphore_mem>>) src(%dma_wait3A_252 : memref<128x64xf32, #tpu.memory_space<vmem>>) dst(%dma_wait3A_258 : memref<10240x64xf32, #tpu.memory_space<vmem_shared>>)
      %add3A_259 = arith.constant 8 : i32
      %add3A_260 = arith.addi %add3A_225, %add3A_259 : i32
      %lt3A_261 = arith.constant 80 : i32
      %lt3A_262 = arith.cmpi slt, %add3A_260, %lt3A_261 : i32
      %convert_element_type3A_263 = arith.extui %lt3A_262 : i1 to i32
      %cond3A_264 = arith.constant 0 : i32
      %cond3A_265 = arith.cmpi ne, %convert_element_type3A_263, %cond3A_264 : i32
      scf.if %cond3A_265 {
        %dma_start3A_476 = arith.constant 2 : i32
        %dma_start3A_477 = arith.constant 0 : i32
        %dma_start3A_478 = arith.constant 0 : i32
        %dma_start3A_479 = tpu.memref_slice %arg10[%dma_start3A_476, %dma_start3A_477, %dma_start3A_478] : memref<8x128x64xf32, #tpu.memory_space<vmem>> -> memref<1x128x64xf32, #tpu.memory_space<vmem>>
        %dma_start3A_480 = tpu.memref_squeeze %dma_start3A_479 : memref<1x128x64xf32, #tpu.memory_space<vmem>> -> memref<128x64xf32, #tpu.memory_space<vmem>>
        %dma_start3A_481 = arith.constant 0 : i32
        %dma_start3A_482 = tpu.memref_slice %arg8[%add3A_260, %dma_start3A_481] : memref<80x128xi32, #tpu.memory_space<vmem>> -> memref<1x128xi32, #tpu.memory_space<vmem>>
        %dma_start3A_483 = tpu.memref_squeeze %dma_start3A_482 : memref<1x128xi32, #tpu.memory_space<vmem>> -> memref<128xi32, #tpu.memory_space<vmem>>
        %dma_start3A_484 = arith.constant 0 : i32
        %dma_start3A_485 = arith.constant 0 : i32
        %dma_start3A_486 = tpu.memref_slice %arg2[%dma_start3A_484, %dma_start3A_485] : memref<10240x64xf32, #tpu.memory_space<hbm>> -> memref<10240x64xf32, #tpu.memory_space<hbm>>
        tpu.enqueue_indirect_dma source(%dma_start3A_486 : memref<10240x64xf32, #tpu.memory_space<hbm>>) target(%dma_start3A_480 : memref<128x64xf32, #tpu.memory_space<vmem>>) offsets(%dma_start3A_483 : memref<128xi32, #tpu.memory_space<vmem>>) semaphore(%arg14 : memref<!tpu.dma_semaphore, #tpu.memory_space<semaphore_mem>>)
      } else {
      }
      %add3A_266 = arith.constant 3 : i32
      %add3A_267 = arith.addi %mul3A_140, %add3A_266 : i32
      %dma_wait3A_268 = arith.constant 3 : i32
      %dma_wait3A_269 = arith.constant 0 : i32
      %dma_wait3A_270 = arith.constant 0 : i32
      %dma_wait3A_271 = tpu.memref_slice %arg10[%dma_wait3A_268, %dma_wait3A_269, %dma_wait3A_270] : memref<8x128x64xf32, #tpu.memory_space<vmem>> -> memref<1x128x64xf32, #tpu.memory_space<vmem>>
      %dma_wait3A_272 = tpu.memref_squeeze %dma_wait3A_271 : memref<1x128x64xf32, #tpu.memory_space<vmem>> -> memref<128x64xf32, #tpu.memory_space<vmem>>
      %dma_wait3A_273 = arith.constant 0 : i32
      %dma_wait3A_274 = tpu.memref_slice %arg8[%add3A_267, %dma_wait3A_273] : memref<80x128xi32, #tpu.memory_space<vmem>> -> memref<1x128xi32, #tpu.memory_space<vmem>>
      %dma_wait3A_275 = tpu.memref_squeeze %dma_wait3A_274 : memref<1x128xi32, #tpu.memory_space<vmem>> -> memref<128xi32, #tpu.memory_space<vmem>>
      %dma_wait3A_276 = arith.constant 0 : i32
      %dma_wait3A_277 = arith.constant 0 : i32
      %dma_wait3A_278 = tpu.memref_slice %arg2[%dma_wait3A_276, %dma_wait3A_277] : memref<10240x64xf32, #tpu.memory_space<hbm>> -> memref<10240x64xf32, #tpu.memory_space<hbm>>
      tpu.wait_indirect_dma semaphore(%arg15 : memref<!tpu.dma_semaphore, #tpu.memory_space<semaphore_mem>>) src(%dma_wait3A_278 : memref<10240x64xf32, #tpu.memory_space<hbm>>) dst(%dma_wait3A_272 : memref<128x64xf32, #tpu.memory_space<vmem>>)
      %dma_start3A_279 = arith.constant 3 : i32
      %dma_start3A_280 = arith.constant 0 : i32
      %dma_start3A_281 = arith.constant 0 : i32
      %dma_start3A_282 = tpu.memref_slice %arg10[%dma_start3A_279, %dma_start3A_280, %dma_start3A_281] : memref<8x128x64xf32, #tpu.memory_space<vmem>> -> memref<1x128x64xf32, #tpu.memory_space<vmem>>
      %dma_start3A_283 = tpu.memref_squeeze %dma_start3A_282 : memref<1x128x64xf32, #tpu.memory_space<vmem>> -> memref<128x64xf32, #tpu.memory_space<vmem>>
      %dma_start3A_284 = arith.constant 0 : i32
      %dma_start3A_285 = tpu.memref_slice %arg9[%add3A_267, %dma_start3A_284] : memref<80x128xi32, #tpu.memory_space<vmem>> -> memref<1x128xi32, #tpu.memory_space<vmem>>
      %dma_start3A_286 = tpu.memref_squeeze %dma_start3A_285 : memref<1x128xi32, #tpu.memory_space<vmem>> -> memref<128xi32, #tpu.memory_space<vmem>>
      %dma_start3A_287 = arith.constant 0 : i32
      %dma_start3A_288 = arith.constant 0 : i32
      %dma_start3A_289 = tpu.memref_slice %arg11[%dma_start3A_287, %dma_start3A_288] : memref<10240x64xf32, #tpu.memory_space<vmem_shared>> -> memref<10240x64xf32, #tpu.memory_space<vmem_shared>>
      tpu.enqueue_indirect_dma source(%dma_start3A_283 : memref<128x64xf32, #tpu.memory_space<vmem>>) target(%dma_start3A_289 : memref<10240x64xf32, #tpu.memory_space<vmem_shared>>) offsets(%dma_start3A_286 : memref<128xi32, #tpu.memory_space<vmem>>) semaphore(%arg23 : memref<!tpu.dma_semaphore, #tpu.memory_space<semaphore_mem>>) {add = true}
      %dma_wait3A_290 = arith.constant 3 : i32
      %dma_wait3A_291 = arith.constant 0 : i32
      %dma_wait3A_292 = arith.constant 0 : i32
      %dma_wait3A_293 = tpu.memref_slice %arg10[%dma_wait3A_290, %dma_wait3A_291, %dma_wait3A_292] : memref<8x128x64xf32, #tpu.memory_space<vmem>> -> memref<1x128x64xf32, #tpu.memory_space<vmem>>
      %dma_wait3A_294 = tpu.memref_squeeze %dma_wait3A_293 : memref<1x128x64xf32, #tpu.memory_space<vmem>> -> memref<128x64xf32, #tpu.memory_space<vmem>>
      %dma_wait3A_295 = arith.constant 0 : i32
      %dma_wait3A_296 = tpu.memref_slice %arg9[%add3A_267, %dma_wait3A_295] : memref<80x128xi32, #tpu.memory_space<vmem>> -> memref<1x128xi32, #tpu.memory_space<vmem>>
      %dma_wait3A_297 = tpu.memref_squeeze %dma_wait3A_296 : memref<1x128xi32, #tpu.memory_space<vmem>> -> memref<128xi32, #tpu.memory_space<vmem>>
      %dma_wait3A_298 = arith.constant 0 : i32
      %dma_wait3A_299 = arith.constant 0 : i32
      %dma_wait3A_300 = tpu.memref_slice %arg11[%dma_wait3A_298, %dma_wait3A_299] : memref<10240x64xf32, #tpu.memory_space<vmem_shared>> -> memref<10240x64xf32, #tpu.memory_space<vmem_shared>>
      tpu.wait_indirect_dma semaphore(%arg23 : memref<!tpu.dma_semaphore, #tpu.memory_space<semaphore_mem>>) src(%dma_wait3A_294 : memref<128x64xf32, #tpu.memory_space<vmem>>) dst(%dma_wait3A_300 : memref<10240x64xf32, #tpu.memory_space<vmem_shared>>)
      %add3A_301 = arith.constant 8 : i32
      %add3A_302 = arith.addi %add3A_267, %add3A_301 : i32
      %lt3A_303 = arith.constant 80 : i32
      %lt3A_304 = arith.cmpi slt, %add3A_302, %lt3A_303 : i32
      %convert_element_type3A_305 = arith.extui %lt3A_304 : i1 to i32
      %cond3A_306 = arith.constant 0 : i32
      %cond3A_307 = arith.cmpi ne, %convert_element_type3A_305, %cond3A_306 : i32
      scf.if %cond3A_307 {
        %dma_start3A_476 = arith.constant 3 : i32
        %dma_start3A_477 = arith.constant 0 : i32
        %dma_start3A_478 = arith.constant 0 : i32
        %dma_start3A_479 = tpu.memref_slice %arg10[%dma_start3A_476, %dma_start3A_477, %dma_start3A_478] : memref<8x128x64xf32, #tpu.memory_space<vmem>> -> memref<1x128x64xf32, #tpu.memory_space<vmem>>
        %dma_start3A_480 = tpu.memref_squeeze %dma_start3A_479 : memref<1x128x64xf32, #tpu.memory_space<vmem>> -> memref<128x64xf32, #tpu.memory_space<vmem>>
        %dma_start3A_481 = arith.constant 0 : i32
        %dma_start3A_482 = tpu.memref_slice %arg8[%add3A_302, %dma_start3A_481] : memref<80x128xi32, #tpu.memory_space<vmem>> -> memref<1x128xi32, #tpu.memory_space<vmem>>
        %dma_start3A_483 = tpu.memref_squeeze %dma_start3A_482 : memref<1x128xi32, #tpu.memory_space<vmem>> -> memref<128xi32, #tpu.memory_space<vmem>>
        %dma_start3A_484 = arith.constant 0 : i32
        %dma_start3A_485 = arith.constant 0 : i32
        %dma_start3A_486 = tpu.memref_slice %arg2[%dma_start3A_484, %dma_start3A_485] : memref<10240x64xf32, #tpu.memory_space<hbm>> -> memref<10240x64xf32, #tpu.memory_space<hbm>>
        tpu.enqueue_indirect_dma source(%dma_start3A_486 : memref<10240x64xf32, #tpu.memory_space<hbm>>) target(%dma_start3A_480 : memref<128x64xf32, #tpu.memory_space<vmem>>) offsets(%dma_start3A_483 : memref<128xi32, #tpu.memory_space<vmem>>) semaphore(%arg15 : memref<!tpu.dma_semaphore, #tpu.memory_space<semaphore_mem>>)
      } else {
      }
      %add3A_308 = arith.constant 4 : i32
      %add3A_309 = arith.addi %mul3A_140, %add3A_308 : i32
      %dma_wait3A_310 = arith.constant 4 : i32
      %dma_wait3A_311 = arith.constant 0 : i32
      %dma_wait3A_312 = arith.constant 0 : i32
      %dma_wait3A_313 = tpu.memref_slice %arg10[%dma_wait3A_310, %dma_wait3A_311, %dma_wait3A_312] : memref<8x128x64xf32, #tpu.memory_space<vmem>> -> memref<1x128x64xf32, #tpu.memory_space<vmem>>
      %dma_wait3A_314 = tpu.memref_squeeze %dma_wait3A_313 : memref<1x128x64xf32, #tpu.memory_space<vmem>> -> memref<128x64xf32, #tpu.memory_space<vmem>>
      %dma_wait3A_315 = arith.constant 0 : i32
      %dma_wait3A_316 = tpu.memref_slice %arg8[%add3A_309, %dma_wait3A_315] : memref<80x128xi32, #tpu.memory_space<vmem>> -> memref<1x128xi32, #tpu.memory_space<vmem>>
      %dma_wait3A_317 = tpu.memref_squeeze %dma_wait3A_316 : memref<1x128xi32, #tpu.memory_space<vmem>> -> memref<128xi32, #tpu.memory_space<vmem>>
      %dma_wait3A_318 = arith.constant 0 : i32
      %dma_wait3A_319 = arith.constant 0 : i32
      %dma_wait3A_320 = tpu.memref_slice %arg2[%dma_wait3A_318, %dma_wait3A_319] : memref<10240x64xf32, #tpu.memory_space<hbm>> -> memref<10240x64xf32, #tpu.memory_space<hbm>>
      tpu.wait_indirect_dma semaphore(%arg16 : memref<!tpu.dma_semaphore, #tpu.memory_space<semaphore_mem>>) src(%dma_wait3A_320 : memref<10240x64xf32, #tpu.memory_space<hbm>>) dst(%dma_wait3A_314 : memref<128x64xf32, #tpu.memory_space<vmem>>)
      %dma_start3A_321 = arith.constant 4 : i32
      %dma_start3A_322 = arith.constant 0 : i32
      %dma_start3A_323 = arith.constant 0 : i32
      %dma_start3A_324 = tpu.memref_slice %arg10[%dma_start3A_321, %dma_start3A_322, %dma_start3A_323] : memref<8x128x64xf32, #tpu.memory_space<vmem>> -> memref<1x128x64xf32, #tpu.memory_space<vmem>>
      %dma_start3A_325 = tpu.memref_squeeze %dma_start3A_324 : memref<1x128x64xf32, #tpu.memory_space<vmem>> -> memref<128x64xf32, #tpu.memory_space<vmem>>
      %dma_start3A_326 = arith.constant 0 : i32
      %dma_start3A_327 = tpu.memref_slice %arg9[%add3A_309, %dma_start3A_326] : memref<80x128xi32, #tpu.memory_space<vmem>> -> memref<1x128xi32, #tpu.memory_space<vmem>>
      %dma_start3A_328 = tpu.memref_squeeze %dma_start3A_327 : memref<1x128xi32, #tpu.memory_space<vmem>> -> memref<128xi32, #tpu.memory_space<vmem>>
      %dma_start3A_329 = arith.constant 0 : i32
      %dma_start3A_330 = arith.constant 0 : i32
      %dma_start3A_331 = tpu.memref_slice %arg11[%dma_start3A_329, %dma_start3A_330] : memref<10240x64xf32, #tpu.memory_space<vmem_shared>> -> memref<10240x64xf32, #tpu.memory_space<vmem_shared>>
      tpu.enqueue_indirect_dma source(%dma_start3A_325 : memref<128x64xf32, #tpu.memory_space<vmem>>) target(%dma_start3A_331 : memref<10240x64xf32, #tpu.memory_space<vmem_shared>>) offsets(%dma_start3A_328 : memref<128xi32, #tpu.memory_space<vmem>>) semaphore(%arg24 : memref<!tpu.dma_semaphore, #tpu.memory_space<semaphore_mem>>) {add = true}
      %dma_wait3A_332 = arith.constant 4 : i32
      %dma_wait3A_333 = arith.constant 0 : i32
      %dma_wait3A_334 = arith.constant 0 : i32
      %dma_wait3A_335 = tpu.memref_slice %arg10[%dma_wait3A_332, %dma_wait3A_333, %dma_wait3A_334] : memref<8x128x64xf32, #tpu.memory_space<vmem>> -> memref<1x128x64xf32, #tpu.memory_space<vmem>>
      %dma_wait3A_336 = tpu.memref_squeeze %dma_wait3A_335 : memref<1x128x64xf32, #tpu.memory_space<vmem>> -> memref<128x64xf32, #tpu.memory_space<vmem>>
      %dma_wait3A_337 = arith.constant 0 : i32
      %dma_wait3A_338 = tpu.memref_slice %arg9[%add3A_309, %dma_wait3A_337] : memref<80x128xi32, #tpu.memory_space<vmem>> -> memref<1x128xi32, #tpu.memory_space<vmem>>
      %dma_wait3A_339 = tpu.memref_squeeze %dma_wait3A_338 : memref<1x128xi32, #tpu.memory_space<vmem>> -> memref<128xi32, #tpu.memory_space<vmem>>
      %dma_wait3A_340 = arith.constant 0 : i32
      %dma_wait3A_341 = arith.constant 0 : i32
      %dma_wait3A_342 = tpu.memref_slice %arg11[%dma_wait3A_340, %dma_wait3A_341] : memref<10240x64xf32, #tpu.memory_space<vmem_shared>> -> memref<10240x64xf32, #tpu.memory_space<vmem_shared>>
      tpu.wait_indirect_dma semaphore(%arg24 : memref<!tpu.dma_semaphore, #tpu.memory_space<semaphore_mem>>) src(%dma_wait3A_336 : memref<128x64xf32, #tpu.memory_space<vmem>>) dst(%dma_wait3A_342 : memref<10240x64xf32, #tpu.memory_space<vmem_shared>>)
      %add3A_343 = arith.constant 8 : i32
      %add3A_344 = arith.addi %add3A_309, %add3A_343 : i32
      %lt3A_345 = arith.constant 80 : i32
      %lt3A_346 = arith.cmpi slt, %add3A_344, %lt3A_345 : i32
      %convert_element_type3A_347 = arith.extui %lt3A_346 : i1 to i32
      %cond3A_348 = arith.constant 0 : i32
      %cond3A_349 = arith.cmpi ne, %convert_element_type3A_347, %cond3A_348 : i32
      scf.if %cond3A_349 {
        %dma_start3A_476 = arith.constant 4 : i32
        %dma_start3A_477 = arith.constant 0 : i32
        %dma_start3A_478 = arith.constant 0 : i32
        %dma_start3A_479 = tpu.memref_slice %arg10[%dma_start3A_476, %dma_start3A_477, %dma_start3A_478] : memref<8x128x64xf32, #tpu.memory_space<vmem>> -> memref<1x128x64xf32, #tpu.memory_space<vmem>>
        %dma_start3A_480 = tpu.memref_squeeze %dma_start3A_479 : memref<1x128x64xf32, #tpu.memory_space<vmem>> -> memref<128x64xf32, #tpu.memory_space<vmem>>
        %dma_start3A_481 = arith.constant 0 : i32
        %dma_start3A_482 = tpu.memref_slice %arg8[%add3A_344, %dma_start3A_481] : memref<80x128xi32, #tpu.memory_space<vmem>> -> memref<1x128xi32, #tpu.memory_space<vmem>>
        %dma_start3A_483 = tpu.memref_squeeze %dma_start3A_482 : memref<1x128xi32, #tpu.memory_space<vmem>> -> memref<128xi32, #tpu.memory_space<vmem>>
        %dma_start3A_484 = arith.constant 0 : i32
        %dma_start3A_485 = arith.constant 0 : i32
        %dma_start3A_486 = tpu.memref_slice %arg2[%dma_start3A_484, %dma_start3A_485] : memref<10240x64xf32, #tpu.memory_space<hbm>> -> memref<10240x64xf32, #tpu.memory_space<hbm>>
        tpu.enqueue_indirect_dma source(%dma_start3A_486 : memref<10240x64xf32, #tpu.memory_space<hbm>>) target(%dma_start3A_480 : memref<128x64xf32, #tpu.memory_space<vmem>>) offsets(%dma_start3A_483 : memref<128xi32, #tpu.memory_space<vmem>>) semaphore(%arg16 : memref<!tpu.dma_semaphore, #tpu.memory_space<semaphore_mem>>)
      } else {
      }
      %add3A_350 = arith.constant 5 : i32
      %add3A_351 = arith.addi %mul3A_140, %add3A_350 : i32
      %dma_wait3A_352 = arith.constant 5 : i32
      %dma_wait3A_353 = arith.constant 0 : i32
      %dma_wait3A_354 = arith.constant 0 : i32
      %dma_wait3A_355 = tpu.memref_slice %arg10[%dma_wait3A_352, %dma_wait3A_353, %dma_wait3A_354] : memref<8x128x64xf32, #tpu.memory_space<vmem>> -> memref<1x128x64xf32, #tpu.memory_space<vmem>>
      %dma_wait3A_356 = tpu.memref_squeeze %dma_wait3A_355 : memref<1x128x64xf32, #tpu.memory_space<vmem>> -> memref<128x64xf32, #tpu.memory_space<vmem>>
      %dma_wait3A_357 = arith.constant 0 : i32
      %dma_wait3A_358 = tpu.memref_slice %arg8[%add3A_351, %dma_wait3A_357] : memref<80x128xi32, #tpu.memory_space<vmem>> -> memref<1x128xi32, #tpu.memory_space<vmem>>
      %dma_wait3A_359 = tpu.memref_squeeze %dma_wait3A_358 : memref<1x128xi32, #tpu.memory_space<vmem>> -> memref<128xi32, #tpu.memory_space<vmem>>
      %dma_wait3A_360 = arith.constant 0 : i32
      %dma_wait3A_361 = arith.constant 0 : i32
      %dma_wait3A_362 = tpu.memref_slice %arg2[%dma_wait3A_360, %dma_wait3A_361] : memref<10240x64xf32, #tpu.memory_space<hbm>> -> memref<10240x64xf32, #tpu.memory_space<hbm>>
      tpu.wait_indirect_dma semaphore(%arg17 : memref<!tpu.dma_semaphore, #tpu.memory_space<semaphore_mem>>) src(%dma_wait3A_362 : memref<10240x64xf32, #tpu.memory_space<hbm>>) dst(%dma_wait3A_356 : memref<128x64xf32, #tpu.memory_space<vmem>>)
      %dma_start3A_363 = arith.constant 5 : i32
      %dma_start3A_364 = arith.constant 0 : i32
      %dma_start3A_365 = arith.constant 0 : i32
      %dma_start3A_366 = tpu.memref_slice %arg10[%dma_start3A_363, %dma_start3A_364, %dma_start3A_365] : memref<8x128x64xf32, #tpu.memory_space<vmem>> -> memref<1x128x64xf32, #tpu.memory_space<vmem>>
      %dma_start3A_367 = tpu.memref_squeeze %dma_start3A_366 : memref<1x128x64xf32, #tpu.memory_space<vmem>> -> memref<128x64xf32, #tpu.memory_space<vmem>>
      %dma_start3A_368 = arith.constant 0 : i32
      %dma_start3A_369 = tpu.memref_slice %arg9[%add3A_351, %dma_start3A_368] : memref<80x128xi32, #tpu.memory_space<vmem>> -> memref<1x128xi32, #tpu.memory_space<vmem>>
      %dma_start3A_370 = tpu.memref_squeeze %dma_start3A_369 : memref<1x128xi32, #tpu.memory_space<vmem>> -> memref<128xi32, #tpu.memory_space<vmem>>
      %dma_start3A_371 = arith.constant 0 : i32
      %dma_start3A_372 = arith.constant 0 : i32
      %dma_start3A_373 = tpu.memref_slice %arg11[%dma_start3A_371, %dma_start3A_372] : memref<10240x64xf32, #tpu.memory_space<vmem_shared>> -> memref<10240x64xf32, #tpu.memory_space<vmem_shared>>
      tpu.enqueue_indirect_dma source(%dma_start3A_367 : memref<128x64xf32, #tpu.memory_space<vmem>>) target(%dma_start3A_373 : memref<10240x64xf32, #tpu.memory_space<vmem_shared>>) offsets(%dma_start3A_370 : memref<128xi32, #tpu.memory_space<vmem>>) semaphore(%arg25 : memref<!tpu.dma_semaphore, #tpu.memory_space<semaphore_mem>>) {add = true}
      %dma_wait3A_374 = arith.constant 5 : i32
      %dma_wait3A_375 = arith.constant 0 : i32
      %dma_wait3A_376 = arith.constant 0 : i32
      %dma_wait3A_377 = tpu.memref_slice %arg10[%dma_wait3A_374, %dma_wait3A_375, %dma_wait3A_376] : memref<8x128x64xf32, #tpu.memory_space<vmem>> -> memref<1x128x64xf32, #tpu.memory_space<vmem>>
      %dma_wait3A_378 = tpu.memref_squeeze %dma_wait3A_377 : memref<1x128x64xf32, #tpu.memory_space<vmem>> -> memref<128x64xf32, #tpu.memory_space<vmem>>
      %dma_wait3A_379 = arith.constant 0 : i32
      %dma_wait3A_380 = tpu.memref_slice %arg9[%add3A_351, %dma_wait3A_379] : memref<80x128xi32, #tpu.memory_space<vmem>> -> memref<1x128xi32, #tpu.memory_space<vmem>>
      %dma_wait3A_381 = tpu.memref_squeeze %dma_wait3A_380 : memref<1x128xi32, #tpu.memory_space<vmem>> -> memref<128xi32, #tpu.memory_space<vmem>>
      %dma_wait3A_382 = arith.constant 0 : i32
      %dma_wait3A_383 = arith.constant 0 : i32
      %dma_wait3A_384 = tpu.memref_slice %arg11[%dma_wait3A_382, %dma_wait3A_383] : memref<10240x64xf32, #tpu.memory_space<vmem_shared>> -> memref<10240x64xf32, #tpu.memory_space<vmem_shared>>
      tpu.wait_indirect_dma semaphore(%arg25 : memref<!tpu.dma_semaphore, #tpu.memory_space<semaphore_mem>>) src(%dma_wait3A_378 : memref<128x64xf32, #tpu.memory_space<vmem>>) dst(%dma_wait3A_384 : memref<10240x64xf32, #tpu.memory_space<vmem_shared>>)
      %add3A_385 = arith.constant 8 : i32
      %add3A_386 = arith.addi %add3A_351, %add3A_385 : i32
      %lt3A_387 = arith.constant 80 : i32
      %lt3A_388 = arith.cmpi slt, %add3A_386, %lt3A_387 : i32
      %convert_element_type3A_389 = arith.extui %lt3A_388 : i1 to i32
      %cond3A_390 = arith.constant 0 : i32
      %cond3A_391 = arith.cmpi ne, %convert_element_type3A_389, %cond3A_390 : i32
      scf.if %cond3A_391 {
        %dma_start3A_476 = arith.constant 5 : i32
        %dma_start3A_477 = arith.constant 0 : i32
        %dma_start3A_478 = arith.constant 0 : i32
        %dma_start3A_479 = tpu.memref_slice %arg10[%dma_start3A_476, %dma_start3A_477, %dma_start3A_478] : memref<8x128x64xf32, #tpu.memory_space<vmem>> -> memref<1x128x64xf32, #tpu.memory_space<vmem>>
        %dma_start3A_480 = tpu.memref_squeeze %dma_start3A_479 : memref<1x128x64xf32, #tpu.memory_space<vmem>> -> memref<128x64xf32, #tpu.memory_space<vmem>>
        %dma_start3A_481 = arith.constant 0 : i32
        %dma_start3A_482 = tpu.memref_slice %arg8[%add3A_386, %dma_start3A_481] : memref<80x128xi32, #tpu.memory_space<vmem>> -> memref<1x128xi32, #tpu.memory_space<vmem>>
        %dma_start3A_483 = tpu.memref_squeeze %dma_start3A_482 : memref<1x128xi32, #tpu.memory_space<vmem>> -> memref<128xi32, #tpu.memory_space<vmem>>
        %dma_start3A_484 = arith.constant 0 : i32
        %dma_start3A_485 = arith.constant 0 : i32
        %dma_start3A_486 = tpu.memref_slice %arg2[%dma_start3A_484, %dma_start3A_485] : memref<10240x64xf32, #tpu.memory_space<hbm>> -> memref<10240x64xf32, #tpu.memory_space<hbm>>
        tpu.enqueue_indirect_dma source(%dma_start3A_486 : memref<10240x64xf32, #tpu.memory_space<hbm>>) target(%dma_start3A_480 : memref<128x64xf32, #tpu.memory_space<vmem>>) offsets(%dma_start3A_483 : memref<128xi32, #tpu.memory_space<vmem>>) semaphore(%arg17 : memref<!tpu.dma_semaphore, #tpu.memory_space<semaphore_mem>>)
      } else {
      }
      %add3A_392 = arith.constant 6 : i32
      %add3A_393 = arith.addi %mul3A_140, %add3A_392 : i32
      %dma_wait3A_394 = arith.constant 6 : i32
      %dma_wait3A_395 = arith.constant 0 : i32
      %dma_wait3A_396 = arith.constant 0 : i32
      %dma_wait3A_397 = tpu.memref_slice %arg10[%dma_wait3A_394, %dma_wait3A_395, %dma_wait3A_396] : memref<8x128x64xf32, #tpu.memory_space<vmem>> -> memref<1x128x64xf32, #tpu.memory_space<vmem>>
      %dma_wait3A_398 = tpu.memref_squeeze %dma_wait3A_397 : memref<1x128x64xf32, #tpu.memory_space<vmem>> -> memref<128x64xf32, #tpu.memory_space<vmem>>
      %dma_wait3A_399 = arith.constant 0 : i32
      %dma_wait3A_400 = tpu.memref_slice %arg8[%add3A_393, %dma_wait3A_399] : memref<80x128xi32, #tpu.memory_space<vmem>> -> memref<1x128xi32, #tpu.memory_space<vmem>>
      %dma_wait3A_401 = tpu.memref_squeeze %dma_wait3A_400 : memref<1x128xi32, #tpu.memory_space<vmem>> -> memref<128xi32, #tpu.memory_space<vmem>>
      %dma_wait3A_402 = arith.constant 0 : i32
      %dma_wait3A_403 = arith.constant 0 : i32
      %dma_wait3A_404 = tpu.memref_slice %arg2[%dma_wait3A_402, %dma_wait3A_403] : memref<10240x64xf32, #tpu.memory_space<hbm>> -> memref<10240x64xf32, #tpu.memory_space<hbm>>
      tpu.wait_indirect_dma semaphore(%arg18 : memref<!tpu.dma_semaphore, #tpu.memory_space<semaphore_mem>>) src(%dma_wait3A_404 : memref<10240x64xf32, #tpu.memory_space<hbm>>) dst(%dma_wait3A_398 : memref<128x64xf32, #tpu.memory_space<vmem>>)
      %dma_start3A_405 = arith.constant 6 : i32
      %dma_start3A_406 = arith.constant 0 : i32
      %dma_start3A_407 = arith.constant 0 : i32
      %dma_start3A_408 = tpu.memref_slice %arg10[%dma_start3A_405, %dma_start3A_406, %dma_start3A_407] : memref<8x128x64xf32, #tpu.memory_space<vmem>> -> memref<1x128x64xf32, #tpu.memory_space<vmem>>
      %dma_start3A_409 = tpu.memref_squeeze %dma_start3A_408 : memref<1x128x64xf32, #tpu.memory_space<vmem>> -> memref<128x64xf32, #tpu.memory_space<vmem>>
      %dma_start3A_410 = arith.constant 0 : i32
      %dma_start3A_411 = tpu.memref_slice %arg9[%add3A_393, %dma_start3A_410] : memref<80x128xi32, #tpu.memory_space<vmem>> -> memref<1x128xi32, #tpu.memory_space<vmem>>
      %dma_start3A_412 = tpu.memref_squeeze %dma_start3A_411 : memref<1x128xi32, #tpu.memory_space<vmem>> -> memref<128xi32, #tpu.memory_space<vmem>>
      %dma_start3A_413 = arith.constant 0 : i32
      %dma_start3A_414 = arith.constant 0 : i32
      %dma_start3A_415 = tpu.memref_slice %arg11[%dma_start3A_413, %dma_start3A_414] : memref<10240x64xf32, #tpu.memory_space<vmem_shared>> -> memref<10240x64xf32, #tpu.memory_space<vmem_shared>>
      tpu.enqueue_indirect_dma source(%dma_start3A_409 : memref<128x64xf32, #tpu.memory_space<vmem>>) target(%dma_start3A_415 : memref<10240x64xf32, #tpu.memory_space<vmem_shared>>) offsets(%dma_start3A_412 : memref<128xi32, #tpu.memory_space<vmem>>) semaphore(%arg26 : memref<!tpu.dma_semaphore, #tpu.memory_space<semaphore_mem>>) {add = true}
      %dma_wait3A_416 = arith.constant 6 : i32
      %dma_wait3A_417 = arith.constant 0 : i32
      %dma_wait3A_418 = arith.constant 0 : i32
      %dma_wait3A_419 = tpu.memref_slice %arg10[%dma_wait3A_416, %dma_wait3A_417, %dma_wait3A_418] : memref<8x128x64xf32, #tpu.memory_space<vmem>> -> memref<1x128x64xf32, #tpu.memory_space<vmem>>
      %dma_wait3A_420 = tpu.memref_squeeze %dma_wait3A_419 : memref<1x128x64xf32, #tpu.memory_space<vmem>> -> memref<128x64xf32, #tpu.memory_space<vmem>>
      %dma_wait3A_421 = arith.constant 0 : i32
      %dma_wait3A_422 = tpu.memref_slice %arg9[%add3A_393, %dma_wait3A_421] : memref<80x128xi32, #tpu.memory_space<vmem>> -> memref<1x128xi32, #tpu.memory_space<vmem>>
      %dma_wait3A_423 = tpu.memref_squeeze %dma_wait3A_422 : memref<1x128xi32, #tpu.memory_space<vmem>> -> memref<128xi32, #tpu.memory_space<vmem>>
      %dma_wait3A_424 = arith.constant 0 : i32
      %dma_wait3A_425 = arith.constant 0 : i32
      %dma_wait3A_426 = tpu.memref_slice %arg11[%dma_wait3A_424, %dma_wait3A_425] : memref<10240x64xf32, #tpu.memory_space<vmem_shared>> -> memref<10240x64xf32, #tpu.memory_space<vmem_shared>>
      tpu.wait_indirect_dma semaphore(%arg26 : memref<!tpu.dma_semaphore, #tpu.memory_space<semaphore_mem>>) src(%dma_wait3A_420 : memref<128x64xf32, #tpu.memory_space<vmem>>) dst(%dma_wait3A_426 : memref<10240x64xf32, #tpu.memory_space<vmem_shared>>)
      %add3A_427 = arith.constant 8 : i32
      %add3A_428 = arith.addi %add3A_393, %add3A_427 : i32
      %lt3A_429 = arith.constant 80 : i32
      %lt3A_430 = arith.cmpi slt, %add3A_428, %lt3A_429 : i32
      %convert_element_type3A_431 = arith.extui %lt3A_430 : i1 to i32
      %cond3A_432 = arith.constant 0 : i32
      %cond3A_433 = arith.cmpi ne, %convert_element_type3A_431, %cond3A_432 : i32
      scf.if %cond3A_433 {
        %dma_start3A_476 = arith.constant 6 : i32
        %dma_start3A_477 = arith.constant 0 : i32
        %dma_start3A_478 = arith.constant 0 : i32
        %dma_start3A_479 = tpu.memref_slice %arg10[%dma_start3A_476, %dma_start3A_477, %dma_start3A_478] : memref<8x128x64xf32, #tpu.memory_space<vmem>> -> memref<1x128x64xf32, #tpu.memory_space<vmem>>
        %dma_start3A_480 = tpu.memref_squeeze %dma_start3A_479 : memref<1x128x64xf32, #tpu.memory_space<vmem>> -> memref<128x64xf32, #tpu.memory_space<vmem>>
        %dma_start3A_481 = arith.constant 0 : i32
        %dma_start3A_482 = tpu.memref_slice %arg8[%add3A_428, %dma_start3A_481] : memref<80x128xi32, #tpu.memory_space<vmem>> -> memref<1x128xi32, #tpu.memory_space<vmem>>
        %dma_start3A_483 = tpu.memref_squeeze %dma_start3A_482 : memref<1x128xi32, #tpu.memory_space<vmem>> -> memref<128xi32, #tpu.memory_space<vmem>>
        %dma_start3A_484 = arith.constant 0 : i32
        %dma_start3A_485 = arith.constant 0 : i32
        %dma_start3A_486 = tpu.memref_slice %arg2[%dma_start3A_484, %dma_start3A_485] : memref<10240x64xf32, #tpu.memory_space<hbm>> -> memref<10240x64xf32, #tpu.memory_space<hbm>>
        tpu.enqueue_indirect_dma source(%dma_start3A_486 : memref<10240x64xf32, #tpu.memory_space<hbm>>) target(%dma_start3A_480 : memref<128x64xf32, #tpu.memory_space<vmem>>) offsets(%dma_start3A_483 : memref<128xi32, #tpu.memory_space<vmem>>) semaphore(%arg18 : memref<!tpu.dma_semaphore, #tpu.memory_space<semaphore_mem>>)
      } else {
      }
      %add3A_434 = arith.constant 7 : i32
      %add3A_435 = arith.addi %mul3A_140, %add3A_434 : i32
      %dma_wait3A_436 = arith.constant 7 : i32
      %dma_wait3A_437 = arith.constant 0 : i32
      %dma_wait3A_438 = arith.constant 0 : i32
      %dma_wait3A_439 = tpu.memref_slice %arg10[%dma_wait3A_436, %dma_wait3A_437, %dma_wait3A_438] : memref<8x128x64xf32, #tpu.memory_space<vmem>> -> memref<1x128x64xf32, #tpu.memory_space<vmem>>
      %dma_wait3A_440 = tpu.memref_squeeze %dma_wait3A_439 : memref<1x128x64xf32, #tpu.memory_space<vmem>> -> memref<128x64xf32, #tpu.memory_space<vmem>>
      %dma_wait3A_441 = arith.constant 0 : i32
      %dma_wait3A_442 = tpu.memref_slice %arg8[%add3A_435, %dma_wait3A_441] : memref<80x128xi32, #tpu.memory_space<vmem>> -> memref<1x128xi32, #tpu.memory_space<vmem>>
      %dma_wait3A_443 = tpu.memref_squeeze %dma_wait3A_442 : memref<1x128xi32, #tpu.memory_space<vmem>> -> memref<128xi32, #tpu.memory_space<vmem>>
      %dma_wait3A_444 = arith.constant 0 : i32
      %dma_wait3A_445 = arith.constant 0 : i32
      %dma_wait3A_446 = tpu.memref_slice %arg2[%dma_wait3A_444, %dma_wait3A_445] : memref<10240x64xf32, #tpu.memory_space<hbm>> -> memref<10240x64xf32, #tpu.memory_space<hbm>>
      tpu.wait_indirect_dma semaphore(%arg19 : memref<!tpu.dma_semaphore, #tpu.memory_space<semaphore_mem>>) src(%dma_wait3A_446 : memref<10240x64xf32, #tpu.memory_space<hbm>>) dst(%dma_wait3A_440 : memref<128x64xf32, #tpu.memory_space<vmem>>)
      %dma_start3A_447 = arith.constant 7 : i32
      %dma_start3A_448 = arith.constant 0 : i32
      %dma_start3A_449 = arith.constant 0 : i32
      %dma_start3A_450 = tpu.memref_slice %arg10[%dma_start3A_447, %dma_start3A_448, %dma_start3A_449] : memref<8x128x64xf32, #tpu.memory_space<vmem>> -> memref<1x128x64xf32, #tpu.memory_space<vmem>>
      %dma_start3A_451 = tpu.memref_squeeze %dma_start3A_450 : memref<1x128x64xf32, #tpu.memory_space<vmem>> -> memref<128x64xf32, #tpu.memory_space<vmem>>
      %dma_start3A_452 = arith.constant 0 : i32
      %dma_start3A_453 = tpu.memref_slice %arg9[%add3A_435, %dma_start3A_452] : memref<80x128xi32, #tpu.memory_space<vmem>> -> memref<1x128xi32, #tpu.memory_space<vmem>>
      %dma_start3A_454 = tpu.memref_squeeze %dma_start3A_453 : memref<1x128xi32, #tpu.memory_space<vmem>> -> memref<128xi32, #tpu.memory_space<vmem>>
      %dma_start3A_455 = arith.constant 0 : i32
      %dma_start3A_456 = arith.constant 0 : i32
      %dma_start3A_457 = tpu.memref_slice %arg11[%dma_start3A_455, %dma_start3A_456] : memref<10240x64xf32, #tpu.memory_space<vmem_shared>> -> memref<10240x64xf32, #tpu.memory_space<vmem_shared>>
      tpu.enqueue_indirect_dma source(%dma_start3A_451 : memref<128x64xf32, #tpu.memory_space<vmem>>) target(%dma_start3A_457 : memref<10240x64xf32, #tpu.memory_space<vmem_shared>>) offsets(%dma_start3A_454 : memref<128xi32, #tpu.memory_space<vmem>>) semaphore(%arg27 : memref<!tpu.dma_semaphore, #tpu.memory_space<semaphore_mem>>) {add = true}
      %dma_wait3A_458 = arith.constant 7 : i32
      %dma_wait3A_459 = arith.constant 0 : i32
      %dma_wait3A_460 = arith.constant 0 : i32
      %dma_wait3A_461 = tpu.memref_slice %arg10[%dma_wait3A_458, %dma_wait3A_459, %dma_wait3A_460] : memref<8x128x64xf32, #tpu.memory_space<vmem>> -> memref<1x128x64xf32, #tpu.memory_space<vmem>>
      %dma_wait3A_462 = tpu.memref_squeeze %dma_wait3A_461 : memref<1x128x64xf32, #tpu.memory_space<vmem>> -> memref<128x64xf32, #tpu.memory_space<vmem>>
      %dma_wait3A_463 = arith.constant 0 : i32
      %dma_wait3A_464 = tpu.memref_slice %arg9[%add3A_435, %dma_wait3A_463] : memref<80x128xi32, #tpu.memory_space<vmem>> -> memref<1x128xi32, #tpu.memory_space<vmem>>
      %dma_wait3A_465 = tpu.memref_squeeze %dma_wait3A_464 : memref<1x128xi32, #tpu.memory_space<vmem>> -> memref<128xi32, #tpu.memory_space<vmem>>
      %dma_wait3A_466 = arith.constant 0 : i32
      %dma_wait3A_467 = arith.constant 0 : i32
      %dma_wait3A_468 = tpu.memref_slice %arg11[%dma_wait3A_466, %dma_wait3A_467] : memref<10240x64xf32, #tpu.memory_space<vmem_shared>> -> memref<10240x64xf32, #tpu.memory_space<vmem_shared>>
      tpu.wait_indirect_dma semaphore(%arg27 : memref<!tpu.dma_semaphore, #tpu.memory_space<semaphore_mem>>) src(%dma_wait3A_462 : memref<128x64xf32, #tpu.memory_space<vmem>>) dst(%dma_wait3A_468 : memref<10240x64xf32, #tpu.memory_space<vmem_shared>>)
      %add3A_469 = arith.constant 8 : i32
      %add3A_470 = arith.addi %add3A_435, %add3A_469 : i32
      %lt3A_471 = arith.constant 80 : i32
      %lt3A_472 = arith.cmpi slt, %add3A_470, %lt3A_471 : i32
      %convert_element_type3A_473 = arith.extui %lt3A_472 : i1 to i32
      %cond3A_474 = arith.constant 0 : i32
      %cond3A_475 = arith.cmpi ne, %convert_element_type3A_473, %cond3A_474 : i32
      scf.if %cond3A_475 {
        %dma_start3A_476 = arith.constant 7 : i32
        %dma_start3A_477 = arith.constant 0 : i32
        %dma_start3A_478 = arith.constant 0 : i32
        %dma_start3A_479 = tpu.memref_slice %arg10[%dma_start3A_476, %dma_start3A_477, %dma_start3A_478] : memref<8x128x64xf32, #tpu.memory_space<vmem>> -> memref<1x128x64xf32, #tpu.memory_space<vmem>>
        %dma_start3A_480 = tpu.memref_squeeze %dma_start3A_479 : memref<1x128x64xf32, #tpu.memory_space<vmem>> -> memref<128x64xf32, #tpu.memory_space<vmem>>
        %dma_start3A_481 = arith.constant 0 : i32
        %dma_start3A_482 = tpu.memref_slice %arg8[%add3A_470, %dma_start3A_481] : memref<80x128xi32, #tpu.memory_space<vmem>> -> memref<1x128xi32, #tpu.memory_space<vmem>>
        %dma_start3A_483 = tpu.memref_squeeze %dma_start3A_482 : memref<1x128xi32, #tpu.memory_space<vmem>> -> memref<128xi32, #tpu.memory_space<vmem>>
        %dma_start3A_484 = arith.constant 0 : i32
        %dma_start3A_485 = arith.constant 0 : i32
        %dma_start3A_486 = tpu.memref_slice %arg2[%dma_start3A_484, %dma_start3A_485] : memref<10240x64xf32, #tpu.memory_space<hbm>> -> memref<10240x64xf32, #tpu.memory_space<hbm>>
        tpu.enqueue_indirect_dma source(%dma_start3A_486 : memref<10240x64xf32, #tpu.memory_space<hbm>>) target(%dma_start3A_480 : memref<128x64xf32, #tpu.memory_space<vmem>>) offsets(%dma_start3A_483 : memref<128xi32, #tpu.memory_space<vmem>>) semaphore(%arg19 : memref<!tpu.dma_semaphore, #tpu.memory_space<semaphore_mem>>)
      } else {
      }
    }
    %scan3A_129 = arith.constant 10 : i32
    %barrier3A_130 = arith.constant 0 : index
    tpu.barrier barrier_id(%barrier3A_130)
    %eq3A = arith.constant 0 : i32
    %eq3A_131 = arith.cmpi eq, %arg0, %eq3A : i32
    %convert_element_type3A = arith.extui %eq3A_131 : i1 to i32
    %cond3A = arith.constant 0 : i32
    %cond3A_132 = arith.cmpi ne, %convert_element_type3A, %cond3A : i32
    scf.if %cond3A_132 {
      "tpu.region"() ({
        %run_scoped3A = tpu.sem_alloc : memref<!tpu.dma_semaphore, #tpu.memory_space<semaphore_mem>>
        %dma_start3A_138 = arith.constant 0 : i32
        %dma_start3A_139 = tpu.memref_slice %arg6[%mul3A_2, %dma_start3A_138] : memref<10240x64xf32, #tpu.memory_space<hbm>> -> memref<640x64xf32, #tpu.memory_space<hbm>>
        %dma_start3A_140 = arith.constant 0 : i32
        %dma_start3A_141 = tpu.memref_slice %arg11[%mul3A_2, %dma_start3A_140] : memref<10240x64xf32, #tpu.memory_space<vmem_shared>> -> memref<640x64xf32, #tpu.memory_space<vmem_shared>>
        tpu.enqueue_dma source(%dma_start3A_141 : memref<640x64xf32, #tpu.memory_space<vmem_shared>>) target(%dma_start3A_139 : memref<640x64xf32, #tpu.memory_space<hbm>>) target_semaphore(%run_scoped3A : memref<!tpu.dma_semaphore, #tpu.memory_space<semaphore_mem>>)
        %dma_wait3A_142 = arith.constant 0 : i32
        %dma_wait3A_143 = tpu.memref_slice %arg6[%mul3A_2, %dma_wait3A_142] : memref<10240x64xf32, #tpu.memory_space<hbm>> -> memref<640x64xf32, #tpu.memory_space<hbm>>
        %dma_wait3A_144 = arith.constant 0 : i32
        %dma_wait3A_145 = tpu.memref_slice %arg11[%mul3A_2, %dma_wait3A_144] : memref<10240x64xf32, #tpu.memory_space<vmem_shared>> -> memref<640x64xf32, #tpu.memory_space<vmem_shared>>
        tpu.wait_dma2 semaphore(%run_scoped3A : memref<!tpu.dma_semaphore, #tpu.memory_space<semaphore_mem>>) src(%dma_wait3A_145 : memref<640x64xf32, #tpu.memory_space<vmem_shared>>) dst(%dma_wait3A_143 : memref<640x64xf32, #tpu.memory_space<hbm>>)
        tpu.yield
      }) : () -> ()
    } else {
    }
    %eq3A_133 = arith.constant 1 : i32
    %eq3A_134 = arith.cmpi eq, %arg0, %eq3A_133 : i32
    %convert_element_type3A_135 = arith.extui %eq3A_134 : i1 to i32
    %cond3A_136 = arith.constant 0 : i32
    %cond3A_137 = arith.cmpi ne, %convert_element_type3A_135, %cond3A_136 : i32
    scf.if %cond3A_137 {
      "tpu.region"() ({
        %run_scoped3A = tpu.sem_alloc : memref<!tpu.dma_semaphore, #tpu.memory_space<semaphore_mem>>
        %dma_start3A_138 = arith.constant 0 : i32
        %dma_start3A_139 = tpu.memref_slice %arg7[%mul3A_2, %dma_start3A_138] : memref<10240x64xf32, #tpu.memory_space<hbm>> -> memref<640x64xf32, #tpu.memory_space<hbm>>
        %dma_start3A_140 = arith.constant 0 : i32
        %dma_start3A_141 = tpu.memref_slice %arg11[%mul3A_2, %dma_start3A_140] : memref<10240x64xf32, #tpu.memory_space<vmem_shared>> -> memref<640x64xf32, #tpu.memory_space<vmem_shared>>
        tpu.enqueue_dma source(%dma_start3A_141 : memref<640x64xf32, #tpu.memory_space<vmem_shared>>) target(%dma_start3A_139 : memref<640x64xf32, #tpu.memory_space<hbm>>) target_semaphore(%run_scoped3A : memref<!tpu.dma_semaphore, #tpu.memory_space<semaphore_mem>>)
        %dma_wait3A_142 = arith.constant 0 : i32
        %dma_wait3A_143 = tpu.memref_slice %arg7[%mul3A_2, %dma_wait3A_142] : memref<10240x64xf32, #tpu.memory_space<hbm>> -> memref<640x64xf32, #tpu.memory_space<hbm>>
        %dma_wait3A_144 = arith.constant 0 : i32
        %dma_wait3A_145 = tpu.memref_slice %arg11[%mul3A_2, %dma_wait3A_144] : memref<10240x64xf32, #tpu.memory_space<vmem_shared>> -> memref<640x64xf32, #tpu.memory_space<vmem_shared>>
        tpu.wait_dma2 semaphore(%run_scoped3A : memref<!tpu.dma_semaphore, #tpu.memory_space<semaphore_mem>>) src(%dma_wait3A_145 : memref<640x64xf32, #tpu.memory_space<vmem_shared>>) dst(%dma_wait3A_143 : memref<640x64xf32, #tpu.memory_space<hbm>>)
        tpu.yield
      }) : () -> ()
    } else {
    }
    return
  }
}

#map = affine_map<(d0, d1) -> (0, 0)>
module attributes {stable_mosaic.version = 14 : i64} {
  func.func @_sc_deg_body(%arg0: i32, %arg1: i32, %arg2: memref<2560x128xi32, #tpu.memory_space<hbm>>, %arg3: memref<10240x16xf32, #tpu.memory_space<hbm>>, %arg4: memref<128x16xf32, #tpu.memory_space<hbm>>, %arg5: memref<10240x16xf32, #tpu.memory_space<hbm>>, %arg6: memref<10240x16xf32, #tpu.memory_space<hbm>>, %arg7: memref<80x128xi32, #tpu.memory_space<vmem>>, %arg8: memref<128x16xf32, #tpu.memory_space<vmem>>, %arg9: memref<10240x16xf32, #tpu.memory_space<vmem_shared>>, %arg10: memref<!tpu.dma_semaphore, #tpu.memory_space<semaphore_mem>>) attributes {dimension_semantics = [#tpu.dimension_semantics<core_parallel>, #tpu.dimension_semantics<subcore_parallel>], iteration_bounds = array<i64: 2, 16>, scalar_prefetch = 0 : i64, scratch_operands = 4 : i64, tpu.core_type = #tpu.core_type<sc_vector_subcore>, window_params = [{transform_indices = #map}, {transform_indices = #map}, {transform_indices = #map}, {transform_indices = #map}, {transform_indices = #map}]} {
    %mul3A = arith.constant 2 : i32
    %mul3A_0 = arith.muli %arg1, %mul3A : i32
    %add3A = arith.addi %mul3A_0, %arg0 : i32
    %mul3A_1 = arith.constant 640 : i32
    %mul3A_2 = arith.muli %arg1, %mul3A_1 : i32
    "tpu.region"() ({
      %run_scoped3A = tpu.sem_alloc : memref<!tpu.dma_semaphore, #tpu.memory_space<semaphore_mem>>
      %dma_start3A = arith.constant 0 : i32
      %dma_start3A_18 = tpu.memref_slice %arg9[%mul3A_2, %dma_start3A] : memref<10240x16xf32, #tpu.memory_space<vmem_shared>> -> memref<640x16xf32, #tpu.memory_space<vmem_shared>>
      %dma_start3A_19 = arith.constant 0 : i32
      %dma_start3A_20 = tpu.memref_slice %arg3[%mul3A_2, %dma_start3A_19] : memref<10240x16xf32, #tpu.memory_space<hbm>> -> memref<640x16xf32, #tpu.memory_space<hbm>>
      tpu.enqueue_dma source(%dma_start3A_20 : memref<640x16xf32, #tpu.memory_space<hbm>>) target(%dma_start3A_18 : memref<640x16xf32, #tpu.memory_space<vmem_shared>>) target_semaphore(%run_scoped3A : memref<!tpu.dma_semaphore, #tpu.memory_space<semaphore_mem>>)
      %dma_wait3A = arith.constant 0 : i32
      %dma_wait3A_21 = tpu.memref_slice %arg9[%mul3A_2, %dma_wait3A] : memref<10240x16xf32, #tpu.memory_space<vmem_shared>> -> memref<640x16xf32, #tpu.memory_space<vmem_shared>>
      %dma_wait3A_22 = arith.constant 0 : i32
      %dma_wait3A_23 = tpu.memref_slice %arg3[%mul3A_2, %dma_wait3A_22] : memref<10240x16xf32, #tpu.memory_space<hbm>> -> memref<640x16xf32, #tpu.memory_space<hbm>>
      tpu.wait_dma2 semaphore(%run_scoped3A : memref<!tpu.dma_semaphore, #tpu.memory_space<semaphore_mem>>) src(%dma_wait3A_23 : memref<640x16xf32, #tpu.memory_space<hbm>>) dst(%dma_wait3A_21 : memref<640x16xf32, #tpu.memory_space<vmem_shared>>)
      tpu.yield
    }) : () -> ()
    "tpu.region"() ({
      %run_scoped3A = tpu.sem_alloc : memref<!tpu.dma_semaphore, #tpu.memory_space<semaphore_mem>>
      tpu.enqueue_dma source(%arg4 : memref<128x16xf32, #tpu.memory_space<hbm>>) target(%arg8 : memref<128x16xf32, #tpu.memory_space<vmem>>) target_semaphore(%run_scoped3A : memref<!tpu.dma_semaphore, #tpu.memory_space<semaphore_mem>>)
      tpu.wait_dma2 semaphore(%run_scoped3A : memref<!tpu.dma_semaphore, #tpu.memory_space<semaphore_mem>>) src(%arg4 : memref<128x16xf32, #tpu.memory_space<hbm>>) dst(%arg8 : memref<128x16xf32, #tpu.memory_space<vmem>>)
      tpu.yield
    }) : () -> ()
    %mul3A_3 = arith.constant 80 : i32
    %mul3A_4 = arith.muli %add3A, %mul3A_3 : i32
    "tpu.region"() ({
      %run_scoped3A = tpu.sem_alloc : memref<!tpu.dma_semaphore, #tpu.memory_space<semaphore_mem>>
      %dma_start3A = arith.constant 0 : i32
      %dma_start3A_18 = tpu.memref_slice %arg2[%mul3A_4, %dma_start3A] : memref<2560x128xi32, #tpu.memory_space<hbm>> -> memref<80x128xi32, #tpu.memory_space<hbm>>
      %dma_start3A_19 = arith.constant 0 : i32
      %dma_start3A_20 = tpu.memref_slice %arg2[%mul3A_4, %dma_start3A_19] : memref<2560x128xi32, #tpu.memory_space<hbm>> -> memref<80x128xi32, #tpu.memory_space<hbm>>
      tpu.enqueue_dma source(%dma_start3A_20 : memref<80x128xi32, #tpu.memory_space<hbm>>) target(%arg7 : memref<80x128xi32, #tpu.memory_space<vmem>>) target_semaphore(%run_scoped3A : memref<!tpu.dma_semaphore, #tpu.memory_space<semaphore_mem>>)
      %dma_wait3A = arith.constant 0 : i32
      %dma_wait3A_21 = tpu.memref_slice %arg2[%mul3A_4, %dma_wait3A] : memref<2560x128xi32, #tpu.memory_space<hbm>> -> memref<80x128xi32, #tpu.memory_space<hbm>>
      %dma_wait3A_22 = arith.constant 0 : i32
      %dma_wait3A_23 = tpu.memref_slice %arg2[%mul3A_4, %dma_wait3A_22] : memref<2560x128xi32, #tpu.memory_space<hbm>> -> memref<80x128xi32, #tpu.memory_space<hbm>>
      tpu.wait_dma2 semaphore(%run_scoped3A : memref<!tpu.dma_semaphore, #tpu.memory_space<semaphore_mem>>) src(%dma_wait3A_23 : memref<80x128xi32, #tpu.memory_space<hbm>>) dst(%arg7 : memref<80x128xi32, #tpu.memory_space<vmem>>)
      tpu.yield
    }) : () -> ()
    %barrier3A = arith.constant 0 : index
    tpu.barrier barrier_id(%barrier3A)
    %scan3A = arith.constant 0 : i32
    %scan3A_5 = arith.constant 0 : i32
    %scan3A_6 = arith.constant 5 : i32
    %scan3A_7 = arith.addi %scan3A_5, %scan3A_6 : i32
    %scan3A_8 = arith.constant 1 : i32
    scf.for %scan3A_18 = %scan3A_5 to %scan3A_7 step %scan3A_8  : i32 {
      %mul3A_19 = arith.constant 16 : i32
      %mul3A_20 = arith.muli %scan3A_18, %mul3A_19 : i32
      %add3A_21 = arith.constant 16 : i32
      %add3A_22 = arith.addi %mul3A_20, %add3A_21 : i32
      %while3A = arith.constant 0 : i32
      %while3A_23 = arith.subi %add3A_22, %mul3A_20 : i32
      %while3A_24 = arith.addi %mul3A_20, %while3A_23 : i32
      %while3A_25 = arith.constant 1 : i32
      %while3A_26 = arith.divsi %while3A_23, %while3A_25 : i32
      %while3A_27 = arith.muli %while3A_26, %while3A_25 : i32
      %while3A_28 = arith.addi %mul3A_20, %while3A_27 : i32
      %while3A_29 = arith.constant 1 : i32
      scf.for %while3A_42 = %mul3A_20 to %while3A_28 step %while3A_29  : i32 {
        %dma_start3A = arith.constant 0 : i32
        %dma_start3A_43 = tpu.memref_slice %arg7[%while3A_42, %dma_start3A] : memref<80x128xi32, #tpu.memory_space<vmem>> -> memref<1x128xi32, #tpu.memory_space<vmem>>
        %dma_start3A_44 = tpu.memref_squeeze %dma_start3A_43 : memref<1x128xi32, #tpu.memory_space<vmem>> -> memref<128xi32, #tpu.memory_space<vmem>>
        %dma_start3A_45 = arith.constant 0 : i32
        %dma_start3A_46 = arith.constant 0 : i32
        %dma_start3A_47 = tpu.memref_slice %arg9[%dma_start3A_45, %dma_start3A_46] : memref<10240x16xf32, #tpu.memory_space<vmem_shared>> -> memref<10240x16xf32, #tpu.memory_space<vmem_shared>>
        tpu.enqueue_indirect_dma source(%arg8 : memref<128x16xf32, #tpu.memory_space<vmem>>) target(%dma_start3A_47 : memref<10240x16xf32, #tpu.memory_space<vmem_shared>>) offsets(%dma_start3A_44 : memref<128xi32, #tpu.memory_space<vmem>>) semaphore(%arg10 : memref<!tpu.dma_semaphore, #tpu.memory_space<semaphore_mem>>) {add = true}
      }
      %while3A_30 = arith.constant 1 : i32
      scf.for %while3A_42 = %while3A_28 to %while3A_24 step %while3A_30  : i32 {
        %dma_start3A = arith.constant 0 : i32
        %dma_start3A_43 = tpu.memref_slice %arg7[%while3A_42, %dma_start3A] : memref<80x128xi32, #tpu.memory_space<vmem>> -> memref<1x128xi32, #tpu.memory_space<vmem>>
        %dma_start3A_44 = tpu.memref_squeeze %dma_start3A_43 : memref<1x128xi32, #tpu.memory_space<vmem>> -> memref<128xi32, #tpu.memory_space<vmem>>
        %dma_start3A_45 = arith.constant 0 : i32
        %dma_start3A_46 = arith.constant 0 : i32
        %dma_start3A_47 = tpu.memref_slice %arg9[%dma_start3A_45, %dma_start3A_46] : memref<10240x16xf32, #tpu.memory_space<vmem_shared>> -> memref<10240x16xf32, #tpu.memory_space<vmem_shared>>
        tpu.enqueue_indirect_dma source(%arg8 : memref<128x16xf32, #tpu.memory_space<vmem>>) target(%dma_start3A_47 : memref<10240x16xf32, #tpu.memory_space<vmem_shared>>) offsets(%dma_start3A_44 : memref<128xi32, #tpu.memory_space<vmem>>) semaphore(%arg10 : memref<!tpu.dma_semaphore, #tpu.memory_space<semaphore_mem>>) {add = true}
      }
      %add3A_31 = arith.constant 16 : i32
      %add3A_32 = arith.addi %mul3A_20, %add3A_31 : i32
      %while3A_33 = arith.constant 0 : i32
      %while3A_34 = arith.subi %add3A_32, %mul3A_20 : i32
      %while3A_35 = arith.addi %mul3A_20, %while3A_34 : i32
      %while3A_36 = arith.constant 1 : i32
      %while3A_37 = arith.divsi %while3A_34, %while3A_36 : i32
      %while3A_38 = arith.muli %while3A_37, %while3A_36 : i32
      %while3A_39 = arith.addi %mul3A_20, %while3A_38 : i32
      %while3A_40 = arith.constant 1 : i32
      scf.for %while3A_42 = %mul3A_20 to %while3A_39 step %while3A_40  : i32 {
        %dma_wait3A = arith.constant 0 : i32
        %dma_wait3A_43 = tpu.memref_slice %arg7[%while3A_42, %dma_wait3A] : memref<80x128xi32, #tpu.memory_space<vmem>> -> memref<1x128xi32, #tpu.memory_space<vmem>>
        %dma_wait3A_44 = tpu.memref_squeeze %dma_wait3A_43 : memref<1x128xi32, #tpu.memory_space<vmem>> -> memref<128xi32, #tpu.memory_space<vmem>>
        %dma_wait3A_45 = arith.constant 0 : i32
        %dma_wait3A_46 = arith.constant 0 : i32
        %dma_wait3A_47 = tpu.memref_slice %arg9[%dma_wait3A_45, %dma_wait3A_46] : memref<10240x16xf32, #tpu.memory_space<vmem_shared>> -> memref<10240x16xf32, #tpu.memory_space<vmem_shared>>
        tpu.wait_indirect_dma semaphore(%arg10 : memref<!tpu.dma_semaphore, #tpu.memory_space<semaphore_mem>>) src(%arg8 : memref<128x16xf32, #tpu.memory_space<vmem>>) dst(%dma_wait3A_47 : memref<10240x16xf32, #tpu.memory_space<vmem_shared>>)
      }
      %while3A_41 = arith.constant 1 : i32
      scf.for %while3A_42 = %while3A_39 to %while3A_35 step %while3A_41  : i32 {
        %dma_wait3A = arith.constant 0 : i32
        %dma_wait3A_43 = tpu.memref_slice %arg7[%while3A_42, %dma_wait3A] : memref<80x128xi32, #tpu.memory_space<vmem>> -> memref<1x128xi32, #tpu.memory_space<vmem>>
        %dma_wait3A_44 = tpu.memref_squeeze %dma_wait3A_43 : memref<1x128xi32, #tpu.memory_space<vmem>> -> memref<128xi32, #tpu.memory_space<vmem>>
        %dma_wait3A_45 = arith.constant 0 : i32
        %dma_wait3A_46 = arith.constant 0 : i32
        %dma_wait3A_47 = tpu.memref_slice %arg9[%dma_wait3A_45, %dma_wait3A_46] : memref<10240x16xf32, #tpu.memory_space<vmem_shared>> -> memref<10240x16xf32, #tpu.memory_space<vmem_shared>>
        tpu.wait_indirect_dma semaphore(%arg10 : memref<!tpu.dma_semaphore, #tpu.memory_space<semaphore_mem>>) src(%arg8 : memref<128x16xf32, #tpu.memory_space<vmem>>) dst(%dma_wait3A_47 : memref<10240x16xf32, #tpu.memory_space<vmem_shared>>)
      }
    }
    %scan3A_9 = arith.constant 5 : i32
    %barrier3A_10 = arith.constant 0 : index
    tpu.barrier barrier_id(%barrier3A_10)
    %eq3A = arith.constant 0 : i32
    %eq3A_11 = arith.cmpi eq, %arg0, %eq3A : i32
    %convert_element_type3A = arith.extui %eq3A_11 : i1 to i32
    %cond3A = arith.constant 0 : i32
    %cond3A_12 = arith.cmpi ne, %convert_element_type3A, %cond3A : i32
    scf.if %cond3A_12 {
      "tpu.region"() ({
        %run_scoped3A = tpu.sem_alloc : memref<!tpu.dma_semaphore, #tpu.memory_space<semaphore_mem>>
        %dma_start3A = arith.constant 0 : i32
        %dma_start3A_18 = tpu.memref_slice %arg5[%mul3A_2, %dma_start3A] : memref<10240x16xf32, #tpu.memory_space<hbm>> -> memref<640x16xf32, #tpu.memory_space<hbm>>
        %dma_start3A_19 = arith.constant 0 : i32
        %dma_start3A_20 = tpu.memref_slice %arg9[%mul3A_2, %dma_start3A_19] : memref<10240x16xf32, #tpu.memory_space<vmem_shared>> -> memref<640x16xf32, #tpu.memory_space<vmem_shared>>
        tpu.enqueue_dma source(%dma_start3A_20 : memref<640x16xf32, #tpu.memory_space<vmem_shared>>) target(%dma_start3A_18 : memref<640x16xf32, #tpu.memory_space<hbm>>) target_semaphore(%run_scoped3A : memref<!tpu.dma_semaphore, #tpu.memory_space<semaphore_mem>>)
        %dma_wait3A = arith.constant 0 : i32
        %dma_wait3A_21 = tpu.memref_slice %arg5[%mul3A_2, %dma_wait3A] : memref<10240x16xf32, #tpu.memory_space<hbm>> -> memref<640x16xf32, #tpu.memory_space<hbm>>
        %dma_wait3A_22 = arith.constant 0 : i32
        %dma_wait3A_23 = tpu.memref_slice %arg9[%mul3A_2, %dma_wait3A_22] : memref<10240x16xf32, #tpu.memory_space<vmem_shared>> -> memref<640x16xf32, #tpu.memory_space<vmem_shared>>
        tpu.wait_dma2 semaphore(%run_scoped3A : memref<!tpu.dma_semaphore, #tpu.memory_space<semaphore_mem>>) src(%dma_wait3A_23 : memref<640x16xf32, #tpu.memory_space<vmem_shared>>) dst(%dma_wait3A_21 : memref<640x16xf32, #tpu.memory_space<hbm>>)
        tpu.yield
      }) : () -> ()
    } else {
    }
    %eq3A_13 = arith.constant 1 : i32
    %eq3A_14 = arith.cmpi eq, %arg0, %eq3A_13 : i32
    %convert_element_type3A_15 = arith.extui %eq3A_14 : i1 to i32
    %cond3A_16 = arith.constant 0 : i32
    %cond3A_17 = arith.cmpi ne, %convert_element_type3A_15, %cond3A_16 : i32
    scf.if %cond3A_17 {
      "tpu.region"() ({
        %run_scoped3A = tpu.sem_alloc : memref<!tpu.dma_semaphore, #tpu.memory_space<semaphore_mem>>
        %dma_start3A = arith.constant 0 : i32
        %dma_start3A_18 = tpu.memref_slice %arg6[%mul3A_2, %dma_start3A] : memref<10240x16xf32, #tpu.memory_space<hbm>> -> memref<640x16xf32, #tpu.memory_space<hbm>>
        %dma_start3A_19 = arith.constant 0 : i32
        %dma_start3A_20 = tpu.memref_slice %arg9[%mul3A_2, %dma_start3A_19] : memref<10240x16xf32, #tpu.memory_space<vmem_shared>> -> memref<640x16xf32, #tpu.memory_space<vmem_shared>>
        tpu.enqueue_dma source(%dma_start3A_20 : memref<640x16xf32, #tpu.memory_space<vmem_shared>>) target(%dma_start3A_18 : memref<640x16xf32, #tpu.memory_space<hbm>>) target_semaphore(%run_scoped3A : memref<!tpu.dma_semaphore, #tpu.memory_space<semaphore_mem>>)
        %dma_wait3A = arith.constant 0 : i32
        %dma_wait3A_21 = tpu.memref_slice %arg6[%mul3A_2, %dma_wait3A] : memref<10240x16xf32, #tpu.memory_space<hbm>> -> memref<640x16xf32, #tpu.memory_space<hbm>>
        %dma_wait3A_22 = arith.constant 0 : i32
        %dma_wait3A_23 = tpu.memref_slice %arg9[%mul3A_2, %dma_wait3A_22] : memref<10240x16xf32, #tpu.memory_space<vmem_shared>> -> memref<640x16xf32, #tpu.memory_space<vmem_shared>>
        tpu.wait_dma2 semaphore(%run_scoped3A : memref<!tpu.dma_semaphore, #tpu.memory_space<semaphore_mem>>) src(%dma_wait3A_23 : memref<640x16xf32, #tpu.memory_space<vmem_shared>>) dst(%dma_wait3A_21 : memref<640x16xf32, #tpu.memory_space<hbm>>)
        tpu.yield
      }) : () -> ()
    } else {
    }
    return
  }
}

#map = affine_map<(d0, d1) -> (0, 0)>
module attributes {stable_mosaic.version = 14 : i64} {
  func.func @_sc_agg_body(%arg0: i32, %arg1: i32, %arg2: memref<10240x64xf32, #tpu.memory_space<hbm>>, %arg3: memref<2560x128xi32, #tpu.memory_space<hbm>>, %arg4: memref<2560x128xi32, #tpu.memory_space<hbm>>, %arg5: memref<10240x64xf32, #tpu.memory_space<hbm>>, %arg6: memref<10240x64xf32, #tpu.memory_space<hbm>>, %arg7: memref<10240x64xf32, #tpu.memory_space<hbm>>, %arg8: memref<80x128xi32, #tpu.memory_space<vmem>>, %arg9: memref<80x128xi32, #tpu.memory_space<vmem>>, %arg10: memref<8x128x64xf32, #tpu.memory_space<vmem>>, %arg11: memref<10240x64xf32, #tpu.memory_space<vmem_shared>>, %arg12: memref<!tpu.dma_semaphore, #tpu.memory_space<semaphore_mem>>, %arg13: memref<!tpu.dma_semaphore, #tpu.memory_space<semaphore_mem>>, %arg14: memref<!tpu.dma_semaphore, #tpu.memory_space<semaphore_mem>>, %arg15: memref<!tpu.dma_semaphore, #tpu.memory_space<semaphore_mem>>, %arg16: memref<!tpu.dma_semaphore, #tpu.memory_space<semaphore_mem>>, %arg17: memref<!tpu.dma_semaphore, #tpu.memory_space<semaphore_mem>>, %arg18: memref<!tpu.dma_semaphore, #tpu.memory_space<semaphore_mem>>, %arg19: memref<!tpu.dma_semaphore, #tpu.memory_space<semaphore_mem>>, %arg20: memref<!tpu.dma_semaphore, #tpu.memory_space<semaphore_mem>>, %arg21: memref<!tpu.dma_semaphore, #tpu.memory_space<semaphore_mem>>, %arg22: memref<!tpu.dma_semaphore, #tpu.memory_space<semaphore_mem>>, %arg23: memref<!tpu.dma_semaphore, #tpu.memory_space<semaphore_mem>>, %arg24: memref<!tpu.dma_semaphore, #tpu.memory_space<semaphore_mem>>, %arg25: memref<!tpu.dma_semaphore, #tpu.memory_space<semaphore_mem>>, %arg26: memref<!tpu.dma_semaphore, #tpu.memory_space<semaphore_mem>>, %arg27: memref<!tpu.dma_semaphore, #tpu.memory_space<semaphore_mem>>) attributes {dimension_semantics = [#tpu.dimension_semantics<core_parallel>, #tpu.dimension_semantics<subcore_parallel>], iteration_bounds = array<i64: 2, 16>, scalar_prefetch = 0 : i64, scratch_operands = 20 : i64, tpu.core_type = #tpu.core_type<sc_vector_subcore>, window_params = [{transform_indices = #map}, {transform_indices = #map}, {transform_indices = #map}, {transform_indices = #map}, {transform_indices = #map}, {transform_indices = #map}]} {
    %mul3A = arith.constant 2 : i32
    %mul3A_0 = arith.muli %arg1, %mul3A : i32
    %add3A = arith.addi %mul3A_0, %arg0 : i32
    %mul3A_1 = arith.constant 640 : i32
    %mul3A_2 = arith.muli %arg1, %mul3A_1 : i32
    %dma_start3A = arith.constant 0 : i32
    %dma_start3A_3 = tpu.memref_slice %arg11[%mul3A_2, %dma_start3A] : memref<10240x64xf32, #tpu.memory_space<vmem_shared>> -> memref<640x64xf32, #tpu.memory_space<vmem_shared>>
    %dma_start3A_4 = arith.constant 0 : i32
    %dma_start3A_5 = tpu.memref_slice %arg5[%mul3A_2, %dma_start3A_4] : memref<10240x64xf32, #tpu.memory_space<hbm>> -> memref<640x64xf32, #tpu.memory_space<hbm>>
    tpu.enqueue_dma source(%dma_start3A_5 : memref<640x64xf32, #tpu.memory_space<hbm>>) target(%dma_start3A_3 : memref<640x64xf32, #tpu.memory_space<vmem_shared>>) target_semaphore(%arg12 : memref<!tpu.dma_semaphore, #tpu.memory_space<semaphore_mem>>)
    %mul3A_6 = arith.constant 80 : i32
    %mul3A_7 = arith.muli %add3A, %mul3A_6 : i32
    %dma_start3A_8 = arith.constant 0 : i32
    %dma_start3A_9 = tpu.memref_slice %arg3[%mul3A_7, %dma_start3A_8] : memref<2560x128xi32, #tpu.memory_space<hbm>> -> memref<80x128xi32, #tpu.memory_space<hbm>>
    %dma_start3A_10 = arith.constant 0 : i32
    %dma_start3A_11 = tpu.memref_slice %arg3[%mul3A_7, %dma_start3A_10] : memref<2560x128xi32, #tpu.memory_space<hbm>> -> memref<80x128xi32, #tpu.memory_space<hbm>>
    tpu.enqueue_dma source(%dma_start3A_11 : memref<80x128xi32, #tpu.memory_space<hbm>>) target(%arg8 : memref<80x128xi32, #tpu.memory_space<vmem>>) target_semaphore(%arg20 : memref<!tpu.dma_semaphore, #tpu.memory_space<semaphore_mem>>)
    %mul3A_12 = arith.constant 80 : i32
    %mul3A_13 = arith.muli %add3A, %mul3A_12 : i32
    %dma_start3A_14 = arith.constant 0 : i32
    %dma_start3A_15 = tpu.memref_slice %arg4[%mul3A_13, %dma_start3A_14] : memref<2560x128xi32, #tpu.memory_space<hbm>> -> memref<80x128xi32, #tpu.memory_space<hbm>>
    %dma_start3A_16 = arith.constant 0 : i32
    %dma_start3A_17 = tpu.memref_slice %arg4[%mul3A_13, %dma_start3A_16] : memref<2560x128xi32, #tpu.memory_space<hbm>> -> memref<80x128xi32, #tpu.memory_space<hbm>>
    tpu.enqueue_dma source(%dma_start3A_17 : memref<80x128xi32, #tpu.memory_space<hbm>>) target(%arg9 : memref<80x128xi32, #tpu.memory_space<vmem>>) target_semaphore(%arg21 : memref<!tpu.dma_semaphore, #tpu.memory_space<semaphore_mem>>)
    %dma_wait3A = arith.constant 0 : i32
    %dma_wait3A_18 = tpu.memref_slice %arg11[%mul3A_2, %dma_wait3A] : memref<10240x64xf32, #tpu.memory_space<vmem_shared>> -> memref<640x64xf32, #tpu.memory_space<vmem_shared>>
    %dma_wait3A_19 = arith.constant 0 : i32
    %dma_wait3A_20 = tpu.memref_slice %arg5[%mul3A_2, %dma_wait3A_19] : memref<10240x64xf32, #tpu.memory_space<hbm>> -> memref<640x64xf32, #tpu.memory_space<hbm>>
    tpu.wait_dma2 semaphore(%arg12 : memref<!tpu.dma_semaphore, #tpu.memory_space<semaphore_mem>>) src(%dma_wait3A_20 : memref<640x64xf32, #tpu.memory_space<hbm>>) dst(%dma_wait3A_18 : memref<640x64xf32, #tpu.memory_space<vmem_shared>>)
    %dma_wait3A_21 = arith.constant 0 : i32
    %dma_wait3A_22 = tpu.memref_slice %arg3[%mul3A_7, %dma_wait3A_21] : memref<2560x128xi32, #tpu.memory_space<hbm>> -> memref<80x128xi32, #tpu.memory_space<hbm>>
    %dma_wait3A_23 = arith.constant 0 : i32
    %dma_wait3A_24 = tpu.memref_slice %arg3[%mul3A_7, %dma_wait3A_23] : memref<2560x128xi32, #tpu.memory_space<hbm>> -> memref<80x128xi32, #tpu.memory_space<hbm>>
    tpu.wait_dma2 semaphore(%arg20 : memref<!tpu.dma_semaphore, #tpu.memory_space<semaphore_mem>>) src(%dma_wait3A_24 : memref<80x128xi32, #tpu.memory_space<hbm>>) dst(%arg8 : memref<80x128xi32, #tpu.memory_space<vmem>>)
    %dma_wait3A_25 = arith.constant 0 : i32
    %dma_wait3A_26 = tpu.memref_slice %arg4[%mul3A_13, %dma_wait3A_25] : memref<2560x128xi32, #tpu.memory_space<hbm>> -> memref<80x128xi32, #tpu.memory_space<hbm>>
    %dma_wait3A_27 = arith.constant 0 : i32
    %dma_wait3A_28 = tpu.memref_slice %arg4[%mul3A_13, %dma_wait3A_27] : memref<2560x128xi32, #tpu.memory_space<hbm>> -> memref<80x128xi32, #tpu.memory_space<hbm>>
    tpu.wait_dma2 semaphore(%arg21 : memref<!tpu.dma_semaphore, #tpu.memory_space<semaphore_mem>>) src(%dma_wait3A_28 : memref<80x128xi32, #tpu.memory_space<hbm>>) dst(%arg9 : memref<80x128xi32, #tpu.memory_space<vmem>>)
    %barrier3A = arith.constant 0 : index
    tpu.barrier barrier_id(%barrier3A)
    %dma_start3A_29 = arith.constant 0 : i32
    %dma_start3A_30 = arith.constant 0 : i32
    %dma_start3A_31 = arith.constant 0 : i32
    %dma_start3A_32 = arith.constant 0 : i32
    %dma_start3A_33 = tpu.memref_slice %arg10[%dma_start3A_30, %dma_start3A_31, %dma_start3A_32] : memref<8x128x64xf32, #tpu.memory_space<vmem>> -> memref<1x128x64xf32, #tpu.memory_space<vmem>>
    %dma_start3A_34 = tpu.memref_squeeze %dma_start3A_33 : memref<1x128x64xf32, #tpu.memory_space<vmem>> -> memref<128x64xf32, #tpu.memory_space<vmem>>
    %dma_start3A_35 = arith.constant 0 : i32
    %dma_start3A_36 = tpu.memref_slice %arg8[%dma_start3A_29, %dma_start3A_35] : memref<80x128xi32, #tpu.memory_space<vmem>> -> memref<1x128xi32, #tpu.memory_space<vmem>>
    %dma_start3A_37 = tpu.memref_squeeze %dma_start3A_36 : memref<1x128xi32, #tpu.memory_space<vmem>> -> memref<128xi32, #tpu.memory_space<vmem>>
    %dma_start3A_38 = arith.constant 0 : i32
    %dma_start3A_39 = arith.constant 0 : i32
    %dma_start3A_40 = tpu.memref_slice %arg2[%dma_start3A_38, %dma_start3A_39] : memref<10240x64xf32, #tpu.memory_space<hbm>> -> memref<10240x64xf32, #tpu.memory_space<hbm>>
    tpu.enqueue_indirect_dma source(%dma_start3A_40 : memref<10240x64xf32, #tpu.memory_space<hbm>>) target(%dma_start3A_34 : memref<128x64xf32, #tpu.memory_space<vmem>>) offsets(%dma_start3A_37 : memref<128xi32, #tpu.memory_space<vmem>>) semaphore(%arg12 : memref<!tpu.dma_semaphore, #tpu.memory_space<semaphore_mem>>)
    %dma_start3A_41 = arith.constant 1 : i32
    %dma_start3A_42 = arith.constant 1 : i32
    %dma_start3A_43 = arith.constant 0 : i32
    %dma_start3A_44 = arith.constant 0 : i32
    %dma_start3A_45 = tpu.memref_slice %arg10[%dma_start3A_42, %dma_start3A_43, %dma_start3A_44] : memref<8x128x64xf32, #tpu.memory_space<vmem>> -> memref<1x128x64xf32, #tpu.memory_space<vmem>>
    %dma_start3A_46 = tpu.memref_squeeze %dma_start3A_45 : memref<1x128x64xf32, #tpu.memory_space<vmem>> -> memref<128x64xf32, #tpu.memory_space<vmem>>
    %dma_start3A_47 = arith.constant 0 : i32
    %dma_start3A_48 = tpu.memref_slice %arg8[%dma_start3A_41, %dma_start3A_47] : memref<80x128xi32, #tpu.memory_space<vmem>> -> memref<1x128xi32, #tpu.memory_space<vmem>>
    %dma_start3A_49 = tpu.memref_squeeze %dma_start3A_48 : memref<1x128xi32, #tpu.memory_space<vmem>> -> memref<128xi32, #tpu.memory_space<vmem>>
    %dma_start3A_50 = arith.constant 0 : i32
    %dma_start3A_51 = arith.constant 0 : i32
    %dma_start3A_52 = tpu.memref_slice %arg2[%dma_start3A_50, %dma_start3A_51] : memref<10240x64xf32, #tpu.memory_space<hbm>> -> memref<10240x64xf32, #tpu.memory_space<hbm>>
    tpu.enqueue_indirect_dma source(%dma_start3A_52 : memref<10240x64xf32, #tpu.memory_space<hbm>>) target(%dma_start3A_46 : memref<128x64xf32, #tpu.memory_space<vmem>>) offsets(%dma_start3A_49 : memref<128xi32, #tpu.memory_space<vmem>>) semaphore(%arg13 : memref<!tpu.dma_semaphore, #tpu.memory_space<semaphore_mem>>)
    %dma_start3A_53 = arith.constant 2 : i32
    %dma_start3A_54 = arith.constant 2 : i32
    %dma_start3A_55 = arith.constant 0 : i32
    %dma_start3A_56 = arith.constant 0 : i32
    %dma_start3A_57 = tpu.memref_slice %arg10[%dma_start3A_54, %dma_start3A_55, %dma_start3A_56] : memref<8x128x64xf32, #tpu.memory_space<vmem>> -> memref<1x128x64xf32, #tpu.memory_space<vmem>>
    %dma_start3A_58 = tpu.memref_squeeze %dma_start3A_57 : memref<1x128x64xf32, #tpu.memory_space<vmem>> -> memref<128x64xf32, #tpu.memory_space<vmem>>
    %dma_start3A_59 = arith.constant 0 : i32
    %dma_start3A_60 = tpu.memref_slice %arg8[%dma_start3A_53, %dma_start3A_59] : memref<80x128xi32, #tpu.memory_space<vmem>> -> memref<1x128xi32, #tpu.memory_space<vmem>>
    %dma_start3A_61 = tpu.memref_squeeze %dma_start3A_60 : memref<1x128xi32, #tpu.memory_space<vmem>> -> memref<128xi32, #tpu.memory_space<vmem>>
    %dma_start3A_62 = arith.constant 0 : i32
    %dma_start3A_63 = arith.constant 0 : i32
    %dma_start3A_64 = tpu.memref_slice %arg2[%dma_start3A_62, %dma_start3A_63] : memref<10240x64xf32, #tpu.memory_space<hbm>> -> memref<10240x64xf32, #tpu.memory_space<hbm>>
    tpu.enqueue_indirect_dma source(%dma_start3A_64 : memref<10240x64xf32, #tpu.memory_space<hbm>>) target(%dma_start3A_58 : memref<128x64xf32, #tpu.memory_space<vmem>>) offsets(%dma_start3A_61 : memref<128xi32, #tpu.memory_space<vmem>>) semaphore(%arg14 : memref<!tpu.dma_semaphore, #tpu.memory_space<semaphore_mem>>)
    %dma_start3A_65 = arith.constant 3 : i32
    %dma_start3A_66 = arith.constant 3 : i32
    %dma_start3A_67 = arith.constant 0 : i32
    %dma_start3A_68 = arith.constant 0 : i32
    %dma_start3A_69 = tpu.memref_slice %arg10[%dma_start3A_66, %dma_start3A_67, %dma_start3A_68] : memref<8x128x64xf32, #tpu.memory_space<vmem>> -> memref<1x128x64xf32, #tpu.memory_space<vmem>>
    %dma_start3A_70 = tpu.memref_squeeze %dma_start3A_69 : memref<1x128x64xf32, #tpu.memory_space<vmem>> -> memref<128x64xf32, #tpu.memory_space<vmem>>
    %dma_start3A_71 = arith.constant 0 : i32
    %dma_start3A_72 = tpu.memref_slice %arg8[%dma_start3A_65, %dma_start3A_71] : memref<80x128xi32, #tpu.memory_space<vmem>> -> memref<1x128xi32, #tpu.memory_space<vmem>>
    %dma_start3A_73 = tpu.memref_squeeze %dma_start3A_72 : memref<1x128xi32, #tpu.memory_space<vmem>> -> memref<128xi32, #tpu.memory_space<vmem>>
    %dma_start3A_74 = arith.constant 0 : i32
    %dma_start3A_75 = arith.constant 0 : i32
    %dma_start3A_76 = tpu.memref_slice %arg2[%dma_start3A_74, %dma_start3A_75] : memref<10240x64xf32, #tpu.memory_space<hbm>> -> memref<10240x64xf32, #tpu.memory_space<hbm>>
    tpu.enqueue_indirect_dma source(%dma_start3A_76 : memref<10240x64xf32, #tpu.memory_space<hbm>>) target(%dma_start3A_70 : memref<128x64xf32, #tpu.memory_space<vmem>>) offsets(%dma_start3A_73 : memref<128xi32, #tpu.memory_space<vmem>>) semaphore(%arg15 : memref<!tpu.dma_semaphore, #tpu.memory_space<semaphore_mem>>)
    %dma_start3A_77 = arith.constant 4 : i32
    %dma_start3A_78 = arith.constant 4 : i32
    %dma_start3A_79 = arith.constant 0 : i32
    %dma_start3A_80 = arith.constant 0 : i32
    %dma_start3A_81 = tpu.memref_slice %arg10[%dma_start3A_78, %dma_start3A_79, %dma_start3A_80] : memref<8x128x64xf32, #tpu.memory_space<vmem>> -> memref<1x128x64xf32, #tpu.memory_space<vmem>>
    %dma_start3A_82 = tpu.memref_squeeze %dma_start3A_81 : memref<1x128x64xf32, #tpu.memory_space<vmem>> -> memref<128x64xf32, #tpu.memory_space<vmem>>
    %dma_start3A_83 = arith.constant 0 : i32
    %dma_start3A_84 = tpu.memref_slice %arg8[%dma_start3A_77, %dma_start3A_83] : memref<80x128xi32, #tpu.memory_space<vmem>> -> memref<1x128xi32, #tpu.memory_space<vmem>>
    %dma_start3A_85 = tpu.memref_squeeze %dma_start3A_84 : memref<1x128xi32, #tpu.memory_space<vmem>> -> memref<128xi32, #tpu.memory_space<vmem>>
    %dma_start3A_86 = arith.constant 0 : i32
    %dma_start3A_87 = arith.constant 0 : i32
    %dma_start3A_88 = tpu.memref_slice %arg2[%dma_start3A_86, %dma_start3A_87] : memref<10240x64xf32, #tpu.memory_space<hbm>> -> memref<10240x64xf32, #tpu.memory_space<hbm>>
    tpu.enqueue_indirect_dma source(%dma_start3A_88 : memref<10240x64xf32, #tpu.memory_space<hbm>>) target(%dma_start3A_82 : memref<128x64xf32, #tpu.memory_space<vmem>>) offsets(%dma_start3A_85 : memref<128xi32, #tpu.memory_space<vmem>>) semaphore(%arg16 : memref<!tpu.dma_semaphore, #tpu.memory_space<semaphore_mem>>)
    %dma_start3A_89 = arith.constant 5 : i32
    %dma_start3A_90 = arith.constant 5 : i32
    %dma_start3A_91 = arith.constant 0 : i32
    %dma_start3A_92 = arith.constant 0 : i32
    %dma_start3A_93 = tpu.memref_slice %arg10[%dma_start3A_90, %dma_start3A_91, %dma_start3A_92] : memref<8x128x64xf32, #tpu.memory_space<vmem>> -> memref<1x128x64xf32, #tpu.memory_space<vmem>>
    %dma_start3A_94 = tpu.memref_squeeze %dma_start3A_93 : memref<1x128x64xf32, #tpu.memory_space<vmem>> -> memref<128x64xf32, #tpu.memory_space<vmem>>
    %dma_start3A_95 = arith.constant 0 : i32
    %dma_start3A_96 = tpu.memref_slice %arg8[%dma_start3A_89, %dma_start3A_95] : memref<80x128xi32, #tpu.memory_space<vmem>> -> memref<1x128xi32, #tpu.memory_space<vmem>>
    %dma_start3A_97 = tpu.memref_squeeze %dma_start3A_96 : memref<1x128xi32, #tpu.memory_space<vmem>> -> memref<128xi32, #tpu.memory_space<vmem>>
    %dma_start3A_98 = arith.constant 0 : i32
    %dma_start3A_99 = arith.constant 0 : i32
    %dma_start3A_100 = tpu.memref_slice %arg2[%dma_start3A_98, %dma_start3A_99] : memref<10240x64xf32, #tpu.memory_space<hbm>> -> memref<10240x64xf32, #tpu.memory_space<hbm>>
    tpu.enqueue_indirect_dma source(%dma_start3A_100 : memref<10240x64xf32, #tpu.memory_space<hbm>>) target(%dma_start3A_94 : memref<128x64xf32, #tpu.memory_space<vmem>>) offsets(%dma_start3A_97 : memref<128xi32, #tpu.memory_space<vmem>>) semaphore(%arg17 : memref<!tpu.dma_semaphore, #tpu.memory_space<semaphore_mem>>)
    %dma_start3A_101 = arith.constant 6 : i32
    %dma_start3A_102 = arith.constant 6 : i32
    %dma_start3A_103 = arith.constant 0 : i32
    %dma_start3A_104 = arith.constant 0 : i32
    %dma_start3A_105 = tpu.memref_slice %arg10[%dma_start3A_102, %dma_start3A_103, %dma_start3A_104] : memref<8x128x64xf32, #tpu.memory_space<vmem>> -> memref<1x128x64xf32, #tpu.memory_space<vmem>>
    %dma_start3A_106 = tpu.memref_squeeze %dma_start3A_105 : memref<1x128x64xf32, #tpu.memory_space<vmem>> -> memref<128x64xf32, #tpu.memory_space<vmem>>
    %dma_start3A_107 = arith.constant 0 : i32
    %dma_start3A_108 = tpu.memref_slice %arg8[%dma_start3A_101, %dma_start3A_107] : memref<80x128xi32, #tpu.memory_space<vmem>> -> memref<1x128xi32, #tpu.memory_space<vmem>>
    %dma_start3A_109 = tpu.memref_squeeze %dma_start3A_108 : memref<1x128xi32, #tpu.memory_space<vmem>> -> memref<128xi32, #tpu.memory_space<vmem>>
    %dma_start3A_110 = arith.constant 0 : i32
    %dma_start3A_111 = arith.constant 0 : i32
    %dma_start3A_112 = tpu.memref_slice %arg2[%dma_start3A_110, %dma_start3A_111] : memref<10240x64xf32, #tpu.memory_space<hbm>> -> memref<10240x64xf32, #tpu.memory_space<hbm>>
    tpu.enqueue_indirect_dma source(%dma_start3A_112 : memref<10240x64xf32, #tpu.memory_space<hbm>>) target(%dma_start3A_106 : memref<128x64xf32, #tpu.memory_space<vmem>>) offsets(%dma_start3A_109 : memref<128xi32, #tpu.memory_space<vmem>>) semaphore(%arg18 : memref<!tpu.dma_semaphore, #tpu.memory_space<semaphore_mem>>)
    %dma_start3A_113 = arith.constant 7 : i32
    %dma_start3A_114 = arith.constant 7 : i32
    %dma_start3A_115 = arith.constant 0 : i32
    %dma_start3A_116 = arith.constant 0 : i32
    %dma_start3A_117 = tpu.memref_slice %arg10[%dma_start3A_114, %dma_start3A_115, %dma_start3A_116] : memref<8x128x64xf32, #tpu.memory_space<vmem>> -> memref<1x128x64xf32, #tpu.memory_space<vmem>>
    %dma_start3A_118 = tpu.memref_squeeze %dma_start3A_117 : memref<1x128x64xf32, #tpu.memory_space<vmem>> -> memref<128x64xf32, #tpu.memory_space<vmem>>
    %dma_start3A_119 = arith.constant 0 : i32
    %dma_start3A_120 = tpu.memref_slice %arg8[%dma_start3A_113, %dma_start3A_119] : memref<80x128xi32, #tpu.memory_space<vmem>> -> memref<1x128xi32, #tpu.memory_space<vmem>>
    %dma_start3A_121 = tpu.memref_squeeze %dma_start3A_120 : memref<1x128xi32, #tpu.memory_space<vmem>> -> memref<128xi32, #tpu.memory_space<vmem>>
    %dma_start3A_122 = arith.constant 0 : i32
    %dma_start3A_123 = arith.constant 0 : i32
    %dma_start3A_124 = tpu.memref_slice %arg2[%dma_start3A_122, %dma_start3A_123] : memref<10240x64xf32, #tpu.memory_space<hbm>> -> memref<10240x64xf32, #tpu.memory_space<hbm>>
    tpu.enqueue_indirect_dma source(%dma_start3A_124 : memref<10240x64xf32, #tpu.memory_space<hbm>>) target(%dma_start3A_118 : memref<128x64xf32, #tpu.memory_space<vmem>>) offsets(%dma_start3A_121 : memref<128xi32, #tpu.memory_space<vmem>>) semaphore(%arg19 : memref<!tpu.dma_semaphore, #tpu.memory_space<semaphore_mem>>)
    %scan3A = arith.constant 0 : i32
    %scan3A_125 = arith.constant 0 : i32
    %scan3A_126 = arith.constant 10 : i32
    %scan3A_127 = arith.addi %scan3A_125, %scan3A_126 : i32
    %scan3A_128 = arith.constant 1 : i32
    scf.for %scan3A_138 = %scan3A_125 to %scan3A_127 step %scan3A_128  : i32 {
      %mul3A_139 = arith.constant 8 : i32
      %mul3A_140 = arith.muli %scan3A_138, %mul3A_139 : i32
      %add3A_141 = arith.constant 0 : i32
      %add3A_142 = arith.addi %mul3A_140, %add3A_141 : i32
      %dma_wait3A_143 = arith.constant 0 : i32
      %dma_wait3A_144 = arith.constant 0 : i32
      %dma_wait3A_145 = arith.constant 0 : i32
      %dma_wait3A_146 = tpu.memref_slice %arg10[%dma_wait3A_143, %dma_wait3A_144, %dma_wait3A_145] : memref<8x128x64xf32, #tpu.memory_space<vmem>> -> memref<1x128x64xf32, #tpu.memory_space<vmem>>
      %dma_wait3A_147 = tpu.memref_squeeze %dma_wait3A_146 : memref<1x128x64xf32, #tpu.memory_space<vmem>> -> memref<128x64xf32, #tpu.memory_space<vmem>>
      %dma_wait3A_148 = arith.constant 0 : i32
      %dma_wait3A_149 = tpu.memref_slice %arg8[%add3A_142, %dma_wait3A_148] : memref<80x128xi32, #tpu.memory_space<vmem>> -> memref<1x128xi32, #tpu.memory_space<vmem>>
      %dma_wait3A_150 = tpu.memref_squeeze %dma_wait3A_149 : memref<1x128xi32, #tpu.memory_space<vmem>> -> memref<128xi32, #tpu.memory_space<vmem>>
      %dma_wait3A_151 = arith.constant 0 : i32
      %dma_wait3A_152 = arith.constant 0 : i32
      %dma_wait3A_153 = tpu.memref_slice %arg2[%dma_wait3A_151, %dma_wait3A_152] : memref<10240x64xf32, #tpu.memory_space<hbm>> -> memref<10240x64xf32, #tpu.memory_space<hbm>>
      tpu.wait_indirect_dma semaphore(%arg12 : memref<!tpu.dma_semaphore, #tpu.memory_space<semaphore_mem>>) src(%dma_wait3A_153 : memref<10240x64xf32, #tpu.memory_space<hbm>>) dst(%dma_wait3A_147 : memref<128x64xf32, #tpu.memory_space<vmem>>)
      %dma_start3A_154 = arith.constant 0 : i32
      %dma_start3A_155 = arith.constant 0 : i32
      %dma_start3A_156 = arith.constant 0 : i32
      %dma_start3A_157 = tpu.memref_slice %arg10[%dma_start3A_154, %dma_start3A_155, %dma_start3A_156] : memref<8x128x64xf32, #tpu.memory_space<vmem>> -> memref<1x128x64xf32, #tpu.memory_space<vmem>>
      %dma_start3A_158 = tpu.memref_squeeze %dma_start3A_157 : memref<1x128x64xf32, #tpu.memory_space<vmem>> -> memref<128x64xf32, #tpu.memory_space<vmem>>
      %dma_start3A_159 = arith.constant 0 : i32
      %dma_start3A_160 = tpu.memref_slice %arg9[%add3A_142, %dma_start3A_159] : memref<80x128xi32, #tpu.memory_space<vmem>> -> memref<1x128xi32, #tpu.memory_space<vmem>>
      %dma_start3A_161 = tpu.memref_squeeze %dma_start3A_160 : memref<1x128xi32, #tpu.memory_space<vmem>> -> memref<128xi32, #tpu.memory_space<vmem>>
      %dma_start3A_162 = arith.constant 0 : i32
      %dma_start3A_163 = arith.constant 0 : i32
      %dma_start3A_164 = tpu.memref_slice %arg11[%dma_start3A_162, %dma_start3A_163] : memref<10240x64xf32, #tpu.memory_space<vmem_shared>> -> memref<10240x64xf32, #tpu.memory_space<vmem_shared>>
      tpu.enqueue_indirect_dma source(%dma_start3A_158 : memref<128x64xf32, #tpu.memory_space<vmem>>) target(%dma_start3A_164 : memref<10240x64xf32, #tpu.memory_space<vmem_shared>>) offsets(%dma_start3A_161 : memref<128xi32, #tpu.memory_space<vmem>>) semaphore(%arg20 : memref<!tpu.dma_semaphore, #tpu.memory_space<semaphore_mem>>) {add = true}
      %dma_wait3A_165 = arith.constant 0 : i32
      %dma_wait3A_166 = arith.constant 0 : i32
      %dma_wait3A_167 = arith.constant 0 : i32
      %dma_wait3A_168 = tpu.memref_slice %arg10[%dma_wait3A_165, %dma_wait3A_166, %dma_wait3A_167] : memref<8x128x64xf32, #tpu.memory_space<vmem>> -> memref<1x128x64xf32, #tpu.memory_space<vmem>>
      %dma_wait3A_169 = tpu.memref_squeeze %dma_wait3A_168 : memref<1x128x64xf32, #tpu.memory_space<vmem>> -> memref<128x64xf32, #tpu.memory_space<vmem>>
      %dma_wait3A_170 = arith.constant 0 : i32
      %dma_wait3A_171 = tpu.memref_slice %arg9[%add3A_142, %dma_wait3A_170] : memref<80x128xi32, #tpu.memory_space<vmem>> -> memref<1x128xi32, #tpu.memory_space<vmem>>
      %dma_wait3A_172 = tpu.memref_squeeze %dma_wait3A_171 : memref<1x128xi32, #tpu.memory_space<vmem>> -> memref<128xi32, #tpu.memory_space<vmem>>
      %dma_wait3A_173 = arith.constant 0 : i32
      %dma_wait3A_174 = arith.constant 0 : i32
      %dma_wait3A_175 = tpu.memref_slice %arg11[%dma_wait3A_173, %dma_wait3A_174] : memref<10240x64xf32, #tpu.memory_space<vmem_shared>> -> memref<10240x64xf32, #tpu.memory_space<vmem_shared>>
      tpu.wait_indirect_dma semaphore(%arg20 : memref<!tpu.dma_semaphore, #tpu.memory_space<semaphore_mem>>) src(%dma_wait3A_169 : memref<128x64xf32, #tpu.memory_space<vmem>>) dst(%dma_wait3A_175 : memref<10240x64xf32, #tpu.memory_space<vmem_shared>>)
      %add3A_176 = arith.constant 8 : i32
      %add3A_177 = arith.addi %add3A_142, %add3A_176 : i32
      %lt3A = arith.constant 80 : i32
      %lt3A_178 = arith.cmpi slt, %add3A_177, %lt3A : i32
      %convert_element_type3A_179 = arith.extui %lt3A_178 : i1 to i32
      %cond3A_180 = arith.constant 0 : i32
      %cond3A_181 = arith.cmpi ne, %convert_element_type3A_179, %cond3A_180 : i32
      scf.if %cond3A_181 {
        %dma_start3A_476 = arith.constant 0 : i32
        %dma_start3A_477 = arith.constant 0 : i32
        %dma_start3A_478 = arith.constant 0 : i32
        %dma_start3A_479 = tpu.memref_slice %arg10[%dma_start3A_476, %dma_start3A_477, %dma_start3A_478] : memref<8x128x64xf32, #tpu.memory_space<vmem>> -> memref<1x128x64xf32, #tpu.memory_space<vmem>>
        %dma_start3A_480 = tpu.memref_squeeze %dma_start3A_479 : memref<1x128x64xf32, #tpu.memory_space<vmem>> -> memref<128x64xf32, #tpu.memory_space<vmem>>
        %dma_start3A_481 = arith.constant 0 : i32
        %dma_start3A_482 = tpu.memref_slice %arg8[%add3A_177, %dma_start3A_481] : memref<80x128xi32, #tpu.memory_space<vmem>> -> memref<1x128xi32, #tpu.memory_space<vmem>>
        %dma_start3A_483 = tpu.memref_squeeze %dma_start3A_482 : memref<1x128xi32, #tpu.memory_space<vmem>> -> memref<128xi32, #tpu.memory_space<vmem>>
        %dma_start3A_484 = arith.constant 0 : i32
        %dma_start3A_485 = arith.constant 0 : i32
        %dma_start3A_486 = tpu.memref_slice %arg2[%dma_start3A_484, %dma_start3A_485] : memref<10240x64xf32, #tpu.memory_space<hbm>> -> memref<10240x64xf32, #tpu.memory_space<hbm>>
        tpu.enqueue_indirect_dma source(%dma_start3A_486 : memref<10240x64xf32, #tpu.memory_space<hbm>>) target(%dma_start3A_480 : memref<128x64xf32, #tpu.memory_space<vmem>>) offsets(%dma_start3A_483 : memref<128xi32, #tpu.memory_space<vmem>>) semaphore(%arg12 : memref<!tpu.dma_semaphore, #tpu.memory_space<semaphore_mem>>)
      } else {
      }
      %add3A_182 = arith.constant 1 : i32
      %add3A_183 = arith.addi %mul3A_140, %add3A_182 : i32
      %dma_wait3A_184 = arith.constant 1 : i32
      %dma_wait3A_185 = arith.constant 0 : i32
      %dma_wait3A_186 = arith.constant 0 : i32
      %dma_wait3A_187 = tpu.memref_slice %arg10[%dma_wait3A_184, %dma_wait3A_185, %dma_wait3A_186] : memref<8x128x64xf32, #tpu.memory_space<vmem>> -> memref<1x128x64xf32, #tpu.memory_space<vmem>>
      %dma_wait3A_188 = tpu.memref_squeeze %dma_wait3A_187 : memref<1x128x64xf32, #tpu.memory_space<vmem>> -> memref<128x64xf32, #tpu.memory_space<vmem>>
      %dma_wait3A_189 = arith.constant 0 : i32
      %dma_wait3A_190 = tpu.memref_slice %arg8[%add3A_183, %dma_wait3A_189] : memref<80x128xi32, #tpu.memory_space<vmem>> -> memref<1x128xi32, #tpu.memory_space<vmem>>
      %dma_wait3A_191 = tpu.memref_squeeze %dma_wait3A_190 : memref<1x128xi32, #tpu.memory_space<vmem>> -> memref<128xi32, #tpu.memory_space<vmem>>
      %dma_wait3A_192 = arith.constant 0 : i32
      %dma_wait3A_193 = arith.constant 0 : i32
      %dma_wait3A_194 = tpu.memref_slice %arg2[%dma_wait3A_192, %dma_wait3A_193] : memref<10240x64xf32, #tpu.memory_space<hbm>> -> memref<10240x64xf32, #tpu.memory_space<hbm>>
      tpu.wait_indirect_dma semaphore(%arg13 : memref<!tpu.dma_semaphore, #tpu.memory_space<semaphore_mem>>) src(%dma_wait3A_194 : memref<10240x64xf32, #tpu.memory_space<hbm>>) dst(%dma_wait3A_188 : memref<128x64xf32, #tpu.memory_space<vmem>>)
      %dma_start3A_195 = arith.constant 1 : i32
      %dma_start3A_196 = arith.constant 0 : i32
      %dma_start3A_197 = arith.constant 0 : i32
      %dma_start3A_198 = tpu.memref_slice %arg10[%dma_start3A_195, %dma_start3A_196, %dma_start3A_197] : memref<8x128x64xf32, #tpu.memory_space<vmem>> -> memref<1x128x64xf32, #tpu.memory_space<vmem>>
      %dma_start3A_199 = tpu.memref_squeeze %dma_start3A_198 : memref<1x128x64xf32, #tpu.memory_space<vmem>> -> memref<128x64xf32, #tpu.memory_space<vmem>>
      %dma_start3A_200 = arith.constant 0 : i32
      %dma_start3A_201 = tpu.memref_slice %arg9[%add3A_183, %dma_start3A_200] : memref<80x128xi32, #tpu.memory_space<vmem>> -> memref<1x128xi32, #tpu.memory_space<vmem>>
      %dma_start3A_202 = tpu.memref_squeeze %dma_start3A_201 : memref<1x128xi32, #tpu.memory_space<vmem>> -> memref<128xi32, #tpu.memory_space<vmem>>
      %dma_start3A_203 = arith.constant 0 : i32
      %dma_start3A_204 = arith.constant 0 : i32
      %dma_start3A_205 = tpu.memref_slice %arg11[%dma_start3A_203, %dma_start3A_204] : memref<10240x64xf32, #tpu.memory_space<vmem_shared>> -> memref<10240x64xf32, #tpu.memory_space<vmem_shared>>
      tpu.enqueue_indirect_dma source(%dma_start3A_199 : memref<128x64xf32, #tpu.memory_space<vmem>>) target(%dma_start3A_205 : memref<10240x64xf32, #tpu.memory_space<vmem_shared>>) offsets(%dma_start3A_202 : memref<128xi32, #tpu.memory_space<vmem>>) semaphore(%arg21 : memref<!tpu.dma_semaphore, #tpu.memory_space<semaphore_mem>>) {add = true}
      %dma_wait3A_206 = arith.constant 1 : i32
      %dma_wait3A_207 = arith.constant 0 : i32
      %dma_wait3A_208 = arith.constant 0 : i32
      %dma_wait3A_209 = tpu.memref_slice %arg10[%dma_wait3A_206, %dma_wait3A_207, %dma_wait3A_208] : memref<8x128x64xf32, #tpu.memory_space<vmem>> -> memref<1x128x64xf32, #tpu.memory_space<vmem>>
      %dma_wait3A_210 = tpu.memref_squeeze %dma_wait3A_209 : memref<1x128x64xf32, #tpu.memory_space<vmem>> -> memref<128x64xf32, #tpu.memory_space<vmem>>
      %dma_wait3A_211 = arith.constant 0 : i32
      %dma_wait3A_212 = tpu.memref_slice %arg9[%add3A_183, %dma_wait3A_211] : memref<80x128xi32, #tpu.memory_space<vmem>> -> memref<1x128xi32, #tpu.memory_space<vmem>>
      %dma_wait3A_213 = tpu.memref_squeeze %dma_wait3A_212 : memref<1x128xi32, #tpu.memory_space<vmem>> -> memref<128xi32, #tpu.memory_space<vmem>>
      %dma_wait3A_214 = arith.constant 0 : i32
      %dma_wait3A_215 = arith.constant 0 : i32
      %dma_wait3A_216 = tpu.memref_slice %arg11[%dma_wait3A_214, %dma_wait3A_215] : memref<10240x64xf32, #tpu.memory_space<vmem_shared>> -> memref<10240x64xf32, #tpu.memory_space<vmem_shared>>
      tpu.wait_indirect_dma semaphore(%arg21 : memref<!tpu.dma_semaphore, #tpu.memory_space<semaphore_mem>>) src(%dma_wait3A_210 : memref<128x64xf32, #tpu.memory_space<vmem>>) dst(%dma_wait3A_216 : memref<10240x64xf32, #tpu.memory_space<vmem_shared>>)
      %add3A_217 = arith.constant 8 : i32
      %add3A_218 = arith.addi %add3A_183, %add3A_217 : i32
      %lt3A_219 = arith.constant 80 : i32
      %lt3A_220 = arith.cmpi slt, %add3A_218, %lt3A_219 : i32
      %convert_element_type3A_221 = arith.extui %lt3A_220 : i1 to i32
      %cond3A_222 = arith.constant 0 : i32
      %cond3A_223 = arith.cmpi ne, %convert_element_type3A_221, %cond3A_222 : i32
      scf.if %cond3A_223 {
        %dma_start3A_476 = arith.constant 1 : i32
        %dma_start3A_477 = arith.constant 0 : i32
        %dma_start3A_478 = arith.constant 0 : i32
        %dma_start3A_479 = tpu.memref_slice %arg10[%dma_start3A_476, %dma_start3A_477, %dma_start3A_478] : memref<8x128x64xf32, #tpu.memory_space<vmem>> -> memref<1x128x64xf32, #tpu.memory_space<vmem>>
        %dma_start3A_480 = tpu.memref_squeeze %dma_start3A_479 : memref<1x128x64xf32, #tpu.memory_space<vmem>> -> memref<128x64xf32, #tpu.memory_space<vmem>>
        %dma_start3A_481 = arith.constant 0 : i32
        %dma_start3A_482 = tpu.memref_slice %arg8[%add3A_218, %dma_start3A_481] : memref<80x128xi32, #tpu.memory_space<vmem>> -> memref<1x128xi32, #tpu.memory_space<vmem>>
        %dma_start3A_483 = tpu.memref_squeeze %dma_start3A_482 : memref<1x128xi32, #tpu.memory_space<vmem>> -> memref<128xi32, #tpu.memory_space<vmem>>
        %dma_start3A_484 = arith.constant 0 : i32
        %dma_start3A_485 = arith.constant 0 : i32
        %dma_start3A_486 = tpu.memref_slice %arg2[%dma_start3A_484, %dma_start3A_485] : memref<10240x64xf32, #tpu.memory_space<hbm>> -> memref<10240x64xf32, #tpu.memory_space<hbm>>
        tpu.enqueue_indirect_dma source(%dma_start3A_486 : memref<10240x64xf32, #tpu.memory_space<hbm>>) target(%dma_start3A_480 : memref<128x64xf32, #tpu.memory_space<vmem>>) offsets(%dma_start3A_483 : memref<128xi32, #tpu.memory_space<vmem>>) semaphore(%arg13 : memref<!tpu.dma_semaphore, #tpu.memory_space<semaphore_mem>>)
      } else {
      }
      %add3A_224 = arith.constant 2 : i32
      %add3A_225 = arith.addi %mul3A_140, %add3A_224 : i32
      %dma_wait3A_226 = arith.constant 2 : i32
      %dma_wait3A_227 = arith.constant 0 : i32
      %dma_wait3A_228 = arith.constant 0 : i32
      %dma_wait3A_229 = tpu.memref_slice %arg10[%dma_wait3A_226, %dma_wait3A_227, %dma_wait3A_228] : memref<8x128x64xf32, #tpu.memory_space<vmem>> -> memref<1x128x64xf32, #tpu.memory_space<vmem>>
      %dma_wait3A_230 = tpu.memref_squeeze %dma_wait3A_229 : memref<1x128x64xf32, #tpu.memory_space<vmem>> -> memref<128x64xf32, #tpu.memory_space<vmem>>
      %dma_wait3A_231 = arith.constant 0 : i32
      %dma_wait3A_232 = tpu.memref_slice %arg8[%add3A_225, %dma_wait3A_231] : memref<80x128xi32, #tpu.memory_space<vmem>> -> memref<1x128xi32, #tpu.memory_space<vmem>>
      %dma_wait3A_233 = tpu.memref_squeeze %dma_wait3A_232 : memref<1x128xi32, #tpu.memory_space<vmem>> -> memref<128xi32, #tpu.memory_space<vmem>>
      %dma_wait3A_234 = arith.constant 0 : i32
      %dma_wait3A_235 = arith.constant 0 : i32
      %dma_wait3A_236 = tpu.memref_slice %arg2[%dma_wait3A_234, %dma_wait3A_235] : memref<10240x64xf32, #tpu.memory_space<hbm>> -> memref<10240x64xf32, #tpu.memory_space<hbm>>
      tpu.wait_indirect_dma semaphore(%arg14 : memref<!tpu.dma_semaphore, #tpu.memory_space<semaphore_mem>>) src(%dma_wait3A_236 : memref<10240x64xf32, #tpu.memory_space<hbm>>) dst(%dma_wait3A_230 : memref<128x64xf32, #tpu.memory_space<vmem>>)
      %dma_start3A_237 = arith.constant 2 : i32
      %dma_start3A_238 = arith.constant 0 : i32
      %dma_start3A_239 = arith.constant 0 : i32
      %dma_start3A_240 = tpu.memref_slice %arg10[%dma_start3A_237, %dma_start3A_238, %dma_start3A_239] : memref<8x128x64xf32, #tpu.memory_space<vmem>> -> memref<1x128x64xf32, #tpu.memory_space<vmem>>
      %dma_start3A_241 = tpu.memref_squeeze %dma_start3A_240 : memref<1x128x64xf32, #tpu.memory_space<vmem>> -> memref<128x64xf32, #tpu.memory_space<vmem>>
      %dma_start3A_242 = arith.constant 0 : i32
      %dma_start3A_243 = tpu.memref_slice %arg9[%add3A_225, %dma_start3A_242] : memref<80x128xi32, #tpu.memory_space<vmem>> -> memref<1x128xi32, #tpu.memory_space<vmem>>
      %dma_start3A_244 = tpu.memref_squeeze %dma_start3A_243 : memref<1x128xi32, #tpu.memory_space<vmem>> -> memref<128xi32, #tpu.memory_space<vmem>>
      %dma_start3A_245 = arith.constant 0 : i32
      %dma_start3A_246 = arith.constant 0 : i32
      %dma_start3A_247 = tpu.memref_slice %arg11[%dma_start3A_245, %dma_start3A_246] : memref<10240x64xf32, #tpu.memory_space<vmem_shared>> -> memref<10240x64xf32, #tpu.memory_space<vmem_shared>>
      tpu.enqueue_indirect_dma source(%dma_start3A_241 : memref<128x64xf32, #tpu.memory_space<vmem>>) target(%dma_start3A_247 : memref<10240x64xf32, #tpu.memory_space<vmem_shared>>) offsets(%dma_start3A_244 : memref<128xi32, #tpu.memory_space<vmem>>) semaphore(%arg22 : memref<!tpu.dma_semaphore, #tpu.memory_space<semaphore_mem>>) {add = true}
      %dma_wait3A_248 = arith.constant 2 : i32
      %dma_wait3A_249 = arith.constant 0 : i32
      %dma_wait3A_250 = arith.constant 0 : i32
      %dma_wait3A_251 = tpu.memref_slice %arg10[%dma_wait3A_248, %dma_wait3A_249, %dma_wait3A_250] : memref<8x128x64xf32, #tpu.memory_space<vmem>> -> memref<1x128x64xf32, #tpu.memory_space<vmem>>
      %dma_wait3A_252 = tpu.memref_squeeze %dma_wait3A_251 : memref<1x128x64xf32, #tpu.memory_space<vmem>> -> memref<128x64xf32, #tpu.memory_space<vmem>>
      %dma_wait3A_253 = arith.constant 0 : i32
      %dma_wait3A_254 = tpu.memref_slice %arg9[%add3A_225, %dma_wait3A_253] : memref<80x128xi32, #tpu.memory_space<vmem>> -> memref<1x128xi32, #tpu.memory_space<vmem>>
      %dma_wait3A_255 = tpu.memref_squeeze %dma_wait3A_254 : memref<1x128xi32, #tpu.memory_space<vmem>> -> memref<128xi32, #tpu.memory_space<vmem>>
      %dma_wait3A_256 = arith.constant 0 : i32
      %dma_wait3A_257 = arith.constant 0 : i32
      %dma_wait3A_258 = tpu.memref_slice %arg11[%dma_wait3A_256, %dma_wait3A_257] : memref<10240x64xf32, #tpu.memory_space<vmem_shared>> -> memref<10240x64xf32, #tpu.memory_space<vmem_shared>>
      tpu.wait_indirect_dma semaphore(%arg22 : memref<!tpu.dma_semaphore, #tpu.memory_space<semaphore_mem>>) src(%dma_wait3A_252 : memref<128x64xf32, #tpu.memory_space<vmem>>) dst(%dma_wait3A_258 : memref<10240x64xf32, #tpu.memory_space<vmem_shared>>)
      %add3A_259 = arith.constant 8 : i32
      %add3A_260 = arith.addi %add3A_225, %add3A_259 : i32
      %lt3A_261 = arith.constant 80 : i32
      %lt3A_262 = arith.cmpi slt, %add3A_260, %lt3A_261 : i32
      %convert_element_type3A_263 = arith.extui %lt3A_262 : i1 to i32
      %cond3A_264 = arith.constant 0 : i32
      %cond3A_265 = arith.cmpi ne, %convert_element_type3A_263, %cond3A_264 : i32
      scf.if %cond3A_265 {
        %dma_start3A_476 = arith.constant 2 : i32
        %dma_start3A_477 = arith.constant 0 : i32
        %dma_start3A_478 = arith.constant 0 : i32
        %dma_start3A_479 = tpu.memref_slice %arg10[%dma_start3A_476, %dma_start3A_477, %dma_start3A_478] : memref<8x128x64xf32, #tpu.memory_space<vmem>> -> memref<1x128x64xf32, #tpu.memory_space<vmem>>
        %dma_start3A_480 = tpu.memref_squeeze %dma_start3A_479 : memref<1x128x64xf32, #tpu.memory_space<vmem>> -> memref<128x64xf32, #tpu.memory_space<vmem>>
        %dma_start3A_481 = arith.constant 0 : i32
        %dma_start3A_482 = tpu.memref_slice %arg8[%add3A_260, %dma_start3A_481] : memref<80x128xi32, #tpu.memory_space<vmem>> -> memref<1x128xi32, #tpu.memory_space<vmem>>
        %dma_start3A_483 = tpu.memref_squeeze %dma_start3A_482 : memref<1x128xi32, #tpu.memory_space<vmem>> -> memref<128xi32, #tpu.memory_space<vmem>>
        %dma_start3A_484 = arith.constant 0 : i32
        %dma_start3A_485 = arith.constant 0 : i32
        %dma_start3A_486 = tpu.memref_slice %arg2[%dma_start3A_484, %dma_start3A_485] : memref<10240x64xf32, #tpu.memory_space<hbm>> -> memref<10240x64xf32, #tpu.memory_space<hbm>>
        tpu.enqueue_indirect_dma source(%dma_start3A_486 : memref<10240x64xf32, #tpu.memory_space<hbm>>) target(%dma_start3A_480 : memref<128x64xf32, #tpu.memory_space<vmem>>) offsets(%dma_start3A_483 : memref<128xi32, #tpu.memory_space<vmem>>) semaphore(%arg14 : memref<!tpu.dma_semaphore, #tpu.memory_space<semaphore_mem>>)
      } else {
      }
      %add3A_266 = arith.constant 3 : i32
      %add3A_267 = arith.addi %mul3A_140, %add3A_266 : i32
      %dma_wait3A_268 = arith.constant 3 : i32
      %dma_wait3A_269 = arith.constant 0 : i32
      %dma_wait3A_270 = arith.constant 0 : i32
      %dma_wait3A_271 = tpu.memref_slice %arg10[%dma_wait3A_268, %dma_wait3A_269, %dma_wait3A_270] : memref<8x128x64xf32, #tpu.memory_space<vmem>> -> memref<1x128x64xf32, #tpu.memory_space<vmem>>
      %dma_wait3A_272 = tpu.memref_squeeze %dma_wait3A_271 : memref<1x128x64xf32, #tpu.memory_space<vmem>> -> memref<128x64xf32, #tpu.memory_space<vmem>>
      %dma_wait3A_273 = arith.constant 0 : i32
      %dma_wait3A_274 = tpu.memref_slice %arg8[%add3A_267, %dma_wait3A_273] : memref<80x128xi32, #tpu.memory_space<vmem>> -> memref<1x128xi32, #tpu.memory_space<vmem>>
      %dma_wait3A_275 = tpu.memref_squeeze %dma_wait3A_274 : memref<1x128xi32, #tpu.memory_space<vmem>> -> memref<128xi32, #tpu.memory_space<vmem>>
      %dma_wait3A_276 = arith.constant 0 : i32
      %dma_wait3A_277 = arith.constant 0 : i32
      %dma_wait3A_278 = tpu.memref_slice %arg2[%dma_wait3A_276, %dma_wait3A_277] : memref<10240x64xf32, #tpu.memory_space<hbm>> -> memref<10240x64xf32, #tpu.memory_space<hbm>>
      tpu.wait_indirect_dma semaphore(%arg15 : memref<!tpu.dma_semaphore, #tpu.memory_space<semaphore_mem>>) src(%dma_wait3A_278 : memref<10240x64xf32, #tpu.memory_space<hbm>>) dst(%dma_wait3A_272 : memref<128x64xf32, #tpu.memory_space<vmem>>)
      %dma_start3A_279 = arith.constant 3 : i32
      %dma_start3A_280 = arith.constant 0 : i32
      %dma_start3A_281 = arith.constant 0 : i32
      %dma_start3A_282 = tpu.memref_slice %arg10[%dma_start3A_279, %dma_start3A_280, %dma_start3A_281] : memref<8x128x64xf32, #tpu.memory_space<vmem>> -> memref<1x128x64xf32, #tpu.memory_space<vmem>>
      %dma_start3A_283 = tpu.memref_squeeze %dma_start3A_282 : memref<1x128x64xf32, #tpu.memory_space<vmem>> -> memref<128x64xf32, #tpu.memory_space<vmem>>
      %dma_start3A_284 = arith.constant 0 : i32
      %dma_start3A_285 = tpu.memref_slice %arg9[%add3A_267, %dma_start3A_284] : memref<80x128xi32, #tpu.memory_space<vmem>> -> memref<1x128xi32, #tpu.memory_space<vmem>>
      %dma_start3A_286 = tpu.memref_squeeze %dma_start3A_285 : memref<1x128xi32, #tpu.memory_space<vmem>> -> memref<128xi32, #tpu.memory_space<vmem>>
      %dma_start3A_287 = arith.constant 0 : i32
      %dma_start3A_288 = arith.constant 0 : i32
      %dma_start3A_289 = tpu.memref_slice %arg11[%dma_start3A_287, %dma_start3A_288] : memref<10240x64xf32, #tpu.memory_space<vmem_shared>> -> memref<10240x64xf32, #tpu.memory_space<vmem_shared>>
      tpu.enqueue_indirect_dma source(%dma_start3A_283 : memref<128x64xf32, #tpu.memory_space<vmem>>) target(%dma_start3A_289 : memref<10240x64xf32, #tpu.memory_space<vmem_shared>>) offsets(%dma_start3A_286 : memref<128xi32, #tpu.memory_space<vmem>>) semaphore(%arg23 : memref<!tpu.dma_semaphore, #tpu.memory_space<semaphore_mem>>) {add = true}
      %dma_wait3A_290 = arith.constant 3 : i32
      %dma_wait3A_291 = arith.constant 0 : i32
      %dma_wait3A_292 = arith.constant 0 : i32
      %dma_wait3A_293 = tpu.memref_slice %arg10[%dma_wait3A_290, %dma_wait3A_291, %dma_wait3A_292] : memref<8x128x64xf32, #tpu.memory_space<vmem>> -> memref<1x128x64xf32, #tpu.memory_space<vmem>>
      %dma_wait3A_294 = tpu.memref_squeeze %dma_wait3A_293 : memref<1x128x64xf32, #tpu.memory_space<vmem>> -> memref<128x64xf32, #tpu.memory_space<vmem>>
      %dma_wait3A_295 = arith.constant 0 : i32
      %dma_wait3A_296 = tpu.memref_slice %arg9[%add3A_267, %dma_wait3A_295] : memref<80x128xi32, #tpu.memory_space<vmem>> -> memref<1x128xi32, #tpu.memory_space<vmem>>
      %dma_wait3A_297 = tpu.memref_squeeze %dma_wait3A_296 : memref<1x128xi32, #tpu.memory_space<vmem>> -> memref<128xi32, #tpu.memory_space<vmem>>
      %dma_wait3A_298 = arith.constant 0 : i32
      %dma_wait3A_299 = arith.constant 0 : i32
      %dma_wait3A_300 = tpu.memref_slice %arg11[%dma_wait3A_298, %dma_wait3A_299] : memref<10240x64xf32, #tpu.memory_space<vmem_shared>> -> memref<10240x64xf32, #tpu.memory_space<vmem_shared>>
      tpu.wait_indirect_dma semaphore(%arg23 : memref<!tpu.dma_semaphore, #tpu.memory_space<semaphore_mem>>) src(%dma_wait3A_294 : memref<128x64xf32, #tpu.memory_space<vmem>>) dst(%dma_wait3A_300 : memref<10240x64xf32, #tpu.memory_space<vmem_shared>>)
      %add3A_301 = arith.constant 8 : i32
      %add3A_302 = arith.addi %add3A_267, %add3A_301 : i32
      %lt3A_303 = arith.constant 80 : i32
      %lt3A_304 = arith.cmpi slt, %add3A_302, %lt3A_303 : i32
      %convert_element_type3A_305 = arith.extui %lt3A_304 : i1 to i32
      %cond3A_306 = arith.constant 0 : i32
      %cond3A_307 = arith.cmpi ne, %convert_element_type3A_305, %cond3A_306 : i32
      scf.if %cond3A_307 {
        %dma_start3A_476 = arith.constant 3 : i32
        %dma_start3A_477 = arith.constant 0 : i32
        %dma_start3A_478 = arith.constant 0 : i32
        %dma_start3A_479 = tpu.memref_slice %arg10[%dma_start3A_476, %dma_start3A_477, %dma_start3A_478] : memref<8x128x64xf32, #tpu.memory_space<vmem>> -> memref<1x128x64xf32, #tpu.memory_space<vmem>>
        %dma_start3A_480 = tpu.memref_squeeze %dma_start3A_479 : memref<1x128x64xf32, #tpu.memory_space<vmem>> -> memref<128x64xf32, #tpu.memory_space<vmem>>
        %dma_start3A_481 = arith.constant 0 : i32
        %dma_start3A_482 = tpu.memref_slice %arg8[%add3A_302, %dma_start3A_481] : memref<80x128xi32, #tpu.memory_space<vmem>> -> memref<1x128xi32, #tpu.memory_space<vmem>>
        %dma_start3A_483 = tpu.memref_squeeze %dma_start3A_482 : memref<1x128xi32, #tpu.memory_space<vmem>> -> memref<128xi32, #tpu.memory_space<vmem>>
        %dma_start3A_484 = arith.constant 0 : i32
        %dma_start3A_485 = arith.constant 0 : i32
        %dma_start3A_486 = tpu.memref_slice %arg2[%dma_start3A_484, %dma_start3A_485] : memref<10240x64xf32, #tpu.memory_space<hbm>> -> memref<10240x64xf32, #tpu.memory_space<hbm>>
        tpu.enqueue_indirect_dma source(%dma_start3A_486 : memref<10240x64xf32, #tpu.memory_space<hbm>>) target(%dma_start3A_480 : memref<128x64xf32, #tpu.memory_space<vmem>>) offsets(%dma_start3A_483 : memref<128xi32, #tpu.memory_space<vmem>>) semaphore(%arg15 : memref<!tpu.dma_semaphore, #tpu.memory_space<semaphore_mem>>)
      } else {
      }
      %add3A_308 = arith.constant 4 : i32
      %add3A_309 = arith.addi %mul3A_140, %add3A_308 : i32
      %dma_wait3A_310 = arith.constant 4 : i32
      %dma_wait3A_311 = arith.constant 0 : i32
      %dma_wait3A_312 = arith.constant 0 : i32
      %dma_wait3A_313 = tpu.memref_slice %arg10[%dma_wait3A_310, %dma_wait3A_311, %dma_wait3A_312] : memref<8x128x64xf32, #tpu.memory_space<vmem>> -> memref<1x128x64xf32, #tpu.memory_space<vmem>>
      %dma_wait3A_314 = tpu.memref_squeeze %dma_wait3A_313 : memref<1x128x64xf32, #tpu.memory_space<vmem>> -> memref<128x64xf32, #tpu.memory_space<vmem>>
      %dma_wait3A_315 = arith.constant 0 : i32
      %dma_wait3A_316 = tpu.memref_slice %arg8[%add3A_309, %dma_wait3A_315] : memref<80x128xi32, #tpu.memory_space<vmem>> -> memref<1x128xi32, #tpu.memory_space<vmem>>
      %dma_wait3A_317 = tpu.memref_squeeze %dma_wait3A_316 : memref<1x128xi32, #tpu.memory_space<vmem>> -> memref<128xi32, #tpu.memory_space<vmem>>
      %dma_wait3A_318 = arith.constant 0 : i32
      %dma_wait3A_319 = arith.constant 0 : i32
      %dma_wait3A_320 = tpu.memref_slice %arg2[%dma_wait3A_318, %dma_wait3A_319] : memref<10240x64xf32, #tpu.memory_space<hbm>> -> memref<10240x64xf32, #tpu.memory_space<hbm>>
      tpu.wait_indirect_dma semaphore(%arg16 : memref<!tpu.dma_semaphore, #tpu.memory_space<semaphore_mem>>) src(%dma_wait3A_320 : memref<10240x64xf32, #tpu.memory_space<hbm>>) dst(%dma_wait3A_314 : memref<128x64xf32, #tpu.memory_space<vmem>>)
      %dma_start3A_321 = arith.constant 4 : i32
      %dma_start3A_322 = arith.constant 0 : i32
      %dma_start3A_323 = arith.constant 0 : i32
      %dma_start3A_324 = tpu.memref_slice %arg10[%dma_start3A_321, %dma_start3A_322, %dma_start3A_323] : memref<8x128x64xf32, #tpu.memory_space<vmem>> -> memref<1x128x64xf32, #tpu.memory_space<vmem>>
      %dma_start3A_325 = tpu.memref_squeeze %dma_start3A_324 : memref<1x128x64xf32, #tpu.memory_space<vmem>> -> memref<128x64xf32, #tpu.memory_space<vmem>>
      %dma_start3A_326 = arith.constant 0 : i32
      %dma_start3A_327 = tpu.memref_slice %arg9[%add3A_309, %dma_start3A_326] : memref<80x128xi32, #tpu.memory_space<vmem>> -> memref<1x128xi32, #tpu.memory_space<vmem>>
      %dma_start3A_328 = tpu.memref_squeeze %dma_start3A_327 : memref<1x128xi32, #tpu.memory_space<vmem>> -> memref<128xi32, #tpu.memory_space<vmem>>
      %dma_start3A_329 = arith.constant 0 : i32
      %dma_start3A_330 = arith.constant 0 : i32
      %dma_start3A_331 = tpu.memref_slice %arg11[%dma_start3A_329, %dma_start3A_330] : memref<10240x64xf32, #tpu.memory_space<vmem_shared>> -> memref<10240x64xf32, #tpu.memory_space<vmem_shared>>
      tpu.enqueue_indirect_dma source(%dma_start3A_325 : memref<128x64xf32, #tpu.memory_space<vmem>>) target(%dma_start3A_331 : memref<10240x64xf32, #tpu.memory_space<vmem_shared>>) offsets(%dma_start3A_328 : memref<128xi32, #tpu.memory_space<vmem>>) semaphore(%arg24 : memref<!tpu.dma_semaphore, #tpu.memory_space<semaphore_mem>>) {add = true}
      %dma_wait3A_332 = arith.constant 4 : i32
      %dma_wait3A_333 = arith.constant 0 : i32
      %dma_wait3A_334 = arith.constant 0 : i32
      %dma_wait3A_335 = tpu.memref_slice %arg10[%dma_wait3A_332, %dma_wait3A_333, %dma_wait3A_334] : memref<8x128x64xf32, #tpu.memory_space<vmem>> -> memref<1x128x64xf32, #tpu.memory_space<vmem>>
      %dma_wait3A_336 = tpu.memref_squeeze %dma_wait3A_335 : memref<1x128x64xf32, #tpu.memory_space<vmem>> -> memref<128x64xf32, #tpu.memory_space<vmem>>
      %dma_wait3A_337 = arith.constant 0 : i32
      %dma_wait3A_338 = tpu.memref_slice %arg9[%add3A_309, %dma_wait3A_337] : memref<80x128xi32, #tpu.memory_space<vmem>> -> memref<1x128xi32, #tpu.memory_space<vmem>>
      %dma_wait3A_339 = tpu.memref_squeeze %dma_wait3A_338 : memref<1x128xi32, #tpu.memory_space<vmem>> -> memref<128xi32, #tpu.memory_space<vmem>>
      %dma_wait3A_340 = arith.constant 0 : i32
      %dma_wait3A_341 = arith.constant 0 : i32
      %dma_wait3A_342 = tpu.memref_slice %arg11[%dma_wait3A_340, %dma_wait3A_341] : memref<10240x64xf32, #tpu.memory_space<vmem_shared>> -> memref<10240x64xf32, #tpu.memory_space<vmem_shared>>
      tpu.wait_indirect_dma semaphore(%arg24 : memref<!tpu.dma_semaphore, #tpu.memory_space<semaphore_mem>>) src(%dma_wait3A_336 : memref<128x64xf32, #tpu.memory_space<vmem>>) dst(%dma_wait3A_342 : memref<10240x64xf32, #tpu.memory_space<vmem_shared>>)
      %add3A_343 = arith.constant 8 : i32
      %add3A_344 = arith.addi %add3A_309, %add3A_343 : i32
      %lt3A_345 = arith.constant 80 : i32
      %lt3A_346 = arith.cmpi slt, %add3A_344, %lt3A_345 : i32
      %convert_element_type3A_347 = arith.extui %lt3A_346 : i1 to i32
      %cond3A_348 = arith.constant 0 : i32
      %cond3A_349 = arith.cmpi ne, %convert_element_type3A_347, %cond3A_348 : i32
      scf.if %cond3A_349 {
        %dma_start3A_476 = arith.constant 4 : i32
        %dma_start3A_477 = arith.constant 0 : i32
        %dma_start3A_478 = arith.constant 0 : i32
        %dma_start3A_479 = tpu.memref_slice %arg10[%dma_start3A_476, %dma_start3A_477, %dma_start3A_478] : memref<8x128x64xf32, #tpu.memory_space<vmem>> -> memref<1x128x64xf32, #tpu.memory_space<vmem>>
        %dma_start3A_480 = tpu.memref_squeeze %dma_start3A_479 : memref<1x128x64xf32, #tpu.memory_space<vmem>> -> memref<128x64xf32, #tpu.memory_space<vmem>>
        %dma_start3A_481 = arith.constant 0 : i32
        %dma_start3A_482 = tpu.memref_slice %arg8[%add3A_344, %dma_start3A_481] : memref<80x128xi32, #tpu.memory_space<vmem>> -> memref<1x128xi32, #tpu.memory_space<vmem>>
        %dma_start3A_483 = tpu.memref_squeeze %dma_start3A_482 : memref<1x128xi32, #tpu.memory_space<vmem>> -> memref<128xi32, #tpu.memory_space<vmem>>
        %dma_start3A_484 = arith.constant 0 : i32
        %dma_start3A_485 = arith.constant 0 : i32
        %dma_start3A_486 = tpu.memref_slice %arg2[%dma_start3A_484, %dma_start3A_485] : memref<10240x64xf32, #tpu.memory_space<hbm>> -> memref<10240x64xf32, #tpu.memory_space<hbm>>
        tpu.enqueue_indirect_dma source(%dma_start3A_486 : memref<10240x64xf32, #tpu.memory_space<hbm>>) target(%dma_start3A_480 : memref<128x64xf32, #tpu.memory_space<vmem>>) offsets(%dma_start3A_483 : memref<128xi32, #tpu.memory_space<vmem>>) semaphore(%arg16 : memref<!tpu.dma_semaphore, #tpu.memory_space<semaphore_mem>>)
      } else {
      }
      %add3A_350 = arith.constant 5 : i32
      %add3A_351 = arith.addi %mul3A_140, %add3A_350 : i32
      %dma_wait3A_352 = arith.constant 5 : i32
      %dma_wait3A_353 = arith.constant 0 : i32
      %dma_wait3A_354 = arith.constant 0 : i32
      %dma_wait3A_355 = tpu.memref_slice %arg10[%dma_wait3A_352, %dma_wait3A_353, %dma_wait3A_354] : memref<8x128x64xf32, #tpu.memory_space<vmem>> -> memref<1x128x64xf32, #tpu.memory_space<vmem>>
      %dma_wait3A_356 = tpu.memref_squeeze %dma_wait3A_355 : memref<1x128x64xf32, #tpu.memory_space<vmem>> -> memref<128x64xf32, #tpu.memory_space<vmem>>
      %dma_wait3A_357 = arith.constant 0 : i32
      %dma_wait3A_358 = tpu.memref_slice %arg8[%add3A_351, %dma_wait3A_357] : memref<80x128xi32, #tpu.memory_space<vmem>> -> memref<1x128xi32, #tpu.memory_space<vmem>>
      %dma_wait3A_359 = tpu.memref_squeeze %dma_wait3A_358 : memref<1x128xi32, #tpu.memory_space<vmem>> -> memref<128xi32, #tpu.memory_space<vmem>>
      %dma_wait3A_360 = arith.constant 0 : i32
      %dma_wait3A_361 = arith.constant 0 : i32
      %dma_wait3A_362 = tpu.memref_slice %arg2[%dma_wait3A_360, %dma_wait3A_361] : memref<10240x64xf32, #tpu.memory_space<hbm>> -> memref<10240x64xf32, #tpu.memory_space<hbm>>
      tpu.wait_indirect_dma semaphore(%arg17 : memref<!tpu.dma_semaphore, #tpu.memory_space<semaphore_mem>>) src(%dma_wait3A_362 : memref<10240x64xf32, #tpu.memory_space<hbm>>) dst(%dma_wait3A_356 : memref<128x64xf32, #tpu.memory_space<vmem>>)
      %dma_start3A_363 = arith.constant 5 : i32
      %dma_start3A_364 = arith.constant 0 : i32
      %dma_start3A_365 = arith.constant 0 : i32
      %dma_start3A_366 = tpu.memref_slice %arg10[%dma_start3A_363, %dma_start3A_364, %dma_start3A_365] : memref<8x128x64xf32, #tpu.memory_space<vmem>> -> memref<1x128x64xf32, #tpu.memory_space<vmem>>
      %dma_start3A_367 = tpu.memref_squeeze %dma_start3A_366 : memref<1x128x64xf32, #tpu.memory_space<vmem>> -> memref<128x64xf32, #tpu.memory_space<vmem>>
      %dma_start3A_368 = arith.constant 0 : i32
      %dma_start3A_369 = tpu.memref_slice %arg9[%add3A_351, %dma_start3A_368] : memref<80x128xi32, #tpu.memory_space<vmem>> -> memref<1x128xi32, #tpu.memory_space<vmem>>
      %dma_start3A_370 = tpu.memref_squeeze %dma_start3A_369 : memref<1x128xi32, #tpu.memory_space<vmem>> -> memref<128xi32, #tpu.memory_space<vmem>>
      %dma_start3A_371 = arith.constant 0 : i32
      %dma_start3A_372 = arith.constant 0 : i32
      %dma_start3A_373 = tpu.memref_slice %arg11[%dma_start3A_371, %dma_start3A_372] : memref<10240x64xf32, #tpu.memory_space<vmem_shared>> -> memref<10240x64xf32, #tpu.memory_space<vmem_shared>>
      tpu.enqueue_indirect_dma source(%dma_start3A_367 : memref<128x64xf32, #tpu.memory_space<vmem>>) target(%dma_start3A_373 : memref<10240x64xf32, #tpu.memory_space<vmem_shared>>) offsets(%dma_start3A_370 : memref<128xi32, #tpu.memory_space<vmem>>) semaphore(%arg25 : memref<!tpu.dma_semaphore, #tpu.memory_space<semaphore_mem>>) {add = true}
      %dma_wait3A_374 = arith.constant 5 : i32
      %dma_wait3A_375 = arith.constant 0 : i32
      %dma_wait3A_376 = arith.constant 0 : i32
      %dma_wait3A_377 = tpu.memref_slice %arg10[%dma_wait3A_374, %dma_wait3A_375, %dma_wait3A_376] : memref<8x128x64xf32, #tpu.memory_space<vmem>> -> memref<1x128x64xf32, #tpu.memory_space<vmem>>
      %dma_wait3A_378 = tpu.memref_squeeze %dma_wait3A_377 : memref<1x128x64xf32, #tpu.memory_space<vmem>> -> memref<128x64xf32, #tpu.memory_space<vmem>>
      %dma_wait3A_379 = arith.constant 0 : i32
      %dma_wait3A_380 = tpu.memref_slice %arg9[%add3A_351, %dma_wait3A_379] : memref<80x128xi32, #tpu.memory_space<vmem>> -> memref<1x128xi32, #tpu.memory_space<vmem>>
      %dma_wait3A_381 = tpu.memref_squeeze %dma_wait3A_380 : memref<1x128xi32, #tpu.memory_space<vmem>> -> memref<128xi32, #tpu.memory_space<vmem>>
      %dma_wait3A_382 = arith.constant 0 : i32
      %dma_wait3A_383 = arith.constant 0 : i32
      %dma_wait3A_384 = tpu.memref_slice %arg11[%dma_wait3A_382, %dma_wait3A_383] : memref<10240x64xf32, #tpu.memory_space<vmem_shared>> -> memref<10240x64xf32, #tpu.memory_space<vmem_shared>>
      tpu.wait_indirect_dma semaphore(%arg25 : memref<!tpu.dma_semaphore, #tpu.memory_space<semaphore_mem>>) src(%dma_wait3A_378 : memref<128x64xf32, #tpu.memory_space<vmem>>) dst(%dma_wait3A_384 : memref<10240x64xf32, #tpu.memory_space<vmem_shared>>)
      %add3A_385 = arith.constant 8 : i32
      %add3A_386 = arith.addi %add3A_351, %add3A_385 : i32
      %lt3A_387 = arith.constant 80 : i32
      %lt3A_388 = arith.cmpi slt, %add3A_386, %lt3A_387 : i32
      %convert_element_type3A_389 = arith.extui %lt3A_388 : i1 to i32
      %cond3A_390 = arith.constant 0 : i32
      %cond3A_391 = arith.cmpi ne, %convert_element_type3A_389, %cond3A_390 : i32
      scf.if %cond3A_391 {
        %dma_start3A_476 = arith.constant 5 : i32
        %dma_start3A_477 = arith.constant 0 : i32
        %dma_start3A_478 = arith.constant 0 : i32
        %dma_start3A_479 = tpu.memref_slice %arg10[%dma_start3A_476, %dma_start3A_477, %dma_start3A_478] : memref<8x128x64xf32, #tpu.memory_space<vmem>> -> memref<1x128x64xf32, #tpu.memory_space<vmem>>
        %dma_start3A_480 = tpu.memref_squeeze %dma_start3A_479 : memref<1x128x64xf32, #tpu.memory_space<vmem>> -> memref<128x64xf32, #tpu.memory_space<vmem>>
        %dma_start3A_481 = arith.constant 0 : i32
        %dma_start3A_482 = tpu.memref_slice %arg8[%add3A_386, %dma_start3A_481] : memref<80x128xi32, #tpu.memory_space<vmem>> -> memref<1x128xi32, #tpu.memory_space<vmem>>
        %dma_start3A_483 = tpu.memref_squeeze %dma_start3A_482 : memref<1x128xi32, #tpu.memory_space<vmem>> -> memref<128xi32, #tpu.memory_space<vmem>>
        %dma_start3A_484 = arith.constant 0 : i32
        %dma_start3A_485 = arith.constant 0 : i32
        %dma_start3A_486 = tpu.memref_slice %arg2[%dma_start3A_484, %dma_start3A_485] : memref<10240x64xf32, #tpu.memory_space<hbm>> -> memref<10240x64xf32, #tpu.memory_space<hbm>>
        tpu.enqueue_indirect_dma source(%dma_start3A_486 : memref<10240x64xf32, #tpu.memory_space<hbm>>) target(%dma_start3A_480 : memref<128x64xf32, #tpu.memory_space<vmem>>) offsets(%dma_start3A_483 : memref<128xi32, #tpu.memory_space<vmem>>) semaphore(%arg17 : memref<!tpu.dma_semaphore, #tpu.memory_space<semaphore_mem>>)
      } else {
      }
      %add3A_392 = arith.constant 6 : i32
      %add3A_393 = arith.addi %mul3A_140, %add3A_392 : i32
      %dma_wait3A_394 = arith.constant 6 : i32
      %dma_wait3A_395 = arith.constant 0 : i32
      %dma_wait3A_396 = arith.constant 0 : i32
      %dma_wait3A_397 = tpu.memref_slice %arg10[%dma_wait3A_394, %dma_wait3A_395, %dma_wait3A_396] : memref<8x128x64xf32, #tpu.memory_space<vmem>> -> memref<1x128x64xf32, #tpu.memory_space<vmem>>
      %dma_wait3A_398 = tpu.memref_squeeze %dma_wait3A_397 : memref<1x128x64xf32, #tpu.memory_space<vmem>> -> memref<128x64xf32, #tpu.memory_space<vmem>>
      %dma_wait3A_399 = arith.constant 0 : i32
      %dma_wait3A_400 = tpu.memref_slice %arg8[%add3A_393, %dma_wait3A_399] : memref<80x128xi32, #tpu.memory_space<vmem>> -> memref<1x128xi32, #tpu.memory_space<vmem>>
      %dma_wait3A_401 = tpu.memref_squeeze %dma_wait3A_400 : memref<1x128xi32, #tpu.memory_space<vmem>> -> memref<128xi32, #tpu.memory_space<vmem>>
      %dma_wait3A_402 = arith.constant 0 : i32
      %dma_wait3A_403 = arith.constant 0 : i32
      %dma_wait3A_404 = tpu.memref_slice %arg2[%dma_wait3A_402, %dma_wait3A_403] : memref<10240x64xf32, #tpu.memory_space<hbm>> -> memref<10240x64xf32, #tpu.memory_space<hbm>>
      tpu.wait_indirect_dma semaphore(%arg18 : memref<!tpu.dma_semaphore, #tpu.memory_space<semaphore_mem>>) src(%dma_wait3A_404 : memref<10240x64xf32, #tpu.memory_space<hbm>>) dst(%dma_wait3A_398 : memref<128x64xf32, #tpu.memory_space<vmem>>)
      %dma_start3A_405 = arith.constant 6 : i32
      %dma_start3A_406 = arith.constant 0 : i32
      %dma_start3A_407 = arith.constant 0 : i32
      %dma_start3A_408 = tpu.memref_slice %arg10[%dma_start3A_405, %dma_start3A_406, %dma_start3A_407] : memref<8x128x64xf32, #tpu.memory_space<vmem>> -> memref<1x128x64xf32, #tpu.memory_space<vmem>>
      %dma_start3A_409 = tpu.memref_squeeze %dma_start3A_408 : memref<1x128x64xf32, #tpu.memory_space<vmem>> -> memref<128x64xf32, #tpu.memory_space<vmem>>
      %dma_start3A_410 = arith.constant 0 : i32
      %dma_start3A_411 = tpu.memref_slice %arg9[%add3A_393, %dma_start3A_410] : memref<80x128xi32, #tpu.memory_space<vmem>> -> memref<1x128xi32, #tpu.memory_space<vmem>>
      %dma_start3A_412 = tpu.memref_squeeze %dma_start3A_411 : memref<1x128xi32, #tpu.memory_space<vmem>> -> memref<128xi32, #tpu.memory_space<vmem>>
      %dma_start3A_413 = arith.constant 0 : i32
      %dma_start3A_414 = arith.constant 0 : i32
      %dma_start3A_415 = tpu.memref_slice %arg11[%dma_start3A_413, %dma_start3A_414] : memref<10240x64xf32, #tpu.memory_space<vmem_shared>> -> memref<10240x64xf32, #tpu.memory_space<vmem_shared>>
      tpu.enqueue_indirect_dma source(%dma_start3A_409 : memref<128x64xf32, #tpu.memory_space<vmem>>) target(%dma_start3A_415 : memref<10240x64xf32, #tpu.memory_space<vmem_shared>>) offsets(%dma_start3A_412 : memref<128xi32, #tpu.memory_space<vmem>>) semaphore(%arg26 : memref<!tpu.dma_semaphore, #tpu.memory_space<semaphore_mem>>) {add = true}
      %dma_wait3A_416 = arith.constant 6 : i32
      %dma_wait3A_417 = arith.constant 0 : i32
      %dma_wait3A_418 = arith.constant 0 : i32
      %dma_wait3A_419 = tpu.memref_slice %arg10[%dma_wait3A_416, %dma_wait3A_417, %dma_wait3A_418] : memref<8x128x64xf32, #tpu.memory_space<vmem>> -> memref<1x128x64xf32, #tpu.memory_space<vmem>>
      %dma_wait3A_420 = tpu.memref_squeeze %dma_wait3A_419 : memref<1x128x64xf32, #tpu.memory_space<vmem>> -> memref<128x64xf32, #tpu.memory_space<vmem>>
      %dma_wait3A_421 = arith.constant 0 : i32
      %dma_wait3A_422 = tpu.memref_slice %arg9[%add3A_393, %dma_wait3A_421] : memref<80x128xi32, #tpu.memory_space<vmem>> -> memref<1x128xi32, #tpu.memory_space<vmem>>
      %dma_wait3A_423 = tpu.memref_squeeze %dma_wait3A_422 : memref<1x128xi32, #tpu.memory_space<vmem>> -> memref<128xi32, #tpu.memory_space<vmem>>
      %dma_wait3A_424 = arith.constant 0 : i32
      %dma_wait3A_425 = arith.constant 0 : i32
      %dma_wait3A_426 = tpu.memref_slice %arg11[%dma_wait3A_424, %dma_wait3A_425] : memref<10240x64xf32, #tpu.memory_space<vmem_shared>> -> memref<10240x64xf32, #tpu.memory_space<vmem_shared>>
      tpu.wait_indirect_dma semaphore(%arg26 : memref<!tpu.dma_semaphore, #tpu.memory_space<semaphore_mem>>) src(%dma_wait3A_420 : memref<128x64xf32, #tpu.memory_space<vmem>>) dst(%dma_wait3A_426 : memref<10240x64xf32, #tpu.memory_space<vmem_shared>>)
      %add3A_427 = arith.constant 8 : i32
      %add3A_428 = arith.addi %add3A_393, %add3A_427 : i32
      %lt3A_429 = arith.constant 80 : i32
      %lt3A_430 = arith.cmpi slt, %add3A_428, %lt3A_429 : i32
      %convert_element_type3A_431 = arith.extui %lt3A_430 : i1 to i32
      %cond3A_432 = arith.constant 0 : i32
      %cond3A_433 = arith.cmpi ne, %convert_element_type3A_431, %cond3A_432 : i32
      scf.if %cond3A_433 {
        %dma_start3A_476 = arith.constant 6 : i32
        %dma_start3A_477 = arith.constant 0 : i32
        %dma_start3A_478 = arith.constant 0 : i32
        %dma_start3A_479 = tpu.memref_slice %arg10[%dma_start3A_476, %dma_start3A_477, %dma_start3A_478] : memref<8x128x64xf32, #tpu.memory_space<vmem>> -> memref<1x128x64xf32, #tpu.memory_space<vmem>>
        %dma_start3A_480 = tpu.memref_squeeze %dma_start3A_479 : memref<1x128x64xf32, #tpu.memory_space<vmem>> -> memref<128x64xf32, #tpu.memory_space<vmem>>
        %dma_start3A_481 = arith.constant 0 : i32
        %dma_start3A_482 = tpu.memref_slice %arg8[%add3A_428, %dma_start3A_481] : memref<80x128xi32, #tpu.memory_space<vmem>> -> memref<1x128xi32, #tpu.memory_space<vmem>>
        %dma_start3A_483 = tpu.memref_squeeze %dma_start3A_482 : memref<1x128xi32, #tpu.memory_space<vmem>> -> memref<128xi32, #tpu.memory_space<vmem>>
        %dma_start3A_484 = arith.constant 0 : i32
        %dma_start3A_485 = arith.constant 0 : i32
        %dma_start3A_486 = tpu.memref_slice %arg2[%dma_start3A_484, %dma_start3A_485] : memref<10240x64xf32, #tpu.memory_space<hbm>> -> memref<10240x64xf32, #tpu.memory_space<hbm>>
        tpu.enqueue_indirect_dma source(%dma_start3A_486 : memref<10240x64xf32, #tpu.memory_space<hbm>>) target(%dma_start3A_480 : memref<128x64xf32, #tpu.memory_space<vmem>>) offsets(%dma_start3A_483 : memref<128xi32, #tpu.memory_space<vmem>>) semaphore(%arg18 : memref<!tpu.dma_semaphore, #tpu.memory_space<semaphore_mem>>)
      } else {
      }
      %add3A_434 = arith.constant 7 : i32
      %add3A_435 = arith.addi %mul3A_140, %add3A_434 : i32
      %dma_wait3A_436 = arith.constant 7 : i32
      %dma_wait3A_437 = arith.constant 0 : i32
      %dma_wait3A_438 = arith.constant 0 : i32
      %dma_wait3A_439 = tpu.memref_slice %arg10[%dma_wait3A_436, %dma_wait3A_437, %dma_wait3A_438] : memref<8x128x64xf32, #tpu.memory_space<vmem>> -> memref<1x128x64xf32, #tpu.memory_space<vmem>>
      %dma_wait3A_440 = tpu.memref_squeeze %dma_wait3A_439 : memref<1x128x64xf32, #tpu.memory_space<vmem>> -> memref<128x64xf32, #tpu.memory_space<vmem>>
      %dma_wait3A_441 = arith.constant 0 : i32
      %dma_wait3A_442 = tpu.memref_slice %arg8[%add3A_435, %dma_wait3A_441] : memref<80x128xi32, #tpu.memory_space<vmem>> -> memref<1x128xi32, #tpu.memory_space<vmem>>
      %dma_wait3A_443 = tpu.memref_squeeze %dma_wait3A_442 : memref<1x128xi32, #tpu.memory_space<vmem>> -> memref<128xi32, #tpu.memory_space<vmem>>
      %dma_wait3A_444 = arith.constant 0 : i32
      %dma_wait3A_445 = arith.constant 0 : i32
      %dma_wait3A_446 = tpu.memref_slice %arg2[%dma_wait3A_444, %dma_wait3A_445] : memref<10240x64xf32, #tpu.memory_space<hbm>> -> memref<10240x64xf32, #tpu.memory_space<hbm>>
      tpu.wait_indirect_dma semaphore(%arg19 : memref<!tpu.dma_semaphore, #tpu.memory_space<semaphore_mem>>) src(%dma_wait3A_446 : memref<10240x64xf32, #tpu.memory_space<hbm>>) dst(%dma_wait3A_440 : memref<128x64xf32, #tpu.memory_space<vmem>>)
      %dma_start3A_447 = arith.constant 7 : i32
      %dma_start3A_448 = arith.constant 0 : i32
      %dma_start3A_449 = arith.constant 0 : i32
      %dma_start3A_450 = tpu.memref_slice %arg10[%dma_start3A_447, %dma_start3A_448, %dma_start3A_449] : memref<8x128x64xf32, #tpu.memory_space<vmem>> -> memref<1x128x64xf32, #tpu.memory_space<vmem>>
      %dma_start3A_451 = tpu.memref_squeeze %dma_start3A_450 : memref<1x128x64xf32, #tpu.memory_space<vmem>> -> memref<128x64xf32, #tpu.memory_space<vmem>>
      %dma_start3A_452 = arith.constant 0 : i32
      %dma_start3A_453 = tpu.memref_slice %arg9[%add3A_435, %dma_start3A_452] : memref<80x128xi32, #tpu.memory_space<vmem>> -> memref<1x128xi32, #tpu.memory_space<vmem>>
      %dma_start3A_454 = tpu.memref_squeeze %dma_start3A_453 : memref<1x128xi32, #tpu.memory_space<vmem>> -> memref<128xi32, #tpu.memory_space<vmem>>
      %dma_start3A_455 = arith.constant 0 : i32
      %dma_start3A_456 = arith.constant 0 : i32
      %dma_start3A_457 = tpu.memref_slice %arg11[%dma_start3A_455, %dma_start3A_456] : memref<10240x64xf32, #tpu.memory_space<vmem_shared>> -> memref<10240x64xf32, #tpu.memory_space<vmem_shared>>
      tpu.enqueue_indirect_dma source(%dma_start3A_451 : memref<128x64xf32, #tpu.memory_space<vmem>>) target(%dma_start3A_457 : memref<10240x64xf32, #tpu.memory_space<vmem_shared>>) offsets(%dma_start3A_454 : memref<128xi32, #tpu.memory_space<vmem>>) semaphore(%arg27 : memref<!tpu.dma_semaphore, #tpu.memory_space<semaphore_mem>>) {add = true}
      %dma_wait3A_458 = arith.constant 7 : i32
      %dma_wait3A_459 = arith.constant 0 : i32
      %dma_wait3A_460 = arith.constant 0 : i32
      %dma_wait3A_461 = tpu.memref_slice %arg10[%dma_wait3A_458, %dma_wait3A_459, %dma_wait3A_460] : memref<8x128x64xf32, #tpu.memory_space<vmem>> -> memref<1x128x64xf32, #tpu.memory_space<vmem>>
      %dma_wait3A_462 = tpu.memref_squeeze %dma_wait3A_461 : memref<1x128x64xf32, #tpu.memory_space<vmem>> -> memref<128x64xf32, #tpu.memory_space<vmem>>
      %dma_wait3A_463 = arith.constant 0 : i32
      %dma_wait3A_464 = tpu.memref_slice %arg9[%add3A_435, %dma_wait3A_463] : memref<80x128xi32, #tpu.memory_space<vmem>> -> memref<1x128xi32, #tpu.memory_space<vmem>>
      %dma_wait3A_465 = tpu.memref_squeeze %dma_wait3A_464 : memref<1x128xi32, #tpu.memory_space<vmem>> -> memref<128xi32, #tpu.memory_space<vmem>>
      %dma_wait3A_466 = arith.constant 0 : i32
      %dma_wait3A_467 = arith.constant 0 : i32
      %dma_wait3A_468 = tpu.memref_slice %arg11[%dma_wait3A_466, %dma_wait3A_467] : memref<10240x64xf32, #tpu.memory_space<vmem_shared>> -> memref<10240x64xf32, #tpu.memory_space<vmem_shared>>
      tpu.wait_indirect_dma semaphore(%arg27 : memref<!tpu.dma_semaphore, #tpu.memory_space<semaphore_mem>>) src(%dma_wait3A_462 : memref<128x64xf32, #tpu.memory_space<vmem>>) dst(%dma_wait3A_468 : memref<10240x64xf32, #tpu.memory_space<vmem_shared>>)
      %add3A_469 = arith.constant 8 : i32
      %add3A_470 = arith.addi %add3A_435, %add3A_469 : i32
      %lt3A_471 = arith.constant 80 : i32
      %lt3A_472 = arith.cmpi slt, %add3A_470, %lt3A_471 : i32
      %convert_element_type3A_473 = arith.extui %lt3A_472 : i1 to i32
      %cond3A_474 = arith.constant 0 : i32
      %cond3A_475 = arith.cmpi ne, %convert_element_type3A_473, %cond3A_474 : i32
      scf.if %cond3A_475 {
        %dma_start3A_476 = arith.constant 7 : i32
        %dma_start3A_477 = arith.constant 0 : i32
        %dma_start3A_478 = arith.constant 0 : i32
        %dma_start3A_479 = tpu.memref_slice %arg10[%dma_start3A_476, %dma_start3A_477, %dma_start3A_478] : memref<8x128x64xf32, #tpu.memory_space<vmem>> -> memref<1x128x64xf32, #tpu.memory_space<vmem>>
        %dma_start3A_480 = tpu.memref_squeeze %dma_start3A_479 : memref<1x128x64xf32, #tpu.memory_space<vmem>> -> memref<128x64xf32, #tpu.memory_space<vmem>>
        %dma_start3A_481 = arith.constant 0 : i32
        %dma_start3A_482 = tpu.memref_slice %arg8[%add3A_470, %dma_start3A_481] : memref<80x128xi32, #tpu.memory_space<vmem>> -> memref<1x128xi32, #tpu.memory_space<vmem>>
        %dma_start3A_483 = tpu.memref_squeeze %dma_start3A_482 : memref<1x128xi32, #tpu.memory_space<vmem>> -> memref<128xi32, #tpu.memory_space<vmem>>
        %dma_start3A_484 = arith.constant 0 : i32
        %dma_start3A_485 = arith.constant 0 : i32
        %dma_start3A_486 = tpu.memref_slice %arg2[%dma_start3A_484, %dma_start3A_485] : memref<10240x64xf32, #tpu.memory_space<hbm>> -> memref<10240x64xf32, #tpu.memory_space<hbm>>
        tpu.enqueue_indirect_dma source(%dma_start3A_486 : memref<10240x64xf32, #tpu.memory_space<hbm>>) target(%dma_start3A_480 : memref<128x64xf32, #tpu.memory_space<vmem>>) offsets(%dma_start3A_483 : memref<128xi32, #tpu.memory_space<vmem>>) semaphore(%arg19 : memref<!tpu.dma_semaphore, #tpu.memory_space<semaphore_mem>>)
      } else {
      }
    }
    %scan3A_129 = arith.constant 10 : i32
    %barrier3A_130 = arith.constant 0 : index
    tpu.barrier barrier_id(%barrier3A_130)
    %eq3A = arith.constant 0 : i32
    %eq3A_131 = arith.cmpi eq, %arg0, %eq3A : i32
    %convert_element_type3A = arith.extui %eq3A_131 : i1 to i32
    %cond3A = arith.constant 0 : i32
    %cond3A_132 = arith.cmpi ne, %convert_element_type3A, %cond3A : i32
    scf.if %cond3A_132 {
      "tpu.region"() ({
        %run_scoped3A = tpu.sem_alloc : memref<!tpu.dma_semaphore, #tpu.memory_space<semaphore_mem>>
        %dma_start3A_138 = arith.constant 0 : i32
        %dma_start3A_139 = tpu.memref_slice %arg6[%mul3A_2, %dma_start3A_138] : memref<10240x64xf32, #tpu.memory_space<hbm>> -> memref<640x64xf32, #tpu.memory_space<hbm>>
        %dma_start3A_140 = arith.constant 0 : i32
        %dma_start3A_141 = tpu.memref_slice %arg11[%mul3A_2, %dma_start3A_140] : memref<10240x64xf32, #tpu.memory_space<vmem_shared>> -> memref<640x64xf32, #tpu.memory_space<vmem_shared>>
        tpu.enqueue_dma source(%dma_start3A_141 : memref<640x64xf32, #tpu.memory_space<vmem_shared>>) target(%dma_start3A_139 : memref<640x64xf32, #tpu.memory_space<hbm>>) target_semaphore(%run_scoped3A : memref<!tpu.dma_semaphore, #tpu.memory_space<semaphore_mem>>)
        %dma_wait3A_142 = arith.constant 0 : i32
        %dma_wait3A_143 = tpu.memref_slice %arg6[%mul3A_2, %dma_wait3A_142] : memref<10240x64xf32, #tpu.memory_space<hbm>> -> memref<640x64xf32, #tpu.memory_space<hbm>>
        %dma_wait3A_144 = arith.constant 0 : i32
        %dma_wait3A_145 = tpu.memref_slice %arg11[%mul3A_2, %dma_wait3A_144] : memref<10240x64xf32, #tpu.memory_space<vmem_shared>> -> memref<640x64xf32, #tpu.memory_space<vmem_shared>>
        tpu.wait_dma2 semaphore(%run_scoped3A : memref<!tpu.dma_semaphore, #tpu.memory_space<semaphore_mem>>) src(%dma_wait3A_145 : memref<640x64xf32, #tpu.memory_space<vmem_shared>>) dst(%dma_wait3A_143 : memref<640x64xf32, #tpu.memory_space<hbm>>)
        tpu.yield
      }) : () -> ()
    } else {
    }
    %eq3A_133 = arith.constant 1 : i32
    %eq3A_134 = arith.cmpi eq, %arg0, %eq3A_133 : i32
    %convert_element_type3A_135 = arith.extui %eq3A_134 : i1 to i32
    %cond3A_136 = arith.constant 0 : i32
    %cond3A_137 = arith.cmpi ne, %convert_element_type3A_135, %cond3A_136 : i32
    scf.if %cond3A_137 {
      "tpu.region"() ({
        %run_scoped3A = tpu.sem_alloc : memref<!tpu.dma_semaphore, #tpu.memory_space<semaphore_mem>>
        %dma_start3A_138 = arith.constant 0 : i32
        %dma_start3A_139 = tpu.memref_slice %arg7[%mul3A_2, %dma_start3A_138] : memref<10240x64xf32, #tpu.memory_space<hbm>> -> memref<640x64xf32, #tpu.memory_space<hbm>>
        %dma_start3A_140 = arith.constant 0 : i32
        %dma_start3A_141 = tpu.memref_slice %arg11[%mul3A_2, %dma_start3A_140] : memref<10240x64xf32, #tpu.memory_space<vmem_shared>> -> memref<640x64xf32, #tpu.memory_space<vmem_shared>>
        tpu.enqueue_dma source(%dma_start3A_141 : memref<640x64xf32, #tpu.memory_space<vmem_shared>>) target(%dma_start3A_139 : memref<640x64xf32, #tpu.memory_space<hbm>>) target_semaphore(%run_scoped3A : memref<!tpu.dma_semaphore, #tpu.memory_space<semaphore_mem>>)
        %dma_wait3A_142 = arith.constant 0 : i32
        %dma_wait3A_143 = tpu.memref_slice %arg7[%mul3A_2, %dma_wait3A_142] : memref<10240x64xf32, #tpu.memory_space<hbm>> -> memref<640x64xf32, #tpu.memory_space<hbm>>
        %dma_wait3A_144 = arith.constant 0 : i32
        %dma_wait3A_145 = tpu.memref_slice %arg11[%mul3A_2, %dma_wait3A_144] : memref<10240x64xf32, #tpu.memory_space<vmem_shared>> -> memref<640x64xf32, #tpu.memory_space<vmem_shared>>
        tpu.wait_dma2 semaphore(%run_scoped3A : memref<!tpu.dma_semaphore, #tpu.memory_space<semaphore_mem>>) src(%dma_wait3A_145 : memref<640x64xf32, #tpu.memory_space<vmem_shared>>) dst(%dma_wait3A_143 : memref<640x64xf32, #tpu.memory_space<hbm>>)
        tpu.yield
      }) : () -> ()
    } else {
    }
    return
  }
}

module attributes {stable_mosaic.version = 14 : i64} {
  func.func @_tc_l1_body(%arg0: i32, %arg1: memref<1000x16xf32, #tpu.memory_space<vmem>>, %arg2: memref<1000x16xf32, #tpu.memory_space<vmem>>, %arg3: memref<1000x128xf32, #tpu.memory_space<vmem>>, %arg4: memref<128x64xf32, #tpu.memory_space<vmem>>, %arg5: memref<1000x1xf32, #tpu.memory_space<vmem>>, %arg6: memref<1000x64xf32, #tpu.memory_space<vmem>>) attributes {dimension_semantics = [#tpu.dimension_semantics<arbitrary>], iteration_bounds = array<i64: 10>, scalar_prefetch = 0 : i64, scratch_operands = 0 : i64, tpu.core_type = #tpu.core_type<tc>, window_params = [{transform_indices = @transform_0, window_bounds = array<i64: 1000, 16>}, {transform_indices = @transform_1, window_bounds = array<i64: 1000, 16>}, {transform_indices = @transform_2, window_bounds = array<i64: 1000, 128>}, {pipeline_mode = #tpu.pipeline_mode<synchronous>, transform_indices = @transform_3, window_bounds = array<i64: 128, 64>}, {transform_indices = @transform_4, window_bounds = array<i64: 1000, 1>}, {transform_indices = @transform_5, window_bounds = array<i64: 1000, 64>}]} {
    %get3A = arith.constant 0 : index
    %get3A_0 = arith.constant 0 : index
    %get3A_1 = vector.load %arg1[%get3A, %get3A_0] : memref<1000x16xf32, #tpu.memory_space<vmem>>, vector<1000x1xf32>
    %get3A_2 = arith.constant 0 : index
    %get3A_3 = arith.constant 0 : index
    %get3A_4 = vector.load %arg2[%get3A_2, %get3A_3] : memref<1000x16xf32, #tpu.memory_space<vmem>>, vector<1000x1xf32>
    %add3A = arith.addf %get3A_1, %get3A_4 : vector<1000x1xf32>
    %add3A_5 = arith.constant 1.000000e+00 : f32
    %add3A_6 = vector.broadcast %add3A_5 : f32 to vector<1000x1xf32>
    %add3A_7 = arith.addf %add3A, %add3A_6 : vector<1000x1xf32>
    %rsqrt3A = math.rsqrt %add3A_7 : vector<1000x1xf32>
    %swap3A = arith.constant 0 : index
    %swap3A_8 = arith.constant 0 : index
    %swap3A_9 = vector.load %arg5[%swap3A, %swap3A_8] : memref<1000x1xf32, #tpu.memory_space<vmem>>, vector<1000x1xf32>
    tpu.vector_store %arg5[%swap3A, %swap3A_8], %rsqrt3A {strides = array<i32>} : memref<1000x1xf32, #tpu.memory_space<vmem>>, vector<1000x1xf32>,
    %get3A_10 = arith.constant 0 : index
    %get3A_11 = arith.constant 0 : index
    %get3A_12 = vector.load %arg3[%get3A_10, %get3A_11] : memref<1000x128xf32, #tpu.memory_space<vmem>>, vector<1000x128xf32>
    %get3A_13 = arith.constant 0 : index
    %get3A_14 = arith.constant 0 : index
    %get3A_15 = vector.load %arg4[%get3A_13, %get3A_14] : memref<128x64xf32, #tpu.memory_space<vmem>>, vector<128x64xf32>
    %dot_general3A = arith.constant dense<0.000000e+00> : vector<1000x64xf32>
    %dot_general3A_16 = tpu.matmul %get3A_12, %get3A_15, %dot_general3A {dimension_numbers = #tpu.dot_dimension_numbers<[1], [0], [0], [1], [0, 0, 1, 1], [], []>, transpose_lhs_hint = false} : vector<1000x128xf32>, vector<128x64xf32>, vector<1000x64xf32> -> vector<1000x64xf32>
    %mul3A = vector.broadcast %rsqrt3A : vector<1000x1xf32> to vector<1000x64xf32>
    %mul3A_17 = arith.mulf %mul3A, %dot_general3A_16 : vector<1000x64xf32>
    %swap3A_18 = arith.constant 0 : index
    %swap3A_19 = arith.constant 0 : index
    %swap3A_20 = vector.load %arg6[%swap3A_18, %swap3A_19] : memref<1000x64xf32, #tpu.memory_space<vmem>>, vector<1000x64xf32>
    tpu.vector_store %arg6[%swap3A_18, %swap3A_19], %mul3A_17 {strides = array<i32>} : memref<1000x64xf32, #tpu.memory_space<vmem>>, vector<1000x64xf32>,
    return
  }
  func.func @transform_0(%arg0: i32) -> (i32, i32) {
    %c0_i32 = arith.constant 0 : i32
    %c0_i32_0 = arith.constant 0 : i32
    return %arg0, %c0_i32 : i32, i32
  }
  func.func @transform_1(%arg0: i32) -> (i32, i32) {
    %c0_i32 = arith.constant 0 : i32
    %c0_i32_0 = arith.constant 0 : i32
    return %arg0, %c0_i32 : i32, i32
  }
  func.func @transform_2(%arg0: i32) -> (i32, i32) {
    %c0_i32 = arith.constant 0 : i32
    %c0_i32_0 = arith.constant 0 : i32
    return %arg0, %c0_i32 : i32, i32
  }
  func.func @transform_3(%arg0: i32) -> (i32, i32) {
    %c0_i32 = arith.constant 0 : i32
    %c0_i32_0 = arith.constant 0 : i32
    %c0_i32_1 = arith.constant 0 : i32
    return %c0_i32, %c0_i32_0 : i32, i32
  }
  func.func @transform_4(%arg0: i32) -> (i32, i32) {
    %c0_i32 = arith.constant 0 : i32
    %c0_i32_0 = arith.constant 0 : i32
    return %arg0, %c0_i32 : i32, i32
  }
  func.func @transform_5(%arg0: i32) -> (i32, i32) {
    %c0_i32 = arith.constant 0 : i32
    %c0_i32_0 = arith.constant 0 : i32
    return %arg0, %c0_i32 : i32, i32
  }
}

module attributes {stable_mosaic.version = 14 : i64} {
  func.func @_tc_mid_body(%arg0: i32, %arg1: memref<1000x64xf32, #tpu.memory_space<vmem>>, %arg2: memref<1000x64xf32, #tpu.memory_space<vmem>>, %arg3: memref<1000x64xf32, #tpu.memory_space<vmem>>, %arg4: memref<1000x1xf32, #tpu.memory_space<vmem>>, %arg5: memref<1x64xf32, #tpu.memory_space<vmem>>, %arg6: memref<64x64xf32, #tpu.memory_space<vmem>>, %arg7: memref<1000x64xf32, #tpu.memory_space<vmem>>) attributes {dimension_semantics = [#tpu.dimension_semantics<arbitrary>], iteration_bounds = array<i64: 10>, scalar_prefetch = 0 : i64, scratch_operands = 0 : i64, tpu.core_type = #tpu.core_type<tc>, window_params = [{transform_indices = @transform_0, window_bounds = array<i64: 1000, 64>}, {transform_indices = @transform_1, window_bounds = array<i64: 1000, 64>}, {transform_indices = @transform_2, window_bounds = array<i64: 1000, 64>}, {transform_indices = @transform_3, window_bounds = array<i64: 1000, 1>}, {pipeline_mode = #tpu.pipeline_mode<synchronous>, transform_indices = @transform_4, window_bounds = array<i64: 1, 64>}, {pipeline_mode = #tpu.pipeline_mode<synchronous>, transform_indices = @transform_5, window_bounds = array<i64: 64, 64>}, {transform_indices = @transform_6, window_bounds = array<i64: 1000, 64>}]} {
    %get3A = arith.constant 0 : index
    %get3A_0 = arith.constant 0 : index
    %get3A_1 = vector.load %arg4[%get3A, %get3A_0] : memref<1000x1xf32, #tpu.memory_space<vmem>>, vector<1000x1xf32>
    %get3A_2 = arith.constant 0 : index
    %get3A_3 = arith.constant 0 : index
    %get3A_4 = vector.load %arg1[%get3A_2, %get3A_3] : memref<1000x64xf32, #tpu.memory_space<vmem>>, vector<1000x64xf32>
    %get3A_5 = arith.constant 0 : index
    %get3A_6 = arith.constant 0 : index
    %get3A_7 = vector.load %arg2[%get3A_5, %get3A_6] : memref<1000x64xf32, #tpu.memory_space<vmem>>, vector<1000x64xf32>
    %add3A = arith.addf %get3A_4, %get3A_7 : vector<1000x64xf32>
    %get3A_8 = arith.constant 0 : index
    %get3A_9 = arith.constant 0 : index
    %get3A_10 = vector.load %arg3[%get3A_8, %get3A_9] : memref<1000x64xf32, #tpu.memory_space<vmem>>, vector<1000x64xf32>
    %add3A_11 = arith.addf %add3A, %get3A_10 : vector<1000x64xf32>
    %mul3A = vector.broadcast %get3A_1 : vector<1000x1xf32> to vector<1000x64xf32>
    %mul3A_12 = arith.mulf %mul3A, %add3A_11 : vector<1000x64xf32>
    %get3A_13 = arith.constant 0 : index
    %get3A_14 = arith.constant 0 : index
    %get3A_15 = vector.load %arg5[%get3A_13, %get3A_14] : memref<1x64xf32, #tpu.memory_space<vmem>>, vector<1x64xf32>
    %add3A_16 = vector.broadcast %get3A_15 : vector<1x64xf32> to vector<1000x64xf32>
    %add3A_17 = arith.addf %mul3A_12, %add3A_16 : vector<1000x64xf32>
    %max3A = arith.constant 0.000000e+00 : f32
    %max3A_18 = vector.broadcast %max3A : f32 to vector<1000x64xf32>
    %max3A_19 = arith.maximumf %add3A_17, %max3A_18 : vector<1000x64xf32>
    %get3A_20 = arith.constant 0 : index
    %get3A_21 = arith.constant 0 : index
    %get3A_22 = vector.load %arg6[%get3A_20, %get3A_21] : memref<64x64xf32, #tpu.memory_space<vmem>>, vector<64x64xf32>
    %dot_general3A = arith.constant dense<0.000000e+00> : vector<1000x64xf32>
    %dot_general3A_23 = tpu.matmul %max3A_19, %get3A_22, %dot_general3A {dimension_numbers = #tpu.dot_dimension_numbers<[1], [0], [0], [1], [0, 0, 1, 1], [], []>, transpose_lhs_hint = false} : vector<1000x64xf32>, vector<64x64xf32>, vector<1000x64xf32> -> vector<1000x64xf32>
    %mul3A_24 = vector.broadcast %get3A_1 : vector<1000x1xf32> to vector<1000x64xf32>
    %mul3A_25 = arith.mulf %mul3A_24, %dot_general3A_23 : vector<1000x64xf32>
    %swap3A = arith.constant 0 : index
    %swap3A_26 = arith.constant 0 : index
    %swap3A_27 = vector.load %arg7[%swap3A, %swap3A_26] : memref<1000x64xf32, #tpu.memory_space<vmem>>, vector<1000x64xf32>
    tpu.vector_store %arg7[%swap3A, %swap3A_26], %mul3A_25 {strides = array<i32>} : memref<1000x64xf32, #tpu.memory_space<vmem>>, vector<1000x64xf32>,
    return
  }
  func.func @transform_0(%arg0: i32) -> (i32, i32) {
    %c0_i32 = arith.constant 0 : i32
    %c0_i32_0 = arith.constant 0 : i32
    return %arg0, %c0_i32 : i32, i32
  }
  func.func @transform_1(%arg0: i32) -> (i32, i32) {
    %c0_i32 = arith.constant 0 : i32
    %c0_i32_0 = arith.constant 0 : i32
    return %arg0, %c0_i32 : i32, i32
  }
  func.func @transform_2(%arg0: i32) -> (i32, i32) {
    %c0_i32 = arith.constant 0 : i32
    %c0_i32_0 = arith.constant 0 : i32
    return %arg0, %c0_i32 : i32, i32
  }
  func.func @transform_3(%arg0: i32) -> (i32, i32) {
    %c0_i32 = arith.constant 0 : i32
    %c0_i32_0 = arith.constant 0 : i32
    return %arg0, %c0_i32 : i32, i32
  }
  func.func @transform_4(%arg0: i32) -> (i32, i32) {
    %c0_i32 = arith.constant 0 : i32
    %c0_i32_0 = arith.constant 0 : i32
    %c0_i32_1 = arith.constant 0 : i32
    return %c0_i32, %c0_i32_0 : i32, i32
  }
  func.func @transform_5(%arg0: i32) -> (i32, i32) {
    %c0_i32 = arith.constant 0 : i32
    %c0_i32_0 = arith.constant 0 : i32
    %c0_i32_1 = arith.constant 0 : i32
    return %c0_i32, %c0_i32_0 : i32, i32
  }
  func.func @transform_6(%arg0: i32) -> (i32, i32) {
    %c0_i32 = arith.constant 0 : i32
    %c0_i32_0 = arith.constant 0 : i32
    return %arg0, %c0_i32 : i32, i32
  }
}

module attributes {stable_mosaic.version = 14 : i64} {
  func.func @_tc_final_body(%arg0: i32, %arg1: memref<1000x64xf32, #tpu.memory_space<vmem>>, %arg2: memref<1000x64xf32, #tpu.memory_space<vmem>>, %arg3: memref<1000x64xf32, #tpu.memory_space<vmem>>, %arg4: memref<1000x1xf32, #tpu.memory_space<vmem>>, %arg5: memref<1x64xf32, #tpu.memory_space<vmem>>, %arg6: memref<1000x1xi32, #tpu.memory_space<vmem>>, %arg7: memref<64x5xf32, #tpu.memory_space<vmem>>, %arg8: memref<1x5xf32, #tpu.memory_space<vmem>>, %arg9: memref<64x5xf32, #tpu.memory_space<vmem>>, %arg10: memref<64x64xf32, #tpu.memory_space<vmem>>, %arg11: memref<64x1xf32, #tpu.memory_space<vmem>>) attributes {dimension_semantics = [#tpu.dimension_semantics<arbitrary>], iteration_bounds = array<i64: 10>, scalar_prefetch = 0 : i64, scratch_operands = 2 : i64, tpu.core_type = #tpu.core_type<tc>, window_params = [{transform_indices = @transform_0, window_bounds = array<i64: 1000, 64>}, {transform_indices = @transform_1, window_bounds = array<i64: 1000, 64>}, {transform_indices = @transform_2, window_bounds = array<i64: 1000, 64>}, {transform_indices = @transform_3, window_bounds = array<i64: 1000, 1>}, {pipeline_mode = #tpu.pipeline_mode<synchronous>, transform_indices = @transform_4, window_bounds = array<i64: 1, 64>}, {transform_indices = @transform_5, window_bounds = array<i64: 1000, 1>}, {pipeline_mode = #tpu.pipeline_mode<synchronous>, transform_indices = @transform_6, window_bounds = array<i64: 64, 5>}, {pipeline_mode = #tpu.pipeline_mode<synchronous>, transform_indices = @transform_7, window_bounds = array<i64: 1, 5>}, {pipeline_mode = #tpu.pipeline_mode<synchronous>, transform_indices = @transform_8, window_bounds = array<i64: 64, 5>}]} {
    %get3A = arith.constant 0 : index
    %get3A_0 = arith.constant 0 : index
    %get3A_1 = vector.load %arg4[%get3A, %get3A_0] : memref<1000x1xf32, #tpu.memory_space<vmem>>, vector<1000x1xf32>
    %get3A_2 = arith.constant 0 : index
    %get3A_3 = arith.constant 0 : index
    %get3A_4 = vector.load %arg1[%get3A_2, %get3A_3] : memref<1000x64xf32, #tpu.memory_space<vmem>>, vector<1000x64xf32>
    %get3A_5 = arith.constant 0 : index
    %get3A_6 = arith.constant 0 : index
    %get3A_7 = vector.load %arg2[%get3A_5, %get3A_6] : memref<1000x64xf32, #tpu.memory_space<vmem>>, vector<1000x64xf32>
    %add3A = arith.addf %get3A_4, %get3A_7 : vector<1000x64xf32>
    %get3A_8 = arith.constant 0 : index
    %get3A_9 = arith.constant 0 : index
    %get3A_10 = vector.load %arg3[%get3A_8, %get3A_9] : memref<1000x64xf32, #tpu.memory_space<vmem>>, vector<1000x64xf32>
    %add3A_11 = arith.addf %add3A, %get3A_10 : vector<1000x64xf32>
    %mul3A = vector.broadcast %get3A_1 : vector<1000x1xf32> to vector<1000x64xf32>
    %mul3A_12 = arith.mulf %mul3A, %add3A_11 : vector<1000x64xf32>
    %get3A_13 = arith.constant 0 : index
    %get3A_14 = arith.constant 0 : index
    %get3A_15 = vector.load %arg5[%get3A_13, %get3A_14] : memref<1x64xf32, #tpu.memory_space<vmem>>, vector<1x64xf32>
    %add3A_16 = vector.broadcast %get3A_15 : vector<1x64xf32> to vector<1000x64xf32>
    %add3A_17 = arith.addf %mul3A_12, %add3A_16 : vector<1000x64xf32>
    %get3A_18 = arith.constant 0 : index
    %get3A_19 = arith.constant 0 : index
    %get3A_20 = vector.load %arg6[%get3A_18, %get3A_19] : memref<1000x1xi32, #tpu.memory_space<vmem>>, vector<1000x1xi32>
    %iota3A = tpu.iota {dimensions = array<i32: 1>} : vector<1000x64xi32>
    %eq3A = vector.broadcast %get3A_20 : vector<1000x1xi32> to vector<1000x64xi32>
    %eq3A_21 = arith.cmpi eq, %eq3A, %iota3A : vector<1000x64xi32>
    %convert_element_type3A = arith.extui %eq3A_21 : vector<1000x64xi1> to vector<1000x64xi32>
    %convert_element_type3A_22 = arith.sitofp %convert_element_type3A : vector<1000x64xi32> to vector<1000x64xf32>
    %dot_general3A = arith.constant dense<0.000000e+00> : vector<64x64xf32>
    %dot_general3A_23 = tpu.matmul %convert_element_type3A_22, %add3A_17, %dot_general3A {dimension_numbers = #tpu.dot_dimension_numbers<[0], [0], [1], [1], [0, 1, 1, 1], [], []>, transpose_lhs_hint = false} : vector<1000x64xf32>, vector<1000x64xf32>, vector<64x64xf32> -> vector<64x64xf32>
    %broadcast_in_dim3A = arith.constant 1.000000e+00 : f32
    %broadcast_in_dim3A_24 = vector.broadcast %broadcast_in_dim3A : f32 to vector<1000x1xf32>
    %dot_general3A_25 = arith.constant dense<0.000000e+00> : vector<64x1xf32>
    %dot_general3A_26 = tpu.matmul %convert_element_type3A_22, %broadcast_in_dim3A_24, %dot_general3A_25 {dimension_numbers = #tpu.dot_dimension_numbers<[0], [0], [1], [1], [0, 1, 1, 1], [], []>, transpose_lhs_hint = false} : vector<1000x64xf32>, vector<1000x1xf32>, vector<64x1xf32> -> vector<64x1xf32>
    %eq3A_27 = arith.constant 0 : i32
    %eq3A_28 = arith.cmpi eq, %arg0, %eq3A_27 : i32
    %convert_element_type3A_29 = arith.extui %eq3A_28 : i1 to i32
    %cond3A = arith.constant 0 : i32
    %cond3A_30 = arith.cmpi ne, %convert_element_type3A_29, %cond3A : i32
    scf.if %cond3A_30 {
      %broadcast_in_dim3A_49 = arith.constant 0.000000e+00 : f32
      %broadcast_in_dim3A_50 = vector.broadcast %broadcast_in_dim3A_49 : f32 to vector<64x64xf32>
      %swap3A_51 = arith.constant 0 : index
      %swap3A_52 = arith.constant 0 : index
      %swap3A_53 = vector.load %arg10[%swap3A_51, %swap3A_52] : memref<64x64xf32, #tpu.memory_space<vmem>>, vector<64x64xf32>
      tpu.vector_store %arg10[%swap3A_51, %swap3A_52], %broadcast_in_dim3A_50 {strides = array<i32>} : memref<64x64xf32, #tpu.memory_space<vmem>>, vector<64x64xf32>,
      %broadcast_in_dim3A_54 = arith.constant 0.000000e+00 : f32
      %broadcast_in_dim3A_55 = vector.broadcast %broadcast_in_dim3A_54 : f32 to vector<64x1xf32>
      %swap3A_56 = arith.constant 0 : index
      %swap3A_57 = arith.constant 0 : index
      %swap3A_58 = vector.load %arg11[%swap3A_56, %swap3A_57] : memref<64x1xf32, #tpu.memory_space<vmem>>, vector<64x1xf32>
      tpu.vector_store %arg11[%swap3A_56, %swap3A_57], %broadcast_in_dim3A_55 {strides = array<i32>} : memref<64x1xf32, #tpu.memory_space<vmem>>, vector<64x1xf32>,
    } else {
    }
    %get3A_31 = arith.constant 0 : index
    %get3A_32 = arith.constant 0 : index
    %get3A_33 = vector.load %arg10[%get3A_31, %get3A_32] : memref<64x64xf32, #tpu.memory_space<vmem>>, vector<64x64xf32>
    %add3A_34 = arith.addf %get3A_33, %dot_general3A_23 : vector<64x64xf32>
    %swap3A = arith.constant 0 : index
    %swap3A_35 = arith.constant 0 : index
    %swap3A_36 = vector.load %arg10[%swap3A, %swap3A_35] : memref<64x64xf32, #tpu.memory_space<vmem>>, vector<64x64xf32>
    tpu.vector_store %arg10[%swap3A, %swap3A_35], %add3A_34 {strides = array<i32>} : memref<64x64xf32, #tpu.memory_space<vmem>>, vector<64x64xf32>,
    %get3A_37 = arith.constant 0 : index
    %get3A_38 = arith.constant 0 : index
    %get3A_39 = vector.load %arg11[%get3A_37, %get3A_38] : memref<64x1xf32, #tpu.memory_space<vmem>>, vector<64x1xf32>
    %add3A_40 = arith.addf %get3A_39, %dot_general3A_26 : vector<64x1xf32>
    %swap3A_41 = arith.constant 0 : index
    %swap3A_42 = arith.constant 0 : index
    %swap3A_43 = vector.load %arg11[%swap3A_41, %swap3A_42] : memref<64x1xf32, #tpu.memory_space<vmem>>, vector<64x1xf32>
    tpu.vector_store %arg11[%swap3A_41, %swap3A_42], %add3A_40 {strides = array<i32>} : memref<64x1xf32, #tpu.memory_space<vmem>>, vector<64x1xf32>,
    %eq3A_44 = arith.constant 9 : i32
    %eq3A_45 = arith.cmpi eq, %arg0, %eq3A_44 : i32
    %convert_element_type3A_46 = arith.extui %eq3A_45 : i1 to i32
    %cond3A_47 = arith.constant 0 : i32
    %cond3A_48 = arith.cmpi ne, %convert_element_type3A_46, %cond3A_47 : i32
    scf.if %cond3A_48 {
      %get3A_49 = arith.constant 0 : index
      %get3A_50 = arith.constant 0 : index
      %get3A_51 = vector.load %arg10[%get3A_49, %get3A_50] : memref<64x64xf32, #tpu.memory_space<vmem>>, vector<64x64xf32>
      %get3A_52 = arith.constant 0 : index
      %get3A_53 = arith.constant 0 : index
      %get3A_54 = vector.load %arg11[%get3A_52, %get3A_53] : memref<64x1xf32, #tpu.memory_space<vmem>>, vector<64x1xf32>
      %max3A = arith.constant 1.000000e+00 : f32
      %max3A_55 = vector.broadcast %max3A : f32 to vector<64x1xf32>
      %max3A_56 = arith.maximumf %get3A_54, %max3A_55 : vector<64x1xf32>
      %div3A = vector.broadcast %max3A_56 : vector<64x1xf32> to vector<64x64xf32>
      %div3A_57 = arith.divf %get3A_51, %div3A : vector<64x64xf32>
      %get3A_58 = arith.constant 0 : index
      %get3A_59 = arith.constant 0 : index
      %get3A_60 = vector.load %arg7[%get3A_58, %get3A_59] : memref<64x5xf32, #tpu.memory_space<vmem>>, vector<64x5xf32>
      %dot_general3A_61 = arith.constant dense<0.000000e+00> : vector<64x5xf32>
      %dot_general3A_62 = tpu.matmul %div3A_57, %get3A_60, %dot_general3A_61 {dimension_numbers = #tpu.dot_dimension_numbers<[1], [0], [0], [1], [0, 0, 1, 1], [], []>, transpose_lhs_hint = false} : vector<64x64xf32>, vector<64x5xf32>, vector<64x5xf32> -> vector<64x5xf32>
      %get3A_63 = arith.constant 0 : index
      %get3A_64 = arith.constant 0 : index
      %get3A_65 = vector.load %arg8[%get3A_63, %get3A_64] : memref<1x5xf32, #tpu.memory_space<vmem>>, vector<1x5xf32>
      %add3A_66 = vector.broadcast %get3A_65 : vector<1x5xf32> to vector<64x5xf32>
      %add3A_67 = arith.addf %dot_general3A_62, %add3A_66 : vector<64x5xf32>
      %swap3A_68 = arith.constant 0 : index
      %swap3A_69 = arith.constant 0 : index
      %swap3A_70 = vector.load %arg9[%swap3A_68, %swap3A_69] : memref<64x5xf32, #tpu.memory_space<vmem>>, vector<64x5xf32>
      tpu.vector_store %arg9[%swap3A_68, %swap3A_69], %add3A_67 {strides = array<i32>} : memref<64x5xf32, #tpu.memory_space<vmem>>, vector<64x5xf32>,
    } else {
    }
    return
  }
  func.func @transform_0(%arg0: i32) -> (i32, i32) {
    %c0_i32 = arith.constant 0 : i32
    %c0_i32_0 = arith.constant 0 : i32
    return %arg0, %c0_i32 : i32, i32
  }
  func.func @transform_1(%arg0: i32) -> (i32, i32) {
    %c0_i32 = arith.constant 0 : i32
    %c0_i32_0 = arith.constant 0 : i32
    return %arg0, %c0_i32 : i32, i32
  }
  func.func @transform_2(%arg0: i32) -> (i32, i32) {
    %c0_i32 = arith.constant 0 : i32
    %c0_i32_0 = arith.constant 0 : i32
    return %arg0, %c0_i32 : i32, i32
  }
  func.func @transform_3(%arg0: i32) -> (i32, i32) {
    %c0_i32 = arith.constant 0 : i32
    %c0_i32_0 = arith.constant 0 : i32
    return %arg0, %c0_i32 : i32, i32
  }
  func.func @transform_4(%arg0: i32) -> (i32, i32) {
    %c0_i32 = arith.constant 0 : i32
    %c0_i32_0 = arith.constant 0 : i32
    %c0_i32_1 = arith.constant 0 : i32
    return %c0_i32, %c0_i32_0 : i32, i32
  }
  func.func @transform_5(%arg0: i32) -> (i32, i32) {
    %c0_i32 = arith.constant 0 : i32
    %c0_i32_0 = arith.constant 0 : i32
    return %arg0, %c0_i32 : i32, i32
  }
  func.func @transform_6(%arg0: i32) -> (i32, i32) {
    %c0_i32 = arith.constant 0 : i32
    %c0_i32_0 = arith.constant 0 : i32
    %c0_i32_1 = arith.constant 0 : i32
    return %c0_i32, %c0_i32_0 : i32, i32
  }
  func.func @transform_7(%arg0: i32) -> (i32, i32) {
    %c0_i32 = arith.constant 0 : i32
    %c0_i32_0 = arith.constant 0 : i32
    %c0_i32_1 = arith.constant 0 : i32
    return %c0_i32, %c0_i32_0 : i32, i32
  }
  func.func @transform_8(%arg0: i32) -> (i32, i32) {
    %c0_i32 = arith.constant 0 : i32
    %c0_i32_0 = arith.constant 0 : i32
    %c0_i32_1 = arith.constant 0 : i32
    return %c0_i32, %c0_i32_0 : i32, i32
  }
}

</mosaic_0001>

<sc_bundles>
// kernel: kernel.10.cloned.1.call-start
scs
__scs_entry_jumppad:
0x0: {  	(pc) =	sbr.rel $0x88, $3  }
0x1: {  	(tag) =	ssettag $0x0;
	lr =	simm.s32 $0x1  }
0x2: {  	[smem:$0x3F96] =	sst lr;
	_ =	strace $0xD0000000  }
0x3: {  	_ = 	snop  }
0x4: {  	_ = 	snop  }
0x5: {  	_ = 	snop  }
0x6: {  	_ = 	snop  }
0x7: {  	_ = 	snop  }
__scs_overlays_trampoline_lowered:
0x8: {  	[smem:$0x3FA5] =	sst s0  }
0x9: {  	[smem:$0x3FA6] =	sst s1  }
0xa: {  	[smem:$0x3FA7] =	sst s2  }
0xb: {  	[smem:$0x3FA8] =	sst s3  }
0xc: {  	[smem:$0x3FA9] =	sst s4  }
0xd: {  	[smem:$0x3FAA] =	sst s5  }
0xe: {  	[smem:$0x3FAB] =	sst s6  }
0xf: {  	[smem:$0x3FAC] =	sst s7  }
0x10: {  	[smem:$0x3FAD] =	sst s8  }
0x11: {  	[smem:$0x3FAE] =	sst s9;
	s0 =	simm.s32 @!p0 $0x0  }
0x12: {  	s1 =	sld [smem:$0x3F94];
	s0 =	simm.s32 @p0 $0x1  }
0x13: {  	[smem:$0x3FAF] =	sst s0;
	s0 =	simm.s32 @!p1 $0x0  }
0x14: {  	s2 =	sld [smem:$0x3F93];
	s0 =	simm.s32 @p1 $0x1  }
0x15: {  	[smem:$0x3FB0] =	sst s0;
	s0 =	simm.s32 @!p2 $0x0  }
0x16: {  	s3 =	sld [smem:$0x3FDB];
	s0 =	simm.s32 @p2 $0x1  }
0x17: {  	s4 =	simm.s32 $0x1BF5;
	[smem:$0x3FB2] =	sst s0  }
0x18: {  	s0 =	sld [smem:$0x3F95];
	_ =	swait.ge [sflag:s4], $0x0  }
0x19: {  	s7 =	sld [smem:$0x3F96]  }
0x1a: {  	s8 =	sadd.s32 $0xFFFFE003, lr  }
0x1b: {  	s9 =	sadd.s32 $0xFFFFFEF7, lr;
	s5 =	simm.s32 $0xFFFFFFFF;
	p2 =	slt.u32 s8, $0xFFFFF086  }
0x1c: {  	p1 =	slt.u32 s9, $0xF7A;
	s5 =	simm.s32 @!p2 $0x0  }
0x1d: {  	s5 =	simm.s32 @p1 $0x1;
	p0 =	seq.s32 s7, s2  }
0x1e: {  	s7 =	smul.u32 @!p0 $0xF7A, s2;
	p2 =	seq.s32 @!p0 s5, $0x0  }
0x1f: {  	s9 =	smul.u32 $0xF7A, s1;
	s8 =	simm.s32 @!p0 $0x1BF5;
	p2 =	por !p2, p0  }
0x20: {  	[sflag:s8] =	ssyncset.s32 @!p0 $0xFFFFF086;
	s6 =	sadd.s32 @!p0 s3, s7;
	s7 =	simm.s32 @!p0 $0x108  }
0x21: {  	s3 =	sadd.s32 s3, s9;
	s6 =	sadd.s32 @!p0 $0x88, s6;
	s7 =	simm.s32 @p2 $0x1082  }
0x22: {  	[simem:s7], [sflag:s8] =	dma.local @!p0 [hbm:s6], $0xF7A  }
0x23: {  	s9 =	sor.u32 $0xD0000000, s2;
	s6 =	simm.s32 $0x108;
	_ =	swait.ge @!p0 [sflag:s8], $0x0  }
0x24: {  	s3 =	sadd.s32 $0x88, s3;
	s6 =	simm.s32 @!p1 $0x1082;
	[sflag:s4] =	ssyncset.s32 $0xFFFFF086  }
0x25: {  	[simem:s6], [sflag:s4] =	dma.local [hbm:s3], $0xF7A  }
0x26: {  	[smem:$0x3F96] =	sst s1;
	(tag) =	ssettag s2;
	_ =	strace s9  }
0x27: {  	s1 =	sld [smem:$0x3FA6]  }
0x28: {  	s2 =	sld [smem:$0x3FA7]  }
0x29: {  	s4 =	sld [smem:$0x3FA9]  }
0x2a: {  	p0 =	seq.s32 s5, $0x0;
	s5 =	sld [smem:$0x3FAA]  }
0x2b: {  	s6 =	sld [smem:$0x3FAB]  }
0x2c: {  	s7 =	sld [smem:$0x3FAC]  }
0x2d: {  	s3 =	simm.s32 $0x108;
	s8 =	sld [smem:$0x3FAD]  }
0x2e: {  	s3 =	simm.s32 @!p0 $0x1082;
	s9 =	sld [smem:$0x3FAE]  }
0x2f: {  	lr =	sadd.s32 s0, s3;
	s0 =	sld [smem:$0x3FA5]  }
0x30: {  	s3 =	sld [smem:$0x3FA8]  }
0x31: {  	[smem:$0x3FB1] =	sst s10  }
0x32: {  	s10 =	sld [smem:$0x3FAF];
	_ =	sdelay $0x3  }
0x33: {  	p0 =	seq.s32 s10, $0x1;
	s10 =	sld [smem:$0x3FB1];
	_ =	sdelay $0x3  }
0x34: {  	[smem:$0x3FB1] =	sst s10  }
0x35: {  	s10 =	sld [smem:$0x3FB0];
	_ =	sdelay $0x3  }
0x36: {  	p1 =	seq.s32 s10, $0x1;
	s10 =	sld [smem:$0x3FB1];
	_ =	sdelay $0x3  }
0x37: {  	[smem:$0x3FB1] =	sst s10  }
0x38: {  	s10 =	sld [smem:$0x3FB2]  }
0x39: {  	_ = 	snop;
	(pc) =	sbr.ind lr, $3  }
0x3a: {  	_ = 	snop  }
0x3b: {  	_ = 	snop  }
0x3c: {  	p2 =	seq.s32 s10, $0x1;
	s10 =	sld [smem:$0x3FB1]  }
0x3d: {  	_ =	shalt  }
0x3e: {  	_ =	shalt  }
0x3f: {  	_ =	shalt  }
0x40: {  	_ =	shalt  }
0x41: {  	_ =	shalt  }
0x42: {  	_ =	shalt  }
0x43: {  	_ =	shalt  }
0x44: {  	_ =	shalt  }
0x45: {  	_ =	shalt  }
0x46: {  	_ =	shalt  }
0x47: {  	_ =	shalt  }
0x48: {  	_ =	shalt  }
0x49: {  	_ =	shalt  }
0x4a: {  	_ =	shalt  }
0x4b: {  	_ =	shalt  }
0x4c: {  	_ =	shalt  }
0x4d: {  	_ =	shalt  }
0x4e: {  	_ =	shalt  }
0x4f: {  	_ =	shalt  }
0x50: {  	_ =	shalt  }
0x51: {  	_ =	shalt  }
0x52: {  	_ =	shalt  }
0x53: {  	_ =	shalt  }
0x54: {  	_ =	shalt  }
0x55: {  	_ =	shalt  }
0x56: {  	_ =	shalt  }
0x57: {  	_ =	shalt  }
0x58: {  	_ =	shalt  }
0x59: {  	_ =	shalt  }
0x5a: {  	_ =	shalt  }
0x5b: {  	_ =	shalt  }
0x5c: {  	_ =	shalt  }
0x5d: {  	_ =	shalt  }
0x5e: {  	_ =	shalt  }
0x5f: {  	_ =	shalt  }
0x60: {  	_ =	shalt  }
0x61: {  	_ =	shalt  }
0x62: {  	_ =	shalt  }
0x63: {  	_ =	shalt  }
0x64: {  	_ =	shalt  }
0x65: {  	_ =	shalt  }
0x66: {  	_ =	shalt  }
0x67: {  	_ =	shalt  }
0x68: {  	_ =	shalt  }
0x69: {  	_ =	shalt  }
0x6a: {  	_ =	shalt  }
0x6b: {  	_ =	shalt  }
0x6c: {  	_ =	shalt  }
0x6d: {  	_ =	shalt  }
0x6e: {  	_ =	shalt  }
0x6f: {  	_ =	shalt  }
0x70: {  	_ =	shalt  }
0x71: {  	_ =	shalt  }
0x72: {  	_ =	shalt  }
0x73: {  	_ =	shalt  }
0x74: {  	_ =	shalt  }
0x75: {  	_ =	shalt  }
0x76: {  	_ =	shalt  }
0x77: {  	_ =	shalt  }
0x78: {  	_ =	shalt  }
0x79: {  	_ =	shalt  }
0x7a: {  	_ =	shalt  }
0x7b: {  	_ =	shalt  }
0x7c: {  	_ =	shalt  }
0x7d: {  	_ =	shalt  }
0x7e: {  	_ =	shalt  }
0x7f: {  	_ =	shalt  }
0x80: {  	_ =	shalt  }
0x81: {  	_ =	shalt  }
0x82: {  	_ =	shalt  }
0x83: {  	_ =	shalt  }
0x84: {  	_ =	shalt  }
0x85: {  	_ =	shalt  }
0x86: {  	_ =	shalt  }
0x87: {  	_ =	shalt  }
.Lfunc_end0:
.L_simem_size_0:
called_computation_lowered:
.L_overlay_start_0:
0x88: {  	s2 =	sld [smem:$0x3FD9]  }
0x89: {  	s3 =	sld [smem:$0x3FFE];
	_ =	sdelay $0x1  }
0x8a: {  	s1 =	srdreg.scid  }
0x8b: {  	s0 =	sand.u32 $0x1, s1  }
0x8c: {  	s16 =	sshll.u32 s0, $0xA;
	s2 =	sadd.s32 s3, s2  }
0x8d: {  	s2 =	sadd.s32 s2, s16  }
0x8e: {  	[smem:$0x3FBD] =	sst s2  }
0x8f: {  	_ = 	snop  }
0x90: {  	(tm) =	ssettm $0x1  }
0x91: {  	s17 =	sld [smem:$0x3FFB];
	_ =	sdelay $0x3  }
0x92: {  	_ =	strace s17  }
0x93: {  	s2 =	sld [smem:$0x3FFC];
	_ =	sdelay $0x3  }
0x94: {  	_ =	strace s2  }
0x95: {  	s2 =	sld [smem:$0x3FFD];
	_ =	sdelay $0x3  }
0x96: {  	_ =	strace s2  }
0x97: {  	_ =	strace $0x8FFFFFFF  }
0x98: {  	s18 =	sld [smem:$0x3FDB];
	_ =	sdelay $0x1  }
0x99: {  	s19 =	simm.s32 $_scs_section_size  }
0x9a: {  	s4 =	simm.s32 $_size__tile_overlayer_lowered;
	s5 =	simm.s32 $_tile_overlayer_lowered  }
0x9b: {  	s22 =	simm.s32 $0x1BFF;
	s21 =	sshll.u32 s5, $0x1;
	s2 =	sadd.s32 s19, s18  }
0x9c: {  	s6 =	simm.s32 $0x0;
	s20 =	sshll.u32 s4, $0x1;
	s4 =	sadd.s32 s21, s2  }
0x9d: {  	[timem:s6], [sflag:s22] =	dma.local [hbm:s4], s20  }
0x9e: {  	_ =	swait.ge [sflag:s22], s20  }
0x9f: {  	s3 =	ssub.s32 $0x0, s20;
	[sflag:s22] =	ssyncset.done $0x0  }
0xa0: {  	[sflag:s22] =	ssyncadd.s32 s3;
	_ =	sdelay $0x1  }
0xa1: {  	s23 =	simm.s32 $0x1B8B  }
0xa2: {  	_ =	swait.ge [sflag:s23], $0x1  }
0xa3: {  	[sflag:s23] =	ssyncset.done $0x0  }
0xa4: {  	s25 =	simm.s32 $0x1B8E;
	s24 =	sld [smem:$0x3FFE];
	[sflag:s23] =	ssyncadd.s32 $0xFFFFFFFF  }
0xa5: {  	s26 =	simm.s32 $execute0_lowered;
	[smem:$0x3FD2] =	sst s25  }
0xa6: {  	s4 =	sshll.u32 s26, $0x1;
	_ =	strace $0x80000046;
	[dreg:$0x1] =	wrdreg $0xFFFFFFFF  }
0xa7: {  	s28 =	simm.s32 $_size_execute0_lowered;
	s2 =	sadd.s32 s2, s4;
	[dreg:$0x0] =	wrdreg $0x0  }
0xa8: {  	s4 =	sshll.u32 s28, $0x1;
	[dreg:$0x2] =	wrdreg s2  }
0xa9: {  	[dreg:$0x3] =	wrdreg s4  }
0xaa: {  	[dreg:$0x4] =	wrdreg $0xC0  }
0xab: {  	_ =	task [dreg:s6], $0x5FFFF  }
0xac: {  	[dreg:$0x1] =	wrdreg $0xFFFFFFFF  }
0xad: {  	[dreg:$0x0] =	wrdreg $0x60  }
0xae: {  	[dreg:$0x2] =	wrdreg s24  }
0xaf: {  	[dreg:$0x3] =	wrdreg $0x30000  }
0xb0: {  	[dreg:$0x4] =	wrdreg $0x9  }
0xb1: {  	_ =	task.clear_ibuf [dreg:s6], $0x5FFFF;
	_ =	strace $0x90000046  }
0xb2: {  	s29 =	simm.s32 $0x9;
	_ =	strace $0x80000048  }
0xb3: {  	_ =	swait.ge [sflag:s29], $0x1  }
0xb4: {  	[sflag:s29] =	ssyncadd.s32 $0xFFFFFFFF  }
0xb5: {  	_ =	strace $0x90000048  }
0xb6: {  	_ =	sfence  }
0xb7: {  	s30 =	sld [smem:$0x0];
	_ =	sdelay $0x2  }
0xb8: {  	s31 =	sshll.u32 s1, $0xD;
	s1 =	sshrl.u32 s1, $0x2  }
0xb9: {  	s3 =	sand.u32 $0x4000, s31;
	s1 =	sadd.s32 s1, s30  }
0xba: {  	s0 =	sor.u32 s3, s0;
	s1 =	sshll.u32 s1, $0x11  }
0xbb: {  	s0 =	sor.u32 s1, s0  }
0xbc: {  	s0 =	sadd.s32 $0x8F2B, s0  }
0xbd: {  	[sflag:s0] =	ssyncadd.remote.s32 $0x1  }
0xbe: {  	_ =	sfence.sel $0xFFFF  }
0xbf: {  	[dreg:$0x0] =	wrdreg $0xFFFFFFFF;
	(pc) =	sbr.abs _section_cstart, $3  }
0xc0: {  	[dreg:$0x1] =	wrdreg $0xFFFFFFFF  }
0xc1: {  	_ =	task.clear_ibuf [dreg:s6], $0x2FFFF;
	_ =	strace $0x9FFFFFFF  }
0xc2: {  	(tm) =	ssettm $0x7FFFFFFF  }
0xc3: {  	_ =	shalt  }
tec
execute0_lowered:
.L_overlay_start_1:
0x0: {  	(tag) =	ssettag $0x1  }
0x1: {  	s4 =	rddreg [dreg:$0x0]  }
0x2: {  	s2 =	rddreg [dreg:$0x1];
	s3 =	srdreg.scid  }
0x3: {  	s1 =	stileid.u32;
	s0 =	rddreg [dreg:$0x2];
	s13 =	simm.s32 $0x80  }
0x4: {  	s14 =	simm.s32 $0x1;
	s15 =	simm.s32 $0x0;
	s5 =	sand.u32 $0x1, s3  }
0x5: {  	s6 =	sshll.u32 s1, $0x1;
	s3 =	simm.s32 $0x0;
	s7 =	smul.u32 $0x2800, s1  }
0x6: {  	s31 =	sshll.u32 s1, $0x6;
	s6 =	sor.u32 s5, s6;
	[smem:$0x7FF] =	sst s3  }
0x7: {  	s9 =	ssub.s32 $0x2, s5;
	p0 =	seq.s32 s5, $0x1;
	s6 =	smul.u32 $0x500, s6  }
0x8: {  	_ =	strace $0x80000047;
	s8 =	sshrl.u32 s7, $0x3;
	s29 =	sshrl.u32 s9, $0x1  }
0x9: {  	s12 =	sadd.s32 s7, s2;
	s11 =	sadd.s32 s8, s4;
	s30 =	ssub.s32 s9, s29  }
0xa: {  	s9 =	simm.s32 $0x1D200;
	s10 =	sadd.s32 s6, s4;
	s4 =	sadd.s32 $0x1D000, s4  }
0xb: {  	s5 =	sadd.s32 $0x18000, s11;
	s6 =	sor.u32 $0x1C02, s31;
	s9 =	simm.s32 @!p0 $0x22200  }
0xc: {  	s8 =	smax.u32 s30, $0x1;
	s7 =	sadd.s32 $0x4000, s10;
	s9 =	sadd.s32 s9, s11  }
0xd: {  	s10 =	sshrl.u32 s12, $0x3;
	s11 =	simm.s32 $0x2;
	s12 =	simm.s32 $0x2800  }
.LBB2_1:
0xe: {  	[spmem:s10], [sflag:s6] =	dma.local [hbm:s5], $0x500  }
0xf: {  	_ =	swait.ge [sflag:s11], $0x500  }
0x10: {  	[sflag:s11] =	ssyncset.done $0x0  }
0x11: {  	[sflag:s11] =	ssyncadd.s32 $0xFFFFFB00  }
0x12: {  	[tilespmem:s12], [sflag:$0x2] =	stream.linear.gather [hbm4b:s4+s3], $0x800, $0x38;
	[tilespmem:$0x5800] =	vst v63  }
0x13: {  	_ =	swait.ge [sflag:s11], $0x800  }
0x14: {  	[sflag:s11] =	ssyncset.done $0x0  }
0x15: {  	[sflag:s11] =	ssyncadd.s32 $0xFFFFF800  }
0x16: {  	[tilespmem:s3], [sflag:$0x2] =	stream.linear.gather [hbm4b:s7+s3], $0x2800, $0x38;
	[tilespmem:$0x5800] =	vst v63  }
0x17: {  	_ =	swait.ge [sflag:s11], $0x2800  }
0x18: {  	[sflag:s11] =	ssyncset.done $0x0  }
0x19: {  	[sflag:s11] =	ssyncadd.s32 $0xFFFFD800  }
0x1a: {  	s16 =	simm.s32 $0x0;
	[bflag:$0x0] =	sbarrier.arrive $0xFFFF  }
0x1b: {  	[spmem:s2] =	stream.indirect.scatter.add.f32 [tilespmem:s12], [sflag:$0x1], $0x10, s16, s13, $0xb8;
	[tilespmem:$0x5800] =	vst v63  }
0x1c: {  	s31 =	simm.s32 $0x80  }
0x1d: {  	[spmem:s2] =	stream.indirect.scatter.add.f32 [tilespmem:s12], [sflag:$0x1], $0x10, s31, s13, $0xb8;
	[tilespmem:$0x5800] =	vst v63  }
0x1e: {  	s17 =	simm.s32 $0x100  }
0x1f: {  	[spmem:s2] =	stream.indirect.scatter.add.f32 [tilespmem:s12], [sflag:$0x1], $0x10, s17, s13, $0xb8;
	[tilespmem:$0x5800] =	vst v63  }
0x20: {  	s18 =	simm.s32 $0x180  }
0x21: {  	[spmem:s2] =	stream.indirect.scatter.add.f32 [tilespmem:s12], [sflag:$0x1], $0x10, s18, s13, $0xb8;
	[tilespmem:$0x5800] =	vst v63  }
0x22: {  	s19 =	simm.s32 $0x200  }
0x23: {  	[spmem:s2] =	stream.indirect.scatter.add.f32 [tilespmem:s12], [sflag:$0x1], $0x10, s19, s13, $0xb8;
	[tilespmem:$0x5800] =	vst v63  }
0x24: {  	s20 =	simm.s32 $0x280  }
0x25: {  	[spmem:s2] =	stream.indirect.scatter.add.f32 [tilespmem:s12], [sflag:$0x1], $0x10, s20, s13, $0xb8;
	[tilespmem:$0x5800] =	vst v63  }
0x26: {  	s21 =	simm.s32 $0x300  }
0x27: {  	[spmem:s2] =	stream.indirect.scatter.add.f32 [tilespmem:s12], [sflag:$0x1], $0x10, s21, s13, $0xb8;
	[tilespmem:$0x5800] =	vst v63  }
0x28: {  	s22 =	simm.s32 $0x380  }
0x29: {  	[spmem:s2] =	stream.indirect.scatter.add.f32 [tilespmem:s12], [sflag:$0x1], $0x10, s22, s13, $0xb8;
	[tilespmem:$0x5800] =	vst v63  }
0x2a: {  	s23 =	simm.s32 $0x400  }
0x2b: {  	[spmem:s2] =	stream.indirect.scatter.add.f32 [tilespmem:s12], [sflag:$0x1], $0x10, s23, s13, $0xb8;
	[tilespmem:$0x5800] =	vst v63  }
0x2c: {  	s24 =	simm.s32 $0x480  }
0x2d: {  	[spmem:s2] =	stream.indirect.scatter.add.f32 [tilespmem:s12], [sflag:$0x1], $0x10, s24, s13, $0xb8;
	[tilespmem:$0x5800] =	vst v63  }
0x2e: {  	s25 =	simm.s32 $0x500  }
0x2f: {  	[spmem:s2] =	stream.indirect.scatter.add.f32 [tilespmem:s12], [sflag:$0x1], $0x10, s25, s13, $0xb8;
	[tilespmem:$0x5800] =	vst v63  }
0x30: {  	s26 =	simm.s32 $0x580  }
0x31: {  	[spmem:s2] =	stream.indirect.scatter.add.f32 [tilespmem:s12], [sflag:$0x1], $0x10, s26, s13, $0xb8;
	[tilespmem:$0x5800] =	vst v63  }
0x32: {  	s28 =	simm.s32 $0x600  }
0x33: {  	[spmem:s2] =	stream.indirect.scatter.add.f32 [tilespmem:s12], [sflag:$0x1], $0x10, s28, s13, $0xb8;
	[tilespmem:$0x5800] =	vst v63  }
0x34: {  	s29 =	simm.s32 $0x680  }
0x35: {  	[spmem:s2] =	stream.indirect.scatter.add.f32 [tilespmem:s12], [sflag:$0x1], $0x10, s29, s13, $0xb8;
	[tilespmem:$0x5800] =	vst v63  }
0x36: {  	s30 =	simm.s32 $0x700  }
0x37: {  	[spmem:s2] =	stream.indirect.scatter.add.f32 [tilespmem:s12], [sflag:$0x1], $0x10, s30, s13, $0xb8;
	[tilespmem:$0x5800] =	vst v63  }
0x38: {  	s31 =	simm.s32 $0x780  }
0x39: {  	[spmem:s2] =	stream.indirect.scatter.add.f32 [tilespmem:s12], [sflag:$0x1], $0x10, s31, s13, $0xb8;
	[tilespmem:$0x5800] =	vst v63  }
0x3a: {  	_ =	swait.ge [sflag:s14], $0x800  }
0x3b: {  	[sflag:s14] =	ssyncset.done $0x0  }
0x3c: {  	[sflag:s14] =	ssyncadd.s32 $0xFFFFF800  }
0x3d: {  	_ =	swait.ge [sflag:s14], $0x800  }
0x3e: {  	[sflag:s14] =	ssyncset.done $0x0  }
0x3f: {  	[sflag:s14] =	ssyncadd.s32 $0xFFFFF800  }
0x40: {  	_ =	swait.ge [sflag:s14], $0x800  }
0x41: {  	[sflag:s14] =	ssyncset.done $0x0  }
0x42: {  	[sflag:s14] =	ssyncadd.s32 $0xFFFFF800  }
0x43: {  	_ =	swait.ge [sflag:s14], $0x800  }
0x44: {  	[sflag:s14] =	ssyncset.done $0x0  }
0x45: {  	[sflag:s14] =	ssyncadd.s32 $0xFFFFF800  }
0x46: {  	_ =	swait.ge [sflag:s14], $0x800  }
0x47: {  	[sflag:s14] =	ssyncset.done $0x0  }
0x48: {  	[sflag:s14] =	ssyncadd.s32 $0xFFFFF800  }
0x49: {  	_ =	swait.ge [sflag:s14], $0x800  }
0x4a: {  	[sflag:s14] =	ssyncset.done $0x0  }
0x4b: {  	[sflag:s14] =	ssyncadd.s32 $0xFFFFF800  }
0x4c: {  	_ =	swait.ge [sflag:s14], $0x800  }
0x4d: {  	[sflag:s14] =	ssyncset.done $0x0  }
0x4e: {  	[sflag:s14] =	ssyncadd.s32 $0xFFFFF800  }
0x4f: {  	_ =	swait.ge [sflag:s14], $0x800  }
0x50: {  	[sflag:s14] =	ssyncset.done $0x0  }
0x51: {  	[sflag:s14] =	ssyncadd.s32 $0xFFFFF800  }
0x52: {  	_ =	swait.ge [sflag:s14], $0x800  }
0x53: {  	[sflag:s14] =	ssyncset.done $0x0  }
0x54: {  	[sflag:s14] =	ssyncadd.s32 $0xFFFFF800  }
0x55: {  	_ =	swait.ge [sflag:s14], $0x800  }
0x56: {  	[sflag:s14] =	ssyncset.done $0x0  }
0x57: {  	[sflag:s14] =	ssyncadd.s32 $0xFFFFF800  }
0x58: {  	_ =	swait.ge [sflag:s14], $0x800  }
0x59: {  	[sflag:s14] =	ssyncset.done $0x0  }
0x5a: {  	[sflag:s14] =	ssyncadd.s32 $0xFFFFF800  }
0x5b: {  	_ =	swait.ge [sflag:s14], $0x800  }
0x5c: {  	[sflag:s14] =	ssyncset.done $0x0  }
0x5d: {  	[sflag:s14] =	ssyncadd.s32 $0xFFFFF800  }
0x5e: {  	_ =	swait.ge [sflag:s14], $0x800  }
0x5f: {  	[sflag:s14] =	ssyncset.done $0x0  }
0x60: {  	[sflag:s14] =	ssyncadd.s32 $0xFFFFF800  }
0x61: {  	_ =	swait.ge [sflag:s14], $0x800  }
0x62: {  	[sflag:s14] =	ssyncset.done $0x0  }
0x63: {  	[sflag:s14] =	ssyncadd.s32 $0xFFFFF800  }
0x64: {  	_ =	swait.ge [sflag:s14], $0x800  }
0x65: {  	[sflag:s14] =	ssyncset.done $0x0  }
0x66: {  	[sflag:s14] =	ssyncadd.s32 $0xFFFFF800  }
0x67: {  	_ =	swait.ge [sflag:s14], $0x800  }
0x68: {  	s16 =	simm.s32 $0x2000;
	s19 =	simm.s32 $0x4000;
	[sflag:s14] =	ssyncset.done $0x0  }
.LBB2_2:
0x69: {  	s18 =	sshra.s32 s16, $0x2  }
0x6a: {  	[sflag:s14] =	ssyncadd.s32 $0xFFFFF800;
	s16 =	smov.u32 s19;
	s17 =	sadd.s32 $0x2000, s19  }
0x6b: {  	[spmem:s2] =	stream.indirect.scatter.add.f32 [tilespmem:s12], [sflag:$0x1], $0x10, s18, s13, $0xb8;
	[tilespmem:$0x5800] =	vst v63  }
0x6c: {  	p0 =	sne.s32 s19, $0x8000;
	s19 =	sadd.s32 $0x80, s18  }
0x6d: {  	[spmem:s2] =	stream.indirect.scatter.add.f32 [tilespmem:s12], [sflag:$0x1], $0x10, s19, s13, $0xb8;
	[tilespmem:$0x5800] =	vst v63  }
0x6e: {  	s19 =	sadd.s32 $0x100, s18  }
0x6f: {  	[spmem:s2] =	stream.indirect.scatter.add.f32 [tilespmem:s12], [sflag:$0x1], $0x10, s19, s13, $0xb8;
	[tilespmem:$0x5800] =	vst v63  }
0x70: {  	s19 =	sadd.s32 $0x180, s18  }
0x71: {  	[spmem:s2] =	stream.indirect.scatter.add.f32 [tilespmem:s12], [sflag:$0x1], $0x10, s19, s13, $0xb8;
	[tilespmem:$0x5800] =	vst v63  }
0x72: {  	s19 =	sadd.s32 $0x200, s18  }
0x73: {  	[spmem:s2] =	stream.indirect.scatter.add.f32 [tilespmem:s12], [sflag:$0x1], $0x10, s19, s13, $0xb8;
	[tilespmem:$0x5800] =	vst v63  }
0x74: {  	s19 =	sadd.s32 $0x280, s18  }
0x75: {  	[spmem:s2] =	stream.indirect.scatter.add.f32 [tilespmem:s12], [sflag:$0x1], $0x10, s19, s13, $0xb8;
	[tilespmem:$0x5800] =	vst v63  }
0x76: {  	s19 =	sadd.s32 $0x300, s18  }
0x77: {  	[spmem:s2] =	stream.indirect.scatter.add.f32 [tilespmem:s12], [sflag:$0x1], $0x10, s19, s13, $0xb8;
	[tilespmem:$0x5800] =	vst v63  }
0x78: {  	s19 =	sadd.s32 $0x380, s18  }
0x79: {  	[spmem:s2] =	stream.indirect.scatter.add.f32 [tilespmem:s12], [sflag:$0x1], $0x10, s19, s13, $0xb8;
	[tilespmem:$0x5800] =	vst v63  }
0x7a: {  	s19 =	sadd.s32 $0x400, s18  }
0x7b: {  	[spmem:s2] =	stream.indirect.scatter.add.f32 [tilespmem:s12], [sflag:$0x1], $0x10, s19, s13, $0xb8;
	[tilespmem:$0x5800] =	vst v63  }
0x7c: {  	s19 =	sadd.s32 $0x480, s18  }
0x7d: {  	[spmem:s2] =	stream.indirect.scatter.add.f32 [tilespmem:s12], [sflag:$0x1], $0x10, s19, s13, $0xb8;
	[tilespmem:$0x5800] =	vst v63  }
0x7e: {  	s19 =	sadd.s32 $0x500, s18  }
0x7f: {  	[spmem:s2] =	stream.indirect.scatter.add.f32 [tilespmem:s12], [sflag:$0x1], $0x10, s19, s13, $0xb8;
	[tilespmem:$0x5800] =	vst v63  }
0x80: {  	s19 =	sadd.s32 $0x580, s18  }
0x81: {  	[spmem:s2] =	stream.indirect.scatter.add.f32 [tilespmem:s12], [sflag:$0x1], $0x10, s19, s13, $0xb8;
	[tilespmem:$0x5800] =	vst v63  }
0x82: {  	s19 =	sadd.s32 $0x600, s18  }
0x83: {  	[spmem:s2] =	stream.indirect.scatter.add.f32 [tilespmem:s12], [sflag:$0x1], $0x10, s19, s13, $0xb8;
	[tilespmem:$0x5800] =	vst v63  }
0x84: {  	s19 =	sadd.s32 $0x680, s18  }
0x85: {  	[spmem:s2] =	stream.indirect.scatter.add.f32 [tilespmem:s12], [sflag:$0x1], $0x10, s19, s13, $0xb8;
	[tilespmem:$0x5800] =	vst v63  }
0x86: {  	s19 =	sadd.s32 $0x700, s18  }
0x87: {  	[spmem:s2] =	stream.indirect.scatter.add.f32 [tilespmem:s12], [sflag:$0x1], $0x10, s19, s13, $0xb8;
	[tilespmem:$0x5800] =	vst v63  }
0x88: {  	s18 =	sadd.s32 $0x780, s18  }
0x89: {  	[spmem:s2] =	stream.indirect.scatter.add.f32 [tilespmem:s12], [sflag:$0x1], $0x10, s18, s13, $0xb8;
	[tilespmem:$0x5800] =	vst v63  }
0x8a: {  	_ =	swait.ge [sflag:s14], $0x800  }
0x8b: {  	[sflag:s14] =	ssyncset.done $0x0  }
0x8c: {  	[sflag:s14] =	ssyncadd.s32 $0xFFFFF800  }
0x8d: {  	_ =	swait.ge [sflag:s14], $0x800  }
0x8e: {  	[sflag:s14] =	ssyncset.done $0x0  }
0x8f: {  	[sflag:s14] =	ssyncadd.s32 $0xFFFFF800  }
0x90: {  	_ =	swait.ge [sflag:s14], $0x800  }
0x91: {  	[sflag:s14] =	ssyncset.done $0x0  }
0x92: {  	[sflag:s14] =	ssyncadd.s32 $0xFFFFF800  }
0x93: {  	_ =	swait.ge [sflag:s14], $0x800  }
0x94: {  	[sflag:s14] =	ssyncset.done $0x0  }
0x95: {  	[sflag:s14] =	ssyncadd.s32 $0xFFFFF800  }
0x96: {  	_ =	swait.ge [sflag:s14], $0x800  }
0x97: {  	[sflag:s14] =	ssyncset.done $0x0  }
0x98: {  	[sflag:s14] =	ssyncadd.s32 $0xFFFFF800  }
0x99: {  	_ =	swait.ge [sflag:s14], $0x800  }
0x9a: {  	[sflag:s14] =	ssyncset.done $0x0  }
0x9b: {  	[sflag:s14] =	ssyncadd.s32 $0xFFFFF800  }
0x9c: {  	_ =	swait.ge [sflag:s14], $0x800  }
0x9d: {  	[sflag:s14] =	ssyncset.done $0x0  }
0x9e: {  	[sflag:s14] =	ssyncadd.s32 $0xFFFFF800  }
0x9f: {  	_ =	swait.ge [sflag:s14], $0x800  }
0xa0: {  	[sflag:s14] =	ssyncset.done $0x0  }
0xa1: {  	[sflag:s14] =	ssyncadd.s32 $0xFFFFF800  }
0xa2: {  	_ =	swait.ge [sflag:s14], $0x800  }
0xa3: {  	[sflag:s14] =	ssyncset.done $0x0  }
0xa4: {  	[sflag:s14] =	ssyncadd.s32 $0xFFFFF800  }
0xa5: {  	_ =	swait.ge [sflag:s14], $0x800  }
0xa6: {  	[sflag:s14] =	ssyncset.done $0x0  }
0xa7: {  	[sflag:s14] =	ssyncadd.s32 $0xFFFFF800  }
0xa8: {  	_ =	swait.ge [sflag:s14], $0x800  }
0xa9: {  	[sflag:s14] =	ssyncset.done $0x0  }
0xaa: {  	[sflag:s14] =	ssyncadd.s32 $0xFFFFF800  }
0xab: {  	_ =	swait.ge [sflag:s14], $0x800  }
0xac: {  	[sflag:s14] =	ssyncset.done $0x0  }
0xad: {  	[sflag:s14] =	ssyncadd.s32 $0xFFFFF800  }
0xae: {  	_ =	swait.ge [sflag:s14], $0x800  }
0xaf: {  	[sflag:s14] =	ssyncset.done $0x0  }
0xb0: {  	[sflag:s14] =	ssyncadd.s32 $0xFFFFF800  }
0xb1: {  	_ =	swait.ge [sflag:s14], $0x800  }
0xb2: {  	[sflag:s14] =	ssyncset.done $0x0  }
0xb3: {  	[sflag:s14] =	ssyncadd.s32 $0xFFFFF800  }
.Ltmp0:
0xb4: {  	_ =	swait.ge [sflag:s14], $0x800;
	(pc) =	sbr.rel @p0 .LBB2_2-.Ltmp0, $4  }
0xb5: {  	[sflag:s14] =	ssyncset.done $0x0  }
0xb6: {  	[sflag:s14] =	ssyncadd.s32 $0xFFFFF800  }
0xb7: {  	_ =	swait.ge [sflag:s14], $0x800  }
0xb8: {  	s19 =	smov.u32 s17;
	[sflag:s14] =	ssyncset.done $0x0  }
0xb9: {  	s16 =	sshra.s32 s16, $0x2;
	[sflag:s14] =	ssyncadd.s32 $0xFFFFF800  }
0xba: {  	[spmem:s2] =	stream.indirect.scatter.add.f32 [tilespmem:s12], [sflag:$0x1], $0x10, s16, s13, $0xb8;
	[tilespmem:$0x5800] =	vst v63  }
0xbb: {  	s17 =	sadd.s32 $0x80, s16  }
0xbc: {  	[spmem:s2] =	stream.indirect.scatter.add.f32 [tilespmem:s12], [sflag:$0x1], $0x10, s17, s13, $0xb8;
	[tilespmem:$0x5800] =	vst v63  }
0xbd: {  	s18 =	sadd.s32 $0x100, s16  }
0xbe: {  	[spmem:s2] =	stream.indirect.scatter.add.f32 [tilespmem:s12], [sflag:$0x1], $0x10, s18, s13, $0xb8;
	[tilespmem:$0x5800] =	vst v63  }
0xbf: {  	s19 =	sadd.s32 $0x180, s16  }
0xc0: {  	[spmem:s2] =	stream.indirect.scatter.add.f32 [tilespmem:s12], [sflag:$0x1], $0x10, s19, s13, $0xb8;
	[tilespmem:$0x5800] =	vst v63  }
0xc1: {  	s20 =	sadd.s32 $0x200, s16  }
0xc2: {  	[spmem:s2] =	stream.indirect.scatter.add.f32 [tilespmem:s12], [sflag:$0x1], $0x10, s20, s13, $0xb8;
	[tilespmem:$0x5800] =	vst v63  }
0xc3: {  	s21 =	sadd.s32 $0x280, s16  }
0xc4: {  	[spmem:s2] =	stream.indirect.scatter.add.f32 [tilespmem:s12], [sflag:$0x1], $0x10, s21, s13, $0xb8;
	[tilespmem:$0x5800] =	vst v63  }
0xc5: {  	s22 =	sadd.s32 $0x300, s16  }
0xc6: {  	[spmem:s2] =	stream.indirect.scatter.add.f32 [tilespmem:s12], [sflag:$0x1], $0x10, s22, s13, $0xb8;
	[tilespmem:$0x5800] =	vst v63  }
0xc7: {  	s23 =	sadd.s32 $0x380, s16  }
0xc8: {  	[spmem:s2] =	stream.indirect.scatter.add.f32 [tilespmem:s12], [sflag:$0x1], $0x10, s23, s13, $0xb8;
	[tilespmem:$0x5800] =	vst v63  }
0xc9: {  	s24 =	sadd.s32 $0x400, s16  }
0xca: {  	[spmem:s2] =	stream.indirect.scatter.add.f32 [tilespmem:s12], [sflag:$0x1], $0x10, s24, s13, $0xb8;
	[tilespmem:$0x5800] =	vst v63  }
0xcb: {  	s25 =	sadd.s32 $0x480, s16  }
0xcc: {  	[spmem:s2] =	stream.indirect.scatter.add.f32 [tilespmem:s12], [sflag:$0x1], $0x10, s25, s13, $0xb8;
	[tilespmem:$0x5800] =	vst v63  }
0xcd: {  	s26 =	sadd.s32 $0x500, s16  }
0xce: {  	[spmem:s2] =	stream.indirect.scatter.add.f32 [tilespmem:s12], [sflag:$0x1], $0x10, s26, s13, $0xb8;
	[tilespmem:$0x5800] =	vst v63  }
0xcf: {  	s28 =	sadd.s32 $0x580, s16  }
0xd0: {  	[spmem:s2] =	stream.indirect.scatter.add.f32 [tilespmem:s12], [sflag:$0x1], $0x10, s28, s13, $0xb8;
	[tilespmem:$0x5800] =	vst v63  }
0xd1: {  	s29 =	sadd.s32 $0x600, s16  }
0xd2: {  	[spmem:s2] =	stream.indirect.scatter.add.f32 [tilespmem:s12], [sflag:$0x1], $0x10, s29, s13, $0xb8;
	[tilespmem:$0x5800] =	vst v63  }
0xd3: {  	s30 =	sadd.s32 $0x680, s16  }
0xd4: {  	[spmem:s2] =	stream.indirect.scatter.add.f32 [tilespmem:s12], [sflag:$0x1], $0x10, s30, s13, $0xb8;
	[tilespmem:$0x5800] =	vst v63  }
0xd5: {  	s31 =	sadd.s32 $0x700, s16  }
0xd6: {  	[spmem:s2] =	stream.indirect.scatter.add.f32 [tilespmem:s12], [sflag:$0x1], $0x10, s31, s13, $0xb8;
	[tilespmem:$0x5800] =	vst v63  }
0xd7: {  	s16 =	sadd.s32 $0x780, s16  }
0xd8: {  	[spmem:s2] =	stream.indirect.scatter.add.f32 [tilespmem:s12], [sflag:$0x1], $0x10, s16, s13, $0xb8;
	[tilespmem:$0x5800] =	vst v63  }
0xd9: {  	_ =	swait.ge [sflag:s14], $0x800  }
0xda: {  	[sflag:s14] =	ssyncset.done $0x0  }
0xdb: {  	[sflag:s14] =	ssyncadd.s32 $0xFFFFF800  }
0xdc: {  	_ =	swait.ge [sflag:s14], $0x800  }
0xdd: {  	[sflag:s14] =	ssyncset.done $0x0  }
0xde: {  	[sflag:s14] =	ssyncadd.s32 $0xFFFFF800  }
0xdf: {  	_ =	swait.ge [sflag:s14], $0x800  }
0xe0: {  	[sflag:s14] =	ssyncset.done $0x0  }
0xe1: {  	[sflag:s14] =	ssyncadd.s32 $0xFFFFF800  }
0xe2: {  	_ =	swait.ge [sflag:s14], $0x800  }
0xe3: {  	[sflag:s14] =	ssyncset.done $0x0  }
0xe4: {  	[sflag:s14] =	ssyncadd.s32 $0xFFFFF800  }
0xe5: {  	_ =	swait.ge [sflag:s14], $0x800  }
0xe6: {  	[sflag:s14] =	ssyncset.done $0x0  }
0xe7: {  	[sflag:s14] =	ssyncadd.s32 $0xFFFFF800  }
0xe8: {  	_ =	swait.ge [sflag:s14], $0x800  }
0xe9: {  	[sflag:s14] =	ssyncset.done $0x0  }
0xea: {  	[sflag:s14] =	ssyncadd.s32 $0xFFFFF800  }
0xeb: {  	_ =	swait.ge [sflag:s14], $0x800  }
0xec: {  	[sflag:s14] =	ssyncset.done $0x0  }
0xed: {  	[sflag:s14] =	ssyncadd.s32 $0xFFFFF800  }
0xee: {  	_ =	swait.ge [sflag:s14], $0x800  }
0xef: {  	[sflag:s14] =	ssyncset.done $0x0  }
0xf0: {  	[sflag:s14] =	ssyncadd.s32 $0xFFFFF800  }
0xf1: {  	_ =	swait.ge [sflag:s14], $0x800  }
0xf2: {  	[sflag:s14] =	ssyncset.done $0x0  }
0xf3: {  	[sflag:s14] =	ssyncadd.s32 $0xFFFFF800  }
0xf4: {  	_ =	swait.ge [sflag:s14], $0x800  }
0xf5: {  	[sflag:s14] =	ssyncset.done $0x0  }
0xf6: {  	[sflag:s14] =	ssyncadd.s32 $0xFFFFF800  }
0xf7: {  	_ =	swait.ge [sflag:s14], $0x800  }
0xf8: {  	[sflag:s14] =	ssyncset.done $0x0  }
0xf9: {  	[sflag:s14] =	ssyncadd.s32 $0xFFFFF800  }
0xfa: {  	_ =	swait.ge [sflag:s14], $0x800  }
0xfb: {  	[sflag:s14] =	ssyncset.done $0x0  }
0xfc: {  	[sflag:s14] =	ssyncadd.s32 $0xFFFFF800  }
0xfd: {  	_ =	swait.ge [sflag:s14], $0x800  }
0xfe: {  	[sflag:s14] =	ssyncset.done $0x0  }
0xff: {  	[sflag:s14] =	ssyncadd.s32 $0xFFFFF800  }
0x100: {  	_ =	swait.ge [sflag:s14], $0x800  }
0x101: {  	[sflag:s14] =	ssyncset.done $0x0  }
0x102: {  	[sflag:s14] =	ssyncadd.s32 $0xFFFFF800  }
0x103: {  	_ =	swait.ge [sflag:s14], $0x800  }
0x104: {  	[sflag:s14] =	ssyncset.done $0x0  }
0x105: {  	[sflag:s14] =	ssyncadd.s32 $0xFFFFF800  }
0x106: {  	_ =	swait.ge [sflag:s14], $0x800  }
0x107: {  	s15 =	sadd.s32 $0x1, s15;
	[sflag:s14] =	ssyncset.done $0x0  }
0x108: {  	p0 =	sne.s32 s15, s8;
	[sflag:s14] =	ssyncadd.s32 $0xFFFFF800  }
.Ltmp1:
0x109: {  	[bflag:$0x0] =	sbarrier.arrive $0xFFFF;
	(pc) =	sbr.rel @p0 .LBB2_1-.Ltmp1, $4  }
0x10a: {  	[hbm:s9], [sflag:s6] =	dma.local [spmem:s10], $0x500  }
0x10b: {  	_ =	swait.ge [sflag:s11], $0x500  }
0x10c: {  	[sflag:s11] =	ssyncset.done $0x0  }
0x10d: {  	[sflag:s11] =	ssyncadd.s32 $0xFFFFFB00  }
0x10e: {  	_ =	sfence.sel $0x180000  }
0x10f: {  	[bflag:$0x0] =	sbarrier.arrive $0xFFFF  }
0x110: {  	p0 =	sne.s32 s1, $0x0;
	_ =	strace $0x90000047  }
0x111: {  	s0 =	sadd.s32 @!p0 $0x100000, s0;
	[bflag:$0x2] =	sbarrier.arrive $0xFFFF  }
0x112: {  	[sflag:s0] =	ssyncadd.tile.s32 @!p0 $0x1;
	_ =	shalt  }
.Lfunc_end2:
_tile_overlayer_lowered:
.L_overlay_start_2:
0x113: {  	(tag) =	ssettag $0x2  }
0x114: {  	s0 =	rddreg [dreg:$0x0];
	s2 =	stileid.u32  }
0x115: {  	s1 =	rddreg [dreg:$0x1];
	p0 =	sne.s32 s2, $0x0  }
0x116: {  	s3 =	rddreg [dreg:$0x2];
	[bflag:$0x3] =	sbarrier.arrive $0xFFFF;
	s2 =	simm.s32 @!p0 $0x1C02  }
0x117: {  	[timem:s3], [sflag:s2] =	dma.local @!p0 [hbm:s0], s1  }
0x118: {  	s0 =	simm.s32 @!p0 $0x2  }
0x119: {  	_ =	swait.ge @!p0 [sflag:s0], s1  }
0x11a: {  	s1 =	ssub.s32 @!p0 $0x0, s1;
	[sflag:s0] =	ssyncset.done @!p0 $0x0  }
0x11b: {  	[sflag:s0] =	ssyncadd.s32 @!p0 s1  }
0x11c: {  	[bflag:$0x3] =	sbarrier.arrive $0xFFFF  }
0x11d: {  	_ =	shalt  }

// kernel: kernel.13.cloned.1.call-start
scs
__scs_entry_jumppad:
0x0: {  	(pc) =	sbr.rel $0x88, $3  }
0x1: {  	(tag) =	ssettag $0x0;
	lr =	simm.s32 $0x1  }
0x2: {  	[smem:$0x3F96] =	sst lr;
	_ =	strace $0xD0000000  }
0x3: {  	_ = 	snop  }
0x4: {  	_ = 	snop  }
0x5: {  	_ = 	snop  }
0x6: {  	_ = 	snop  }
0x7: {  	_ = 	snop  }
__scs_overlays_trampoline_lowered:
0x8: {  	[smem:$0x3FA5] =	sst s0  }
0x9: {  	[smem:$0x3FA6] =	sst s1  }
0xa: {  	[smem:$0x3FA7] =	sst s2  }
0xb: {  	[smem:$0x3FA8] =	sst s3  }
0xc: {  	[smem:$0x3FA9] =	sst s4  }
0xd: {  	[smem:$0x3FAA] =	sst s5  }
0xe: {  	[smem:$0x3FAB] =	sst s6  }
0xf: {  	[smem:$0x3FAC] =	sst s7  }
0x10: {  	[smem:$0x3FAD] =	sst s8  }
0x11: {  	[smem:$0x3FAE] =	sst s9;
	s0 =	simm.s32 @!p0 $0x0  }
0x12: {  	s1 =	sld [smem:$0x3F94];
	s0 =	simm.s32 @p0 $0x1  }
0x13: {  	[smem:$0x3FAF] =	sst s0;
	s0 =	simm.s32 @!p1 $0x0  }
0x14: {  	s2 =	sld [smem:$0x3F93];
	s0 =	simm.s32 @p1 $0x1  }
0x15: {  	[smem:$0x3FB0] =	sst s0;
	s0 =	simm.s32 @!p2 $0x0  }
0x16: {  	s3 =	sld [smem:$0x3FDB];
	s0 =	simm.s32 @p2 $0x1  }
0x17: {  	s4 =	simm.s32 $0x1BF5;
	[smem:$0x3FB2] =	sst s0  }
0x18: {  	s0 =	sld [smem:$0x3F95];
	_ =	swait.ge [sflag:s4], $0x0  }
0x19: {  	s7 =	sld [smem:$0x3F96]  }
0x1a: {  	s8 =	sadd.s32 $0xFFFFE003, lr  }
0x1b: {  	s9 =	sadd.s32 $0xFFFFFEF7, lr;
	s5 =	simm.s32 $0xFFFFFFFF;
	p2 =	slt.u32 s8, $0xFFFFF086  }
0x1c: {  	p1 =	slt.u32 s9, $0xF7A;
	s5 =	simm.s32 @!p2 $0x0  }
0x1d: {  	s5 =	simm.s32 @p1 $0x1;
	p0 =	seq.s32 s7, s2  }
0x1e: {  	s7 =	smul.u32 @!p0 $0xF7A, s2;
	p2 =	seq.s32 @!p0 s5, $0x0  }
0x1f: {  	s9 =	smul.u32 $0xF7A, s1;
	s8 =	simm.s32 @!p0 $0x1BF5;
	p2 =	por !p2, p0  }
0x20: {  	[sflag:s8] =	ssyncset.s32 @!p0 $0xFFFFF086;
	s6 =	sadd.s32 @!p0 s3, s7;
	s7 =	simm.s32 @!p0 $0x108  }
0x21: {  	s3 =	sadd.s32 s3, s9;
	s6 =	sadd.s32 @!p0 $0x88, s6;
	s7 =	simm.s32 @p2 $0x1082  }
0x22: {  	[simem:s7], [sflag:s8] =	dma.local @!p0 [hbm:s6], $0xF7A  }
0x23: {  	s9 =	sor.u32 $0xD0000000, s2;
	s6 =	simm.s32 $0x108;
	_ =	swait.ge @!p0 [sflag:s8], $0x0  }
0x24: {  	s3 =	sadd.s32 $0x88, s3;
	s6 =	simm.s32 @!p1 $0x1082;
	[sflag:s4] =	ssyncset.s32 $0xFFFFF086  }
0x25: {  	[simem:s6], [sflag:s4] =	dma.local [hbm:s3], $0xF7A  }
0x26: {  	[smem:$0x3F96] =	sst s1;
	(tag) =	ssettag s2;
	_ =	strace s9  }
0x27: {  	s1 =	sld [smem:$0x3FA6]  }
0x28: {  	s2 =	sld [smem:$0x3FA7]  }
0x29: {  	s4 =	sld [smem:$0x3FA9]  }
0x2a: {  	p0 =	seq.s32 s5, $0x0;
	s5 =	sld [smem:$0x3FAA]  }
0x2b: {  	s6 =	sld [smem:$0x3FAB]  }
0x2c: {  	s7 =	sld [smem:$0x3FAC]  }
0x2d: {  	s3 =	simm.s32 $0x108;
	s8 =	sld [smem:$0x3FAD]  }
0x2e: {  	s3 =	simm.s32 @!p0 $0x1082;
	s9 =	sld [smem:$0x3FAE]  }
0x2f: {  	lr =	sadd.s32 s0, s3;
	s0 =	sld [smem:$0x3FA5]  }
0x30: {  	s3 =	sld [smem:$0x3FA8]  }
0x31: {  	[smem:$0x3FB1] =	sst s10  }
0x32: {  	s10 =	sld [smem:$0x3FAF];
	_ =	sdelay $0x3  }
0x33: {  	p0 =	seq.s32 s10, $0x1;
	s10 =	sld [smem:$0x3FB1];
	_ =	sdelay $0x3  }
0x34: {  	[smem:$0x3FB1] =	sst s10  }
0x35: {  	s10 =	sld [smem:$0x3FB0];
	_ =	sdelay $0x3  }
0x36: {  	p1 =	seq.s32 s10, $0x1;
	s10 =	sld [smem:$0x3FB1];
	_ =	sdelay $0x3  }
0x37: {  	[smem:$0x3FB1] =	sst s10  }
0x38: {  	s10 =	sld [smem:$0x3FB2]  }
0x39: {  	_ = 	snop;
	(pc) =	sbr.ind lr, $3  }
0x3a: {  	_ = 	snop  }
0x3b: {  	_ = 	snop  }
0x3c: {  	p2 =	seq.s32 s10, $0x1;
	s10 =	sld [smem:$0x3FB1]  }
0x3d: {  	_ =	shalt  }
0x3e: {  	_ =	shalt  }
0x3f: {  	_ =	shalt  }
0x40: {  	_ =	shalt  }
0x41: {  	_ =	shalt  }
0x42: {  	_ =	shalt  }
0x43: {  	_ =	shalt  }
0x44: {  	_ =	shalt  }
0x45: {  	_ =	shalt  }
0x46: {  	_ =	shalt  }
0x47: {  	_ =	shalt  }
0x48: {  	_ =	shalt  }
0x49: {  	_ =	shalt  }
0x4a: {  	_ =	shalt  }
0x4b: {  	_ =	shalt  }
0x4c: {  	_ =	shalt  }
0x4d: {  	_ =	shalt  }
0x4e: {  	_ =	shalt  }
0x4f: {  	_ =	shalt  }
0x50: {  	_ =	shalt  }
0x51: {  	_ =	shalt  }
0x52: {  	_ =	shalt  }
0x53: {  	_ =	shalt  }
0x54: {  	_ =	shalt  }
0x55: {  	_ =	shalt  }
0x56: {  	_ =	shalt  }
0x57: {  	_ =	shalt  }
0x58: {  	_ =	shalt  }
0x59: {  	_ =	shalt  }
0x5a: {  	_ =	shalt  }
0x5b: {  	_ =	shalt  }
0x5c: {  	_ =	shalt  }
0x5d: {  	_ =	shalt  }
0x5e: {  	_ =	shalt  }
0x5f: {  	_ =	shalt  }
0x60: {  	_ =	shalt  }
0x61: {  	_ =	shalt  }
0x62: {  	_ =	shalt  }
0x63: {  	_ =	shalt  }
0x64: {  	_ =	shalt  }
0x65: {  	_ =	shalt  }
0x66: {  	_ =	shalt  }
0x67: {  	_ =	shalt  }
0x68: {  	_ =	shalt  }
0x69: {  	_ =	shalt  }
0x6a: {  	_ =	shalt  }
0x6b: {  	_ =	shalt  }
0x6c: {  	_ =	shalt  }
0x6d: {  	_ =	shalt  }
0x6e: {  	_ =	shalt  }
0x6f: {  	_ =	shalt  }
0x70: {  	_ =	shalt  }
0x71: {  	_ =	shalt  }
0x72: {  	_ =	shalt  }
0x73: {  	_ =	shalt  }
0x74: {  	_ =	shalt  }
0x75: {  	_ =	shalt  }
0x76: {  	_ =	shalt  }
0x77: {  	_ =	shalt  }
0x78: {  	_ =	shalt  }
0x79: {  	_ =	shalt  }
0x7a: {  	_ =	shalt  }
0x7b: {  	_ =	shalt  }
0x7c: {  	_ =	shalt  }
0x7d: {  	_ =	shalt  }
0x7e: {  	_ =	shalt  }
0x7f: {  	_ =	shalt  }
0x80: {  	_ =	shalt  }
0x81: {  	_ =	shalt  }
0x82: {  	_ =	shalt  }
0x83: {  	_ =	shalt  }
0x84: {  	_ =	shalt  }
0x85: {  	_ =	shalt  }
0x86: {  	_ =	shalt  }
0x87: {  	_ =	shalt  }
.Lfunc_end0:
.L_simem_size_0:
called_computation.1_lowered:
.L_overlay_start_0:
0x88: {  	s2 =	sld [smem:$0x3FD9]  }
0x89: {  	s3 =	sld [smem:$0x3FFE];
	_ =	sdelay $0x1  }
0x8a: {  	s1 =	srdreg.scid  }
0x8b: {  	s0 =	sand.u32 $0x1, s1  }
0x8c: {  	s16 =	sshll.u32 s0, $0xA;
	s2 =	sadd.s32 s3, s2  }
0x8d: {  	s2 =	sadd.s32 s2, s16  }
0x8e: {  	[smem:$0x3FBD] =	sst s2  }
0x8f: {  	_ = 	snop  }
0x90: {  	(tm) =	ssettm $0x1  }
0x91: {  	s17 =	sld [smem:$0x3FFB];
	_ =	sdelay $0x3  }
0x92: {  	_ =	strace s17  }
0x93: {  	s2 =	sld [smem:$0x3FFC];
	_ =	sdelay $0x3  }
0x94: {  	_ =	strace s2  }
0x95: {  	s2 =	sld [smem:$0x3FFD];
	_ =	sdelay $0x3  }
0x96: {  	_ =	strace s2  }
0x97: {  	_ =	strace $0x8FFFFFFF  }
0x98: {  	s18 =	sld [smem:$0x3FDB];
	_ =	sdelay $0x1  }
0x99: {  	s19 =	simm.s32 $_scs_section_size  }
0x9a: {  	s4 =	simm.s32 $_size__tile_overlayer_lowered;
	s5 =	simm.s32 $_tile_overlayer_lowered  }
0x9b: {  	s22 =	simm.s32 $0x1BFF;
	s21 =	sshll.u32 s5, $0x1;
	s2 =	sadd.s32 s19, s18  }
0x9c: {  	s6 =	simm.s32 $0x0;
	s20 =	sshll.u32 s4, $0x1;
	s4 =	sadd.s32 s21, s2  }
0x9d: {  	[timem:s6], [sflag:s22] =	dma.local [hbm:s4], s20  }
0x9e: {  	_ =	swait.ge [sflag:s22], s20  }
0x9f: {  	s3 =	ssub.s32 $0x0, s20;
	[sflag:s22] =	ssyncset.done $0x0  }
0xa0: {  	[sflag:s22] =	ssyncadd.s32 s3;
	_ =	sdelay $0x1  }
0xa1: {  	s23 =	simm.s32 $0x1B8B  }
0xa2: {  	_ =	swait.ge [sflag:s23], $0x1  }
0xa3: {  	[sflag:s23] =	ssyncset.done $0x0  }
0xa4: {  	s25 =	simm.s32 $0x1B8E;
	s24 =	sld [smem:$0x3FFE];
	[sflag:s23] =	ssyncadd.s32 $0xFFFFFFFF  }
0xa5: {  	s26 =	simm.s32 $execute0_lowered;
	[smem:$0x3FD2] =	sst s25  }
0xa6: {  	s4 =	sshll.u32 s26, $0x1;
	_ =	strace $0x80000049;
	[dreg:$0x1] =	wrdreg $0xFFFFFFFF  }
0xa7: {  	s28 =	simm.s32 $_size_execute0_lowered;
	s2 =	sadd.s32 s2, s4;
	[dreg:$0x0] =	wrdreg $0x0  }
0xa8: {  	s4 =	sshll.u32 s28, $0x1;
	[dreg:$0x2] =	wrdreg s2  }
0xa9: {  	[dreg:$0x3] =	wrdreg s4  }
0xaa: {  	[dreg:$0x4] =	wrdreg $0xC0  }
0xab: {  	_ =	task [dreg:s6], $0x5FFFF  }
0xac: {  	[dreg:$0x1] =	wrdreg $0xFFFFFFFF  }
0xad: {  	[dreg:$0x0] =	wrdreg $0x60  }
0xae: {  	[dreg:$0x2] =	wrdreg s24  }
0xaf: {  	[dreg:$0x3] =	wrdreg $0x150000  }
0xb0: {  	[dreg:$0x4] =	wrdreg $0x9  }
0xb1: {  	_ =	task.clear_ibuf [dreg:s6], $0x5FFFF;
	_ =	strace $0x90000049  }
0xb2: {  	s29 =	simm.s32 $0x9;
	_ =	strace $0x8000004B  }
0xb3: {  	_ =	swait.ge [sflag:s29], $0x1  }
0xb4: {  	[sflag:s29] =	ssyncadd.s32 $0xFFFFFFFF  }
0xb5: {  	_ =	strace $0x9000004B  }
0xb6: {  	_ =	sfence  }
0xb7: {  	s30 =	sld [smem:$0x0];
	_ =	sdelay $0x2  }
0xb8: {  	s31 =	sshll.u32 s1, $0xD;
	s1 =	sshrl.u32 s1, $0x2  }
0xb9: {  	s3 =	sand.u32 $0x4000, s31;
	s1 =	sadd.s32 s1, s30  }
0xba: {  	s0 =	sor.u32 s3, s0;
	s1 =	sshll.u32 s1, $0x11  }
0xbb: {  	s0 =	sor.u32 s1, s0  }
0xbc: {  	s0 =	sadd.s32 $0x8F2B, s0  }
0xbd: {  	[sflag:s0] =	ssyncadd.remote.s32 $0x1  }
0xbe: {  	_ =	sfence.sel $0xFFFF  }
0xbf: {  	[dreg:$0x0] =	wrdreg $0xFFFFFFFF;
	(pc) =	sbr.abs _section_cstart, $3  }
0xc0: {  	[dreg:$0x1] =	wrdreg $0xFFFFFFFF  }
0xc1: {  	_ =	task.clear_ibuf [dreg:s6], $0x2FFFF;
	_ =	strace $0x9FFFFFFF  }
0xc2: {  	(tm) =	ssettm $0x7FFFFFFF  }
0xc3: {  	_ =	shalt  }
tec
execute0_lowered:
.L_overlay_start_1:
0x0: {  	(tag) =	ssettag $0x1  }
0x1: {  	s0 =	rddreg [dreg:$0x0]  }
0x2: {  	s2 =	rddreg [dreg:$0x1]  }
0x3: {  	s1 =	srdreg.scid;
	s10 =	stileid.u32  }
0x4: {  	s3 =	simm.s32 $0x0;
	s14 =	simm.s32 $0x1;
	s15 =	simm.s32 $0x9  }
0x5: {  	s16 =	simm.s32 $0xA;
	s17 =	simm.s32 $0x80;
	s18 =	simm.s32 $0x5000  }
0x6: {  	s30 =	simm.s32 $0x11000;
	s13 =	simm.s32 $0xB;
	s19 =	simm.s32 $0x5  }
0x7: {  	s20 =	simm.s32 $0xD;
	s28 =	simm.s32 $0x11;
	s29 =	simm.s32 $0x0  }
0x8: {  	s1 =	sand.u32 $0x1, s1;
	s4 =	sshll.u32 s10, $0x1;
	[smem:$0x7FF] =	sst s3  }
0x9: {  	s5 =	smul.u32 $0xA000, s10;
	s24 =	sshll.u32 s10, $0x6;
	s4 =	sor.u32 s1, s4  }
0xa: {  	_ =	strace $0x8000004A;
	s8 =	ssub.s32 $0x2, s1;
	p0 =	seq.s32 s1, $0x1  }
0xb: {  	s1 =	simm.s32 $0x68000;
	[dreg:$0x4] =	wrdreg s24;
	s6 =	smul.u32 $0x500, s4  }
0xc: {  	s4 =	sadd.s32 $0x40000, s0;
	s7 =	sshrl.u32 s5, $0x3;
	s21 =	sshrl.u32 s8, $0x1  }
0xd: {  	s5 =	sadd.s32 s5, s2;
	s1 =	simm.s32 @!p0 $0x7C000;
	s22 =	ssub.s32 s8, s21  }
0xe: {  	s12 =	sshrl.u32 s5, $0x3;
	s9 =	sadd.s32 s6, s0;
	s6 =	sor.u32 $0x1C01, s24  }
0xf: {  	s0 =	sadd.s32 s7, s0;
	s31 =	smax.u32 s22, $0x1;
	[dreg:$0x5] =	wrdreg s6  }
0x10: {  	s21 =	simm.s32 $0x9000;
	s23 =	sadd.s32 $0x54000, s0;
	[dreg:$0x8] =	wrdreg s31  }
.Ltmp0:
0x11: {  	s25 =	sadd.s32 $0xE000, s9;
	[dreg:$0x3] =	wrdreg s23;
	(pc) =	sbr.rel .LBB2_1-.Ltmp0, $4  }
0x12: {  	s22 =	simm.s32 $0x7;
	s26 =	sadd.s32 $0x4000, s9;
	[dreg:$0x6] =	wrdreg s25  }
0x13: {  	s24 =	simm.s32 $0x8;
	s0 =	sadd.s32 s1, s0;
	[dreg:$0x7] =	wrdreg s26  }
0x14: {  	s1 =	simm.s32 $0x3;
	[dreg:$0x9] =	wrdreg s0;
	s25 =	simm.s32 $0xD000  }
0x15: {  	s0 =	simm.s32 $0x13000;
	s23 =	simm.s32 $0xF;
	s26 =	simm.s32 $0x10  }
.LBB2_4:
0x16: {  	_ =	swait.ge [sflag:s24], $0x2000  }
0x17: {  	[sflag:s24] =	ssyncset.done $0x0  }
0x18: {  	[sflag:s24] =	ssyncadd.s32 $0xFFFFE000  }
0x19: {  	[spmem:s2] =	stream.indirect.scatter.add.f32 [tilespmem:s0], [sflag:$0x10], $0x40, s7, s17, $0xb8;
	[tilespmem:$0x1F000] =	vst v63  }
0x1a: {  	_ =	swait.ge [sflag:s26], $0x2000  }
0x1b: {  	[sflag:s26] =	ssyncset.done $0x0  }
0x1c: {  	[sflag:s26] =	ssyncadd.s32 $0xFFFFE000  }
0x1d: {  	[bflag:$0x0] =	sbarrier.arrive $0xFFFF  }
0x1e: {  	s5 =	rddreg [dreg:$0x4]  }
0x1f: {  	s6 =	rddreg [dreg:$0x9];
	s5 =	sor.u32 $0x1C11, s5  }
0x20: {  	[hbm:s6], [sflag:s5] =	dma.local [spmem:s12], $0x1400  }
0x21: {  	_ =	swait.ge [sflag:s28], $0x1400  }
0x22: {  	s29 =	sadd.s32 $0x1, s29;
	s31 =	rddreg [dreg:$0x8]  }
0x23: {  	p0 =	sne.s32 s29, s31  }
.Ltmp1:
0x24: {  	_ = 	snop;
	(pc) =	sbr.rel @!p0 .LBB2_5-.Ltmp1, $3  }
0x25: {  	_ =	sdelay $0x1  }
0x26: {  	[sflag:s28] =	ssyncset.done $0x0  }
0x27: {  	[sflag:s28] =	ssyncadd.s32 $0xFFFFEC00  }
.LBB2_1:
0x28: {  	s5 =	rddreg [dreg:$0x3]  }
0x29: {  	s6 =	rddreg [dreg:$0x5]  }
0x2a: {  	[spmem:s12], [sflag:s6] =	dma.local [hbm:s5], $0x1400  }
0x2b: {  	s5 =	rddreg [dreg:$0x6]  }
0x2c: {  	[tilespmem:s3], [sflag:$0x9] =	stream.linear.gather [hbm4b:s5+s3], $0x2800, $0x38;
	[tilespmem:$0x1F000] =	vst v63  }
0x2d: {  	s7 =	simm.s32 $0x2800;
	s6 =	rddreg [dreg:$0x7]  }
0x2e: {  	[tilespmem:s7], [sflag:$0xA] =	stream.linear.gather [hbm4b:s6+s3], $0x2800, $0x38;
	[tilespmem:$0x1F000] =	vst v63  }
0x2f: {  	_ =	swait.ge [sflag:s14], $0x1400  }
0x30: {  	[sflag:s14] =	ssyncset.done $0x0  }
0x31: {  	[sflag:s14] =	ssyncadd.s32 $0xFFFFEC00  }
0x32: {  	_ =	swait.ge [sflag:s15], $0x2800  }
0x33: {  	[sflag:s15] =	ssyncset.done $0x0  }
0x34: {  	[sflag:s15] =	ssyncadd.s32 $0xFFFFD800  }
0x35: {  	_ =	swait.ge [sflag:s16], $0x2800  }
0x36: {  	[sflag:s16] =	ssyncset.done $0x0  }
0x37: {  	[sflag:s16] =	ssyncadd.s32 $0xFFFFD800  }
0x38: {  	[bflag:$0x0] =	sbarrier.arrive $0xFFFF  }
0x39: {  	[tilespmem:s18], [sflag:$0x1] =	stream.indirect.gather [hbm4b:s4+s17], $0x40, s3, s17, $0xb8;
	[tilespmem:$0x1F000] =	vst v63  }
0x3a: {  	s8 =	simm.s32 $0x7000  }
0x3b: {  	[tilespmem:s8], [sflag:$0x2] =	stream.indirect.gather [hbm4b:s4+s17], $0x40, s17, s17, $0xb8;
	[tilespmem:$0x1F000] =	vst v63  }
0x3c: {  	s9 =	simm.s32 $0x100  }
0x3d: {  	[tilespmem:s21], [sflag:$0x3] =	stream.indirect.gather [hbm4b:s4+s17], $0x40, s9, s17, $0xb8;
	[tilespmem:$0x1F000] =	vst v63  }
0x3e: {  	s10 =	simm.s32 $0x180;
	s11 =	simm.s32 $0xB000  }
0x3f: {  	[tilespmem:s11], [sflag:$0x4] =	stream.indirect.gather [hbm4b:s4+s17], $0x40, s10, s17, $0xb8;
	[tilespmem:$0x1F000] =	vst v63  }
0x40: {  	s7 =	simm.s32 $0x200  }
0x41: {  	[tilespmem:s25], [sflag:$0x5] =	stream.indirect.gather [hbm4b:s4+s17], $0x40, s7, s17, $0xb8;
	[tilespmem:$0x1F000] =	vst v63  }
0x42: {  	s8 =	simm.s32 $0x280;
	s9 =	simm.s32 $0xF000  }
0x43: {  	[tilespmem:s9], [sflag:$0x6] =	stream.indirect.gather [hbm4b:s4+s17], $0x40, s8, s17, $0xb8;
	[tilespmem:$0x1F000] =	vst v63  }
0x44: {  	s10 =	simm.s32 $0x300  }
0x45: {  	[tilespmem:s30], [sflag:$0x7] =	stream.indirect.gather [hbm4b:s4+s17], $0x40, s10, s17, $0xb8;
	[tilespmem:$0x1F000] =	vst v63  }
0x46: {  	s31 =	simm.s32 $0x0;
	s11 =	simm.s32 $0x380  }
0x47: {  	[tilespmem:s0], [sflag:$0x8] =	stream.indirect.gather [hbm4b:s4+s17], $0x40, s11, s17, $0xb8;
	[tilespmem:$0x1F000] =	vst v63  }
.LBB2_2:
0x48: {  	_ =	swait.ge [sflag:s14], $0x2000  }
0x49: {  	s5 =	sshra.s32 s31, $0x2;
	[sflag:s14] =	ssyncset.done $0x0  }
0x4a: {  	s7 =	sadd.s32 $0x2800, s5;
	[sflag:s14] =	ssyncadd.s32 $0xFFFFE000  }
0x4b: {  	[spmem:s2] =	stream.indirect.scatter.add.f32 [tilespmem:s18], [sflag:$0x9], $0x40, s7, s17, $0xb8;
	[tilespmem:$0x1F000] =	vst v63  }
0x4c: {  	_ =	swait.ge [sflag:s15], $0x2000  }
0x4d: {  	p0 =	seq.s32 s31, $0x9000;
	[sflag:s15] =	ssyncset.done $0x0  }
0x4e: {  	s7 =	simm.s32 @p0 $0x2;
	[sflag:s15] =	ssyncadd.s32 $0xFFFFE000  }
0x4f: {  	_ =	swait.ge @p0 [sflag:s7], $0x2000  }
0x50: {  	s9 =	sshra.s32 @p0 s31, $0x2;
	s10 =	simm.s32 @p0 $0x80;
	[sflag:s7] =	ssyncset.done @p0 $0x0  }
0x51: {  	s8 =	simm.s32 @p0 $0x7000;
	[sflag:s7] =	ssyncadd.s32 @p0 $0xFFFFE000;
	s7 =	sadd.s32 @p0 $0x2880, s9  }
0x52: {  	[spmem:s2] =	stream.indirect.scatter.add.f32 @p0 [tilespmem:s8], [sflag:$0xA], $0x40, s7, s10, $0xb8;
	[tilespmem:$0x1F000] =	vst v63  }
0x53: {  	s7 =	simm.s32 @p0 $0xA  }
0x54: {  	_ =	swait.ge @p0 [sflag:s7], $0x2000  }
0x55: {  	[sflag:s7] =	ssyncset.done @p0 $0x0  }
0x56: {  	[sflag:s7] =	ssyncadd.s32 @p0 $0xFFFFE000;
	s7 =	sshra.s32 @!p0 s31, $0x2  }
0x57: {  	s11 =	simm.s32 @!p0 $0x5000;
	s8 =	simm.s32 @!p0 $0x80;
	s6 =	sadd.s32 @!p0 $0x400, s7  }
0x58: {  	[tilespmem:s11], [sflag:$0x1] =	stream.indirect.gather @!p0 [hbm4b:s4+s8], $0x40, s6, s8, $0xb8;
	[tilespmem:$0x1F000] =	vst v63  }
0x59: {  	s6 =	simm.s32 @!p0 $0x2  }
0x5a: {  	_ =	swait.ge @!p0 [sflag:s6], $0x2000  }
0x5b: {  	[sflag:s6] =	ssyncset.done @!p0 $0x0  }
0x5c: {  	s11 =	simm.s32 @!p0 $0x7000;
	[sflag:s6] =	ssyncadd.s32 @!p0 $0xFFFFE000;
	s6 =	sadd.s32 @!p0 $0x2880, s7  }
0x5d: {  	[spmem:s2] =	stream.indirect.scatter.add.f32 @!p0 [tilespmem:s11], [sflag:$0xA], $0x40, s6, s8, $0xb8;
	[tilespmem:$0x1F000] =	vst v63  }
0x5e: {  	s6 =	simm.s32 @!p0 $0xA  }
0x5f: {  	_ =	swait.ge @!p0 [sflag:s6], $0x2000  }
0x60: {  	[sflag:s6] =	ssyncset.done @!p0 $0x0  }
0x61: {  	[sflag:s6] =	ssyncadd.s32 @!p0 $0xFFFFE000;
	s6 =	sadd.s32 @!p0 $0x480, s7  }
0x62: {  	[tilespmem:s11], [sflag:$0x2] =	stream.indirect.gather @!p0 [hbm4b:s4+s8], $0x40, s6, s8, $0xb8;
	[tilespmem:$0x1F000] =	vst v63  }
0x63: {  	_ =	swait.ge [sflag:s1], $0x2000  }
0x64: {  	[sflag:s1] =	ssyncset.done $0x0  }
0x65: {  	s11 =	sadd.s32 $0x2900, s5;
	[sflag:s1] =	ssyncadd.s32 $0xFFFFE000  }
0x66: {  	[spmem:s2] =	stream.indirect.scatter.add.f32 [tilespmem:s21], [sflag:$0xB], $0x40, s11, s17, $0xb8;
	[tilespmem:$0x1F000] =	vst v63  }
0x67: {  	_ =	swait.ge [sflag:s13], $0x2000  }
0x68: {  	[sflag:s13] =	ssyncset.done $0x0  }
0x69: {  	s6 =	simm.s32 @p0 $0x4;
	[sflag:s13] =	ssyncadd.s32 $0xFFFFE000  }
0x6a: {  	_ =	swait.ge @p0 [sflag:s6], $0x2000  }
0x6b: {  	[sflag:s6] =	ssyncset.done @p0 $0x0  }
0x6c: {  	s11 =	simm.s32 @p0 $0xB000;
	[sflag:s6] =	ssyncadd.s32 @p0 $0xFFFFE000;
	s6 =	sadd.s32 @p0 $0x2980, s9  }
0x6d: {  	[spmem:s2] =	stream.indirect.scatter.add.f32 @p0 [tilespmem:s11], [sflag:$0xC], $0x40, s6, s10, $0xb8;
	[tilespmem:$0x1F000] =	vst v63  }
0x6e: {  	s6 =	simm.s32 @p0 $0xC  }
0x6f: {  	_ =	swait.ge @p0 [sflag:s6], $0x2000  }
0x70: {  	[sflag:s6] =	ssyncset.done @p0 $0x0  }
0x71: {  	s11 =	simm.s32 @!p0 $0x9000;
	[sflag:s6] =	ssyncadd.s32 @p0 $0xFFFFE000;
	s6 =	sadd.s32 @!p0 $0x500, s7  }
0x72: {  	[tilespmem:s11], [sflag:$0x3] =	stream.indirect.gather @!p0 [hbm4b:s4+s8], $0x40, s6, s8, $0xb8;
	[tilespmem:$0x1F000] =	vst v63  }
0x73: {  	s6 =	simm.s32 @!p0 $0x4  }
0x74: {  	_ =	swait.ge @!p0 [sflag:s6], $0x2000  }
0x75: {  	[sflag:s6] =	ssyncset.done @!p0 $0x0  }
0x76: {  	s11 =	simm.s32 @!p0 $0xB000;
	[sflag:s6] =	ssyncadd.s32 @!p0 $0xFFFFE000;
	s6 =	sadd.s32 @!p0 $0x2980, s7  }
0x77: {  	[spmem:s2] =	stream.indirect.scatter.add.f32 @!p0 [tilespmem:s11], [sflag:$0xC], $0x40, s6, s8, $0xb8;
	[tilespmem:$0x1F000] =	vst v63  }
0x78: {  	s6 =	simm.s32 @!p0 $0xC  }
0x79: {  	_ =	swait.ge @!p0 [sflag:s6], $0x2000  }
0x7a: {  	[sflag:s6] =	ssyncset.done @!p0 $0x0  }
0x7b: {  	[sflag:s6] =	ssyncadd.s32 @!p0 $0xFFFFE000;
	s6 =	sadd.s32 @!p0 $0x580, s7  }
0x7c: {  	[tilespmem:s11], [sflag:$0x4] =	stream.indirect.gather @!p0 [hbm4b:s4+s8], $0x40, s6, s8, $0xb8;
	[tilespmem:$0x1F000] =	vst v63  }
0x7d: {  	_ =	swait.ge [sflag:s19], $0x2000  }
0x7e: {  	[sflag:s19] =	ssyncset.done $0x0  }
0x7f: {  	s11 =	sadd.s32 $0x2A00, s5;
	[sflag:s19] =	ssyncadd.s32 $0xFFFFE000  }
0x80: {  	[spmem:s2] =	stream.indirect.scatter.add.f32 [tilespmem:s25], [sflag:$0xD], $0x40, s11, s17, $0xb8;
	[tilespmem:$0x1F000] =	vst v63  }
0x81: {  	_ =	swait.ge [sflag:s20], $0x2000  }
0x82: {  	[sflag:s20] =	ssyncset.done $0x0  }
0x83: {  	s6 =	simm.s32 @p0 $0x6;
	[sflag:s20] =	ssyncadd.s32 $0xFFFFE000  }
0x84: {  	_ =	swait.ge @p0 [sflag:s6], $0x2000  }
0x85: {  	[sflag:s6] =	ssyncset.done @p0 $0x0  }
0x86: {  	[sflag:s6] =	ssyncadd.s32 @p0 $0xFFFFE000;
	s6 =	sadd.s32 @p0 $0x2A80, s9;
	s9 =	simm.s32 @p0 $0xF000  }
0x87: {  	[spmem:s2] =	stream.indirect.scatter.add.f32 @p0 [tilespmem:s9], [sflag:$0xE], $0x40, s6, s10, $0xb8;
	[tilespmem:$0x1F000] =	vst v63  }
0x88: {  	s6 =	simm.s32 @p0 $0xE  }
0x89: {  	_ =	swait.ge @p0 [sflag:s6], $0x2000  }
0x8a: {  	[sflag:s6] =	ssyncset.done @p0 $0x0  }
0x8b: {  	s9 =	simm.s32 @!p0 $0xD000;
	[sflag:s6] =	ssyncadd.s32 @p0 $0xFFFFE000;
	s6 =	sadd.s32 @!p0 $0x600, s7  }
0x8c: {  	[tilespmem:s9], [sflag:$0x5] =	stream.indirect.gather @!p0 [hbm4b:s4+s8], $0x40, s6, s8, $0xb8;
	[tilespmem:$0x1F000] =	vst v63  }
0x8d: {  	s6 =	simm.s32 @!p0 $0x6  }
0x8e: {  	_ =	swait.ge @!p0 [sflag:s6], $0x2000  }
0x8f: {  	[sflag:s6] =	ssyncset.done @!p0 $0x0  }
0x90: {  	s9 =	simm.s32 @!p0 $0xF000;
	[sflag:s6] =	ssyncadd.s32 @!p0 $0xFFFFE000;
	s6 =	sadd.s32 @!p0 $0x2A80, s7  }
0x91: {  	[spmem:s2] =	stream.indirect.scatter.add.f32 @!p0 [tilespmem:s9], [sflag:$0xE], $0x40, s6, s8, $0xb8;
	[tilespmem:$0x1F000] =	vst v63  }
0x92: {  	s6 =	simm.s32 @!p0 $0xE  }
0x93: {  	_ =	swait.ge @!p0 [sflag:s6], $0x2000  }
0x94: {  	[sflag:s6] =	ssyncset.done @!p0 $0x0  }
0x95: {  	[sflag:s6] =	ssyncadd.s32 @!p0 $0xFFFFE000;
	s6 =	sadd.s32 @!p0 $0x680, s7  }
0x96: {  	[tilespmem:s9], [sflag:$0x6] =	stream.indirect.gather @!p0 [hbm4b:s4+s8], $0x40, s6, s8, $0xb8;
	[tilespmem:$0x1F000] =	vst v63  }
0x97: {  	_ =	swait.ge [sflag:s22], $0x2000  }
0x98: {  	[sflag:s22] =	ssyncset.done $0x0  }
.Ltmp2:
0x99: {  	s11 =	sadd.s32 $0x2B00, s5;
	[sflag:s22] =	ssyncadd.s32 $0xFFFFE000;
	(pc) =	sbr.rel @p0 .LBB2_4-.Ltmp2, $4  }
0x9a: {  	[spmem:s2] =	stream.indirect.scatter.add.f32 [tilespmem:s30], [sflag:$0xF], $0x40, s11, s17, $0xb8;
	[tilespmem:$0x1F000] =	vst v63  }
0x9b: {  	_ =	swait.ge [sflag:s23], $0x2000  }
0x9c: {  	[sflag:s23] =	ssyncset.done $0x0  }
0x9d: {  	s7 =	sadd.s32 $0x2B80, s5;
	[sflag:s23] =	ssyncadd.s32 $0xFFFFE000  }
0x9e: {  	s6 =	sadd.s32 $0x700, s5  }
0x9f: {  	[tilespmem:s30], [sflag:$0x7] =	stream.indirect.gather [hbm4b:s4+s17], $0x40, s6, s17, $0xb8;
	[tilespmem:$0x1F000] =	vst v63  }
0xa0: {  	_ =	swait.ge [sflag:s24], $0x2000  }
0xa1: {  	[sflag:s24] =	ssyncset.done $0x0  }
0xa2: {  	[sflag:s24] =	ssyncadd.s32 $0xFFFFE000  }
0xa3: {  	[spmem:s2] =	stream.indirect.scatter.add.f32 [tilespmem:s0], [sflag:$0x10], $0x40, s7, s17, $0xb8;
	[tilespmem:$0x1F000] =	vst v63  }
.Ltmp3:
0xa4: {  	_ = 	snop;
	(pc) =	sbr.rel .LBB2_2-.Ltmp3, $4  }
0xa5: {  	_ =	swait.ge [sflag:s26], $0x2000  }
0xa6: {  	[sflag:s26] =	ssyncset.done $0x0  }
0xa7: {  	s11 =	sadd.s32 $0x780, s5;
	s31 =	sadd.s32 $0x1000, s31;
	[sflag:s26] =	ssyncadd.s32 $0xFFFFE000  }
0xa8: {  	[tilespmem:s0], [sflag:$0x8] =	stream.indirect.gather [hbm4b:s4+s17], $0x40, s11, s17, $0xb8;
	[tilespmem:$0x1F000] =	vst v63  }
.LBB2_5:
0xa9: {  	_ =	sfence.sel $0x180000  }
0xaa: {  	[bflag:$0x0] =	sbarrier.arrive $0xFFFF  }
0xab: {  	_ =	strace $0x9000004A  }
0xac: {  	s0 =	stileid.u32;
	[bflag:$0x2] =	sbarrier.arrive $0xFFFF  }
0xad: {  	p0 =	sne.s32 s0, $0x0;
	s0 =	rddreg [dreg:$0x2]  }
0xae: {  	s0 =	sadd.s32 @!p0 $0x100000, s0  }
0xaf: {  	[sflag:s0] =	ssyncadd.tile.s32 @!p0 $0x1;
	_ =	shalt  }
.Lfunc_end2:
_tile_overlayer_lowered:
.L_overlay_start_2:
0xb0: {  	(tag) =	ssettag $0x2  }
0xb1: {  	s0 =	rddreg [dreg:$0x0];
	s2 =	stileid.u32  }
0xb2: {  	s1 =	rddreg [dreg:$0x1];
	p0 =	sne.s32 s2, $0x0  }
0xb3: {  	s3 =	rddreg [dreg:$0x2];
	[bflag:$0x3] =	sbarrier.arrive $0xFFFF;
	s2 =	simm.s32 @!p0 $0x1C11  }
0xb4: {  	[timem:s3], [sflag:s2] =	dma.local @!p0 [hbm:s0], s1  }
0xb5: {  	s0 =	simm.s32 @!p0 $0x11  }
0xb6: {  	_ =	swait.ge @!p0 [sflag:s0], s1  }
0xb7: {  	s1 =	ssub.s32 @!p0 $0x0, s1;
	[sflag:s0] =	ssyncset.done @!p0 $0x0  }
0xb8: {  	[sflag:s0] =	ssyncadd.s32 @!p0 s1  }
0xb9: {  	[bflag:$0x3] =	sbarrier.arrive $0xFFFF  }
0xba: {  	_ =	shalt  }

// kernel: kernel.16.cloned.1.call-start
scs
__scs_entry_jumppad:
0x0: {  	(pc) =	sbr.rel $0x88, $3  }
0x1: {  	(tag) =	ssettag $0x0;
	lr =	simm.s32 $0x1  }
0x2: {  	[smem:$0x3F96] =	sst lr;
	_ =	strace $0xD0000000  }
0x3: {  	_ = 	snop  }
0x4: {  	_ = 	snop  }
0x5: {  	_ = 	snop  }
0x6: {  	_ = 	snop  }
0x7: {  	_ = 	snop  }
__scs_overlays_trampoline_lowered:
0x8: {  	[smem:$0x3FA5] =	sst s0  }
0x9: {  	[smem:$0x3FA6] =	sst s1  }
0xa: {  	[smem:$0x3FA7] =	sst s2  }
0xb: {  	[smem:$0x3FA8] =	sst s3  }
0xc: {  	[smem:$0x3FA9] =	sst s4  }
0xd: {  	[smem:$0x3FAA] =	sst s5  }
0xe: {  	[smem:$0x3FAB] =	sst s6  }
0xf: {  	[smem:$0x3FAC] =	sst s7  }
0x10: {  	[smem:$0x3FAD] =	sst s8  }
0x11: {  	[smem:$0x3FAE] =	sst s9;
	s0 =	simm.s32 @!p0 $0x0  }
0x12: {  	s1 =	sld [smem:$0x3F94];
	s0 =	simm.s32 @p0 $0x1  }
0x13: {  	[smem:$0x3FAF] =	sst s0;
	s0 =	simm.s32 @!p1 $0x0  }
0x14: {  	s2 =	sld [smem:$0x3F93];
	s0 =	simm.s32 @p1 $0x1  }
0x15: {  	[smem:$0x3FB0] =	sst s0;
	s0 =	simm.s32 @!p2 $0x0  }
0x16: {  	s3 =	sld [smem:$0x3FDB];
	s0 =	simm.s32 @p2 $0x1  }
0x17: {  	s4 =	simm.s32 $0x1BF5;
	[smem:$0x3FB2] =	sst s0  }
0x18: {  	s0 =	sld [smem:$0x3F95];
	_ =	swait.ge [sflag:s4], $0x0  }
0x19: {  	s7 =	sld [smem:$0x3F96]  }
0x1a: {  	s8 =	sadd.s32 $0xFFFFE003, lr  }
0x1b: {  	s9 =	sadd.s32 $0xFFFFFEF7, lr;
	s5 =	simm.s32 $0xFFFFFFFF;
	p2 =	slt.u32 s8, $0xFFFFF086  }
0x1c: {  	p1 =	slt.u32 s9, $0xF7A;
	s5 =	simm.s32 @!p2 $0x0  }
0x1d: {  	s5 =	simm.s32 @p1 $0x1;
	p0 =	seq.s32 s7, s2  }
0x1e: {  	s7 =	smul.u32 @!p0 $0xF7A, s2;
	p2 =	seq.s32 @!p0 s5, $0x0  }
0x1f: {  	s9 =	smul.u32 $0xF7A, s1;
	s8 =	simm.s32 @!p0 $0x1BF5;
	p2 =	por !p2, p0  }
0x20: {  	[sflag:s8] =	ssyncset.s32 @!p0 $0xFFFFF086;
	s6 =	sadd.s32 @!p0 s3, s7;
	s7 =	simm.s32 @!p0 $0x108  }
0x21: {  	s3 =	sadd.s32 s3, s9;
	s6 =	sadd.s32 @!p0 $0x88, s6;
	s7 =	simm.s32 @p2 $0x1082  }
0x22: {  	[simem:s7], [sflag:s8] =	dma.local @!p0 [hbm:s6], $0xF7A  }
0x23: {  	s9 =	sor.u32 $0xD0000000, s2;
	s6 =	simm.s32 $0x108;
	_ =	swait.ge @!p0 [sflag:s8], $0x0  }
0x24: {  	s3 =	sadd.s32 $0x88, s3;
	s6 =	simm.s32 @!p1 $0x1082;
	[sflag:s4] =	ssyncset.s32 $0xFFFFF086  }
0x25: {  	[simem:s6], [sflag:s4] =	dma.local [hbm:s3], $0xF7A  }
0x26: {  	[smem:$0x3F96] =	sst s1;
	(tag) =	ssettag s2;
	_ =	strace s9  }
0x27: {  	s1 =	sld [smem:$0x3FA6]  }
0x28: {  	s2 =	sld [smem:$0x3FA7]  }
0x29: {  	s4 =	sld [smem:$0x3FA9]  }
0x2a: {  	p0 =	seq.s32 s5, $0x0;
	s5 =	sld [smem:$0x3FAA]  }
0x2b: {  	s6 =	sld [smem:$0x3FAB]  }
0x2c: {  	s7 =	sld [smem:$0x3FAC]  }
0x2d: {  	s3 =	simm.s32 $0x108;
	s8 =	sld [smem:$0x3FAD]  }
0x2e: {  	s3 =	simm.s32 @!p0 $0x1082;
	s9 =	sld [smem:$0x3FAE]  }
0x2f: {  	lr =	sadd.s32 s0, s3;
	s0 =	sld [smem:$0x3FA5]  }
0x30: {  	s3 =	sld [smem:$0x3FA8]  }
0x31: {  	[smem:$0x3FB1] =	sst s10  }
0x32: {  	s10 =	sld [smem:$0x3FAF];
	_ =	sdelay $0x3  }
0x33: {  	p0 =	seq.s32 s10, $0x1;
	s10 =	sld [smem:$0x3FB1];
	_ =	sdelay $0x3  }
0x34: {  	[smem:$0x3FB1] =	sst s10  }
0x35: {  	s10 =	sld [smem:$0x3FB0];
	_ =	sdelay $0x3  }
0x36: {  	p1 =	seq.s32 s10, $0x1;
	s10 =	sld [smem:$0x3FB1];
	_ =	sdelay $0x3  }
0x37: {  	[smem:$0x3FB1] =	sst s10  }
0x38: {  	s10 =	sld [smem:$0x3FB2]  }
0x39: {  	_ = 	snop;
	(pc) =	sbr.ind lr, $3  }
0x3a: {  	_ = 	snop  }
0x3b: {  	_ = 	snop  }
0x3c: {  	p2 =	seq.s32 s10, $0x1;
	s10 =	sld [smem:$0x3FB1]  }
0x3d: {  	_ =	shalt  }
0x3e: {  	_ =	shalt  }
0x3f: {  	_ =	shalt  }
0x40: {  	_ =	shalt  }
0x41: {  	_ =	shalt  }
0x42: {  	_ =	shalt  }
0x43: {  	_ =	shalt  }
0x44: {  	_ =	shalt  }
0x45: {  	_ =	shalt  }
0x46: {  	_ =	shalt  }
0x47: {  	_ =	shalt  }
0x48: {  	_ =	shalt  }
0x49: {  	_ =	shalt  }
0x4a: {  	_ =	shalt  }
0x4b: {  	_ =	shalt  }
0x4c: {  	_ =	shalt  }
0x4d: {  	_ =	shalt  }
0x4e: {  	_ =	shalt  }
0x4f: {  	_ =	shalt  }
0x50: {  	_ =	shalt  }
0x51: {  	_ =	shalt  }
0x52: {  	_ =	shalt  }
0x53: {  	_ =	shalt  }
0x54: {  	_ =	shalt  }
0x55: {  	_ =	shalt  }
0x56: {  	_ =	shalt  }
0x57: {  	_ =	shalt  }
0x58: {  	_ =	shalt  }
0x59: {  	_ =	shalt  }
0x5a: {  	_ =	shalt  }
0x5b: {  	_ =	shalt  }
0x5c: {  	_ =	shalt  }
0x5d: {  	_ =	shalt  }
0x5e: {  	_ =	shalt  }
0x5f: {  	_ =	shalt  }
0x60: {  	_ =	shalt  }
0x61: {  	_ =	shalt  }
0x62: {  	_ =	shalt  }
0x63: {  	_ =	shalt  }
0x64: {  	_ =	shalt  }
0x65: {  	_ =	shalt  }
0x66: {  	_ =	shalt  }
0x67: {  	_ =	shalt  }
0x68: {  	_ =	shalt  }
0x69: {  	_ =	shalt  }
0x6a: {  	_ =	shalt  }
0x6b: {  	_ =	shalt  }
0x6c: {  	_ =	shalt  }
0x6d: {  	_ =	shalt  }
0x6e: {  	_ =	shalt  }
0x6f: {  	_ =	shalt  }
0x70: {  	_ =	shalt  }
0x71: {  	_ =	shalt  }
0x72: {  	_ =	shalt  }
0x73: {  	_ =	shalt  }
0x74: {  	_ =	shalt  }
0x75: {  	_ =	shalt  }
0x76: {  	_ =	shalt  }
0x77: {  	_ =	shalt  }
0x78: {  	_ =	shalt  }
0x79: {  	_ =	shalt  }
0x7a: {  	_ =	shalt  }
0x7b: {  	_ =	shalt  }
0x7c: {  	_ =	shalt  }
0x7d: {  	_ =	shalt  }
0x7e: {  	_ =	shalt  }
0x7f: {  	_ =	shalt  }
0x80: {  	_ =	shalt  }
0x81: {  	_ =	shalt  }
0x82: {  	_ =	shalt  }
0x83: {  	_ =	shalt  }
0x84: {  	_ =	shalt  }
0x85: {  	_ =	shalt  }
0x86: {  	_ =	shalt  }
0x87: {  	_ =	shalt  }
.Lfunc_end0:
.L_simem_size_0:
called_computation.2_lowered:
.L_overlay_start_0:
0x88: {  	s2 =	sld [smem:$0x3FD9]  }
0x89: {  	s3 =	sld [smem:$0x3FFE];
	_ =	sdelay $0x1  }
0x8a: {  	s1 =	srdreg.scid  }
0x8b: {  	s0 =	sand.u32 $0x1, s1  }
0x8c: {  	s16 =	sshll.u32 s0, $0xA;
	s2 =	sadd.s32 s3, s2  }
0x8d: {  	s2 =	sadd.s32 s2, s16  }
0x8e: {  	[smem:$0x3FBD] =	sst s2  }
0x8f: {  	_ = 	snop  }
0x90: {  	(tm) =	ssettm $0x1  }
0x91: {  	s17 =	sld [smem:$0x3FFB];
	_ =	sdelay $0x3  }
0x92: {  	_ =	strace s17  }
0x93: {  	s2 =	sld [smem:$0x3FFC];
	_ =	sdelay $0x3  }
0x94: {  	_ =	strace s2  }
0x95: {  	s2 =	sld [smem:$0x3FFD];
	_ =	sdelay $0x3  }
0x96: {  	_ =	strace s2  }
0x97: {  	_ =	strace $0x8FFFFFFF  }
0x98: {  	s18 =	sld [smem:$0x3FDB];
	_ =	sdelay $0x1  }
0x99: {  	s19 =	simm.s32 $_scs_section_size  }
0x9a: {  	s4 =	simm.s32 $_size__tile_overlayer_lowered;
	s5 =	simm.s32 $_tile_overlayer_lowered  }
0x9b: {  	s22 =	simm.s32 $0x1BFF;
	s21 =	sshll.u32 s5, $0x1;
	s2 =	sadd.s32 s19, s18  }
0x9c: {  	s6 =	simm.s32 $0x0;
	s20 =	sshll.u32 s4, $0x1;
	s4 =	sadd.s32 s21, s2  }
0x9d: {  	[timem:s6], [sflag:s22] =	dma.local [hbm:s4], s20  }
0x9e: {  	_ =	swait.ge [sflag:s22], s20  }
0x9f: {  	s3 =	ssub.s32 $0x0, s20;
	[sflag:s22] =	ssyncset.done $0x0  }
0xa0: {  	[sflag:s22] =	ssyncadd.s32 s3;
	_ =	sdelay $0x1  }
0xa1: {  	s23 =	simm.s32 $0x1B8B  }
0xa2: {  	_ =	swait.ge [sflag:s23], $0x1  }
0xa3: {  	[sflag:s23] =	ssyncset.done $0x0  }
0xa4: {  	s25 =	simm.s32 $0x1B8E;
	s24 =	sld [smem:$0x3FFE];
	[sflag:s23] =	ssyncadd.s32 $0xFFFFFFFF  }
0xa5: {  	s26 =	simm.s32 $execute0_lowered;
	[smem:$0x3FD2] =	sst s25  }
0xa6: {  	s4 =	sshll.u32 s26, $0x1;
	_ =	strace $0x8000004C;
	[dreg:$0x1] =	wrdreg $0xFFFFFFFF  }
0xa7: {  	s28 =	simm.s32 $_size_execute0_lowered;
	s2 =	sadd.s32 s2, s4;
	[dreg:$0x0] =	wrdreg $0x0  }
0xa8: {  	s4 =	sshll.u32 s28, $0x1;
	[dreg:$0x2] =	wrdreg s2  }
0xa9: {  	[dreg:$0x3] =	wrdreg s4  }
0xaa: {  	[dreg:$0x4] =	wrdreg $0xC0  }
0xab: {  	_ =	task [dreg:s6], $0x5FFFF  }
0xac: {  	[dreg:$0x1] =	wrdreg $0xFFFFFFFF  }
0xad: {  	[dreg:$0x0] =	wrdreg $0x60  }
0xae: {  	[dreg:$0x2] =	wrdreg s24  }
0xaf: {  	[dreg:$0x3] =	wrdreg $0x150000  }
0xb0: {  	[dreg:$0x4] =	wrdreg $0x9  }
0xb1: {  	_ =	task.clear_ibuf [dreg:s6], $0x5FFFF;
	_ =	strace $0x9000004C  }
0xb2: {  	s29 =	simm.s32 $0x9;
	_ =	strace $0x8000004E  }
0xb3: {  	_ =	swait.ge [sflag:s29], $0x1  }
0xb4: {  	[sflag:s29] =	ssyncadd.s32 $0xFFFFFFFF  }
0xb5: {  	_ =	strace $0x9000004E  }
0xb6: {  	_ =	sfence  }
0xb7: {  	s30 =	sld [smem:$0x0];
	_ =	sdelay $0x2  }
0xb8: {  	s31 =	sshll.u32 s1, $0xD;
	s1 =	sshrl.u32 s1, $0x2  }
0xb9: {  	s3 =	sand.u32 $0x4000, s31;
	s1 =	sadd.s32 s1, s30  }
0xba: {  	s0 =	sor.u32 s3, s0;
	s1 =	sshll.u32 s1, $0x11  }
0xbb: {  	s0 =	sor.u32 s1, s0  }
0xbc: {  	s0 =	sadd.s32 $0x8F2B, s0  }
0xbd: {  	[sflag:s0] =	ssyncadd.remote.s32 $0x1  }
0xbe: {  	_ =	sfence.sel $0xFFFF  }
0xbf: {  	[dreg:$0x0] =	wrdreg $0xFFFFFFFF;
	(pc) =	sbr.abs _section_cstart, $3  }
0xc0: {  	[dreg:$0x1] =	wrdreg $0xFFFFFFFF  }
0xc1: {  	_ =	task.clear_ibuf [dreg:s6], $0x2FFFF;
	_ =	strace $0x9FFFFFFF  }
0xc2: {  	(tm) =	ssettm $0x7FFFFFFF  }
0xc3: {  	_ =	shalt  }
tec
execute0_lowered:
.L_overlay_start_1:
0x0: {  	(tag) =	ssettag $0x1  }
0x1: {  	s0 =	rddreg [dreg:$0x0]  }
0x2: {  	s2 =	rddreg [dreg:$0x1]  }
0x3: {  	s1 =	srdreg.scid;
	s10 =	stileid.u32  }
0x4: {  	s3 =	simm.s32 $0x0;
	s14 =	simm.s32 $0x1;
	s15 =	simm.s32 $0x9  }
0x5: {  	s16 =	simm.s32 $0xA;
	s17 =	simm.s32 $0x80;
	s18 =	simm.s32 $0x5000  }
0x6: {  	s30 =	simm.s32 $0x11000;
	s13 =	simm.s32 $0xB;
	s19 =	simm.s32 $0x5  }
0x7: {  	s20 =	simm.s32 $0xD;
	s28 =	simm.s32 $0x11;
	s29 =	simm.s32 $0x0  }
0x8: {  	s1 =	sand.u32 $0x1, s1;
	s4 =	sshll.u32 s10, $0x1;
	[smem:$0x7FF] =	sst s3  }
0x9: {  	s5 =	smul.u32 $0xA000, s10;
	s24 =	sshll.u32 s10, $0x6;
	s4 =	sor.u32 s1, s4  }
0xa: {  	_ =	strace $0x8000004D;
	s8 =	ssub.s32 $0x2, s1;
	p0 =	seq.s32 s1, $0x1  }
0xb: {  	s1 =	simm.s32 $0x7C000;
	[dreg:$0x4] =	wrdreg s24;
	s6 =	smul.u32 $0x500, s4  }
0xc: {  	s4 =	sadd.s32 $0x40000, s0;
	s7 =	sshrl.u32 s5, $0x3;
	s21 =	sshrl.u32 s8, $0x1  }
0xd: {  	s5 =	sadd.s32 s5, s2;
	s1 =	simm.s32 @!p0 $0x68000;
	s22 =	ssub.s32 s8, s21  }
0xe: {  	s12 =	sshrl.u32 s5, $0x3;
	s9 =	sadd.s32 s6, s0;
	s6 =	sor.u32 $0x1C01, s24  }
0xf: {  	s0 =	sadd.s32 s7, s0;
	s31 =	smax.u32 s22, $0x1;
	[dreg:$0x5] =	wrdreg s6  }
0x10: {  	s21 =	simm.s32 $0x9000;
	s23 =	sadd.s32 $0x54000, s0;
	[dreg:$0x8] =	wrdreg s31  }
.Ltmp0:
0x11: {  	s25 =	sadd.s32 $0xE000, s9;
	[dreg:$0x3] =	wrdreg s23;
	(pc) =	sbr.rel .LBB2_1-.Ltmp0, $4  }
0x12: {  	s22 =	simm.s32 $0x7;
	s26 =	sadd.s32 $0x4000, s9;
	[dreg:$0x6] =	wrdreg s25  }
0x13: {  	s24 =	simm.s32 $0x8;
	s0 =	sadd.s32 s1, s0;
	[dreg:$0x7] =	wrdreg s26  }
0x14: {  	s1 =	simm.s32 $0x3;
	[dreg:$0x9] =	wrdreg s0;
	s25 =	simm.s32 $0xD000  }
0x15: {  	s0 =	simm.s32 $0x13000;
	s23 =	simm.s32 $0xF;
	s26 =	simm.s32 $0x10  }
.LBB2_4:
0x16: {  	_ =	swait.ge [sflag:s24], $0x2000  }
0x17: {  	[sflag:s24] =	ssyncset.done $0x0  }
0x18: {  	[sflag:s24] =	ssyncadd.s32 $0xFFFFE000  }
0x19: {  	[spmem:s2] =	stream.indirect.scatter.add.f32 [tilespmem:s0], [sflag:$0x10], $0x40, s7, s17, $0xb8;
	[tilespmem:$0x1F000] =	vst v63  }
0x1a: {  	_ =	swait.ge [sflag:s26], $0x2000  }
0x1b: {  	[sflag:s26] =	ssyncset.done $0x0  }
0x1c: {  	[sflag:s26] =	ssyncadd.s32 $0xFFFFE000  }
0x1d: {  	[bflag:$0x0] =	sbarrier.arrive $0xFFFF  }
0x1e: {  	s5 =	rddreg [dreg:$0x4]  }
0x1f: {  	s6 =	rddreg [dreg:$0x9];
	s5 =	sor.u32 $0x1C11, s5  }
0x20: {  	[hbm:s6], [sflag:s5] =	dma.local [spmem:s12], $0x1400  }
0x21: {  	_ =	swait.ge [sflag:s28], $0x1400  }
0x22: {  	s29 =	sadd.s32 $0x1, s29;
	s31 =	rddreg [dreg:$0x8]  }
0x23: {  	p0 =	sne.s32 s29, s31  }
.Ltmp1:
0x24: {  	_ = 	snop;
	(pc) =	sbr.rel @!p0 .LBB2_5-.Ltmp1, $3  }
0x25: {  	_ =	sdelay $0x1  }
0x26: {  	[sflag:s28] =	ssyncset.done $0x0  }
0x27: {  	[sflag:s28] =	ssyncadd.s32 $0xFFFFEC00  }
.LBB2_1:
0x28: {  	s5 =	rddreg [dreg:$0x3]  }
0x29: {  	s6 =	rddreg [dreg:$0x5]  }
0x2a: {  	[spmem:s12], [sflag:s6] =	dma.local [hbm:s5], $0x1400  }
0x2b: {  	s5 =	rddreg [dreg:$0x6]  }
0x2c: {  	[tilespmem:s3], [sflag:$0x9] =	stream.linear.gather [hbm4b:s5+s3], $0x2800, $0x38;
	[tilespmem:$0x1F000] =	vst v63  }
0x2d: {  	s7 =	simm.s32 $0x2800;
	s6 =	rddreg [dreg:$0x7]  }
0x2e: {  	[tilespmem:s7], [sflag:$0xA] =	stream.linear.gather [hbm4b:s6+s3], $0x2800, $0x38;
	[tilespmem:$0x1F000] =	vst v63  }
0x2f: {  	_ =	swait.ge [sflag:s14], $0x1400  }
0x30: {  	[sflag:s14] =	ssyncset.done $0x0  }
0x31: {  	[sflag:s14] =	ssyncadd.s32 $0xFFFFEC00  }
0x32: {  	_ =	swait.ge [sflag:s15], $0x2800  }
0x33: {  	[sflag:s15] =	ssyncset.done $0x0  }
0x34: {  	[sflag:s15] =	ssyncadd.s32 $0xFFFFD800  }
0x35: {  	_ =	swait.ge [sflag:s16], $0x2800  }
0x36: {  	[sflag:s16] =	ssyncset.done $0x0  }
0x37: {  	[sflag:s16] =	ssyncadd.s32 $0xFFFFD800  }
0x38: {  	[bflag:$0x0] =	sbarrier.arrive $0xFFFF  }
0x39: {  	[tilespmem:s18], [sflag:$0x1] =	stream.indirect.gather [hbm4b:s4+s17], $0x40, s3, s17, $0xb8;
	[tilespmem:$0x1F000] =	vst v63  }
0x3a: {  	s8 =	simm.s32 $0x7000  }
0x3b: {  	[tilespmem:s8], [sflag:$0x2] =	stream.indirect.gather [hbm4b:s4+s17], $0x40, s17, s17, $0xb8;
	[tilespmem:$0x1F000] =	vst v63  }
0x3c: {  	s9 =	simm.s32 $0x100  }
0x3d: {  	[tilespmem:s21], [sflag:$0x3] =	stream.indirect.gather [hbm4b:s4+s17], $0x40, s9, s17, $0xb8;
	[tilespmem:$0x1F000] =	vst v63  }
0x3e: {  	s10 =	simm.s32 $0x180;
	s11 =	simm.s32 $0xB000  }
0x3f: {  	[tilespmem:s11], [sflag:$0x4] =	stream.indirect.gather [hbm4b:s4+s17], $0x40, s10, s17, $0xb8;
	[tilespmem:$0x1F000] =	vst v63  }
0x40: {  	s7 =	simm.s32 $0x200  }
0x41: {  	[tilespmem:s25], [sflag:$0x5] =	stream.indirect.gather [hbm4b:s4+s17], $0x40, s7, s17, $0xb8;
	[tilespmem:$0x1F000] =	vst v63  }
0x42: {  	s8 =	simm.s32 $0x280;
	s9 =	simm.s32 $0xF000  }
0x43: {  	[tilespmem:s9], [sflag:$0x6] =	stream.indirect.gather [hbm4b:s4+s17], $0x40, s8, s17, $0xb8;
	[tilespmem:$0x1F000] =	vst v63  }
0x44: {  	s10 =	simm.s32 $0x300  }
0x45: {  	[tilespmem:s30], [sflag:$0x7] =	stream.indirect.gather [hbm4b:s4+s17], $0x40, s10, s17, $0xb8;
	[tilespmem:$0x1F000] =	vst v63  }
0x46: {  	s31 =	simm.s32 $0x0;
	s11 =	simm.s32 $0x380  }
0x47: {  	[tilespmem:s0], [sflag:$0x8] =	stream.indirect.gather [hbm4b:s4+s17], $0x40, s11, s17, $0xb8;
	[tilespmem:$0x1F000] =	vst v63  }
.LBB2_2:
0x48: {  	_ =	swait.ge [sflag:s14], $0x2000  }
0x49: {  	s5 =	sshra.s32 s31, $0x2;
	[sflag:s14] =	ssyncset.done $0x0  }
0x4a: {  	s7 =	sadd.s32 $0x2800, s5;
	[sflag:s14] =	ssyncadd.s32 $0xFFFFE000  }
0x4b: {  	[spmem:s2] =	stream.indirect.scatter.add.f32 [tilespmem:s18], [sflag:$0x9], $0x40, s7, s17, $0xb8;
	[tilespmem:$0x1F000] =	vst v63  }
0x4c: {  	_ =	swait.ge [sflag:s15], $0x2000  }
0x4d: {  	p0 =	seq.s32 s31, $0x9000;
	[sflag:s15] =	ssyncset.done $0x0  }
0x4e: {  	s7 =	simm.s32 @p0 $0x2;
	[sflag:s15] =	ssyncadd.s32 $0xFFFFE000  }
0x4f: {  	_ =	swait.ge @p0 [sflag:s7], $0x2000  }
0x50: {  	s9 =	sshra.s32 @p0 s31, $0x2;
	s10 =	simm.s32 @p0 $0x80;
	[sflag:s7] =	ssyncset.done @p0 $0x0  }
0x51: {  	s8 =	simm.s32 @p0 $0x7000;
	[sflag:s7] =	ssyncadd.s32 @p0 $0xFFFFE000;
	s7 =	sadd.s32 @p0 $0x2880, s9  }
0x52: {  	[spmem:s2] =	stream.indirect.scatter.add.f32 @p0 [tilespmem:s8], [sflag:$0xA], $0x40, s7, s10, $0xb8;
	[tilespmem:$0x1F000] =	vst v63  }
0x53: {  	s7 =	simm.s32 @p0 $0xA  }
0x54: {  	_ =	swait.ge @p0 [sflag:s7], $0x2000  }
0x55: {  	[sflag:s7] =	ssyncset.done @p0 $0x0  }
0x56: {  	[sflag:s7] =	ssyncadd.s32 @p0 $0xFFFFE000;
	s7 =	sshra.s32 @!p0 s31, $0x2  }
0x57: {  	s11 =	simm.s32 @!p0 $0x5000;
	s8 =	simm.s32 @!p0 $0x80;
	s6 =	sadd.s32 @!p0 $0x400, s7  }
0x58: {  	[tilespmem:s11], [sflag:$0x1] =	stream.indirect.gather @!p0 [hbm4b:s4+s8], $0x40, s6, s8, $0xb8;
	[tilespmem:$0x1F000] =	vst v63  }
0x59: {  	s6 =	simm.s32 @!p0 $0x2  }
0x5a: {  	_ =	swait.ge @!p0 [sflag:s6], $0x2000  }
0x5b: {  	[sflag:s6] =	ssyncset.done @!p0 $0x0  }
0x5c: {  	s11 =	simm.s32 @!p0 $0x7000;
	[sflag:s6] =	ssyncadd.s32 @!p0 $0xFFFFE000;
	s6 =	sadd.s32 @!p0 $0x2880, s7  }
0x5d: {  	[spmem:s2] =	stream.indirect.scatter.add.f32 @!p0 [tilespmem:s11], [sflag:$0xA], $0x40, s6, s8, $0xb8;
	[tilespmem:$0x1F000] =	vst v63  }
0x5e: {  	s6 =	simm.s32 @!p0 $0xA  }
0x5f: {  	_ =	swait.ge @!p0 [sflag:s6], $0x2000  }
0x60: {  	[sflag:s6] =	ssyncset.done @!p0 $0x0  }
0x61: {  	[sflag:s6] =	ssyncadd.s32 @!p0 $0xFFFFE000;
	s6 =	sadd.s32 @!p0 $0x480, s7  }
0x62: {  	[tilespmem:s11], [sflag:$0x2] =	stream.indirect.gather @!p0 [hbm4b:s4+s8], $0x40, s6, s8, $0xb8;
	[tilespmem:$0x1F000] =	vst v63  }
0x63: {  	_ =	swait.ge [sflag:s1], $0x2000  }
0x64: {  	[sflag:s1] =	ssyncset.done $0x0  }
0x65: {  	s11 =	sadd.s32 $0x2900, s5;
	[sflag:s1] =	ssyncadd.s32 $0xFFFFE000  }
0x66: {  	[spmem:s2] =	stream.indirect.scatter.add.f32 [tilespmem:s21], [sflag:$0xB], $0x40, s11, s17, $0xb8;
	[tilespmem:$0x1F000] =	vst v63  }
0x67: {  	_ =	swait.ge [sflag:s13], $0x2000  }
0x68: {  	[sflag:s13] =	ssyncset.done $0x0  }
0x69: {  	s6 =	simm.s32 @p0 $0x4;
	[sflag:s13] =	ssyncadd.s32 $0xFFFFE000  }
0x6a: {  	_ =	swait.ge @p0 [sflag:s6], $0x2000  }
0x6b: {  	[sflag:s6] =	ssyncset.done @p0 $0x0  }
0x6c: {  	s11 =	simm.s32 @p0 $0xB000;
	[sflag:s6] =	ssyncadd.s32 @p0 $0xFFFFE000;
	s6 =	sadd.s32 @p0 $0x2980, s9  }
0x6d: {  	[spmem:s2] =	stream.indirect.scatter.add.f32 @p0 [tilespmem:s11], [sflag:$0xC], $0x40, s6, s10, $0xb8;
	[tilespmem:$0x1F000] =	vst v63  }
0x6e: {  	s6 =	simm.s32 @p0 $0xC  }
0x6f: {  	_ =	swait.ge @p0 [sflag:s6], $0x2000  }
0x70: {  	[sflag:s6] =	ssyncset.done @p0 $0x0  }
0x71: {  	s11 =	simm.s32 @!p0 $0x9000;
	[sflag:s6] =	ssyncadd.s32 @p0 $0xFFFFE000;
	s6 =	sadd.s32 @!p0 $0x500, s7  }
0x72: {  	[tilespmem:s11], [sflag:$0x3] =	stream.indirect.gather @!p0 [hbm4b:s4+s8], $0x40, s6, s8, $0xb8;
	[tilespmem:$0x1F000] =	vst v63  }
0x73: {  	s6 =	simm.s32 @!p0 $0x4  }
0x74: {  	_ =	swait.ge @!p0 [sflag:s6], $0x2000  }
0x75: {  	[sflag:s6] =	ssyncset.done @!p0 $0x0  }
0x76: {  	s11 =	simm.s32 @!p0 $0xB000;
	[sflag:s6] =	ssyncadd.s32 @!p0 $0xFFFFE000;
	s6 =	sadd.s32 @!p0 $0x2980, s7  }
0x77: {  	[spmem:s2] =	stream.indirect.scatter.add.f32 @!p0 [tilespmem:s11], [sflag:$0xC], $0x40, s6, s8, $0xb8;
	[tilespmem:$0x1F000] =	vst v63  }
0x78: {  	s6 =	simm.s32 @!p0 $0xC  }
0x79: {  	_ =	swait.ge @!p0 [sflag:s6], $0x2000  }
0x7a: {  	[sflag:s6] =	ssyncset.done @!p0 $0x0  }
0x7b: {  	[sflag:s6] =	ssyncadd.s32 @!p0 $0xFFFFE000;
	s6 =	sadd.s32 @!p0 $0x580, s7  }
0x7c: {  	[tilespmem:s11], [sflag:$0x4] =	stream.indirect.gather @!p0 [hbm4b:s4+s8], $0x40, s6, s8, $0xb8;
	[tilespmem:$0x1F000] =	vst v63  }
0x7d: {  	_ =	swait.ge [sflag:s19], $0x2000  }
0x7e: {  	[sflag:s19] =	ssyncset.done $0x0  }
0x7f: {  	s11 =	sadd.s32 $0x2A00, s5;
	[sflag:s19] =	ssyncadd.s32 $0xFFFFE000  }
0x80: {  	[spmem:s2] =	stream.indirect.scatter.add.f32 [tilespmem:s25], [sflag:$0xD], $0x40, s11, s17, $0xb8;
	[tilespmem:$0x1F000] =	vst v63  }
0x81: {  	_ =	swait.ge [sflag:s20], $0x2000  }
0x82: {  	[sflag:s20] =	ssyncset.done $0x0  }
0x83: {  	s6 =	simm.s32 @p0 $0x6;
	[sflag:s20] =	ssyncadd.s32 $0xFFFFE000  }
0x84: {  	_ =	swait.ge @p0 [sflag:s6], $0x2000  }
0x85: {  	[sflag:s6] =	ssyncset.done @p0 $0x0  }
0x86: {  	[sflag:s6] =	ssyncadd.s32 @p0 $0xFFFFE000;
	s6 =	sadd.s32 @p0 $0x2A80, s9;
	s9 =	simm.s32 @p0 $0xF000  }
0x87: {  	[spmem:s2] =	stream.indirect.scatter.add.f32 @p0 [tilespmem:s9], [sflag:$0xE], $0x40, s6, s10, $0xb8;
	[tilespmem:$0x1F000] =	vst v63  }
0x88: {  	s6 =	simm.s32 @p0 $0xE  }
0x89: {  	_ =	swait.ge @p0 [sflag:s6], $0x2000  }
0x8a: {  	[sflag:s6] =	ssyncset.done @p0 $0x0  }
0x8b: {  	s9 =	simm.s32 @!p0 $0xD000;
	[sflag:s6] =	ssyncadd.s32 @p0 $0xFFFFE000;
	s6 =	sadd.s32 @!p0 $0x600, s7  }
0x8c: {  	[tilespmem:s9], [sflag:$0x5] =	stream.indirect.gather @!p0 [hbm4b:s4+s8], $0x40, s6, s8, $0xb8;
	[tilespmem:$0x1F000] =	vst v63  }
0x8d: {  	s6 =	simm.s32 @!p0 $0x6  }
0x8e: {  	_ =	swait.ge @!p0 [sflag:s6], $0x2000  }
0x8f: {  	[sflag:s6] =	ssyncset.done @!p0 $0x0  }
0x90: {  	s9 =	simm.s32 @!p0 $0xF000;
	[sflag:s6] =	ssyncadd.s32 @!p0 $0xFFFFE000;
	s6 =	sadd.s32 @!p0 $0x2A80, s7  }
0x91: {  	[spmem:s2] =	stream.indirect.scatter.add.f32 @!p0 [tilespmem:s9], [sflag:$0xE], $0x40, s6, s8, $0xb8;
	[tilespmem:$0x1F000] =	vst v63  }
0x92: {  	s6 =	simm.s32 @!p0 $0xE  }
0x93: {  	_ =	swait.ge @!p0 [sflag:s6], $0x2000  }
0x94: {  	[sflag:s6] =	ssyncset.done @!p0 $0x0  }
0x95: {  	[sflag:s6] =	ssyncadd.s32 @!p0 $0xFFFFE000;
	s6 =	sadd.s32 @!p0 $0x680, s7  }
0x96: {  	[tilespmem:s9], [sflag:$0x6] =	stream.indirect.gather @!p0 [hbm4b:s4+s8], $0x40, s6, s8, $0xb8;
	[tilespmem:$0x1F000] =	vst v63  }
0x97: {  	_ =	swait.ge [sflag:s22], $0x2000  }
0x98: {  	[sflag:s22] =	ssyncset.done $0x0  }
.Ltmp2:
0x99: {  	s11 =	sadd.s32 $0x2B00, s5;
	[sflag:s22] =	ssyncadd.s32 $0xFFFFE000;
	(pc) =	sbr.rel @p0 .LBB2_4-.Ltmp2, $4  }
0x9a: {  	[spmem:s2] =	stream.indirect.scatter.add.f32 [tilespmem:s30], [sflag:$0xF], $0x40, s11, s17, $0xb8;
	[tilespmem:$0x1F000] =	vst v63  }
0x9b: {  	_ =	swait.ge [sflag:s23], $0x2000  }
0x9c: {  	[sflag:s23] =	ssyncset.done $0x0  }
0x9d: {  	s7 =	sadd.s32 $0x2B80, s5;
	[sflag:s23] =	ssyncadd.s32 $0xFFFFE000  }
0x9e: {  	s6 =	sadd.s32 $0x700, s5  }
0x9f: {  	[tilespmem:s30], [sflag:$0x7] =	stream.indirect.gather [hbm4b:s4+s17], $0x40, s6, s17, $0xb8;
	[tilespmem:$0x1F000] =	vst v63  }
0xa0: {  	_ =	swait.ge [sflag:s24], $0x2000  }
0xa1: {  	[sflag:s24] =	ssyncset.done $0x0  }
0xa2: {  	[sflag:s24] =	ssyncadd.s32 $0xFFFFE000  }
0xa3: {  	[spmem:s2] =	stream.indirect.scatter.add.f32 [tilespmem:s0], [sflag:$0x10], $0x40, s7, s17, $0xb8;
	[tilespmem:$0x1F000] =	vst v63  }
.Ltmp3:
0xa4: {  	_ = 	snop;
	(pc) =	sbr.rel .LBB2_2-.Ltmp3, $4  }
0xa5: {  	_ =	swait.ge [sflag:s26], $0x2000  }
0xa6: {  	[sflag:s26] =	ssyncset.done $0x0  }
0xa7: {  	s11 =	sadd.s32 $0x780, s5;
	s31 =	sadd.s32 $0x1000, s31;
	[sflag:s26] =	ssyncadd.s32 $0xFFFFE000  }
0xa8: {  	[tilespmem:s0], [sflag:$0x8] =	stream.indirect.gather [hbm4b:s4+s17], $0x40, s11, s17, $0xb8;
	[tilespmem:$0x1F000] =	vst v63  }
.LBB2_5:
0xa9: {  	_ =	sfence.sel $0x180000  }
0xaa: {  	[bflag:$0x0] =	sbarrier.arrive $0xFFFF  }
0xab: {  	_ =	strace $0x9000004D  }
0xac: {  	s0 =	stileid.u32;
	[bflag:$0x2] =	sbarrier.arrive $0xFFFF  }
0xad: {  	p0 =	sne.s32 s0, $0x0;
	s0 =	rddreg [dreg:$0x2]  }
0xae: {  	s0 =	sadd.s32 @!p0 $0x100000, s0  }
0xaf: {  	[sflag:s0] =	ssyncadd.tile.s32 @!p0 $0x1;
	_ =	shalt  }
.Lfunc_end2:
_tile_overlayer_lowered:
.L_overlay_start_2:
0xb0: {  	(tag) =	ssettag $0x2  }
0xb1: {  	s0 =	rddreg [dreg:$0x0];
	s2 =	stileid.u32  }
0xb2: {  	s1 =	rddreg [dreg:$0x1];
	p0 =	sne.s32 s2, $0x0  }
0xb3: {  	s3 =	rddreg [dreg:$0x2];
	[bflag:$0x3] =	sbarrier.arrive $0xFFFF;
	s2 =	simm.s32 @!p0 $0x1C11  }
0xb4: {  	[timem:s3], [sflag:s2] =	dma.local @!p0 [hbm:s0], s1  }
0xb5: {  	s0 =	simm.s32 @!p0 $0x11  }
0xb6: {  	_ =	swait.ge @!p0 [sflag:s0], s1  }
0xb7: {  	s1 =	ssub.s32 @!p0 $0x0, s1;
	[sflag:s0] =	ssyncset.done @!p0 $0x0  }
0xb8: {  	[sflag:s0] =	ssyncadd.s32 @!p0 s1  }
0xb9: {  	[bflag:$0x3] =	sbarrier.arrive $0xFFFF  }
0xba: {  	_ =	shalt  }

// kernel: kernel.19.cloned.1.call-start
scs
__scs_entry_jumppad:
0x0: {  	(pc) =	sbr.rel $0x88, $3  }
0x1: {  	(tag) =	ssettag $0x0;
	lr =	simm.s32 $0x1  }
0x2: {  	[smem:$0x3F96] =	sst lr;
	_ =	strace $0xD0000000  }
0x3: {  	_ = 	snop  }
0x4: {  	_ = 	snop  }
0x5: {  	_ = 	snop  }
0x6: {  	_ = 	snop  }
0x7: {  	_ = 	snop  }
__scs_overlays_trampoline_lowered:
0x8: {  	[smem:$0x3FA5] =	sst s0  }
0x9: {  	[smem:$0x3FA6] =	sst s1  }
0xa: {  	[smem:$0x3FA7] =	sst s2  }
0xb: {  	[smem:$0x3FA8] =	sst s3  }
0xc: {  	[smem:$0x3FA9] =	sst s4  }
0xd: {  	[smem:$0x3FAA] =	sst s5  }
0xe: {  	[smem:$0x3FAB] =	sst s6  }
0xf: {  	[smem:$0x3FAC] =	sst s7  }
0x10: {  	[smem:$0x3FAD] =	sst s8  }
0x11: {  	[smem:$0x3FAE] =	sst s9;
	s0 =	simm.s32 @!p0 $0x0  }
0x12: {  	s1 =	sld [smem:$0x3F94];
	s0 =	simm.s32 @p0 $0x1  }
0x13: {  	[smem:$0x3FAF] =	sst s0;
	s0 =	simm.s32 @!p1 $0x0  }
0x14: {  	s2 =	sld [smem:$0x3F93];
	s0 =	simm.s32 @p1 $0x1  }
0x15: {  	[smem:$0x3FB0] =	sst s0;
	s0 =	simm.s32 @!p2 $0x0  }
0x16: {  	s3 =	sld [smem:$0x3FDB];
	s0 =	simm.s32 @p2 $0x1  }
0x17: {  	s4 =	simm.s32 $0x1BF5;
	[smem:$0x3FB2] =	sst s0  }
0x18: {  	s0 =	sld [smem:$0x3F95];
	_ =	swait.ge [sflag:s4], $0x0  }
0x19: {  	s7 =	sld [smem:$0x3F96]  }
0x1a: {  	s8 =	sadd.s32 $0xFFFFE003, lr  }
0x1b: {  	s9 =	sadd.s32 $0xFFFFFEF7, lr;
	s5 =	simm.s32 $0xFFFFFFFF;
	p2 =	slt.u32 s8, $0xFFFFF086  }
0x1c: {  	p1 =	slt.u32 s9, $0xF7A;
	s5 =	simm.s32 @!p2 $0x0  }
0x1d: {  	s5 =	simm.s32 @p1 $0x1;
	p0 =	seq.s32 s7, s2  }
0x1e: {  	s7 =	smul.u32 @!p0 $0xF7A, s2;
	p2 =	seq.s32 @!p0 s5, $0x0  }
0x1f: {  	s9 =	smul.u32 $0xF7A, s1;
	s8 =	simm.s32 @!p0 $0x1BF5;
	p2 =	por !p2, p0  }
0x20: {  	[sflag:s8] =	ssyncset.s32 @!p0 $0xFFFFF086;
	s6 =	sadd.s32 @!p0 s3, s7;
	s7 =	simm.s32 @!p0 $0x108  }
0x21: {  	s3 =	sadd.s32 s3, s9;
	s6 =	sadd.s32 @!p0 $0x88, s6;
	s7 =	simm.s32 @p2 $0x1082  }
0x22: {  	[simem:s7], [sflag:s8] =	dma.local @!p0 [hbm:s6], $0xF7A  }
0x23: {  	s9 =	sor.u32 $0xD0000000, s2;
	s6 =	simm.s32 $0x108;
	_ =	swait.ge @!p0 [sflag:s8], $0x0  }
0x24: {  	s3 =	sadd.s32 $0x88, s3;
	s6 =	simm.s32 @!p1 $0x1082;
	[sflag:s4] =	ssyncset.s32 $0xFFFFF086  }
0x25: {  	[simem:s6], [sflag:s4] =	dma.local [hbm:s3], $0xF7A  }
0x26: {  	[smem:$0x3F96] =	sst s1;
	(tag) =	ssettag s2;
	_ =	strace s9  }
0x27: {  	s1 =	sld [smem:$0x3FA6]  }
0x28: {  	s2 =	sld [smem:$0x3FA7]  }
0x29: {  	s4 =	sld [smem:$0x3FA9]  }
0x2a: {  	p0 =	seq.s32 s5, $0x0;
	s5 =	sld [smem:$0x3FAA]  }
0x2b: {  	s6 =	sld [smem:$0x3FAB]  }
0x2c: {  	s7 =	sld [smem:$0x3FAC]  }
0x2d: {  	s3 =	simm.s32 $0x108;
	s8 =	sld [smem:$0x3FAD]  }
0x2e: {  	s3 =	simm.s32 @!p0 $0x1082;
	s9 =	sld [smem:$0x3FAE]  }
0x2f: {  	lr =	sadd.s32 s0, s3;
	s0 =	sld [smem:$0x3FA5]  }
0x30: {  	s3 =	sld [smem:$0x3FA8]  }
0x31: {  	[smem:$0x3FB1] =	sst s10  }
0x32: {  	s10 =	sld [smem:$0x3FAF];
	_ =	sdelay $0x3  }
0x33: {  	p0 =	seq.s32 s10, $0x1;
	s10 =	sld [smem:$0x3FB1];
	_ =	sdelay $0x3  }
0x34: {  	[smem:$0x3FB1] =	sst s10  }
0x35: {  	s10 =	sld [smem:$0x3FB0];
	_ =	sdelay $0x3  }
0x36: {  	p1 =	seq.s32 s10, $0x1;
	s10 =	sld [smem:$0x3FB1];
	_ =	sdelay $0x3  }
0x37: {  	[smem:$0x3FB1] =	sst s10  }
0x38: {  	s10 =	sld [smem:$0x3FB2]  }
0x39: {  	_ = 	snop;
	(pc) =	sbr.ind lr, $3  }
0x3a: {  	_ = 	snop  }
0x3b: {  	_ = 	snop  }
0x3c: {  	p2 =	seq.s32 s10, $0x1;
	s10 =	sld [smem:$0x3FB1]  }
0x3d: {  	_ =	shalt  }
0x3e: {  	_ =	shalt  }
0x3f: {  	_ =	shalt  }
0x40: {  	_ =	shalt  }
0x41: {  	_ =	shalt  }
0x42: {  	_ =	shalt  }
0x43: {  	_ =	shalt  }
0x44: {  	_ =	shalt  }
0x45: {  	_ =	shalt  }
0x46: {  	_ =	shalt  }
0x47: {  	_ =	shalt  }
0x48: {  	_ =	shalt  }
0x49: {  	_ =	shalt  }
0x4a: {  	_ =	shalt  }
0x4b: {  	_ =	shalt  }
0x4c: {  	_ =	shalt  }
0x4d: {  	_ =	shalt  }
0x4e: {  	_ =	shalt  }
0x4f: {  	_ =	shalt  }
0x50: {  	_ =	shalt  }
0x51: {  	_ =	shalt  }
0x52: {  	_ =	shalt  }
0x53: {  	_ =	shalt  }
0x54: {  	_ =	shalt  }
0x55: {  	_ =	shalt  }
0x56: {  	_ =	shalt  }
0x57: {  	_ =	shalt  }
0x58: {  	_ =	shalt  }
0x59: {  	_ =	shalt  }
0x5a: {  	_ =	shalt  }
0x5b: {  	_ =	shalt  }
0x5c: {  	_ =	shalt  }
0x5d: {  	_ =	shalt  }
0x5e: {  	_ =	shalt  }
0x5f: {  	_ =	shalt  }
0x60: {  	_ =	shalt  }
0x61: {  	_ =	shalt  }
0x62: {  	_ =	shalt  }
0x63: {  	_ =	shalt  }
0x64: {  	_ =	shalt  }
0x65: {  	_ =	shalt  }
0x66: {  	_ =	shalt  }
0x67: {  	_ =	shalt  }
0x68: {  	_ =	shalt  }
0x69: {  	_ =	shalt  }
0x6a: {  	_ =	shalt  }
0x6b: {  	_ =	shalt  }
0x6c: {  	_ =	shalt  }
0x6d: {  	_ =	shalt  }
0x6e: {  	_ =	shalt  }
0x6f: {  	_ =	shalt  }
0x70: {  	_ =	shalt  }
0x71: {  	_ =	shalt  }
0x72: {  	_ =	shalt  }
0x73: {  	_ =	shalt  }
0x74: {  	_ =	shalt  }
0x75: {  	_ =	shalt  }
0x76: {  	_ =	shalt  }
0x77: {  	_ =	shalt  }
0x78: {  	_ =	shalt  }
0x79: {  	_ =	shalt  }
0x7a: {  	_ =	shalt  }
0x7b: {  	_ =	shalt  }
0x7c: {  	_ =	shalt  }
0x7d: {  	_ =	shalt  }
0x7e: {  	_ =	shalt  }
0x7f: {  	_ =	shalt  }
0x80: {  	_ =	shalt  }
0x81: {  	_ =	shalt  }
0x82: {  	_ =	shalt  }
0x83: {  	_ =	shalt  }
0x84: {  	_ =	shalt  }
0x85: {  	_ =	shalt  }
0x86: {  	_ =	shalt  }
0x87: {  	_ =	shalt  }
.Lfunc_end0:
.L_simem_size_0:
called_computation.3_lowered:
.L_overlay_start_0:
0x88: {  	s2 =	sld [smem:$0x3FD9]  }
0x89: {  	s3 =	sld [smem:$0x3FFE];
	_ =	sdelay $0x1  }
0x8a: {  	s1 =	srdreg.scid  }
0x8b: {  	s0 =	sand.u32 $0x1, s1  }
0x8c: {  	s16 =	sshll.u32 s0, $0xA;
	s2 =	sadd.s32 s3, s2  }
0x8d: {  	s2 =	sadd.s32 s2, s16  }
0x8e: {  	[smem:$0x3FBD] =	sst s2  }
0x8f: {  	_ = 	snop  }
0x90: {  	(tm) =	ssettm $0x1  }
0x91: {  	s17 =	sld [smem:$0x3FFB];
	_ =	sdelay $0x3  }
0x92: {  	_ =	strace s17  }
0x93: {  	s2 =	sld [smem:$0x3FFC];
	_ =	sdelay $0x3  }
0x94: {  	_ =	strace s2  }
0x95: {  	s2 =	sld [smem:$0x3FFD];
	_ =	sdelay $0x3  }
0x96: {  	_ =	strace s2  }
0x97: {  	_ =	strace $0x8FFFFFFF  }
0x98: {  	s18 =	sld [smem:$0x3FDB];
	_ =	sdelay $0x1  }
0x99: {  	s19 =	simm.s32 $_scs_section_size  }
0x9a: {  	s4 =	simm.s32 $_size__tile_overlayer_lowered;
	s5 =	simm.s32 $_tile_overlayer_lowered  }
0x9b: {  	s22 =	simm.s32 $0x1BFF;
	s21 =	sshll.u32 s5, $0x1;
	s2 =	sadd.s32 s19, s18  }
0x9c: {  	s6 =	simm.s32 $0x0;
	s20 =	sshll.u32 s4, $0x1;
	s4 =	sadd.s32 s21, s2  }
0x9d: {  	[timem:s6], [sflag:s22] =	dma.local [hbm:s4], s20  }
0x9e: {  	_ =	swait.ge [sflag:s22], s20  }
0x9f: {  	s3 =	ssub.s32 $0x0, s20;
	[sflag:s22] =	ssyncset.done $0x0  }
0xa0: {  	[sflag:s22] =	ssyncadd.s32 s3;
	_ =	sdelay $0x1  }
0xa1: {  	s23 =	simm.s32 $0x1B8B  }
0xa2: {  	_ =	swait.ge [sflag:s23], $0x1  }
0xa3: {  	[sflag:s23] =	ssyncset.done $0x0  }
0xa4: {  	s25 =	simm.s32 $0x1B8E;
	s24 =	sld [smem:$0x3FFE];
	[sflag:s23] =	ssyncadd.s32 $0xFFFFFFFF  }
0xa5: {  	s26 =	simm.s32 $execute0_lowered;
	[smem:$0x3FD2] =	sst s25  }
0xa6: {  	s4 =	sshll.u32 s26, $0x1;
	_ =	strace $0x8000004F;
	[dreg:$0x1] =	wrdreg $0xFFFFFFFF  }
0xa7: {  	s28 =	simm.s32 $_size_execute0_lowered;
	s2 =	sadd.s32 s2, s4;
	[dreg:$0x0] =	wrdreg $0x0  }
0xa8: {  	s4 =	sshll.u32 s28, $0x1;
	[dreg:$0x2] =	wrdreg s2  }
0xa9: {  	[dreg:$0x3] =	wrdreg s4  }
0xaa: {  	[dreg:$0x4] =	wrdreg $0xC0  }
0xab: {  	_ =	task [dreg:s6], $0x5FFFF  }
0xac: {  	[dreg:$0x1] =	wrdreg $0xFFFFFFFF  }
0xad: {  	[dreg:$0x0] =	wrdreg $0x60  }
0xae: {  	[dreg:$0x2] =	wrdreg s24  }
0xaf: {  	[dreg:$0x3] =	wrdreg $0x150000  }
0xb0: {  	[dreg:$0x4] =	wrdreg $0x9  }
0xb1: {  	_ =	task.clear_ibuf [dreg:s6], $0x5FFFF;
	_ =	strace $0x9000004F  }
0xb2: {  	s29 =	simm.s32 $0x9;
	_ =	strace $0x80000051  }
0xb3: {  	_ =	swait.ge [sflag:s29], $0x1  }
0xb4: {  	[sflag:s29] =	ssyncadd.s32 $0xFFFFFFFF  }
0xb5: {  	_ =	strace $0x90000051  }
0xb6: {  	_ =	sfence  }
0xb7: {  	s30 =	sld [smem:$0x0];
	_ =	sdelay $0x2  }
0xb8: {  	s31 =	sshll.u32 s1, $0xD;
	s1 =	sshrl.u32 s1, $0x2  }
0xb9: {  	s3 =	sand.u32 $0x4000, s31;
	s1 =	sadd.s32 s1, s30  }
0xba: {  	s0 =	sor.u32 s3, s0;
	s1 =	sshll.u32 s1, $0x11  }
0xbb: {  	s0 =	sor.u32 s1, s0  }
0xbc: {  	s0 =	sadd.s32 $0x8F2B, s0  }
0xbd: {  	[sflag:s0] =	ssyncadd.remote.s32 $0x1  }
0xbe: {  	_ =	sfence.sel $0xFFFF  }
0xbf: {  	[dreg:$0x0] =	wrdreg $0xFFFFFFFF;
	(pc) =	sbr.abs _section_cstart, $3  }
0xc0: {  	[dreg:$0x1] =	wrdreg $0xFFFFFFFF  }
0xc1: {  	_ =	task.clear_ibuf [dreg:s6], $0x2FFFF;
	_ =	strace $0x9FFFFFFF  }
0xc2: {  	(tm) =	ssettm $0x7FFFFFFF  }
0xc3: {  	_ =	shalt  }
tec
execute0_lowered:
.L_overlay_start_1:
0x0: {  	(tag) =	ssettag $0x1  }
0x1: {  	s0 =	rddreg [dreg:$0x0]  }
0x2: {  	s2 =	rddreg [dreg:$0x1]  }
0x3: {  	s1 =	srdreg.scid;
	s10 =	stileid.u32  }
0x4: {  	s3 =	simm.s32 $0x0;
	s14 =	simm.s32 $0x1;
	s15 =	simm.s32 $0x9  }
0x5: {  	s16 =	simm.s32 $0xA;
	s17 =	simm.s32 $0x80;
	s18 =	simm.s32 $0x5000  }
0x6: {  	s30 =	simm.s32 $0x11000;
	s13 =	simm.s32 $0xB;
	s19 =	simm.s32 $0x5  }
0x7: {  	s20 =	simm.s32 $0xD;
	s28 =	simm.s32 $0x11;
	s29 =	simm.s32 $0x0  }
0x8: {  	s1 =	sand.u32 $0x1, s1;
	s4 =	sshll.u32 s10, $0x1;
	[smem:$0x7FF] =	sst s3  }
0x9: {  	s5 =	smul.u32 $0xA000, s10;
	s24 =	sshll.u32 s10, $0x6;
	s4 =	sor.u32 s1, s4  }
0xa: {  	_ =	strace $0x80000050;
	s8 =	ssub.s32 $0x2, s1;
	p0 =	seq.s32 s1, $0x1  }
0xb: {  	s1 =	simm.s32 $0x68000;
	[dreg:$0x4] =	wrdreg s24;
	s6 =	smul.u32 $0x500, s4  }
0xc: {  	s4 =	sadd.s32 $0x40000, s0;
	s7 =	sshrl.u32 s5, $0x3;
	s21 =	sshrl.u32 s8, $0x1  }
0xd: {  	s5 =	sadd.s32 s5, s2;
	s1 =	simm.s32 @!p0 $0x7C000;
	s22 =	ssub.s32 s8, s21  }
0xe: {  	s12 =	sshrl.u32 s5, $0x3;
	s9 =	sadd.s32 s6, s0;
	s6 =	sor.u32 $0x1C01, s24  }
0xf: {  	s0 =	sadd.s32 s7, s0;
	s31 =	smax.u32 s22, $0x1;
	[dreg:$0x5] =	wrdreg s6  }
0x10: {  	s21 =	simm.s32 $0x9000;
	s23 =	sadd.s32 $0x54000, s0;
	[dreg:$0x8] =	wrdreg s31  }
.Ltmp0:
0x11: {  	s25 =	sadd.s32 $0xE000, s9;
	[dreg:$0x3] =	wrdreg s23;
	(pc) =	sbr.rel .LBB2_1-.Ltmp0, $4  }
0x12: {  	s22 =	simm.s32 $0x7;
	s26 =	sadd.s32 $0x4000, s9;
	[dreg:$0x6] =	wrdreg s25  }
0x13: {  	s24 =	simm.s32 $0x8;
	s0 =	sadd.s32 s1, s0;
	[dreg:$0x7] =	wrdreg s26  }
0x14: {  	s1 =	simm.s32 $0x3;
	[dreg:$0x9] =	wrdreg s0;
	s25 =	simm.s32 $0xD000  }
0x15: {  	s0 =	simm.s32 $0x13000;
	s23 =	simm.s32 $0xF;
	s26 =	simm.s32 $0x10  }
.LBB2_4:
0x16: {  	_ =	swait.ge [sflag:s24], $0x2000  }
0x17: {  	[sflag:s24] =	ssyncset.done $0x0  }
0x18: {  	[sflag:s24] =	ssyncadd.s32 $0xFFFFE000  }
0x19: {  	[spmem:s2] =	stream.indirect.scatter.add.f32 [tilespmem:s0], [sflag:$0x10], $0x40, s7, s17, $0xb8;
	[tilespmem:$0x1F000] =	vst v63  }
0x1a: {  	_ =	swait.ge [sflag:s26], $0x2000  }
0x1b: {  	[sflag:s26] =	ssyncset.done $0x0  }
0x1c: {  	[sflag:s26] =	ssyncadd.s32 $0xFFFFE000  }
0x1d: {  	[bflag:$0x0] =	sbarrier.arrive $0xFFFF  }
0x1e: {  	s5 =	rddreg [dreg:$0x4]  }
0x1f: {  	s6 =	rddreg [dreg:$0x9];
	s5 =	sor.u32 $0x1C11, s5  }
0x20: {  	[hbm:s6], [sflag:s5] =	dma.local [spmem:s12], $0x1400  }
0x21: {  	_ =	swait.ge [sflag:s28], $0x1400  }
0x22: {  	s29 =	sadd.s32 $0x1, s29;
	s31 =	rddreg [dreg:$0x8]  }
0x23: {  	p0 =	sne.s32 s29, s31  }
.Ltmp1:
0x24: {  	_ = 	snop;
	(pc) =	sbr.rel @!p0 .LBB2_5-.Ltmp1, $3  }
0x25: {  	_ =	sdelay $0x1  }
0x26: {  	[sflag:s28] =	ssyncset.done $0x0  }
0x27: {  	[sflag:s28] =	ssyncadd.s32 $0xFFFFEC00  }
.LBB2_1:
0x28: {  	s5 =	rddreg [dreg:$0x3]  }
0x29: {  	s6 =	rddreg [dreg:$0x5]  }
0x2a: {  	[spmem:s12], [sflag:s6] =	dma.local [hbm:s5], $0x1400  }
0x2b: {  	s5 =	rddreg [dreg:$0x6]  }
0x2c: {  	[tilespmem:s3], [sflag:$0x9] =	stream.linear.gather [hbm4b:s5+s3], $0x2800, $0x38;
	[tilespmem:$0x1F000] =	vst v63  }
0x2d: {  	s7 =	simm.s32 $0x2800;
	s6 =	rddreg [dreg:$0x7]  }
0x2e: {  	[tilespmem:s7], [sflag:$0xA] =	stream.linear.gather [hbm4b:s6+s3], $0x2800, $0x38;
	[tilespmem:$0x1F000] =	vst v63  }
0x2f: {  	_ =	swait.ge [sflag:s14], $0x1400  }
0x30: {  	[sflag:s14] =	ssyncset.done $0x0  }
0x31: {  	[sflag:s14] =	ssyncadd.s32 $0xFFFFEC00  }
0x32: {  	_ =	swait.ge [sflag:s15], $0x2800  }
0x33: {  	[sflag:s15] =	ssyncset.done $0x0  }
0x34: {  	[sflag:s15] =	ssyncadd.s32 $0xFFFFD800  }
0x35: {  	_ =	swait.ge [sflag:s16], $0x2800  }
0x36: {  	[sflag:s16] =	ssyncset.done $0x0  }
0x37: {  	[sflag:s16] =	ssyncadd.s32 $0xFFFFD800  }
0x38: {  	[bflag:$0x0] =	sbarrier.arrive $0xFFFF  }
0x39: {  	[tilespmem:s18], [sflag:$0x1] =	stream.indirect.gather [hbm4b:s4+s17], $0x40, s3, s17, $0xb8;
	[tilespmem:$0x1F000] =	vst v63  }
0x3a: {  	s8 =	simm.s32 $0x7000  }
0x3b: {  	[tilespmem:s8], [sflag:$0x2] =	stream.indirect.gather [hbm4b:s4+s17], $0x40, s17, s17, $0xb8;
	[tilespmem:$0x1F000] =	vst v63  }
0x3c: {  	s9 =	simm.s32 $0x100  }
0x3d: {  	[tilespmem:s21], [sflag:$0x3] =	stream.indirect.gather [hbm4b:s4+s17], $0x40, s9, s17, $0xb8;
	[tilespmem:$0x1F000] =	vst v63  }
0x3e: {  	s10 =	simm.s32 $0x180;
	s11 =	simm.s32 $0xB000  }
0x3f: {  	[tilespmem:s11], [sflag:$0x4] =	stream.indirect.gather [hbm4b:s4+s17], $0x40, s10, s17, $0xb8;
	[tilespmem:$0x1F000] =	vst v63  }
0x40: {  	s7 =	simm.s32 $0x200  }
0x41: {  	[tilespmem:s25], [sflag:$0x5] =	stream.indirect.gather [hbm4b:s4+s17], $0x40, s7, s17, $0xb8;
	[tilespmem:$0x1F000] =	vst v63  }
0x42: {  	s8 =	simm.s32 $0x280;
	s9 =	simm.s32 $0xF000  }
0x43: {  	[tilespmem:s9], [sflag:$0x6] =	stream.indirect.gather [hbm4b:s4+s17], $0x40, s8, s17, $0xb8;
	[tilespmem:$0x1F000] =	vst v63  }
0x44: {  	s10 =	simm.s32 $0x300  }
0x45: {  	[tilespmem:s30], [sflag:$0x7] =	stream.indirect.gather [hbm4b:s4+s17], $0x40, s10, s17, $0xb8;
	[tilespmem:$0x1F000] =	vst v63  }
0x46: {  	s31 =	simm.s32 $0x0;
	s11 =	simm.s32 $0x380  }
0x47: {  	[tilespmem:s0], [sflag:$0x8] =	stream.indirect.gather [hbm4b:s4+s17], $0x40, s11, s17, $0xb8;
	[tilespmem:$0x1F000] =	vst v63  }
.LBB2_2:
0x48: {  	_ =	swait.ge [sflag:s14], $0x2000  }
0x49: {  	s5 =	sshra.s32 s31, $0x2;
	[sflag:s14] =	ssyncset.done $0x0  }
0x4a: {  	s7 =	sadd.s32 $0x2800, s5;
	[sflag:s14] =	ssyncadd.s32 $0xFFFFE000  }
0x4b: {  	[spmem:s2] =	stream.indirect.scatter.add.f32 [tilespmem:s18], [sflag:$0x9], $0x40, s7, s17, $0xb8;
	[tilespmem:$0x1F000] =	vst v63  }
0x4c: {  	_ =	swait.ge [sflag:s15], $0x2000  }
0x4d: {  	p0 =	seq.s32 s31, $0x9000;
	[sflag:s15] =	ssyncset.done $0x0  }
0x4e: {  	s7 =	simm.s32 @p0 $0x2;
	[sflag:s15] =	ssyncadd.s32 $0xFFFFE000  }
0x4f: {  	_ =	swait.ge @p0 [sflag:s7], $0x2000  }
0x50: {  	s9 =	sshra.s32 @p0 s31, $0x2;
	s10 =	simm.s32 @p0 $0x80;
	[sflag:s7] =	ssyncset.done @p0 $0x0  }
0x51: {  	s8 =	simm.s32 @p0 $0x7000;
	[sflag:s7] =	ssyncadd.s32 @p0 $0xFFFFE000;
	s7 =	sadd.s32 @p0 $0x2880, s9  }
0x52: {  	[spmem:s2] =	stream.indirect.scatter.add.f32 @p0 [tilespmem:s8], [sflag:$0xA], $0x40, s7, s10, $0xb8;
	[tilespmem:$0x1F000] =	vst v63  }
0x53: {  	s7 =	simm.s32 @p0 $0xA  }
0x54: {  	_ =	swait.ge @p0 [sflag:s7], $0x2000  }
0x55: {  	[sflag:s7] =	ssyncset.done @p0 $0x0  }
0x56: {  	[sflag:s7] =	ssyncadd.s32 @p0 $0xFFFFE000;
	s7 =	sshra.s32 @!p0 s31, $0x2  }
0x57: {  	s11 =	simm.s32 @!p0 $0x5000;
	s8 =	simm.s32 @!p0 $0x80;
	s6 =	sadd.s32 @!p0 $0x400, s7  }
0x58: {  	[tilespmem:s11], [sflag:$0x1] =	stream.indirect.gather @!p0 [hbm4b:s4+s8], $0x40, s6, s8, $0xb8;
	[tilespmem:$0x1F000] =	vst v63  }
0x59: {  	s6 =	simm.s32 @!p0 $0x2  }
0x5a: {  	_ =	swait.ge @!p0 [sflag:s6], $0x2000  }
0x5b: {  	[sflag:s6] =	ssyncset.done @!p0 $0x0  }
0x5c: {  	s11 =	simm.s32 @!p0 $0x7000;
	[sflag:s6] =	ssyncadd.s32 @!p0 $0xFFFFE000;
	s6 =	sadd.s32 @!p0 $0x2880, s7  }
0x5d: {  	[spmem:s2] =	stream.indirect.scatter.add.f32 @!p0 [tilespmem:s11], [sflag:$0xA], $0x40, s6, s8, $0xb8;
	[tilespmem:$0x1F000] =	vst v63  }
0x5e: {  	s6 =	simm.s32 @!p0 $0xA  }
0x5f: {  	_ =	swait.ge @!p0 [sflag:s6], $0x2000  }
0x60: {  	[sflag:s6] =	ssyncset.done @!p0 $0x0  }
0x61: {  	[sflag:s6] =	ssyncadd.s32 @!p0 $0xFFFFE000;
	s6 =	sadd.s32 @!p0 $0x480, s7  }
0x62: {  	[tilespmem:s11], [sflag:$0x2] =	stream.indirect.gather @!p0 [hbm4b:s4+s8], $0x40, s6, s8, $0xb8;
	[tilespmem:$0x1F000] =	vst v63  }
0x63: {  	_ =	swait.ge [sflag:s1], $0x2000  }
0x64: {  	[sflag:s1] =	ssyncset.done $0x0  }
0x65: {  	s11 =	sadd.s32 $0x2900, s5;
	[sflag:s1] =	ssyncadd.s32 $0xFFFFE000  }
0x66: {  	[spmem:s2] =	stream.indirect.scatter.add.f32 [tilespmem:s21], [sflag:$0xB], $0x40, s11, s17, $0xb8;
	[tilespmem:$0x1F000] =	vst v63  }
0x67: {  	_ =	swait.ge [sflag:s13], $0x2000  }
0x68: {  	[sflag:s13] =	ssyncset.done $0x0  }
0x69: {  	s6 =	simm.s32 @p0 $0x4;
	[sflag:s13] =	ssyncadd.s32 $0xFFFFE000  }
0x6a: {  	_ =	swait.ge @p0 [sflag:s6], $0x2000  }
0x6b: {  	[sflag:s6] =	ssyncset.done @p0 $0x0  }
0x6c: {  	s11 =	simm.s32 @p0 $0xB000;
	[sflag:s6] =	ssyncadd.s32 @p0 $0xFFFFE000;
	s6 =	sadd.s32 @p0 $0x2980, s9  }
0x6d: {  	[spmem:s2] =	stream.indirect.scatter.add.f32 @p0 [tilespmem:s11], [sflag:$0xC], $0x40, s6, s10, $0xb8;
	[tilespmem:$0x1F000] =	vst v63  }
0x6e: {  	s6 =	simm.s32 @p0 $0xC  }
0x6f: {  	_ =	swait.ge @p0 [sflag:s6], $0x2000  }
0x70: {  	[sflag:s6] =	ssyncset.done @p0 $0x0  }
0x71: {  	s11 =	simm.s32 @!p0 $0x9000;
	[sflag:s6] =	ssyncadd.s32 @p0 $0xFFFFE000;
	s6 =	sadd.s32 @!p0 $0x500, s7  }
0x72: {  	[tilespmem:s11], [sflag:$0x3] =	stream.indirect.gather @!p0 [hbm4b:s4+s8], $0x40, s6, s8, $0xb8;
	[tilespmem:$0x1F000] =	vst v63  }
0x73: {  	s6 =	simm.s32 @!p0 $0x4  }
0x74: {  	_ =	swait.ge @!p0 [sflag:s6], $0x2000  }
0x75: {  	[sflag:s6] =	ssyncset.done @!p0 $0x0  }
0x76: {  	s11 =	simm.s32 @!p0 $0xB000;
	[sflag:s6] =	ssyncadd.s32 @!p0 $0xFFFFE000;
	s6 =	sadd.s32 @!p0 $0x2980, s7  }
0x77: {  	[spmem:s2] =	stream.indirect.scatter.add.f32 @!p0 [tilespmem:s11], [sflag:$0xC], $0x40, s6, s8, $0xb8;
	[tilespmem:$0x1F000] =	vst v63  }
0x78: {  	s6 =	simm.s32 @!p0 $0xC  }
0x79: {  	_ =	swait.ge @!p0 [sflag:s6], $0x2000  }
0x7a: {  	[sflag:s6] =	ssyncset.done @!p0 $0x0  }
0x7b: {  	[sflag:s6] =	ssyncadd.s32 @!p0 $0xFFFFE000;
	s6 =	sadd.s32 @!p0 $0x580, s7  }
0x7c: {  	[tilespmem:s11], [sflag:$0x4] =	stream.indirect.gather @!p0 [hbm4b:s4+s8], $0x40, s6, s8, $0xb8;
	[tilespmem:$0x1F000] =	vst v63  }
0x7d: {  	_ =	swait.ge [sflag:s19], $0x2000  }
0x7e: {  	[sflag:s19] =	ssyncset.done $0x0  }
0x7f: {  	s11 =	sadd.s32 $0x2A00, s5;
	[sflag:s19] =	ssyncadd.s32 $0xFFFFE000  }
0x80: {  	[spmem:s2] =	stream.indirect.scatter.add.f32 [tilespmem:s25], [sflag:$0xD], $0x40, s11, s17, $0xb8;
	[tilespmem:$0x1F000] =	vst v63  }
0x81: {  	_ =	swait.ge [sflag:s20], $0x2000  }
0x82: {  	[sflag:s20] =	ssyncset.done $0x0  }
0x83: {  	s6 =	simm.s32 @p0 $0x6;
	[sflag:s20] =	ssyncadd.s32 $0xFFFFE000  }
0x84: {  	_ =	swait.ge @p0 [sflag:s6], $0x2000  }
0x85: {  	[sflag:s6] =	ssyncset.done @p0 $0x0  }
0x86: {  	[sflag:s6] =	ssyncadd.s32 @p0 $0xFFFFE000;
	s6 =	sadd.s32 @p0 $0x2A80, s9;
	s9 =	simm.s32 @p0 $0xF000  }
0x87: {  	[spmem:s2] =	stream.indirect.scatter.add.f32 @p0 [tilespmem:s9], [sflag:$0xE], $0x40, s6, s10, $0xb8;
	[tilespmem:$0x1F000] =	vst v63  }
0x88: {  	s6 =	simm.s32 @p0 $0xE  }
0x89: {  	_ =	swait.ge @p0 [sflag:s6], $0x2000  }
0x8a: {  	[sflag:s6] =	ssyncset.done @p0 $0x0  }
0x8b: {  	s9 =	simm.s32 @!p0 $0xD000;
	[sflag:s6] =	ssyncadd.s32 @p0 $0xFFFFE000;
	s6 =	sadd.s32 @!p0 $0x600, s7  }
0x8c: {  	[tilespmem:s9], [sflag:$0x5] =	stream.indirect.gather @!p0 [hbm4b:s4+s8], $0x40, s6, s8, $0xb8;
	[tilespmem:$0x1F000] =	vst v63  }
0x8d: {  	s6 =	simm.s32 @!p0 $0x6  }
0x8e: {  	_ =	swait.ge @!p0 [sflag:s6], $0x2000  }
0x8f: {  	[sflag:s6] =	ssyncset.done @!p0 $0x0  }
0x90: {  	s9 =	simm.s32 @!p0 $0xF000;
	[sflag:s6] =	ssyncadd.s32 @!p0 $0xFFFFE000;
	s6 =	sadd.s32 @!p0 $0x2A80, s7  }
0x91: {  	[spmem:s2] =	stream.indirect.scatter.add.f32 @!p0 [tilespmem:s9], [sflag:$0xE], $0x40, s6, s8, $0xb8;
	[tilespmem:$0x1F000] =	vst v63  }
0x92: {  	s6 =	simm.s32 @!p0 $0xE  }
0x93: {  	_ =	swait.ge @!p0 [sflag:s6], $0x2000  }
0x94: {  	[sflag:s6] =	ssyncset.done @!p0 $0x0  }
0x95: {  	[sflag:s6] =	ssyncadd.s32 @!p0 $0xFFFFE000;
	s6 =	sadd.s32 @!p0 $0x680, s7  }
0x96: {  	[tilespmem:s9], [sflag:$0x6] =	stream.indirect.gather @!p0 [hbm4b:s4+s8], $0x40, s6, s8, $0xb8;
	[tilespmem:$0x1F000] =	vst v63  }
0x97: {  	_ =	swait.ge [sflag:s22], $0x2000  }
0x98: {  	[sflag:s22] =	ssyncset.done $0x0  }
.Ltmp2:
0x99: {  	s11 =	sadd.s32 $0x2B00, s5;
	[sflag:s22] =	ssyncadd.s32 $0xFFFFE000;
	(pc) =	sbr.rel @p0 .LBB2_4-.Ltmp2, $4  }
0x9a: {  	[spmem:s2] =	stream.indirect.scatter.add.f32 [tilespmem:s30], [sflag:$0xF], $0x40, s11, s17, $0xb8;
	[tilespmem:$0x1F000] =	vst v63  }
0x9b: {  	_ =	swait.ge [sflag:s23], $0x2000  }
0x9c: {  	[sflag:s23] =	ssyncset.done $0x0  }
0x9d: {  	s7 =	sadd.s32 $0x2B80, s5;
	[sflag:s23] =	ssyncadd.s32 $0xFFFFE000  }
0x9e: {  	s6 =	sadd.s32 $0x700, s5  }
0x9f: {  	[tilespmem:s30], [sflag:$0x7] =	stream.indirect.gather [hbm4b:s4+s17], $0x40, s6, s17, $0xb8;
	[tilespmem:$0x1F000] =	vst v63  }
0xa0: {  	_ =	swait.ge [sflag:s24], $0x2000  }
0xa1: {  	[sflag:s24] =	ssyncset.done $0x0  }
0xa2: {  	[sflag:s24] =	ssyncadd.s32 $0xFFFFE000  }
0xa3: {  	[spmem:s2] =	stream.indirect.scatter.add.f32 [tilespmem:s0], [sflag:$0x10], $0x40, s7, s17, $0xb8;
	[tilespmem:$0x1F000] =	vst v63  }
.Ltmp3:
0xa4: {  	_ = 	snop;
	(pc) =	sbr.rel .LBB2_2-.Ltmp3, $4  }
0xa5: {  	_ =	swait.ge [sflag:s26], $0x2000  }
0xa6: {  	[sflag:s26] =	ssyncset.done $0x0  }
0xa7: {  	s11 =	sadd.s32 $0x780, s5;
	s31 =	sadd.s32 $0x1000, s31;
	[sflag:s26] =	ssyncadd.s32 $0xFFFFE000  }
0xa8: {  	[tilespmem:s0], [sflag:$0x8] =	stream.indirect.gather [hbm4b:s4+s17], $0x40, s11, s17, $0xb8;
	[tilespmem:$0x1F000] =	vst v63  }
.LBB2_5:
0xa9: {  	_ =	sfence.sel $0x180000  }
0xaa: {  	[bflag:$0x0] =	sbarrier.arrive $0xFFFF  }
0xab: {  	_ =	strace $0x90000050  }
0xac: {  	s0 =	stileid.u32;
	[bflag:$0x2] =	sbarrier.arrive $0xFFFF  }
0xad: {  	p0 =	sne.s32 s0, $0x0;
	s0 =	rddreg [dreg:$0x2]  }
0xae: {  	s0 =	sadd.s32 @!p0 $0x100000, s0  }
0xaf: {  	[sflag:s0] =	ssyncadd.tile.s32 @!p0 $0x1;
	_ =	shalt  }
.Lfunc_end2:
_tile_overlayer_lowered:
.L_overlay_start_2:
0xb0: {  	(tag) =	ssettag $0x2  }
0xb1: {  	s0 =	rddreg [dreg:$0x0];
	s2 =	stileid.u32  }
0xb2: {  	s1 =	rddreg [dreg:$0x1];
	p0 =	sne.s32 s2, $0x0  }
0xb3: {  	s3 =	rddreg [dreg:$0x2];
	[bflag:$0x3] =	sbarrier.arrive $0xFFFF;
	s2 =	simm.s32 @!p0 $0x1C11  }
0xb4: {  	[timem:s3], [sflag:s2] =	dma.local @!p0 [hbm:s0], s1  }
0xb5: {  	s0 =	simm.s32 @!p0 $0x11  }
0xb6: {  	_ =	swait.ge @!p0 [sflag:s0], s1  }
0xb7: {  	s1 =	ssub.s32 @!p0 $0x0, s1;
	[sflag:s0] =	ssyncset.done @!p0 $0x0  }
0xb8: {  	[sflag:s0] =	ssyncadd.s32 @!p0 s1  }
0xb9: {  	[bflag:$0x3] =	sbarrier.arrive $0xFFFF  }
0xba: {  	_ =	shalt  }

</sc_bundles>
